<compile_context>
chip_gen: v7x
topology: tpu7x:2x2x1
jax: 0.10.2.dev20260603
libtpu: 0.0.44.dev20260713+nightly
codegen_flags: <defaults>
</compile_context>

<pallas_src>
import functools
import math

import jax
import jax.numpy as jnp
from jax import lax
from jax.experimental import pallas as pl
from jax.experimental.pallas import tpu as pltpu
from jax.experimental.pallas import tpu_sc as plsc

CUTOFF = 10.0
LOG2 = math.log(2.0)


LOG2E = 1.4426950408889634

_EXP2C = (-0.0009475536455669522, 0.009210875560850372,
          -0.055299607117477535, 0.24017948948888648,
          -0.6931432016425585, 0.9999999452374342)
_LOG2C = (-0.00887469665141809, 0.05027750737105334,
          -0.13453425419918055, 0.2392316629725045,
          -0.34599601243315514, 0.47832354486763984,
          -0.7211146144033584, 1.4426867778259647,
          4.886358020325664e-08)


_COSC = (1.7295049974733663e-09, -2.7094490891269423e-07,
         2.4771702330757988e-05, -0.0013887904388839413,
         0.04166651546784112, -0.49999991826057477,
         0.9999999954856433)


def _poly(coeffs, x):
    acc = jnp.full_like(x, coeffs[0])
    for c in coeffs[1:]:
        acc = acc * x + c
    return acc


def _ssp(v):
    u = jnp.minimum(jnp.abs(v) * LOG2E, 30.0)
    n = u.astype(jnp.int32)
    f = u - n.astype(jnp.float32)
    scale = lax.bitcast_convert_type(
        lax.shift_left(127 - n, 23), jnp.float32)
    t = _poly(_EXP2C, f) * scale
    g = _poly(_LOG2C, t) * LOG2
    return jnp.maximum(v, 0.0) + g - LOG2


def _dotT(a, b):
    return lax.dot_general(a, b, (((1,), (1,)), ((), ())),
                           preferred_element_type=jnp.float32)



def _xh_body(x_ref, w_ref, out_ref):
    out_ref[...] = _dotT(x_ref[...], w_ref[...])


def _compute_xh(x, lin1_w):
    N, H = x.shape
    F = lin1_w.shape[0]
    return pl.pallas_call(
        _xh_body,
        out_shape=jax.ShapeDtypeStruct((N, F), jnp.float32),
    )(x, lin1_w)



def _filter_body(ea_ref, el_ref, w1_ref, b1_ref, w2_ref, b2_ref, out_ref):
    ea = ea_ref[...]
    el = el_ref[...]
    h = _ssp(_dotT(ea, w1_ref[...]) + b1_ref[...])
    w = _dotT(h, w2_ref[...]) + b2_ref[...]
    z = el * (math.pi / CUTOFF)
    c = 0.5 * (_poly(_COSC, z * z) + 1.0)
    c = c * (el <= CUTOFF).astype(jnp.float32) * (el >= 0.0).astype(jnp.float32)
    out_ref[...] = w * c


def _compute_filter(edge_attr, el2d, w1, b1, w2, b2):
    E, G = edge_attr.shape
    F = w2.shape[0]
    EB = 2560 if E % 2560 == 0 else E
    grid = (E // EB,)
    return pl.pallas_call(
        _filter_body,
        grid=grid,
        in_specs=[
            pl.BlockSpec((EB, G), lambda i: (i, 0)),
            pl.BlockSpec((EB, 1), lambda i: (i, 0)),
            pl.BlockSpec((F, G), lambda i: (0, 0)),
            pl.BlockSpec((1, F), lambda i: (0, 0)),
            pl.BlockSpec((F, F), lambda i: (0, 0)),
            pl.BlockSpec((1, F), lambda i: (0, 0)),
        ],
        out_specs=pl.BlockSpec((EB, F), lambda i: (i, 0)),
        out_shape=jax.ShapeDtypeStruct((E, F), jnp.float32),
    )(edge_attr, el2d, w1, b1.reshape(1, F), w2, b2.reshape(1, F))



_NC = 2
_NS = 16
_CH = 80


def _sc_segment(xh, wfilt, src2, dst2, prev):
    N, F = xh.shape
    E = wfilt.shape[0]
    NW = _NC * _NS
    EW = E // NW
    NCH = EW // _CH
    NR = (N // _NS) // 8 * 8
    NREM = N - NR * _NS
    assert EW * NW == E and NCH * _CH == EW and N % 8 == 0 and NREM % 8 == 0

    mesh = plsc.VectorSubcoreMesh(core_axis_name="c", subcore_axis_name="s",
                                  num_cores=_NC, num_subcores=_NS)

    @functools.partial(
        pl.kernel,
        out_type=jax.ShapeDtypeStruct((_NC, N, F), jnp.float32),
        mesh=mesh,
        scratch_types=[
            pltpu.VMEM((NCH, _CH), jnp.int32),
            pltpu.VMEM((NCH, _CH), jnp.int32),
            pltpu.VMEM((_CH, F), jnp.float32),
            pltpu.VMEM((_CH, F), jnp.float32),
            pltpu.VMEM((2 * _CH, F), jnp.float32),
            pltpu.VMEM_SHARED((N, F), jnp.float32),
            pltpu.SemaphoreType.DMA,
            pltpu.SemaphoreType.DMA,
            pltpu.SemaphoreType.DMA,
            pltpu.SemaphoreType.DMA,
        ],
    )
    def k(xh_hbm, w_hbm, src_hbm, dst_hbm, prev_hbm, out_hbm,
          sidx2, didx2, rows, rowsb, wboth,
          agg_sh, sem, semb, sems, semsb):
        cid = lax.axis_index("c")
        sid = lax.axis_index("s")
        wid = cid * _NS + sid

        pltpu.sync_copy(prev_hbm.at[cid, pl.ds(sid * NR, NR)],
                        agg_sh.at[pl.ds(sid * NR, NR)])
        if NREM:
            @pl.when(sid == _NS - 1)
            def _():
                pltpu.sync_copy(prev_hbm.at[cid, pl.ds(_NS * NR, NREM)],
                                agg_sh.at[pl.ds(_NS * NR, NREM)])
        plsc.subcore_barrier()

        base = wid * EW

        def mul_rows(r_ref, wbase):
            @plsc.parallel_loop(0, _CH, unroll=2)
            def _(e):
                for j in range(F // 16):
                    s = pl.ds(j * 16, 16)
                    r_ref[e, s] = r_ref[e, s] * wboth[wbase + e, s]

        pltpu.sync_copy(src_hbm.at[wid], sidx2)
        pltpu.sync_copy(dst_hbm.at[wid], didx2)

        def drain_scatters(ca, cb):
            pltpu.make_async_copy(rows, agg_sh.at[didx2.at[ca]], sems).wait()
            pltpu.make_async_copy(rowsb, agg_sh.at[didx2.at[cb]],
                                  semsb).wait()

        def pair(k2, carry):
            ca = 2 * k2
            cb = ca + 1
            offa = base + ca * _CH
            offb = offa + _CH

            @pl.when(k2 > 0)
            def _():
                drain_scatters(ca - 2, cb - 2)
            ga = pltpu.async_copy(xh_hbm.at[sidx2.at[ca]], rows, sem)
            gb = pltpu.async_copy(xh_hbm.at[sidx2.at[cb]], rowsb, semb)
            pltpu.sync_copy(w_hbm.at[pl.ds(offa, 2 * _CH)], wboth)
            ga.wait()
            mul_rows(rows, 0)
            pltpu.async_copy(rows, agg_sh.at[didx2.at[ca]], sems, add=True)
            gb.wait()
            mul_rows(rowsb, _CH)
            pltpu.async_copy(rowsb, agg_sh.at[didx2.at[cb]], semsb, add=True)
            return carry
        lax.fori_loop(0, NCH // 2, pair, 0)
        if NCH >= 2:
            drain_scatters(2 * (NCH // 2) - 2, 2 * (NCH // 2) - 1)

        if NCH % 2:
            off = base + (NCH - 1) * _CH
            g = pltpu.async_copy(xh_hbm.at[sidx2.at[NCH - 1]], rows, sem)
            pltpu.sync_copy(w_hbm.at[pl.ds(off, _CH)],
                            wboth.at[pl.ds(0, _CH)])
            g.wait()
            mul_rows(rows, 0)
            pltpu.sync_copy(rows, agg_sh.at[didx2.at[NCH - 1]], add=True)

        plsc.subcore_barrier()
        pltpu.sync_copy(agg_sh.at[pl.ds(sid * NR, NR)],
                        out_hbm.at[cid, pl.ds(sid * NR, NR)])
        if NREM:
            @pl.when(sid == _NS - 1)
            def _():
                pltpu.sync_copy(agg_sh.at[pl.ds(_NS * NR, NREM)],
                                out_hbm.at[cid, pl.ds(_NS * NR, NREM)])

    return k(xh, wfilt, src2, dst2, prev)



def _tail_body(a_ref, w2_ref, b2_ref, w_ref, bo_ref, out_ref):
    a = a_ref[0] + a_ref[1]
    t = _ssp(_dotT(a, w2_ref[...]) + b2_ref[...])
    out_ref[...] = _dotT(t, w_ref[...]) + bo_ref[...]


def _compute_tail(agg2, lin2_w, lin2_b, lin_w, lin_b):
    _, N, F = agg2.shape
    H = lin2_w.shape[0]
    NB = 2000 if N % 2000 == 0 else N
    grid = (N // NB,)
    return pl.pallas_call(
        _tail_body,
        grid=grid,
        in_specs=[
            pl.BlockSpec((2, NB, F), lambda i: (0, i, 0)),
            pl.BlockSpec((H, F), lambda i: (0, 0)),
            pl.BlockSpec((1, H), lambda i: (0, 0)),
            pl.BlockSpec((H, H), lambda i: (0, 0)),
            pl.BlockSpec((1, H), lambda i: (0, 0)),
        ],
        out_specs=pl.BlockSpec((NB, H), lambda i: (i, 0)),
        out_shape=jax.ShapeDtypeStruct((N, H), jnp.float32),
    )(agg2, lin2_w, lin2_b.reshape(1, H), lin_w, lin_b.reshape(1, H))


def kernel(x, edge_index, edge_length, edge_attr,
           mlp_w1, mlp_b1, mlp_w2, mlp_b2,
           lin1_w, lin2_w, lin2_b, lin_w, lin_b):
    src = edge_index[0].astype(jnp.int32)
    dst = edge_index[1].astype(jnp.int32)
    E = src.shape[0]
    if E == 320000:
        bounds = [0, 81920, 163840, 245760, 320000]
    else:
        bounds = [0, E]
    xh = _compute_xh(x, lin1_w)
    part = jnp.zeros((_NC, x.shape[0], lin1_w.shape[0]), jnp.float32)
    for lo, hi in zip(bounds[:-1], bounds[1:]):
        wf = _compute_filter(edge_attr[lo:hi],
                             edge_length[lo:hi].reshape(hi - lo, 1),
                             mlp_w1, mlp_b1, mlp_w2, mlp_b2)
        src2 = src[lo:hi].reshape(_NC * _NS, -1, _CH)
        dst2 = dst[lo:hi].reshape(_NC * _NS, -1, _CH)
        part = _sc_segment(xh, wf, src2, dst2, part)
    return _compute_tail(part, lin2_w, lin2_b, lin_w, lin_b)

# --- scband reference (transcript-rebuilt; emitter-appended) ---
"""Pipeline reference for scband-interaction-block-45406394253884 (READ-ONLY COPY).

The authoritative reference and input builder live on the scoring server;
editing this copy changes nothing except your own understanding.
"""

import jax, jax.numpy as jnp
import numpy as np

N, E, H, G, F = 10000, 320000, 128, 16, 128
CUTOFF = 10.0

def ssp(v):
    return jax.nn.softplus(v) - jnp.log(2.0)

def setup_inputs(seed: int = 0) -> dict:
    key = jax.random.key(seed)
    ks = jax.random.split(key, 13)
    x = jax.random.normal(ks[0], (N, H), dtype=jnp.float32)
    edge_index = jax.random.randint(ks[1], (2, E), 0, N, dtype=jnp.int64)
    edge_length = jax.random.uniform(ks[2], (E,), dtype=jnp.float32)
    edge_attr = jax.random.normal(ks[3], (E, G), dtype=jnp.float32)
    # parameters (xavier-ish scaling)
    mlp_w1 = jax.random.normal(ks[4], (F, G), dtype=jnp.float32) * (1.0 / np.sqrt(G))
    mlp_b1 = jnp.zeros((F,), dtype=jnp.float32)
    mlp_w2 = jax.random.normal(ks[5], (F, F), dtype=jnp.float32) * (1.0 / np.sqrt(F))
    mlp_b2 = jnp.zeros((F,), dtype=jnp.float32)
    lin1_w = jax.random.normal(ks[6], (F, H), dtype=jnp.float32) * (1.0 / np.sqrt(H))
    lin2_w = jax.random.normal(ks[7], (H, F), dtype=jnp.float32) * (1.0 / np.sqrt(F))
    lin2_b = jnp.zeros((H,), dtype=jnp.float32)
    lin_w = jax.random.normal(ks[8], (H, H), dtype=jnp.float32) * (1.0 / np.sqrt(H))
    lin_b = jnp.zeros((H,), dtype=jnp.float32)
    return {"x": x, "edge_index": edge_index, "edge_length": edge_length, "edge_attr": edge_attr,
            "mlp_w1": mlp_w1, "mlp_b1": mlp_b1, "mlp_w2": mlp_w2, "mlp_b2": mlp_b2,
            "lin1_w": lin1_w, "lin2_w": lin2_w, "lin2_b": lin2_b, "lin_w": lin_w, "lin_b": lin_b}

def reference(x, edge_index, edge_length, edge_attr, mlp_w1, mlp_b1, mlp_w2, mlp_b2, lin1_w, lin2_w, lin2_b, lin_w, lin_b):
    # smooth cutoff weighting
    C = 0.5 * (jnp.cos(edge_length * jnp.pi / CUTOFF) + 1.0)
    C = C * (edge_length <= CUTOFF).astype(jnp.float32) * (edge_length >= 0.0).astype(jnp.float32)
    # filter-generating MLP on edge attributes
    h = ssp(edge_attr @ mlp_w1.T + mlp_b1)
    W = (h @ mlp_w2.T + mlp_b2) * C[:, None]
    # CFConv: lin1 (no bias), gather from source, weight, scatter-add to target
    xh = x @ lin1_w.T
    src = edge_index[0]
    dst = edge_index[1]
    msg = xh[src] * W
    agg = jax.ops.segment_sum(msg, dst, num_segments=x.shape[0])
    out = agg @ lin2_w.T + lin2_b
    # InteractionBlock tail: act + lin
    out = ssp(out)
    out = out @ lin_w.T + lin_b
    return out

if __name__ == "__main__":
    import jax
    _d = setup_inputs()
    print(jax.jit(kernel)(*tuple(_d.values())))

</pallas_src>

<mosaic_0001>
#map = affine_map<(d0, d1) -> (0, 0)>
#map1 = affine_map<(d0, d1) -> (0, 0, 0)>
module attributes {stable_mosaic.version = 14 : i64} {
  func.func @k(%arg0: i32, %arg1: i32, %arg2: memref<10000x128xf32, #tpu.memory_space<hbm>>, %arg3: memref<81920x128xf32, #tpu.memory_space<hbm>>, %arg4: memref<32x32x80xi32, #tpu.memory_space<hbm>>, %arg5: memref<32x32x80xi32, #tpu.memory_space<hbm>>, %arg6: memref<2x10000x128xf32, #tpu.memory_space<hbm>>, %arg7: memref<2x10000x128xf32, #tpu.memory_space<hbm>>, %arg8: memref<32x80xi32, #tpu.memory_space<vmem>>, %arg9: memref<32x80xi32, #tpu.memory_space<vmem>>, %arg10: memref<80x128xf32, #tpu.memory_space<vmem>>, %arg11: memref<80x128xf32, #tpu.memory_space<vmem>>, %arg12: memref<160x128xf32, #tpu.memory_space<vmem>>, %arg13: memref<10000x128xf32, #tpu.memory_space<vmem_shared>>, %arg14: memref<!tpu.dma_semaphore, #tpu.memory_space<semaphore_mem>>, %arg15: memref<!tpu.dma_semaphore, #tpu.memory_space<semaphore_mem>>, %arg16: memref<!tpu.dma_semaphore, #tpu.memory_space<semaphore_mem>>, %arg17: memref<!tpu.dma_semaphore, #tpu.memory_space<semaphore_mem>>) attributes {dimension_semantics = [#tpu.dimension_semantics<core_parallel>, #tpu.dimension_semantics<subcore_parallel>], iteration_bounds = array<i64: 2, 16>, scalar_prefetch = 0 : i64, scratch_operands = 10 : i64, tpu.core_type = #tpu.core_type<sc_vector_subcore>, window_params = [{transform_indices = #map}, {transform_indices = #map}, {transform_indices = #map1}, {transform_indices = #map1}, {transform_indices = #map1}, {transform_indices = #map1}]} {
    %mul3A = arith.constant 16 : i32
    %mul3A_0 = arith.muli %arg0, %mul3A : i32
    %add3A = arith.addi %mul3A_0, %arg1 : i32
    %mul3A_1 = arith.constant 624 : i32
    %mul3A_2 = arith.muli %arg1, %mul3A_1 : i32
    %mul3A_3 = arith.constant 624 : i32
    %mul3A_4 = arith.muli %arg1, %mul3A_3 : i32
    "tpu.region"() ({
      %run_scoped3A = tpu.sem_alloc : memref<!tpu.dma_semaphore, #tpu.memory_space<semaphore_mem>>
      %dma_start3A = arith.constant 0 : i32
      %dma_start3A_37 = tpu.memref_slice %arg13[%mul3A_4, %dma_start3A] : memref<10000x128xf32, #tpu.memory_space<vmem_shared>> -> memref<624x128xf32, #tpu.memory_space<vmem_shared>>
      %dma_start3A_38 = arith.constant 0 : i32
      %dma_start3A_39 = tpu.memref_slice %arg6[%arg0, %mul3A_2, %dma_start3A_38] : memref<2x10000x128xf32, #tpu.memory_space<hbm>> -> memref<1x624x128xf32, #tpu.memory_space<hbm>>
      %dma_start3A_40 = tpu.memref_squeeze %dma_start3A_39 : memref<1x624x128xf32, #tpu.memory_space<hbm>> -> memref<624x128xf32, #tpu.memory_space<hbm>>
      tpu.enqueue_dma source(%dma_start3A_40 : memref<624x128xf32, #tpu.memory_space<hbm>>) target(%dma_start3A_37 : memref<624x128xf32, #tpu.memory_space<vmem_shared>>) target_semaphore(%run_scoped3A : memref<!tpu.dma_semaphore, #tpu.memory_space<semaphore_mem>>)
      %dma_wait3A_41 = arith.constant 0 : i32
      %dma_wait3A_42 = tpu.memref_slice %arg13[%mul3A_4, %dma_wait3A_41] : memref<10000x128xf32, #tpu.memory_space<vmem_shared>> -> memref<624x128xf32, #tpu.memory_space<vmem_shared>>
      %dma_wait3A_43 = arith.constant 0 : i32
      %dma_wait3A_44 = tpu.memref_slice %arg6[%arg0, %mul3A_2, %dma_wait3A_43] : memref<2x10000x128xf32, #tpu.memory_space<hbm>> -> memref<1x624x128xf32, #tpu.memory_space<hbm>>
      %dma_wait3A_45 = tpu.memref_squeeze %dma_wait3A_44 : memref<1x624x128xf32, #tpu.memory_space<hbm>> -> memref<624x128xf32, #tpu.memory_space<hbm>>
      tpu.wait_dma2 semaphore(%run_scoped3A : memref<!tpu.dma_semaphore, #tpu.memory_space<semaphore_mem>>) src(%dma_wait3A_45 : memref<624x128xf32, #tpu.memory_space<hbm>>) dst(%dma_wait3A_42 : memref<624x128xf32, #tpu.memory_space<vmem_shared>>)
      tpu.yield
    }) : () -> ()
    %eq3A = arith.constant 15 : i32
    %eq3A_5 = arith.cmpi eq, %arg1, %eq3A : i32
    %convert_element_type3A = arith.extui %eq3A_5 : i1 to i32
    %cond3A = arith.constant 0 : i32
    %cond3A_6 = arith.cmpi ne, %convert_element_type3A, %cond3A : i32
    scf.if %cond3A_6 {
      "tpu.region"() ({
        %run_scoped3A = tpu.sem_alloc : memref<!tpu.dma_semaphore, #tpu.memory_space<semaphore_mem>>
        %dma_start3A = arith.constant 9984 : i32
        %dma_start3A_37 = arith.constant 0 : i32
        %dma_start3A_38 = tpu.memref_slice %arg13[%dma_start3A, %dma_start3A_37] : memref<10000x128xf32, #tpu.memory_space<vmem_shared>> -> memref<16x128xf32, #tpu.memory_space<vmem_shared>>
        %dma_start3A_39 = arith.constant 9984 : i32
        %dma_start3A_40 = arith.constant 0 : i32
        %dma_start3A_41 = tpu.memref_slice %arg6[%arg0, %dma_start3A_39, %dma_start3A_40] : memref<2x10000x128xf32, #tpu.memory_space<hbm>> -> memref<1x16x128xf32, #tpu.memory_space<hbm>>
        %dma_start3A_42 = tpu.memref_squeeze %dma_start3A_41 : memref<1x16x128xf32, #tpu.memory_space<hbm>> -> memref<16x128xf32, #tpu.memory_space<hbm>>
        tpu.enqueue_dma source(%dma_start3A_42 : memref<16x128xf32, #tpu.memory_space<hbm>>) target(%dma_start3A_38 : memref<16x128xf32, #tpu.memory_space<vmem_shared>>) target_semaphore(%run_scoped3A : memref<!tpu.dma_semaphore, #tpu.memory_space<semaphore_mem>>)
        %dma_wait3A_43 = arith.constant 9984 : i32
        %dma_wait3A_44 = arith.constant 0 : i32
        %dma_wait3A_45 = tpu.memref_slice %arg13[%dma_wait3A_43, %dma_wait3A_44] : memref<10000x128xf32, #tpu.memory_space<vmem_shared>> -> memref<16x128xf32, #tpu.memory_space<vmem_shared>>
        %dma_wait3A_46 = arith.constant 9984 : i32
        %dma_wait3A_47 = arith.constant 0 : i32
        %dma_wait3A_48 = tpu.memref_slice %arg6[%arg0, %dma_wait3A_46, %dma_wait3A_47] : memref<2x10000x128xf32, #tpu.memory_space<hbm>> -> memref<1x16x128xf32, #tpu.memory_space<hbm>>
        %dma_wait3A_49 = tpu.memref_squeeze %dma_wait3A_48 : memref<1x16x128xf32, #tpu.memory_space<hbm>> -> memref<16x128xf32, #tpu.memory_space<hbm>>
        tpu.wait_dma2 semaphore(%run_scoped3A : memref<!tpu.dma_semaphore, #tpu.memory_space<semaphore_mem>>) src(%dma_wait3A_49 : memref<16x128xf32, #tpu.memory_space<hbm>>) dst(%dma_wait3A_45 : memref<16x128xf32, #tpu.memory_space<vmem_shared>>)
        tpu.yield
      }) : () -> ()
    } else {
    }
    %barrier3A = arith.constant 0 : index
    tpu.barrier barrier_id(%barrier3A)
    %mul3A_7 = arith.constant 2560 : i32
    %mul3A_8 = arith.muli %add3A, %mul3A_7 : i32
    "tpu.region"() ({
      %run_scoped3A = tpu.sem_alloc : memref<!tpu.dma_semaphore, #tpu.memory_space<semaphore_mem>>
      %dma_start3A = arith.constant 0 : i32
      %dma_start3A_37 = arith.constant 0 : i32
      %dma_start3A_38 = tpu.memref_slice %arg4[%add3A, %dma_start3A, %dma_start3A_37] : memref<32x32x80xi32, #tpu.memory_space<hbm>> -> memref<1x32x80xi32, #tpu.memory_space<hbm>>
      %dma_start3A_39 = tpu.memref_squeeze %dma_start3A_38 : memref<1x32x80xi32, #tpu.memory_space<hbm>> -> memref<32x80xi32, #tpu.memory_space<hbm>>
      %dma_start3A_40 = arith.constant 0 : i32
      %dma_start3A_41 = arith.constant 0 : i32
      %dma_start3A_42 = tpu.memref_slice %arg4[%add3A, %dma_start3A_40, %dma_start3A_41] : memref<32x32x80xi32, #tpu.memory_space<hbm>> -> memref<1x32x80xi32, #tpu.memory_space<hbm>>
      %dma_start3A_43 = tpu.memref_squeeze %dma_start3A_42 : memref<1x32x80xi32, #tpu.memory_space<hbm>> -> memref<32x80xi32, #tpu.memory_space<hbm>>
      tpu.enqueue_dma source(%dma_start3A_43 : memref<32x80xi32, #tpu.memory_space<hbm>>) target(%arg8 : memref<32x80xi32, #tpu.memory_space<vmem>>) target_semaphore(%run_scoped3A : memref<!tpu.dma_semaphore, #tpu.memory_space<semaphore_mem>>)
      %dma_wait3A_44 = arith.constant 0 : i32
      %dma_wait3A_45 = arith.constant 0 : i32
      %dma_wait3A_46 = tpu.memref_slice %arg4[%add3A, %dma_wait3A_44, %dma_wait3A_45] : memref<32x32x80xi32, #tpu.memory_space<hbm>> -> memref<1x32x80xi32, #tpu.memory_space<hbm>>
      %dma_wait3A_47 = tpu.memref_squeeze %dma_wait3A_46 : memref<1x32x80xi32, #tpu.memory_space<hbm>> -> memref<32x80xi32, #tpu.memory_space<hbm>>
      %dma_wait3A_48 = arith.constant 0 : i32
      %dma_wait3A_49 = arith.constant 0 : i32
      %dma_wait3A_50 = tpu.memref_slice %arg4[%add3A, %dma_wait3A_48, %dma_wait3A_49] : memref<32x32x80xi32, #tpu.memory_space<hbm>> -> memref<1x32x80xi32, #tpu.memory_space<hbm>>
      %dma_wait3A_51 = tpu.memref_squeeze %dma_wait3A_50 : memref<1x32x80xi32, #tpu.memory_space<hbm>> -> memref<32x80xi32, #tpu.memory_space<hbm>>
      tpu.wait_dma2 semaphore(%run_scoped3A : memref<!tpu.dma_semaphore, #tpu.memory_space<semaphore_mem>>) src(%dma_wait3A_51 : memref<32x80xi32, #tpu.memory_space<hbm>>) dst(%arg8 : memref<32x80xi32, #tpu.memory_space<vmem>>)
      tpu.yield
    }) : () -> ()
    "tpu.region"() ({
      %run_scoped3A = tpu.sem_alloc : memref<!tpu.dma_semaphore, #tpu.memory_space<semaphore_mem>>
      %dma_start3A = arith.constant 0 : i32
      %dma_start3A_37 = arith.constant 0 : i32
      %dma_start3A_38 = tpu.memref_slice %arg5[%add3A, %dma_start3A, %dma_start3A_37] : memref<32x32x80xi32, #tpu.memory_space<hbm>> -> memref<1x32x80xi32, #tpu.memory_space<hbm>>
      %dma_start3A_39 = tpu.memref_squeeze %dma_start3A_38 : memref<1x32x80xi32, #tpu.memory_space<hbm>> -> memref<32x80xi32, #tpu.memory_space<hbm>>
      %dma_start3A_40 = arith.constant 0 : i32
      %dma_start3A_41 = arith.constant 0 : i32
      %dma_start3A_42 = tpu.memref_slice %arg5[%add3A, %dma_start3A_40, %dma_start3A_41] : memref<32x32x80xi32, #tpu.memory_space<hbm>> -> memref<1x32x80xi32, #tpu.memory_space<hbm>>
      %dma_start3A_43 = tpu.memref_squeeze %dma_start3A_42 : memref<1x32x80xi32, #tpu.memory_space<hbm>> -> memref<32x80xi32, #tpu.memory_space<hbm>>
      tpu.enqueue_dma source(%dma_start3A_43 : memref<32x80xi32, #tpu.memory_space<hbm>>) target(%arg9 : memref<32x80xi32, #tpu.memory_space<vmem>>) target_semaphore(%run_scoped3A : memref<!tpu.dma_semaphore, #tpu.memory_space<semaphore_mem>>)
      %dma_wait3A_44 = arith.constant 0 : i32
      %dma_wait3A_45 = arith.constant 0 : i32
      %dma_wait3A_46 = tpu.memref_slice %arg5[%add3A, %dma_wait3A_44, %dma_wait3A_45] : memref<32x32x80xi32, #tpu.memory_space<hbm>> -> memref<1x32x80xi32, #tpu.memory_space<hbm>>
      %dma_wait3A_47 = tpu.memref_squeeze %dma_wait3A_46 : memref<1x32x80xi32, #tpu.memory_space<hbm>> -> memref<32x80xi32, #tpu.memory_space<hbm>>
      %dma_wait3A_48 = arith.constant 0 : i32
      %dma_wait3A_49 = arith.constant 0 : i32
      %dma_wait3A_50 = tpu.memref_slice %arg5[%add3A, %dma_wait3A_48, %dma_wait3A_49] : memref<32x32x80xi32, #tpu.memory_space<hbm>> -> memref<1x32x80xi32, #tpu.memory_space<hbm>>
      %dma_wait3A_51 = tpu.memref_squeeze %dma_wait3A_50 : memref<1x32x80xi32, #tpu.memory_space<hbm>> -> memref<32x80xi32, #tpu.memory_space<hbm>>
      tpu.wait_dma2 semaphore(%run_scoped3A : memref<!tpu.dma_semaphore, #tpu.memory_space<semaphore_mem>>) src(%dma_wait3A_51 : memref<32x80xi32, #tpu.memory_space<hbm>>) dst(%arg9 : memref<32x80xi32, #tpu.memory_space<vmem>>)
      tpu.yield
    }) : () -> ()
    %scan3A = arith.constant 0 : i32
    %scan3A_9 = arith.constant 0 : i32
    %scan3A_10 = arith.constant 16 : i32
    %scan3A_11 = arith.addi %scan3A_9, %scan3A_10 : i32
    %scan3A_12 = arith.constant 1 : i32
    scf.for %scan3A_37 = %scan3A_9 to %scan3A_11 step %scan3A_12  : i32 {
      %mul3A_38 = arith.constant 2 : i32
      %mul3A_39 = arith.muli %mul3A_38, %scan3A_37 : i32
      %add3A_40 = arith.constant 1 : i32
      %add3A_41 = arith.addi %mul3A_39, %add3A_40 : i32
      %mul3A_42 = arith.constant 80 : i32
      %mul3A_43 = arith.muli %mul3A_39, %mul3A_42 : i32
      %add3A_44 = arith.addi %mul3A_8, %mul3A_43 : i32
      %add3A_45 = arith.constant 80 : i32
      %add3A_46 = arith.addi %add3A_44, %add3A_45 : i32
      %gt3A = arith.constant 0 : i32
      %gt3A_47 = arith.cmpi sgt, %scan3A_37, %gt3A : i32
      %convert_element_type3A_48 = arith.extui %gt3A_47 : i1 to i32
      %cond3A_49 = arith.constant 0 : i32
      %cond3A_50 = arith.cmpi ne, %convert_element_type3A_48, %cond3A_49 : i32
      scf.if %cond3A_50 {
        %sub3A = arith.constant 2 : i32
        %sub3A_91 = arith.subi %mul3A_39, %sub3A : i32
        %sub3A_92 = arith.constant 2 : i32
        %sub3A_93 = arith.subi %add3A_41, %sub3A_92 : i32
        %dma_wait3A_94 = arith.constant 0 : i32
        %dma_wait3A_95 = tpu.memref_slice %arg9[%sub3A_91, %dma_wait3A_94] : memref<32x80xi32, #tpu.memory_space<vmem>> -> memref<1x80xi32, #tpu.memory_space<vmem>>
        %dma_wait3A_96 = tpu.memref_squeeze %dma_wait3A_95 : memref<1x80xi32, #tpu.memory_space<vmem>> -> memref<80xi32, #tpu.memory_space<vmem>>
        %dma_wait3A_97 = arith.constant 0 : i32
        %dma_wait3A_98 = arith.constant 0 : i32
        %dma_wait3A_99 = tpu.memref_slice %arg13[%dma_wait3A_97, %dma_wait3A_98] : memref<10000x128xf32, #tpu.memory_space<vmem_shared>> -> memref<10000x128xf32, #tpu.memory_space<vmem_shared>>
        tpu.wait_indirect_dma semaphore(%arg16 : memref<!tpu.dma_semaphore, #tpu.memory_space<semaphore_mem>>) src(%arg10 : memref<80x128xf32, #tpu.memory_space<vmem>>) dst(%dma_wait3A_99 : memref<10000x128xf32, #tpu.memory_space<vmem_shared>>)
        %dma_wait3A_100 = arith.constant 0 : i32
        %dma_wait3A_101 = tpu.memref_slice %arg9[%sub3A_93, %dma_wait3A_100] : memref<32x80xi32, #tpu.memory_space<vmem>> -> memref<1x80xi32, #tpu.memory_space<vmem>>
        %dma_wait3A_102 = tpu.memref_squeeze %dma_wait3A_101 : memref<1x80xi32, #tpu.memory_space<vmem>> -> memref<80xi32, #tpu.memory_space<vmem>>
        %dma_wait3A_103 = arith.constant 0 : i32
        %dma_wait3A_104 = arith.constant 0 : i32
        %dma_wait3A_105 = tpu.memref_slice %arg13[%dma_wait3A_103, %dma_wait3A_104] : memref<10000x128xf32, #tpu.memory_space<vmem_shared>> -> memref<10000x128xf32, #tpu.memory_space<vmem_shared>>
        tpu.wait_indirect_dma semaphore(%arg17 : memref<!tpu.dma_semaphore, #tpu.memory_space<semaphore_mem>>) src(%arg11 : memref<80x128xf32, #tpu.memory_space<vmem>>) dst(%dma_wait3A_105 : memref<10000x128xf32, #tpu.memory_space<vmem_shared>>)
      } else {
      }
      %dma_start3A = arith.constant 0 : i32
      %dma_start3A_51 = tpu.memref_slice %arg8[%mul3A_39, %dma_start3A] : memref<32x80xi32, #tpu.memory_space<vmem>> -> memref<1x80xi32, #tpu.memory_space<vmem>>
      %dma_start3A_52 = tpu.memref_squeeze %dma_start3A_51 : memref<1x80xi32, #tpu.memory_space<vmem>> -> memref<80xi32, #tpu.memory_space<vmem>>
      %dma_start3A_53 = arith.constant 0 : i32
      %dma_start3A_54 = arith.constant 0 : i32
      %dma_start3A_55 = tpu.memref_slice %arg2[%dma_start3A_53, %dma_start3A_54] : memref<10000x128xf32, #tpu.memory_space<hbm>> -> memref<10000x128xf32, #tpu.memory_space<hbm>>
      tpu.enqueue_indirect_dma source(%dma_start3A_55 : memref<10000x128xf32, #tpu.memory_space<hbm>>) target(%arg10 : memref<80x128xf32, #tpu.memory_space<vmem>>) offsets(%dma_start3A_52 : memref<80xi32, #tpu.memory_space<vmem>>) semaphore(%arg14 : memref<!tpu.dma_semaphore, #tpu.memory_space<semaphore_mem>>)
      %dma_start3A_56 = arith.constant 0 : i32
      %dma_start3A_57 = tpu.memref_slice %arg8[%add3A_41, %dma_start3A_56] : memref<32x80xi32, #tpu.memory_space<vmem>> -> memref<1x80xi32, #tpu.memory_space<vmem>>
      %dma_start3A_58 = tpu.memref_squeeze %dma_start3A_57 : memref<1x80xi32, #tpu.memory_space<vmem>> -> memref<80xi32, #tpu.memory_space<vmem>>
      %dma_start3A_59 = arith.constant 0 : i32
      %dma_start3A_60 = arith.constant 0 : i32
      %dma_start3A_61 = tpu.memref_slice %arg2[%dma_start3A_59, %dma_start3A_60] : memref<10000x128xf32, #tpu.memory_space<hbm>> -> memref<10000x128xf32, #tpu.memory_space<hbm>>
      tpu.enqueue_indirect_dma source(%dma_start3A_61 : memref<10000x128xf32, #tpu.memory_space<hbm>>) target(%arg11 : memref<80x128xf32, #tpu.memory_space<vmem>>) offsets(%dma_start3A_58 : memref<80xi32, #tpu.memory_space<vmem>>) semaphore(%arg15 : memref<!tpu.dma_semaphore, #tpu.memory_space<semaphore_mem>>)
      "tpu.region"() ({
        %run_scoped3A = tpu.sem_alloc : memref<!tpu.dma_semaphore, #tpu.memory_space<semaphore_mem>>
        %dma_start3A_91 = arith.constant 0 : i32
        %dma_start3A_92 = tpu.memref_slice %arg3[%add3A_44, %dma_start3A_91] : memref<81920x128xf32, #tpu.memory_space<hbm>> -> memref<160x128xf32, #tpu.memory_space<hbm>>
        %dma_start3A_93 = arith.constant 0 : i32
        %dma_start3A_94 = tpu.memref_slice %arg3[%add3A_44, %dma_start3A_93] : memref<81920x128xf32, #tpu.memory_space<hbm>> -> memref<160x128xf32, #tpu.memory_space<hbm>>
        tpu.enqueue_dma source(%dma_start3A_94 : memref<160x128xf32, #tpu.memory_space<hbm>>) target(%arg12 : memref<160x128xf32, #tpu.memory_space<vmem>>) target_semaphore(%run_scoped3A : memref<!tpu.dma_semaphore, #tpu.memory_space<semaphore_mem>>)
        %dma_wait3A_95 = arith.constant 0 : i32
        %dma_wait3A_96 = tpu.memref_slice %arg3[%add3A_44, %dma_wait3A_95] : memref<81920x128xf32, #tpu.memory_space<hbm>> -> memref<160x128xf32, #tpu.memory_space<hbm>>
        %dma_wait3A_97 = arith.constant 0 : i32
        %dma_wait3A_98 = tpu.memref_slice %arg3[%add3A_44, %dma_wait3A_97] : memref<81920x128xf32, #tpu.memory_space<hbm>> -> memref<160x128xf32, #tpu.memory_space<hbm>>
        tpu.wait_dma2 semaphore(%run_scoped3A : memref<!tpu.dma_semaphore, #tpu.memory_space<semaphore_mem>>) src(%dma_wait3A_98 : memref<160x128xf32, #tpu.memory_space<hbm>>) dst(%arg12 : memref<160x128xf32, #tpu.memory_space<vmem>>)
        tpu.yield
      }) : () -> ()
      %dma_wait3A_62 = arith.constant 0 : i32
      %dma_wait3A_63 = tpu.memref_slice %arg8[%mul3A_39, %dma_wait3A_62] : memref<32x80xi32, #tpu.memory_space<vmem>> -> memref<1x80xi32, #tpu.memory_space<vmem>>
      %dma_wait3A_64 = tpu.memref_squeeze %dma_wait3A_63 : memref<1x80xi32, #tpu.memory_space<vmem>> -> memref<80xi32, #tpu.memory_space<vmem>>
      %dma_wait3A_65 = arith.constant 0 : i32
      %dma_wait3A_66 = arith.constant 0 : i32
      %dma_wait3A_67 = tpu.memref_slice %arg2[%dma_wait3A_65, %dma_wait3A_66] : memref<10000x128xf32, #tpu.memory_space<hbm>> -> memref<10000x128xf32, #tpu.memory_space<hbm>>
      tpu.wait_indirect_dma semaphore(%arg14 : memref<!tpu.dma_semaphore, #tpu.memory_space<semaphore_mem>>) src(%dma_wait3A_67 : memref<10000x128xf32, #tpu.memory_space<hbm>>) dst(%arg10 : memref<80x128xf32, #tpu.memory_space<vmem>>)
      %parallel_loop3A = arith.constant 0 : i32
      %parallel_loop3A_68 = arith.constant 80 : i32
      %parallel_loop3A_69 = arith.constant 1 : i32
      scf.for %parallel_loop3A_91 = %parallel_loop3A to %parallel_loop3A_68 step %parallel_loop3A_69  : i32 {
        %parallel_loop3A_92 = arith.index_cast %parallel_loop3A_91 : i32 to index
        %parallel_loop3A_93 = arith.constant 0 : index
        %parallel_loop3A_94 = tpu.vector_load %arg10[%parallel_loop3A_92, %parallel_loop3A_93] {strides = array<i32>} : memref<80x128xf32, #tpu.memory_space<vmem>>, vector<1x16xf32>,
        %parallel_loop3A_95 = vector.shape_cast %parallel_loop3A_94 : vector<1x16xf32> to vector<16xf32>
        %parallel_loop3A_96 = arith.constant 0 : i32
        %parallel_loop3A_97 = arith.addi %parallel_loop3A_96, %parallel_loop3A_91 : i32
        %parallel_loop3A_98 = arith.index_cast %parallel_loop3A_97 : i32 to index
        %parallel_loop3A_99 = arith.constant 0 : index
        %parallel_loop3A_100 = tpu.vector_load %arg12[%parallel_loop3A_98, %parallel_loop3A_99] {strides = array<i32>} : memref<160x128xf32, #tpu.memory_space<vmem>>, vector<1x16xf32>,
        %parallel_loop3A_101 = vector.shape_cast %parallel_loop3A_100 : vector<1x16xf32> to vector<16xf32>
        %parallel_loop3A_102 = arith.mulf %parallel_loop3A_95, %parallel_loop3A_101 : vector<16xf32>
        %parallel_loop3A_103 = arith.index_cast %parallel_loop3A_91 : i32 to index
        %parallel_loop3A_104 = arith.constant 0 : index
        %parallel_loop3A_105 = tpu.vector_load %arg10[%parallel_loop3A_103, %parallel_loop3A_104] {strides = array<i32>} : memref<80x128xf32, #tpu.memory_space<vmem>>, vector<1x16xf32>,
        %parallel_loop3A_106 = vector.shape_cast %parallel_loop3A_105 : vector<1x16xf32> to vector<16xf32>
        %parallel_loop3A_107 = vector.shape_cast %parallel_loop3A_102 : vector<16xf32> to vector<1x16xf32>
        tpu.vector_store %arg10[%parallel_loop3A_103, %parallel_loop3A_104], %parallel_loop3A_107 {strides = array<i32>} : memref<80x128xf32, #tpu.memory_space<vmem>>, vector<1x16xf32>,
        %parallel_loop3A_108 = arith.index_cast %parallel_loop3A_91 : i32 to index
        %parallel_loop3A_109 = arith.constant 16 : index
        %parallel_loop3A_110 = tpu.vector_load %arg10[%parallel_loop3A_108, %parallel_loop3A_109] {strides = array<i32>} : memref<80x128xf32, #tpu.memory_space<vmem>>, vector<1x16xf32>,
        %parallel_loop3A_111 = vector.shape_cast %parallel_loop3A_110 : vector<1x16xf32> to vector<16xf32>
        %parallel_loop3A_112 = arith.constant 0 : i32
        %parallel_loop3A_113 = arith.addi %parallel_loop3A_112, %parallel_loop3A_91 : i32
        %parallel_loop3A_114 = arith.index_cast %parallel_loop3A_113 : i32 to index
        %parallel_loop3A_115 = arith.constant 16 : index
        %parallel_loop3A_116 = tpu.vector_load %arg12[%parallel_loop3A_114, %parallel_loop3A_115] {strides = array<i32>} : memref<160x128xf32, #tpu.memory_space<vmem>>, vector<1x16xf32>,
        %parallel_loop3A_117 = vector.shape_cast %parallel_loop3A_116 : vector<1x16xf32> to vector<16xf32>
        %parallel_loop3A_118 = arith.mulf %parallel_loop3A_111, %parallel_loop3A_117 : vector<16xf32>
        %parallel_loop3A_119 = arith.index_cast %parallel_loop3A_91 : i32 to index
        %parallel_loop3A_120 = arith.constant 16 : index
        %parallel_loop3A_121 = tpu.vector_load %arg10[%parallel_loop3A_119, %parallel_loop3A_120] {strides = array<i32>} : memref<80x128xf32, #tpu.memory_space<vmem>>, vector<1x16xf32>,
        %parallel_loop3A_122 = vector.shape_cast %parallel_loop3A_121 : vector<1x16xf32> to vector<16xf32>
        %parallel_loop3A_123 = vector.shape_cast %parallel_loop3A_118 : vector<16xf32> to vector<1x16xf32>
        tpu.vector_store %arg10[%parallel_loop3A_119, %parallel_loop3A_120], %parallel_loop3A_123 {strides = array<i32>} : memref<80x128xf32, #tpu.memory_space<vmem>>, vector<1x16xf32>,
        %parallel_loop3A_124 = arith.index_cast %parallel_loop3A_91 : i32 to index
        %parallel_loop3A_125 = arith.constant 32 : index
        %parallel_loop3A_126 = tpu.vector_load %arg10[%parallel_loop3A_124, %parallel_loop3A_125] {strides = array<i32>} : memref<80x128xf32, #tpu.memory_space<vmem>>, vector<1x16xf32>,
        %parallel_loop3A_127 = vector.shape_cast %parallel_loop3A_126 : vector<1x16xf32> to vector<16xf32>
        %parallel_loop3A_128 = arith.constant 0 : i32
        %parallel_loop3A_129 = arith.addi %parallel_loop3A_128, %parallel_loop3A_91 : i32
        %parallel_loop3A_130 = arith.index_cast %parallel_loop3A_129 : i32 to index
        %parallel_loop3A_131 = arith.constant 32 : index
        %parallel_loop3A_132 = tpu.vector_load %arg12[%parallel_loop3A_130, %parallel_loop3A_131] {strides = array<i32>} : memref<160x128xf32, #tpu.memory_space<vmem>>, vector<1x16xf32>,
        %parallel_loop3A_133 = vector.shape_cast %parallel_loop3A_132 : vector<1x16xf32> to vector<16xf32>
        %parallel_loop3A_134 = arith.mulf %parallel_loop3A_127, %parallel_loop3A_133 : vector<16xf32>
        %parallel_loop3A_135 = arith.index_cast %parallel_loop3A_91 : i32 to index
        %parallel_loop3A_136 = arith.constant 32 : index
        %parallel_loop3A_137 = tpu.vector_load %arg10[%parallel_loop3A_135, %parallel_loop3A_136] {strides = array<i32>} : memref<80x128xf32, #tpu.memory_space<vmem>>, vector<1x16xf32>,
        %parallel_loop3A_138 = vector.shape_cast %parallel_loop3A_137 : vector<1x16xf32> to vector<16xf32>
        %parallel_loop3A_139 = vector.shape_cast %parallel_loop3A_134 : vector<16xf32> to vector<1x16xf32>
        tpu.vector_store %arg10[%parallel_loop3A_135, %parallel_loop3A_136], %parallel_loop3A_139 {strides = array<i32>} : memref<80x128xf32, #tpu.memory_space<vmem>>, vector<1x16xf32>,
        %parallel_loop3A_140 = arith.index_cast %parallel_loop3A_91 : i32 to index
        %parallel_loop3A_141 = arith.constant 48 : index
        %parallel_loop3A_142 = tpu.vector_load %arg10[%parallel_loop3A_140, %parallel_loop3A_141] {strides = array<i32>} : memref<80x128xf32, #tpu.memory_space<vmem>>, vector<1x16xf32>,
        %parallel_loop3A_143 = vector.shape_cast %parallel_loop3A_142 : vector<1x16xf32> to vector<16xf32>
        %parallel_loop3A_144 = arith.constant 0 : i32
        %parallel_loop3A_145 = arith.addi %parallel_loop3A_144, %parallel_loop3A_91 : i32
        %parallel_loop3A_146 = arith.index_cast %parallel_loop3A_145 : i32 to index
        %parallel_loop3A_147 = arith.constant 48 : index
        %parallel_loop3A_148 = tpu.vector_load %arg12[%parallel_loop3A_146, %parallel_loop3A_147] {strides = array<i32>} : memref<160x128xf32, #tpu.memory_space<vmem>>, vector<1x16xf32>,
        %parallel_loop3A_149 = vector.shape_cast %parallel_loop3A_148 : vector<1x16xf32> to vector<16xf32>
        %parallel_loop3A_150 = arith.mulf %parallel_loop3A_143, %parallel_loop3A_149 : vector<16xf32>
        %parallel_loop3A_151 = arith.index_cast %parallel_loop3A_91 : i32 to index
        %parallel_loop3A_152 = arith.constant 48 : index
        %parallel_loop3A_153 = tpu.vector_load %arg10[%parallel_loop3A_151, %parallel_loop3A_152] {strides = array<i32>} : memref<80x128xf32, #tpu.memory_space<vmem>>, vector<1x16xf32>,
        %parallel_loop3A_154 = vector.shape_cast %parallel_loop3A_153 : vector<1x16xf32> to vector<16xf32>
        %parallel_loop3A_155 = vector.shape_cast %parallel_loop3A_150 : vector<16xf32> to vector<1x16xf32>
        tpu.vector_store %arg10[%parallel_loop3A_151, %parallel_loop3A_152], %parallel_loop3A_155 {strides = array<i32>} : memref<80x128xf32, #tpu.memory_space<vmem>>, vector<1x16xf32>,
        %parallel_loop3A_156 = arith.index_cast %parallel_loop3A_91 : i32 to index
        %parallel_loop3A_157 = arith.constant 64 : index
        %parallel_loop3A_158 = tpu.vector_load %arg10[%parallel_loop3A_156, %parallel_loop3A_157] {strides = array<i32>} : memref<80x128xf32, #tpu.memory_space<vmem>>, vector<1x16xf32>,
        %parallel_loop3A_159 = vector.shape_cast %parallel_loop3A_158 : vector<1x16xf32> to vector<16xf32>
        %parallel_loop3A_160 = arith.constant 0 : i32
        %parallel_loop3A_161 = arith.addi %parallel_loop3A_160, %parallel_loop3A_91 : i32
        %parallel_loop3A_162 = arith.index_cast %parallel_loop3A_161 : i32 to index
        %parallel_loop3A_163 = arith.constant 64 : index
        %parallel_loop3A_164 = tpu.vector_load %arg12[%parallel_loop3A_162, %parallel_loop3A_163] {strides = array<i32>} : memref<160x128xf32, #tpu.memory_space<vmem>>, vector<1x16xf32>,
        %parallel_loop3A_165 = vector.shape_cast %parallel_loop3A_164 : vector<1x16xf32> to vector<16xf32>
        %parallel_loop3A_166 = arith.mulf %parallel_loop3A_159, %parallel_loop3A_165 : vector<16xf32>
        %parallel_loop3A_167 = arith.index_cast %parallel_loop3A_91 : i32 to index
        %parallel_loop3A_168 = arith.constant 64 : index
        %parallel_loop3A_169 = tpu.vector_load %arg10[%parallel_loop3A_167, %parallel_loop3A_168] {strides = array<i32>} : memref<80x128xf32, #tpu.memory_space<vmem>>, vector<1x16xf32>,
        %parallel_loop3A_170 = vector.shape_cast %parallel_loop3A_169 : vector<1x16xf32> to vector<16xf32>
        %parallel_loop3A_171 = vector.shape_cast %parallel_loop3A_166 : vector<16xf32> to vector<1x16xf32>
        tpu.vector_store %arg10[%parallel_loop3A_167, %parallel_loop3A_168], %parallel_loop3A_171 {strides = array<i32>} : memref<80x128xf32, #tpu.memory_space<vmem>>, vector<1x16xf32>,
        %parallel_loop3A_172 = arith.index_cast %parallel_loop3A_91 : i32 to index
        %parallel_loop3A_173 = arith.constant 80 : index
        %parallel_loop3A_174 = tpu.vector_load %arg10[%parallel_loop3A_172, %parallel_loop3A_173] {strides = array<i32>} : memref<80x128xf32, #tpu.memory_space<vmem>>, vector<1x16xf32>,
        %parallel_loop3A_175 = vector.shape_cast %parallel_loop3A_174 : vector<1x16xf32> to vector<16xf32>
        %parallel_loop3A_176 = arith.constant 0 : i32
        %parallel_loop3A_177 = arith.addi %parallel_loop3A_176, %parallel_loop3A_91 : i32
        %parallel_loop3A_178 = arith.index_cast %parallel_loop3A_177 : i32 to index
        %parallel_loop3A_179 = arith.constant 80 : index
        %parallel_loop3A_180 = tpu.vector_load %arg12[%parallel_loop3A_178, %parallel_loop3A_179] {strides = array<i32>} : memref<160x128xf32, #tpu.memory_space<vmem>>, vector<1x16xf32>,
        %parallel_loop3A_181 = vector.shape_cast %parallel_loop3A_180 : vector<1x16xf32> to vector<16xf32>
        %parallel_loop3A_182 = arith.mulf %parallel_loop3A_175, %parallel_loop3A_181 : vector<16xf32>
        %parallel_loop3A_183 = arith.index_cast %parallel_loop3A_91 : i32 to index
        %parallel_loop3A_184 = arith.constant 80 : index
        %parallel_loop3A_185 = tpu.vector_load %arg10[%parallel_loop3A_183, %parallel_loop3A_184] {strides = array<i32>} : memref<80x128xf32, #tpu.memory_space<vmem>>, vector<1x16xf32>,
        %parallel_loop3A_186 = vector.shape_cast %parallel_loop3A_185 : vector<1x16xf32> to vector<16xf32>
        %parallel_loop3A_187 = vector.shape_cast %parallel_loop3A_182 : vector<16xf32> to vector<1x16xf32>
        tpu.vector_store %arg10[%parallel_loop3A_183, %parallel_loop3A_184], %parallel_loop3A_187 {strides = array<i32>} : memref<80x128xf32, #tpu.memory_space<vmem>>, vector<1x16xf32>,
        %parallel_loop3A_188 = arith.index_cast %parallel_loop3A_91 : i32 to index
        %parallel_loop3A_189 = arith.constant 96 : index
        %parallel_loop3A_190 = tpu.vector_load %arg10[%parallel_loop3A_188, %parallel_loop3A_189] {strides = array<i32>} : memref<80x128xf32, #tpu.memory_space<vmem>>, vector<1x16xf32>,
        %parallel_loop3A_191 = vector.shape_cast %parallel_loop3A_190 : vector<1x16xf32> to vector<16xf32>
        %parallel_loop3A_192 = arith.constant 0 : i32
        %parallel_loop3A_193 = arith.addi %parallel_loop3A_192, %parallel_loop3A_91 : i32
        %parallel_loop3A_194 = arith.index_cast %parallel_loop3A_193 : i32 to index
        %parallel_loop3A_195 = arith.constant 96 : index
        %parallel_loop3A_196 = tpu.vector_load %arg12[%parallel_loop3A_194, %parallel_loop3A_195] {strides = array<i32>} : memref<160x128xf32, #tpu.memory_space<vmem>>, vector<1x16xf32>,
        %parallel_loop3A_197 = vector.shape_cast %parallel_loop3A_196 : vector<1x16xf32> to vector<16xf32>
        %parallel_loop3A_198 = arith.mulf %parallel_loop3A_191, %parallel_loop3A_197 : vector<16xf32>
        %parallel_loop3A_199 = arith.index_cast %parallel_loop3A_91 : i32 to index
        %parallel_loop3A_200 = arith.constant 96 : index
        %parallel_loop3A_201 = tpu.vector_load %arg10[%parallel_loop3A_199, %parallel_loop3A_200] {strides = array<i32>} : memref<80x128xf32, #tpu.memory_space<vmem>>, vector<1x16xf32>,
        %parallel_loop3A_202 = vector.shape_cast %parallel_loop3A_201 : vector<1x16xf32> to vector<16xf32>
        %parallel_loop3A_203 = vector.shape_cast %parallel_loop3A_198 : vector<16xf32> to vector<1x16xf32>
        tpu.vector_store %arg10[%parallel_loop3A_199, %parallel_loop3A_200], %parallel_loop3A_203 {strides = array<i32>} : memref<80x128xf32, #tpu.memory_space<vmem>>, vector<1x16xf32>,
        %parallel_loop3A_204 = arith.index_cast %parallel_loop3A_91 : i32 to index
        %parallel_loop3A_205 = arith.constant 112 : index
        %parallel_loop3A_206 = tpu.vector_load %arg10[%parallel_loop3A_204, %parallel_loop3A_205] {strides = array<i32>} : memref<80x128xf32, #tpu.memory_space<vmem>>, vector<1x16xf32>,
        %parallel_loop3A_207 = vector.shape_cast %parallel_loop3A_206 : vector<1x16xf32> to vector<16xf32>
        %parallel_loop3A_208 = arith.constant 0 : i32
        %parallel_loop3A_209 = arith.addi %parallel_loop3A_208, %parallel_loop3A_91 : i32
        %parallel_loop3A_210 = arith.index_cast %parallel_loop3A_209 : i32 to index
        %parallel_loop3A_211 = arith.constant 112 : index
        %parallel_loop3A_212 = tpu.vector_load %arg12[%parallel_loop3A_210, %parallel_loop3A_211] {strides = array<i32>} : memref<160x128xf32, #tpu.memory_space<vmem>>, vector<1x16xf32>,
        %parallel_loop3A_213 = vector.shape_cast %parallel_loop3A_212 : vector<1x16xf32> to vector<16xf32>
        %parallel_loop3A_214 = arith.mulf %parallel_loop3A_207, %parallel_loop3A_213 : vector<16xf32>
        %parallel_loop3A_215 = arith.index_cast %parallel_loop3A_91 : i32 to index
        %parallel_loop3A_216 = arith.constant 112 : index
        %parallel_loop3A_217 = tpu.vector_load %arg10[%parallel_loop3A_215, %parallel_loop3A_216] {strides = array<i32>} : memref<80x128xf32, #tpu.memory_space<vmem>>, vector<1x16xf32>,
        %parallel_loop3A_218 = vector.shape_cast %parallel_loop3A_217 : vector<1x16xf32> to vector<16xf32>
        %parallel_loop3A_219 = vector.shape_cast %parallel_loop3A_214 : vector<16xf32> to vector<1x16xf32>
        tpu.vector_store %arg10[%parallel_loop3A_215, %parallel_loop3A_216], %parallel_loop3A_219 {strides = array<i32>} : memref<80x128xf32, #tpu.memory_space<vmem>>, vector<1x16xf32>,
      } {sc.loop_unroll_factor = 2 : i64, sc.parallel_access}
      %dma_start3A_70 = arith.constant 0 : i32
      %dma_start3A_71 = tpu.memref_slice %arg9[%mul3A_39, %dma_start3A_70] : memref<32x80xi32, #tpu.memory_space<vmem>> -> memref<1x80xi32, #tpu.memory_space<vmem>>
      %dma_start3A_72 = tpu.memref_squeeze %dma_start3A_71 : memref<1x80xi32, #tpu.memory_space<vmem>> -> memref<80xi32, #tpu.memory_space<vmem>>
      %dma_start3A_73 = arith.constant 0 : i32
      %dma_start3A_74 = arith.constant 0 : i32
      %dma_start3A_75 = tpu.memref_slice %arg13[%dma_start3A_73, %dma_start3A_74] : memref<10000x128xf32, #tpu.memory_space<vmem_shared>> -> memref<10000x128xf32, #tpu.memory_space<vmem_shared>>
      tpu.enqueue_indirect_dma source(%arg10 : memref<80x128xf32, #tpu.memory_space<vmem>>) target(%dma_start3A_75 : memref<10000x128xf32, #tpu.memory_space<vmem_shared>>) offsets(%dma_start3A_72 : memref<80xi32, #tpu.memory_space<vmem>>) semaphore(%arg16 : memref<!tpu.dma_semaphore, #tpu.memory_space<semaphore_mem>>) {add = true}
      %dma_wait3A_76 = arith.constant 0 : i32
      %dma_wait3A_77 = tpu.memref_slice %arg8[%add3A_41, %dma_wait3A_76] : memref<32x80xi32, #tpu.memory_space<vmem>> -> memref<1x80xi32, #tpu.memory_space<vmem>>
      %dma_wait3A_78 = tpu.memref_squeeze %dma_wait3A_77 : memref<1x80xi32, #tpu.memory_space<vmem>> -> memref<80xi32, #tpu.memory_space<vmem>>
      %dma_wait3A_79 = arith.constant 0 : i32
      %dma_wait3A_80 = arith.constant 0 : i32
      %dma_wait3A_81 = tpu.memref_slice %arg2[%dma_wait3A_79, %dma_wait3A_80] : memref<10000x128xf32, #tpu.memory_space<hbm>> -> memref<10000x128xf32, #tpu.memory_space<hbm>>
      tpu.wait_indirect_dma semaphore(%arg15 : memref<!tpu.dma_semaphore, #tpu.memory_space<semaphore_mem>>) src(%dma_wait3A_81 : memref<10000x128xf32, #tpu.memory_space<hbm>>) dst(%arg11 : memref<80x128xf32, #tpu.memory_space<vmem>>)
      %parallel_loop3A_82 = arith.constant 0 : i32
      %parallel_loop3A_83 = arith.constant 80 : i32
      %parallel_loop3A_84 = arith.constant 1 : i32
      scf.for %parallel_loop3A_91 = %parallel_loop3A_82 to %parallel_loop3A_83 step %parallel_loop3A_84  : i32 {
        %parallel_loop3A_92 = arith.index_cast %parallel_loop3A_91 : i32 to index
        %parallel_loop3A_93 = arith.constant 0 : index
        %parallel_loop3A_94 = tpu.vector_load %arg11[%parallel_loop3A_92, %parallel_loop3A_93] {strides = array<i32>} : memref<80x128xf32, #tpu.memory_space<vmem>>, vector<1x16xf32>,
        %parallel_loop3A_95 = vector.shape_cast %parallel_loop3A_94 : vector<1x16xf32> to vector<16xf32>
        %parallel_loop3A_96 = arith.constant 80 : i32
        %parallel_loop3A_97 = arith.addi %parallel_loop3A_96, %parallel_loop3A_91 : i32
        %parallel_loop3A_98 = arith.index_cast %parallel_loop3A_97 : i32 to index
        %parallel_loop3A_99 = arith.constant 0 : index
        %parallel_loop3A_100 = tpu.vector_load %arg12[%parallel_loop3A_98, %parallel_loop3A_99] {strides = array<i32>} : memref<160x128xf32, #tpu.memory_space<vmem>>, vector<1x16xf32>,
        %parallel_loop3A_101 = vector.shape_cast %parallel_loop3A_100 : vector<1x16xf32> to vector<16xf32>
        %parallel_loop3A_102 = arith.mulf %parallel_loop3A_95, %parallel_loop3A_101 : vector<16xf32>
        %parallel_loop3A_103 = arith.index_cast %parallel_loop3A_91 : i32 to index
        %parallel_loop3A_104 = arith.constant 0 : index
        %parallel_loop3A_105 = tpu.vector_load %arg11[%parallel_loop3A_103, %parallel_loop3A_104] {strides = array<i32>} : memref<80x128xf32, #tpu.memory_space<vmem>>, vector<1x16xf32>,
        %parallel_loop3A_106 = vector.shape_cast %parallel_loop3A_105 : vector<1x16xf32> to vector<16xf32>
        %parallel_loop3A_107 = vector.shape_cast %parallel_loop3A_102 : vector<16xf32> to vector<1x16xf32>
        tpu.vector_store %arg11[%parallel_loop3A_103, %parallel_loop3A_104], %parallel_loop3A_107 {strides = array<i32>} : memref<80x128xf32, #tpu.memory_space<vmem>>, vector<1x16xf32>,
        %parallel_loop3A_108 = arith.index_cast %parallel_loop3A_91 : i32 to index
        %parallel_loop3A_109 = arith.constant 16 : index
        %parallel_loop3A_110 = tpu.vector_load %arg11[%parallel_loop3A_108, %parallel_loop3A_109] {strides = array<i32>} : memref<80x128xf32, #tpu.memory_space<vmem>>, vector<1x16xf32>,
        %parallel_loop3A_111 = vector.shape_cast %parallel_loop3A_110 : vector<1x16xf32> to vector<16xf32>
        %parallel_loop3A_112 = arith.constant 80 : i32
        %parallel_loop3A_113 = arith.addi %parallel_loop3A_112, %parallel_loop3A_91 : i32
        %parallel_loop3A_114 = arith.index_cast %parallel_loop3A_113 : i32 to index
        %parallel_loop3A_115 = arith.constant 16 : index
        %parallel_loop3A_116 = tpu.vector_load %arg12[%parallel_loop3A_114, %parallel_loop3A_115] {strides = array<i32>} : memref<160x128xf32, #tpu.memory_space<vmem>>, vector<1x16xf32>,
        %parallel_loop3A_117 = vector.shape_cast %parallel_loop3A_116 : vector<1x16xf32> to vector<16xf32>
        %parallel_loop3A_118 = arith.mulf %parallel_loop3A_111, %parallel_loop3A_117 : vector<16xf32>
        %parallel_loop3A_119 = arith.index_cast %parallel_loop3A_91 : i32 to index
        %parallel_loop3A_120 = arith.constant 16 : index
        %parallel_loop3A_121 = tpu.vector_load %arg11[%parallel_loop3A_119, %parallel_loop3A_120] {strides = array<i32>} : memref<80x128xf32, #tpu.memory_space<vmem>>, vector<1x16xf32>,
        %parallel_loop3A_122 = vector.shape_cast %parallel_loop3A_121 : vector<1x16xf32> to vector<16xf32>
        %parallel_loop3A_123 = vector.shape_cast %parallel_loop3A_118 : vector<16xf32> to vector<1x16xf32>
        tpu.vector_store %arg11[%parallel_loop3A_119, %parallel_loop3A_120], %parallel_loop3A_123 {strides = array<i32>} : memref<80x128xf32, #tpu.memory_space<vmem>>, vector<1x16xf32>,
        %parallel_loop3A_124 = arith.index_cast %parallel_loop3A_91 : i32 to index
        %parallel_loop3A_125 = arith.constant 32 : index
        %parallel_loop3A_126 = tpu.vector_load %arg11[%parallel_loop3A_124, %parallel_loop3A_125] {strides = array<i32>} : memref<80x128xf32, #tpu.memory_space<vmem>>, vector<1x16xf32>,
        %parallel_loop3A_127 = vector.shape_cast %parallel_loop3A_126 : vector<1x16xf32> to vector<16xf32>
        %parallel_loop3A_128 = arith.constant 80 : i32
        %parallel_loop3A_129 = arith.addi %parallel_loop3A_128, %parallel_loop3A_91 : i32
        %parallel_loop3A_130 = arith.index_cast %parallel_loop3A_129 : i32 to index
        %parallel_loop3A_131 = arith.constant 32 : index
        %parallel_loop3A_132 = tpu.vector_load %arg12[%parallel_loop3A_130, %parallel_loop3A_131] {strides = array<i32>} : memref<160x128xf32, #tpu.memory_space<vmem>>, vector<1x16xf32>,
        %parallel_loop3A_133 = vector.shape_cast %parallel_loop3A_132 : vector<1x16xf32> to vector<16xf32>
        %parallel_loop3A_134 = arith.mulf %parallel_loop3A_127, %parallel_loop3A_133 : vector<16xf32>
        %parallel_loop3A_135 = arith.index_cast %parallel_loop3A_91 : i32 to index
        %parallel_loop3A_136 = arith.constant 32 : index
        %parallel_loop3A_137 = tpu.vector_load %arg11[%parallel_loop3A_135, %parallel_loop3A_136] {strides = array<i32>} : memref<80x128xf32, #tpu.memory_space<vmem>>, vector<1x16xf32>,
        %parallel_loop3A_138 = vector.shape_cast %parallel_loop3A_137 : vector<1x16xf32> to vector<16xf32>
        %parallel_loop3A_139 = vector.shape_cast %parallel_loop3A_134 : vector<16xf32> to vector<1x16xf32>
        tpu.vector_store %arg11[%parallel_loop3A_135, %parallel_loop3A_136], %parallel_loop3A_139 {strides = array<i32>} : memref<80x128xf32, #tpu.memory_space<vmem>>, vector<1x16xf32>,
        %parallel_loop3A_140 = arith.index_cast %parallel_loop3A_91 : i32 to index
        %parallel_loop3A_141 = arith.constant 48 : index
        %parallel_loop3A_142 = tpu.vector_load %arg11[%parallel_loop3A_140, %parallel_loop3A_141] {strides = array<i32>} : memref<80x128xf32, #tpu.memory_space<vmem>>, vector<1x16xf32>,
        %parallel_loop3A_143 = vector.shape_cast %parallel_loop3A_142 : vector<1x16xf32> to vector<16xf32>
        %parallel_loop3A_144 = arith.constant 80 : i32
        %parallel_loop3A_145 = arith.addi %parallel_loop3A_144, %parallel_loop3A_91 : i32
        %parallel_loop3A_146 = arith.index_cast %parallel_loop3A_145 : i32 to index
        %parallel_loop3A_147 = arith.constant 48 : index
        %parallel_loop3A_148 = tpu.vector_load %arg12[%parallel_loop3A_146, %parallel_loop3A_147] {strides = array<i32>} : memref<160x128xf32, #tpu.memory_space<vmem>>, vector<1x16xf32>,
        %parallel_loop3A_149 = vector.shape_cast %parallel_loop3A_148 : vector<1x16xf32> to vector<16xf32>
        %parallel_loop3A_150 = arith.mulf %parallel_loop3A_143, %parallel_loop3A_149 : vector<16xf32>
        %parallel_loop3A_151 = arith.index_cast %parallel_loop3A_91 : i32 to index
        %parallel_loop3A_152 = arith.constant 48 : index
        %parallel_loop3A_153 = tpu.vector_load %arg11[%parallel_loop3A_151, %parallel_loop3A_152] {strides = array<i32>} : memref<80x128xf32, #tpu.memory_space<vmem>>, vector<1x16xf32>,
        %parallel_loop3A_154 = vector.shape_cast %parallel_loop3A_153 : vector<1x16xf32> to vector<16xf32>
        %parallel_loop3A_155 = vector.shape_cast %parallel_loop3A_150 : vector<16xf32> to vector<1x16xf32>
        tpu.vector_store %arg11[%parallel_loop3A_151, %parallel_loop3A_152], %parallel_loop3A_155 {strides = array<i32>} : memref<80x128xf32, #tpu.memory_space<vmem>>, vector<1x16xf32>,
        %parallel_loop3A_156 = arith.index_cast %parallel_loop3A_91 : i32 to index
        %parallel_loop3A_157 = arith.constant 64 : index
        %parallel_loop3A_158 = tpu.vector_load %arg11[%parallel_loop3A_156, %parallel_loop3A_157] {strides = array<i32>} : memref<80x128xf32, #tpu.memory_space<vmem>>, vector<1x16xf32>,
        %parallel_loop3A_159 = vector.shape_cast %parallel_loop3A_158 : vector<1x16xf32> to vector<16xf32>
        %parallel_loop3A_160 = arith.constant 80 : i32
        %parallel_loop3A_161 = arith.addi %parallel_loop3A_160, %parallel_loop3A_91 : i32
        %parallel_loop3A_162 = arith.index_cast %parallel_loop3A_161 : i32 to index
        %parallel_loop3A_163 = arith.constant 64 : index
        %parallel_loop3A_164 = tpu.vector_load %arg12[%parallel_loop3A_162, %parallel_loop3A_163] {strides = array<i32>} : memref<160x128xf32, #tpu.memory_space<vmem>>, vector<1x16xf32>,
        %parallel_loop3A_165 = vector.shape_cast %parallel_loop3A_164 : vector<1x16xf32> to vector<16xf32>
        %parallel_loop3A_166 = arith.mulf %parallel_loop3A_159, %parallel_loop3A_165 : vector<16xf32>
        %parallel_loop3A_167 = arith.index_cast %parallel_loop3A_91 : i32 to index
        %parallel_loop3A_168 = arith.constant 64 : index
        %parallel_loop3A_169 = tpu.vector_load %arg11[%parallel_loop3A_167, %parallel_loop3A_168] {strides = array<i32>} : memref<80x128xf32, #tpu.memory_space<vmem>>, vector<1x16xf32>,
        %parallel_loop3A_170 = vector.shape_cast %parallel_loop3A_169 : vector<1x16xf32> to vector<16xf32>
        %parallel_loop3A_171 = vector.shape_cast %parallel_loop3A_166 : vector<16xf32> to vector<1x16xf32>
        tpu.vector_store %arg11[%parallel_loop3A_167, %parallel_loop3A_168], %parallel_loop3A_171 {strides = array<i32>} : memref<80x128xf32, #tpu.memory_space<vmem>>, vector<1x16xf32>,
        %parallel_loop3A_172 = arith.index_cast %parallel_loop3A_91 : i32 to index
        %parallel_loop3A_173 = arith.constant 80 : index
        %parallel_loop3A_174 = tpu.vector_load %arg11[%parallel_loop3A_172, %parallel_loop3A_173] {strides = array<i32>} : memref<80x128xf32, #tpu.memory_space<vmem>>, vector<1x16xf32>,
        %parallel_loop3A_175 = vector.shape_cast %parallel_loop3A_174 : vector<1x16xf32> to vector<16xf32>
        %parallel_loop3A_176 = arith.constant 80 : i32
        %parallel_loop3A_177 = arith.addi %parallel_loop3A_176, %parallel_loop3A_91 : i32
        %parallel_loop3A_178 = arith.index_cast %parallel_loop3A_177 : i32 to index
        %parallel_loop3A_179 = arith.constant 80 : index
        %parallel_loop3A_180 = tpu.vector_load %arg12[%parallel_loop3A_178, %parallel_loop3A_179] {strides = array<i32>} : memref<160x128xf32, #tpu.memory_space<vmem>>, vector<1x16xf32>,
        %parallel_loop3A_181 = vector.shape_cast %parallel_loop3A_180 : vector<1x16xf32> to vector<16xf32>
        %parallel_loop3A_182 = arith.mulf %parallel_loop3A_175, %parallel_loop3A_181 : vector<16xf32>
        %parallel_loop3A_183 = arith.index_cast %parallel_loop3A_91 : i32 to index
        %parallel_loop3A_184 = arith.constant 80 : index
        %parallel_loop3A_185 = tpu.vector_load %arg11[%parallel_loop3A_183, %parallel_loop3A_184] {strides = array<i32>} : memref<80x128xf32, #tpu.memory_space<vmem>>, vector<1x16xf32>,
        %parallel_loop3A_186 = vector.shape_cast %parallel_loop3A_185 : vector<1x16xf32> to vector<16xf32>
        %parallel_loop3A_187 = vector.shape_cast %parallel_loop3A_182 : vector<16xf32> to vector<1x16xf32>
        tpu.vector_store %arg11[%parallel_loop3A_183, %parallel_loop3A_184], %parallel_loop3A_187 {strides = array<i32>} : memref<80x128xf32, #tpu.memory_space<vmem>>, vector<1x16xf32>,
        %parallel_loop3A_188 = arith.index_cast %parallel_loop3A_91 : i32 to index
        %parallel_loop3A_189 = arith.constant 96 : index
        %parallel_loop3A_190 = tpu.vector_load %arg11[%parallel_loop3A_188, %parallel_loop3A_189] {strides = array<i32>} : memref<80x128xf32, #tpu.memory_space<vmem>>, vector<1x16xf32>,
        %parallel_loop3A_191 = vector.shape_cast %parallel_loop3A_190 : vector<1x16xf32> to vector<16xf32>
        %parallel_loop3A_192 = arith.constant 80 : i32
        %parallel_loop3A_193 = arith.addi %parallel_loop3A_192, %parallel_loop3A_91 : i32
        %parallel_loop3A_194 = arith.index_cast %parallel_loop3A_193 : i32 to index
        %parallel_loop3A_195 = arith.constant 96 : index
        %parallel_loop3A_196 = tpu.vector_load %arg12[%parallel_loop3A_194, %parallel_loop3A_195] {strides = array<i32>} : memref<160x128xf32, #tpu.memory_space<vmem>>, vector<1x16xf32>,
        %parallel_loop3A_197 = vector.shape_cast %parallel_loop3A_196 : vector<1x16xf32> to vector<16xf32>
        %parallel_loop3A_198 = arith.mulf %parallel_loop3A_191, %parallel_loop3A_197 : vector<16xf32>
        %parallel_loop3A_199 = arith.index_cast %parallel_loop3A_91 : i32 to index
        %parallel_loop3A_200 = arith.constant 96 : index
        %parallel_loop3A_201 = tpu.vector_load %arg11[%parallel_loop3A_199, %parallel_loop3A_200] {strides = array<i32>} : memref<80x128xf32, #tpu.memory_space<vmem>>, vector<1x16xf32>,
        %parallel_loop3A_202 = vector.shape_cast %parallel_loop3A_201 : vector<1x16xf32> to vector<16xf32>
        %parallel_loop3A_203 = vector.shape_cast %parallel_loop3A_198 : vector<16xf32> to vector<1x16xf32>
        tpu.vector_store %arg11[%parallel_loop3A_199, %parallel_loop3A_200], %parallel_loop3A_203 {strides = array<i32>} : memref<80x128xf32, #tpu.memory_space<vmem>>, vector<1x16xf32>,
        %parallel_loop3A_204 = arith.index_cast %parallel_loop3A_91 : i32 to index
        %parallel_loop3A_205 = arith.constant 112 : index
        %parallel_loop3A_206 = tpu.vector_load %arg11[%parallel_loop3A_204, %parallel_loop3A_205] {strides = array<i32>} : memref<80x128xf32, #tpu.memory_space<vmem>>, vector<1x16xf32>,
        %parallel_loop3A_207 = vector.shape_cast %parallel_loop3A_206 : vector<1x16xf32> to vector<16xf32>
        %parallel_loop3A_208 = arith.constant 80 : i32
        %parallel_loop3A_209 = arith.addi %parallel_loop3A_208, %parallel_loop3A_91 : i32
        %parallel_loop3A_210 = arith.index_cast %parallel_loop3A_209 : i32 to index
        %parallel_loop3A_211 = arith.constant 112 : index
        %parallel_loop3A_212 = tpu.vector_load %arg12[%parallel_loop3A_210, %parallel_loop3A_211] {strides = array<i32>} : memref<160x128xf32, #tpu.memory_space<vmem>>, vector<1x16xf32>,
        %parallel_loop3A_213 = vector.shape_cast %parallel_loop3A_212 : vector<1x16xf32> to vector<16xf32>
        %parallel_loop3A_214 = arith.mulf %parallel_loop3A_207, %parallel_loop3A_213 : vector<16xf32>
        %parallel_loop3A_215 = arith.index_cast %parallel_loop3A_91 : i32 to index
        %parallel_loop3A_216 = arith.constant 112 : index
        %parallel_loop3A_217 = tpu.vector_load %arg11[%parallel_loop3A_215, %parallel_loop3A_216] {strides = array<i32>} : memref<80x128xf32, #tpu.memory_space<vmem>>, vector<1x16xf32>,
        %parallel_loop3A_218 = vector.shape_cast %parallel_loop3A_217 : vector<1x16xf32> to vector<16xf32>
        %parallel_loop3A_219 = vector.shape_cast %parallel_loop3A_214 : vector<16xf32> to vector<1x16xf32>
        tpu.vector_store %arg11[%parallel_loop3A_215, %parallel_loop3A_216], %parallel_loop3A_219 {strides = array<i32>} : memref<80x128xf32, #tpu.memory_space<vmem>>, vector<1x16xf32>,
      } {sc.loop_unroll_factor = 2 : i64, sc.parallel_access}
      %dma_start3A_85 = arith.constant 0 : i32
      %dma_start3A_86 = tpu.memref_slice %arg9[%add3A_41, %dma_start3A_85] : memref<32x80xi32, #tpu.memory_space<vmem>> -> memref<1x80xi32, #tpu.memory_space<vmem>>
      %dma_start3A_87 = tpu.memref_squeeze %dma_start3A_86 : memref<1x80xi32, #tpu.memory_space<vmem>> -> memref<80xi32, #tpu.memory_space<vmem>>
      %dma_start3A_88 = arith.constant 0 : i32
      %dma_start3A_89 = arith.constant 0 : i32
      %dma_start3A_90 = tpu.memref_slice %arg13[%dma_start3A_88, %dma_start3A_89] : memref<10000x128xf32, #tpu.memory_space<vmem_shared>> -> memref<10000x128xf32, #tpu.memory_space<vmem_shared>>
      tpu.enqueue_indirect_dma source(%arg11 : memref<80x128xf32, #tpu.memory_space<vmem>>) target(%dma_start3A_90 : memref<10000x128xf32, #tpu.memory_space<vmem_shared>>) offsets(%dma_start3A_87 : memref<80xi32, #tpu.memory_space<vmem>>) semaphore(%arg17 : memref<!tpu.dma_semaphore, #tpu.memory_space<semaphore_mem>>) {add = true}
    }
    %scan3A_13 = arith.constant 16 : i32
    %dma_wait3A = arith.constant 30 : i32
    %dma_wait3A_14 = arith.constant 0 : i32
    %dma_wait3A_15 = tpu.memref_slice %arg9[%dma_wait3A, %dma_wait3A_14] : memref<32x80xi32, #tpu.memory_space<vmem>> -> memref<1x80xi32, #tpu.memory_space<vmem>>
    %dma_wait3A_16 = tpu.memref_squeeze %dma_wait3A_15 : memref<1x80xi32, #tpu.memory_space<vmem>> -> memref<80xi32, #tpu.memory_space<vmem>>
    %dma_wait3A_17 = arith.constant 0 : i32
    %dma_wait3A_18 = arith.constant 0 : i32
    %dma_wait3A_19 = tpu.memref_slice %arg13[%dma_wait3A_17, %dma_wait3A_18] : memref<10000x128xf32, #tpu.memory_space<vmem_shared>> -> memref<10000x128xf32, #tpu.memory_space<vmem_shared>>
    tpu.wait_indirect_dma semaphore(%arg16 : memref<!tpu.dma_semaphore, #tpu.memory_space<semaphore_mem>>) src(%arg10 : memref<80x128xf32, #tpu.memory_space<vmem>>) dst(%dma_wait3A_19 : memref<10000x128xf32, #tpu.memory_space<vmem_shared>>)
    %dma_wait3A_20 = arith.constant 31 : i32
    %dma_wait3A_21 = arith.constant 0 : i32
    %dma_wait3A_22 = tpu.memref_slice %arg9[%dma_wait3A_20, %dma_wait3A_21] : memref<32x80xi32, #tpu.memory_space<vmem>> -> memref<1x80xi32, #tpu.memory_space<vmem>>
    %dma_wait3A_23 = tpu.memref_squeeze %dma_wait3A_22 : memref<1x80xi32, #tpu.memory_space<vmem>> -> memref<80xi32, #tpu.memory_space<vmem>>
    %dma_wait3A_24 = arith.constant 0 : i32
    %dma_wait3A_25 = arith.constant 0 : i32
    %dma_wait3A_26 = tpu.memref_slice %arg13[%dma_wait3A_24, %dma_wait3A_25] : memref<10000x128xf32, #tpu.memory_space<vmem_shared>> -> memref<10000x128xf32, #tpu.memory_space<vmem_shared>>
    tpu.wait_indirect_dma semaphore(%arg17 : memref<!tpu.dma_semaphore, #tpu.memory_space<semaphore_mem>>) src(%arg11 : memref<80x128xf32, #tpu.memory_space<vmem>>) dst(%dma_wait3A_26 : memref<10000x128xf32, #tpu.memory_space<vmem_shared>>)
    %barrier3A_27 = arith.constant 0 : index
    tpu.barrier barrier_id(%barrier3A_27)
    %mul3A_28 = arith.constant 624 : i32
    %mul3A_29 = arith.muli %arg1, %mul3A_28 : i32
    %mul3A_30 = arith.constant 624 : i32
    %mul3A_31 = arith.muli %arg1, %mul3A_30 : i32
    "tpu.region"() ({
      %run_scoped3A = tpu.sem_alloc : memref<!tpu.dma_semaphore, #tpu.memory_space<semaphore_mem>>
      %dma_start3A = arith.constant 0 : i32
      %dma_start3A_37 = tpu.memref_slice %arg7[%arg0, %mul3A_31, %dma_start3A] : memref<2x10000x128xf32, #tpu.memory_space<hbm>> -> memref<1x624x128xf32, #tpu.memory_space<hbm>>
      %dma_start3A_38 = tpu.memref_squeeze %dma_start3A_37 : memref<1x624x128xf32, #tpu.memory_space<hbm>> -> memref<624x128xf32, #tpu.memory_space<hbm>>
      %dma_start3A_39 = arith.constant 0 : i32
      %dma_start3A_40 = tpu.memref_slice %arg13[%mul3A_29, %dma_start3A_39] : memref<10000x128xf32, #tpu.memory_space<vmem_shared>> -> memref<624x128xf32, #tpu.memory_space<vmem_shared>>
      tpu.enqueue_dma source(%dma_start3A_40 : memref<624x128xf32, #tpu.memory_space<vmem_shared>>) target(%dma_start3A_38 : memref<624x128xf32, #tpu.memory_space<hbm>>) target_semaphore(%run_scoped3A : memref<!tpu.dma_semaphore, #tpu.memory_space<semaphore_mem>>)
      %dma_wait3A_41 = arith.constant 0 : i32
      %dma_wait3A_42 = tpu.memref_slice %arg7[%arg0, %mul3A_31, %dma_wait3A_41] : memref<2x10000x128xf32, #tpu.memory_space<hbm>> -> memref<1x624x128xf32, #tpu.memory_space<hbm>>
      %dma_wait3A_43 = tpu.memref_squeeze %dma_wait3A_42 : memref<1x624x128xf32, #tpu.memory_space<hbm>> -> memref<624x128xf32, #tpu.memory_space<hbm>>
      %dma_wait3A_44 = arith.constant 0 : i32
      %dma_wait3A_45 = tpu.memref_slice %arg13[%mul3A_29, %dma_wait3A_44] : memref<10000x128xf32, #tpu.memory_space<vmem_shared>> -> memref<624x128xf32, #tpu.memory_space<vmem_shared>>
      tpu.wait_dma2 semaphore(%run_scoped3A : memref<!tpu.dma_semaphore, #tpu.memory_space<semaphore_mem>>) src(%dma_wait3A_45 : memref<624x128xf32, #tpu.memory_space<vmem_shared>>) dst(%dma_wait3A_43 : memref<624x128xf32, #tpu.memory_space<hbm>>)
      tpu.yield
    }) : () -> ()
    %eq3A_32 = arith.constant 15 : i32
    %eq3A_33 = arith.cmpi eq, %arg1, %eq3A_32 : i32
    %convert_element_type3A_34 = arith.extui %eq3A_33 : i1 to i32
    %cond3A_35 = arith.constant 0 : i32
    %cond3A_36 = arith.cmpi ne, %convert_element_type3A_34, %cond3A_35 : i32
    scf.if %cond3A_36 {
      "tpu.region"() ({
        %run_scoped3A = tpu.sem_alloc : memref<!tpu.dma_semaphore, #tpu.memory_space<semaphore_mem>>
        %dma_start3A = arith.constant 9984 : i32
        %dma_start3A_37 = arith.constant 0 : i32
        %dma_start3A_38 = tpu.memref_slice %arg7[%arg0, %dma_start3A, %dma_start3A_37] : memref<2x10000x128xf32, #tpu.memory_space<hbm>> -> memref<1x16x128xf32, #tpu.memory_space<hbm>>
        %dma_start3A_39 = tpu.memref_squeeze %dma_start3A_38 : memref<1x16x128xf32, #tpu.memory_space<hbm>> -> memref<16x128xf32, #tpu.memory_space<hbm>>
        %dma_start3A_40 = arith.constant 9984 : i32
        %dma_start3A_41 = arith.constant 0 : i32
        %dma_start3A_42 = tpu.memref_slice %arg13[%dma_start3A_40, %dma_start3A_41] : memref<10000x128xf32, #tpu.memory_space<vmem_shared>> -> memref<16x128xf32, #tpu.memory_space<vmem_shared>>
        tpu.enqueue_dma source(%dma_start3A_42 : memref<16x128xf32, #tpu.memory_space<vmem_shared>>) target(%dma_start3A_39 : memref<16x128xf32, #tpu.memory_space<hbm>>) target_semaphore(%run_scoped3A : memref<!tpu.dma_semaphore, #tpu.memory_space<semaphore_mem>>)
        %dma_wait3A_43 = arith.constant 9984 : i32
        %dma_wait3A_44 = arith.constant 0 : i32
        %dma_wait3A_45 = tpu.memref_slice %arg7[%arg0, %dma_wait3A_43, %dma_wait3A_44] : memref<2x10000x128xf32, #tpu.memory_space<hbm>> -> memref<1x16x128xf32, #tpu.memory_space<hbm>>
        %dma_wait3A_46 = tpu.memref_squeeze %dma_wait3A_45 : memref<1x16x128xf32, #tpu.memory_space<hbm>> -> memref<16x128xf32, #tpu.memory_space<hbm>>
        %dma_wait3A_47 = arith.constant 9984 : i32
        %dma_wait3A_48 = arith.constant 0 : i32
        %dma_wait3A_49 = tpu.memref_slice %arg13[%dma_wait3A_47, %dma_wait3A_48] : memref<10000x128xf32, #tpu.memory_space<vmem_shared>> -> memref<16x128xf32, #tpu.memory_space<vmem_shared>>
        tpu.wait_dma2 semaphore(%run_scoped3A : memref<!tpu.dma_semaphore, #tpu.memory_space<semaphore_mem>>) src(%dma_wait3A_49 : memref<16x128xf32, #tpu.memory_space<vmem_shared>>) dst(%dma_wait3A_46 : memref<16x128xf32, #tpu.memory_space<hbm>>)
        tpu.yield
      }) : () -> ()
    } else {
    }
    return
  }
}

#map = affine_map<(d0, d1) -> (0, 0)>
#map1 = affine_map<(d0, d1) -> (0, 0, 0)>
module attributes {stable_mosaic.version = 14 : i64} {
  func.func @k(%arg0: i32, %arg1: i32, %arg2: memref<10000x128xf32, #tpu.memory_space<hbm>>, %arg3: memref<74240x128xf32, #tpu.memory_space<hbm>>, %arg4: memref<32x29x80xi32, #tpu.memory_space<hbm>>, %arg5: memref<32x29x80xi32, #tpu.memory_space<hbm>>, %arg6: memref<2x10000x128xf32, #tpu.memory_space<hbm>>, %arg7: memref<2x10000x128xf32, #tpu.memory_space<hbm>>, %arg8: memref<29x80xi32, #tpu.memory_space<vmem>>, %arg9: memref<29x80xi32, #tpu.memory_space<vmem>>, %arg10: memref<80x128xf32, #tpu.memory_space<vmem>>, %arg11: memref<80x128xf32, #tpu.memory_space<vmem>>, %arg12: memref<160x128xf32, #tpu.memory_space<vmem>>, %arg13: memref<10000x128xf32, #tpu.memory_space<vmem_shared>>, %arg14: memref<!tpu.dma_semaphore, #tpu.memory_space<semaphore_mem>>, %arg15: memref<!tpu.dma_semaphore, #tpu.memory_space<semaphore_mem>>, %arg16: memref<!tpu.dma_semaphore, #tpu.memory_space<semaphore_mem>>, %arg17: memref<!tpu.dma_semaphore, #tpu.memory_space<semaphore_mem>>) attributes {dimension_semantics = [#tpu.dimension_semantics<core_parallel>, #tpu.dimension_semantics<subcore_parallel>], iteration_bounds = array<i64: 2, 16>, scalar_prefetch = 0 : i64, scratch_operands = 10 : i64, tpu.core_type = #tpu.core_type<sc_vector_subcore>, window_params = [{transform_indices = #map}, {transform_indices = #map}, {transform_indices = #map1}, {transform_indices = #map1}, {transform_indices = #map1}, {transform_indices = #map1}]} {
    %mul3A = arith.constant 16 : i32
    %mul3A_0 = arith.muli %arg0, %mul3A : i32
    %add3A = arith.addi %mul3A_0, %arg1 : i32
    %mul3A_1 = arith.constant 624 : i32
    %mul3A_2 = arith.muli %arg1, %mul3A_1 : i32
    %mul3A_3 = arith.constant 624 : i32
    %mul3A_4 = arith.muli %arg1, %mul3A_3 : i32
    "tpu.region"() ({
      %run_scoped3A_54 = tpu.sem_alloc : memref<!tpu.dma_semaphore, #tpu.memory_space<semaphore_mem>>
      %dma_start3A_55 = arith.constant 0 : i32
      %dma_start3A_56 = tpu.memref_slice %arg13[%mul3A_4, %dma_start3A_55] : memref<10000x128xf32, #tpu.memory_space<vmem_shared>> -> memref<624x128xf32, #tpu.memory_space<vmem_shared>>
      %dma_start3A_57 = arith.constant 0 : i32
      %dma_start3A_58 = tpu.memref_slice %arg6[%arg0, %mul3A_2, %dma_start3A_57] : memref<2x10000x128xf32, #tpu.memory_space<hbm>> -> memref<1x624x128xf32, #tpu.memory_space<hbm>>
      %dma_start3A_59 = tpu.memref_squeeze %dma_start3A_58 : memref<1x624x128xf32, #tpu.memory_space<hbm>> -> memref<624x128xf32, #tpu.memory_space<hbm>>
      tpu.enqueue_dma source(%dma_start3A_59 : memref<624x128xf32, #tpu.memory_space<hbm>>) target(%dma_start3A_56 : memref<624x128xf32, #tpu.memory_space<vmem_shared>>) target_semaphore(%run_scoped3A_54 : memref<!tpu.dma_semaphore, #tpu.memory_space<semaphore_mem>>)
      %dma_wait3A_60 = arith.constant 0 : i32
      %dma_wait3A_61 = tpu.memref_slice %arg13[%mul3A_4, %dma_wait3A_60] : memref<10000x128xf32, #tpu.memory_space<vmem_shared>> -> memref<624x128xf32, #tpu.memory_space<vmem_shared>>
      %dma_wait3A_62 = arith.constant 0 : i32
      %dma_wait3A_63 = tpu.memref_slice %arg6[%arg0, %mul3A_2, %dma_wait3A_62] : memref<2x10000x128xf32, #tpu.memory_space<hbm>> -> memref<1x624x128xf32, #tpu.memory_space<hbm>>
      %dma_wait3A_64 = tpu.memref_squeeze %dma_wait3A_63 : memref<1x624x128xf32, #tpu.memory_space<hbm>> -> memref<624x128xf32, #tpu.memory_space<hbm>>
      tpu.wait_dma2 semaphore(%run_scoped3A_54 : memref<!tpu.dma_semaphore, #tpu.memory_space<semaphore_mem>>) src(%dma_wait3A_64 : memref<624x128xf32, #tpu.memory_space<hbm>>) dst(%dma_wait3A_61 : memref<624x128xf32, #tpu.memory_space<vmem_shared>>)
      tpu.yield
    }) : () -> ()
    %eq3A = arith.constant 15 : i32
    %eq3A_5 = arith.cmpi eq, %arg1, %eq3A : i32
    %convert_element_type3A = arith.extui %eq3A_5 : i1 to i32
    %cond3A = arith.constant 0 : i32
    %cond3A_6 = arith.cmpi ne, %convert_element_type3A, %cond3A : i32
    scf.if %cond3A_6 {
      "tpu.region"() ({
        %run_scoped3A_54 = tpu.sem_alloc : memref<!tpu.dma_semaphore, #tpu.memory_space<semaphore_mem>>
        %dma_start3A_55 = arith.constant 9984 : i32
        %dma_start3A_56 = arith.constant 0 : i32
        %dma_start3A_57 = tpu.memref_slice %arg13[%dma_start3A_55, %dma_start3A_56] : memref<10000x128xf32, #tpu.memory_space<vmem_shared>> -> memref<16x128xf32, #tpu.memory_space<vmem_shared>>
        %dma_start3A_58 = arith.constant 9984 : i32
        %dma_start3A_59 = arith.constant 0 : i32
        %dma_start3A_60 = tpu.memref_slice %arg6[%arg0, %dma_start3A_58, %dma_start3A_59] : memref<2x10000x128xf32, #tpu.memory_space<hbm>> -> memref<1x16x128xf32, #tpu.memory_space<hbm>>
        %dma_start3A_61 = tpu.memref_squeeze %dma_start3A_60 : memref<1x16x128xf32, #tpu.memory_space<hbm>> -> memref<16x128xf32, #tpu.memory_space<hbm>>
        tpu.enqueue_dma source(%dma_start3A_61 : memref<16x128xf32, #tpu.memory_space<hbm>>) target(%dma_start3A_57 : memref<16x128xf32, #tpu.memory_space<vmem_shared>>) target_semaphore(%run_scoped3A_54 : memref<!tpu.dma_semaphore, #tpu.memory_space<semaphore_mem>>)
        %dma_wait3A_62 = arith.constant 9984 : i32
        %dma_wait3A_63 = arith.constant 0 : i32
        %dma_wait3A_64 = tpu.memref_slice %arg13[%dma_wait3A_62, %dma_wait3A_63] : memref<10000x128xf32, #tpu.memory_space<vmem_shared>> -> memref<16x128xf32, #tpu.memory_space<vmem_shared>>
        %dma_wait3A_65 = arith.constant 9984 : i32
        %dma_wait3A_66 = arith.constant 0 : i32
        %dma_wait3A_67 = tpu.memref_slice %arg6[%arg0, %dma_wait3A_65, %dma_wait3A_66] : memref<2x10000x128xf32, #tpu.memory_space<hbm>> -> memref<1x16x128xf32, #tpu.memory_space<hbm>>
        %dma_wait3A_68 = tpu.memref_squeeze %dma_wait3A_67 : memref<1x16x128xf32, #tpu.memory_space<hbm>> -> memref<16x128xf32, #tpu.memory_space<hbm>>
        tpu.wait_dma2 semaphore(%run_scoped3A_54 : memref<!tpu.dma_semaphore, #tpu.memory_space<semaphore_mem>>) src(%dma_wait3A_68 : memref<16x128xf32, #tpu.memory_space<hbm>>) dst(%dma_wait3A_64 : memref<16x128xf32, #tpu.memory_space<vmem_shared>>)
        tpu.yield
      }) : () -> ()
    } else {
    }
    %barrier3A = arith.constant 0 : index
    tpu.barrier barrier_id(%barrier3A)
    %mul3A_7 = arith.constant 2320 : i32
    %mul3A_8 = arith.muli %add3A, %mul3A_7 : i32
    "tpu.region"() ({
      %run_scoped3A_54 = tpu.sem_alloc : memref<!tpu.dma_semaphore, #tpu.memory_space<semaphore_mem>>
      %dma_start3A_55 = arith.constant 0 : i32
      %dma_start3A_56 = arith.constant 0 : i32
      %dma_start3A_57 = tpu.memref_slice %arg4[%add3A, %dma_start3A_55, %dma_start3A_56] : memref<32x29x80xi32, #tpu.memory_space<hbm>> -> memref<1x29x80xi32, #tpu.memory_space<hbm>>
      %dma_start3A_58 = tpu.memref_squeeze %dma_start3A_57 : memref<1x29x80xi32, #tpu.memory_space<hbm>> -> memref<29x80xi32, #tpu.memory_space<hbm>>
      %dma_start3A_59 = arith.constant 0 : i32
      %dma_start3A_60 = arith.constant 0 : i32
      %dma_start3A_61 = tpu.memref_slice %arg4[%add3A, %dma_start3A_59, %dma_start3A_60] : memref<32x29x80xi32, #tpu.memory_space<hbm>> -> memref<1x29x80xi32, #tpu.memory_space<hbm>>
      %dma_start3A_62 = tpu.memref_squeeze %dma_start3A_61 : memref<1x29x80xi32, #tpu.memory_space<hbm>> -> memref<29x80xi32, #tpu.memory_space<hbm>>
      tpu.enqueue_dma source(%dma_start3A_62 : memref<29x80xi32, #tpu.memory_space<hbm>>) target(%arg8 : memref<29x80xi32, #tpu.memory_space<vmem>>) target_semaphore(%run_scoped3A_54 : memref<!tpu.dma_semaphore, #tpu.memory_space<semaphore_mem>>)
      %dma_wait3A_63 = arith.constant 0 : i32
      %dma_wait3A_64 = arith.constant 0 : i32
      %dma_wait3A_65 = tpu.memref_slice %arg4[%add3A, %dma_wait3A_63, %dma_wait3A_64] : memref<32x29x80xi32, #tpu.memory_space<hbm>> -> memref<1x29x80xi32, #tpu.memory_space<hbm>>
      %dma_wait3A_66 = tpu.memref_squeeze %dma_wait3A_65 : memref<1x29x80xi32, #tpu.memory_space<hbm>> -> memref<29x80xi32, #tpu.memory_space<hbm>>
      %dma_wait3A_67 = arith.constant 0 : i32
      %dma_wait3A_68 = arith.constant 0 : i32
      %dma_wait3A_69 = tpu.memref_slice %arg4[%add3A, %dma_wait3A_67, %dma_wait3A_68] : memref<32x29x80xi32, #tpu.memory_space<hbm>> -> memref<1x29x80xi32, #tpu.memory_space<hbm>>
      %dma_wait3A_70 = tpu.memref_squeeze %dma_wait3A_69 : memref<1x29x80xi32, #tpu.memory_space<hbm>> -> memref<29x80xi32, #tpu.memory_space<hbm>>
      tpu.wait_dma2 semaphore(%run_scoped3A_54 : memref<!tpu.dma_semaphore, #tpu.memory_space<semaphore_mem>>) src(%dma_wait3A_70 : memref<29x80xi32, #tpu.memory_space<hbm>>) dst(%arg8 : memref<29x80xi32, #tpu.memory_space<vmem>>)
      tpu.yield
    }) : () -> ()
    "tpu.region"() ({
      %run_scoped3A_54 = tpu.sem_alloc : memref<!tpu.dma_semaphore, #tpu.memory_space<semaphore_mem>>
      %dma_start3A_55 = arith.constant 0 : i32
      %dma_start3A_56 = arith.constant 0 : i32
      %dma_start3A_57 = tpu.memref_slice %arg5[%add3A, %dma_start3A_55, %dma_start3A_56] : memref<32x29x80xi32, #tpu.memory_space<hbm>> -> memref<1x29x80xi32, #tpu.memory_space<hbm>>
      %dma_start3A_58 = tpu.memref_squeeze %dma_start3A_57 : memref<1x29x80xi32, #tpu.memory_space<hbm>> -> memref<29x80xi32, #tpu.memory_space<hbm>>
      %dma_start3A_59 = arith.constant 0 : i32
      %dma_start3A_60 = arith.constant 0 : i32
      %dma_start3A_61 = tpu.memref_slice %arg5[%add3A, %dma_start3A_59, %dma_start3A_60] : memref<32x29x80xi32, #tpu.memory_space<hbm>> -> memref<1x29x80xi32, #tpu.memory_space<hbm>>
      %dma_start3A_62 = tpu.memref_squeeze %dma_start3A_61 : memref<1x29x80xi32, #tpu.memory_space<hbm>> -> memref<29x80xi32, #tpu.memory_space<hbm>>
      tpu.enqueue_dma source(%dma_start3A_62 : memref<29x80xi32, #tpu.memory_space<hbm>>) target(%arg9 : memref<29x80xi32, #tpu.memory_space<vmem>>) target_semaphore(%run_scoped3A_54 : memref<!tpu.dma_semaphore, #tpu.memory_space<semaphore_mem>>)
      %dma_wait3A_63 = arith.constant 0 : i32
      %dma_wait3A_64 = arith.constant 0 : i32
      %dma_wait3A_65 = tpu.memref_slice %arg5[%add3A, %dma_wait3A_63, %dma_wait3A_64] : memref<32x29x80xi32, #tpu.memory_space<hbm>> -> memref<1x29x80xi32, #tpu.memory_space<hbm>>
      %dma_wait3A_66 = tpu.memref_squeeze %dma_wait3A_65 : memref<1x29x80xi32, #tpu.memory_space<hbm>> -> memref<29x80xi32, #tpu.memory_space<hbm>>
      %dma_wait3A_67 = arith.constant 0 : i32
      %dma_wait3A_68 = arith.constant 0 : i32
      %dma_wait3A_69 = tpu.memref_slice %arg5[%add3A, %dma_wait3A_67, %dma_wait3A_68] : memref<32x29x80xi32, #tpu.memory_space<hbm>> -> memref<1x29x80xi32, #tpu.memory_space<hbm>>
      %dma_wait3A_70 = tpu.memref_squeeze %dma_wait3A_69 : memref<1x29x80xi32, #tpu.memory_space<hbm>> -> memref<29x80xi32, #tpu.memory_space<hbm>>
      tpu.wait_dma2 semaphore(%run_scoped3A_54 : memref<!tpu.dma_semaphore, #tpu.memory_space<semaphore_mem>>) src(%dma_wait3A_70 : memref<29x80xi32, #tpu.memory_space<hbm>>) dst(%arg9 : memref<29x80xi32, #tpu.memory_space<vmem>>)
      tpu.yield
    }) : () -> ()
    %scan3A = arith.constant 0 : i32
    %scan3A_9 = arith.constant 0 : i32
    %scan3A_10 = arith.constant 14 : i32
    %scan3A_11 = arith.addi %scan3A_9, %scan3A_10 : i32
    %scan3A_12 = arith.constant 1 : i32
    scf.for %scan3A_54 = %scan3A_9 to %scan3A_11 step %scan3A_12  : i32 {
      %mul3A_55 = arith.constant 2 : i32
      %mul3A_56 = arith.muli %mul3A_55, %scan3A_54 : i32
      %add3A_57 = arith.constant 1 : i32
      %add3A_58 = arith.addi %mul3A_56, %add3A_57 : i32
      %mul3A_59 = arith.constant 80 : i32
      %mul3A_60 = arith.muli %mul3A_56, %mul3A_59 : i32
      %add3A_61 = arith.addi %mul3A_8, %mul3A_60 : i32
      %add3A_62 = arith.constant 80 : i32
      %add3A_63 = arith.addi %add3A_61, %add3A_62 : i32
      %gt3A = arith.constant 0 : i32
      %gt3A_64 = arith.cmpi sgt, %scan3A_54, %gt3A : i32
      %convert_element_type3A_65 = arith.extui %gt3A_64 : i1 to i32
      %cond3A_66 = arith.constant 0 : i32
      %cond3A_67 = arith.cmpi ne, %convert_element_type3A_65, %cond3A_66 : i32
      scf.if %cond3A_67 {
        %sub3A = arith.constant 2 : i32
        %sub3A_110 = arith.subi %mul3A_56, %sub3A : i32
        %sub3A_111 = arith.constant 2 : i32
        %sub3A_112 = arith.subi %add3A_58, %sub3A_111 : i32
        %dma_wait3A_113 = arith.constant 0 : i32
        %dma_wait3A_114 = tpu.memref_slice %arg9[%sub3A_110, %dma_wait3A_113] : memref<29x80xi32, #tpu.memory_space<vmem>> -> memref<1x80xi32, #tpu.memory_space<vmem>>
        %dma_wait3A_115 = tpu.memref_squeeze %dma_wait3A_114 : memref<1x80xi32, #tpu.memory_space<vmem>> -> memref<80xi32, #tpu.memory_space<vmem>>
        %dma_wait3A_116 = arith.constant 0 : i32
        %dma_wait3A_117 = arith.constant 0 : i32
        %dma_wait3A_118 = tpu.memref_slice %arg13[%dma_wait3A_116, %dma_wait3A_117] : memref<10000x128xf32, #tpu.memory_space<vmem_shared>> -> memref<10000x128xf32, #tpu.memory_space<vmem_shared>>
        tpu.wait_indirect_dma semaphore(%arg16 : memref<!tpu.dma_semaphore, #tpu.memory_space<semaphore_mem>>) src(%arg10 : memref<80x128xf32, #tpu.memory_space<vmem>>) dst(%dma_wait3A_118 : memref<10000x128xf32, #tpu.memory_space<vmem_shared>>)
        %dma_wait3A_119 = arith.constant 0 : i32
        %dma_wait3A_120 = tpu.memref_slice %arg9[%sub3A_112, %dma_wait3A_119] : memref<29x80xi32, #tpu.memory_space<vmem>> -> memref<1x80xi32, #tpu.memory_space<vmem>>
        %dma_wait3A_121 = tpu.memref_squeeze %dma_wait3A_120 : memref<1x80xi32, #tpu.memory_space<vmem>> -> memref<80xi32, #tpu.memory_space<vmem>>
        %dma_wait3A_122 = arith.constant 0 : i32
        %dma_wait3A_123 = arith.constant 0 : i32
        %dma_wait3A_124 = tpu.memref_slice %arg13[%dma_wait3A_122, %dma_wait3A_123] : memref<10000x128xf32, #tpu.memory_space<vmem_shared>> -> memref<10000x128xf32, #tpu.memory_space<vmem_shared>>
        tpu.wait_indirect_dma semaphore(%arg17 : memref<!tpu.dma_semaphore, #tpu.memory_space<semaphore_mem>>) src(%arg11 : memref<80x128xf32, #tpu.memory_space<vmem>>) dst(%dma_wait3A_124 : memref<10000x128xf32, #tpu.memory_space<vmem_shared>>)
      } else {
      }
      %dma_start3A_68 = arith.constant 0 : i32
      %dma_start3A_69 = tpu.memref_slice %arg8[%mul3A_56, %dma_start3A_68] : memref<29x80xi32, #tpu.memory_space<vmem>> -> memref<1x80xi32, #tpu.memory_space<vmem>>
      %dma_start3A_70 = tpu.memref_squeeze %dma_start3A_69 : memref<1x80xi32, #tpu.memory_space<vmem>> -> memref<80xi32, #tpu.memory_space<vmem>>
      %dma_start3A_71 = arith.constant 0 : i32
      %dma_start3A_72 = arith.constant 0 : i32
      %dma_start3A_73 = tpu.memref_slice %arg2[%dma_start3A_71, %dma_start3A_72] : memref<10000x128xf32, #tpu.memory_space<hbm>> -> memref<10000x128xf32, #tpu.memory_space<hbm>>
      tpu.enqueue_indirect_dma source(%dma_start3A_73 : memref<10000x128xf32, #tpu.memory_space<hbm>>) target(%arg10 : memref<80x128xf32, #tpu.memory_space<vmem>>) offsets(%dma_start3A_70 : memref<80xi32, #tpu.memory_space<vmem>>) semaphore(%arg14 : memref<!tpu.dma_semaphore, #tpu.memory_space<semaphore_mem>>)
      %dma_start3A_74 = arith.constant 0 : i32
      %dma_start3A_75 = tpu.memref_slice %arg8[%add3A_58, %dma_start3A_74] : memref<29x80xi32, #tpu.memory_space<vmem>> -> memref<1x80xi32, #tpu.memory_space<vmem>>
      %dma_start3A_76 = tpu.memref_squeeze %dma_start3A_75 : memref<1x80xi32, #tpu.memory_space<vmem>> -> memref<80xi32, #tpu.memory_space<vmem>>
      %dma_start3A_77 = arith.constant 0 : i32
      %dma_start3A_78 = arith.constant 0 : i32
      %dma_start3A_79 = tpu.memref_slice %arg2[%dma_start3A_77, %dma_start3A_78] : memref<10000x128xf32, #tpu.memory_space<hbm>> -> memref<10000x128xf32, #tpu.memory_space<hbm>>
      tpu.enqueue_indirect_dma source(%dma_start3A_79 : memref<10000x128xf32, #tpu.memory_space<hbm>>) target(%arg11 : memref<80x128xf32, #tpu.memory_space<vmem>>) offsets(%dma_start3A_76 : memref<80xi32, #tpu.memory_space<vmem>>) semaphore(%arg15 : memref<!tpu.dma_semaphore, #tpu.memory_space<semaphore_mem>>)
      "tpu.region"() ({
        %run_scoped3A_110 = tpu.sem_alloc : memref<!tpu.dma_semaphore, #tpu.memory_space<semaphore_mem>>
        %dma_start3A_111 = arith.constant 0 : i32
        %dma_start3A_112 = tpu.memref_slice %arg3[%add3A_61, %dma_start3A_111] : memref<74240x128xf32, #tpu.memory_space<hbm>> -> memref<160x128xf32, #tpu.memory_space<hbm>>
        %dma_start3A_113 = arith.constant 0 : i32
        %dma_start3A_114 = tpu.memref_slice %arg3[%add3A_61, %dma_start3A_113] : memref<74240x128xf32, #tpu.memory_space<hbm>> -> memref<160x128xf32, #tpu.memory_space<hbm>>
        tpu.enqueue_dma source(%dma_start3A_114 : memref<160x128xf32, #tpu.memory_space<hbm>>) target(%arg12 : memref<160x128xf32, #tpu.memory_space<vmem>>) target_semaphore(%run_scoped3A_110 : memref<!tpu.dma_semaphore, #tpu.memory_space<semaphore_mem>>)
        %dma_wait3A_115 = arith.constant 0 : i32
        %dma_wait3A_116 = tpu.memref_slice %arg3[%add3A_61, %dma_wait3A_115] : memref<74240x128xf32, #tpu.memory_space<hbm>> -> memref<160x128xf32, #tpu.memory_space<hbm>>
        %dma_wait3A_117 = arith.constant 0 : i32
        %dma_wait3A_118 = tpu.memref_slice %arg3[%add3A_61, %dma_wait3A_117] : memref<74240x128xf32, #tpu.memory_space<hbm>> -> memref<160x128xf32, #tpu.memory_space<hbm>>
        tpu.wait_dma2 semaphore(%run_scoped3A_110 : memref<!tpu.dma_semaphore, #tpu.memory_space<semaphore_mem>>) src(%dma_wait3A_118 : memref<160x128xf32, #tpu.memory_space<hbm>>) dst(%arg12 : memref<160x128xf32, #tpu.memory_space<vmem>>)
        tpu.yield
      }) : () -> ()
      %dma_wait3A_80 = arith.constant 0 : i32
      %dma_wait3A_81 = tpu.memref_slice %arg8[%mul3A_56, %dma_wait3A_80] : memref<29x80xi32, #tpu.memory_space<vmem>> -> memref<1x80xi32, #tpu.memory_space<vmem>>
      %dma_wait3A_82 = tpu.memref_squeeze %dma_wait3A_81 : memref<1x80xi32, #tpu.memory_space<vmem>> -> memref<80xi32, #tpu.memory_space<vmem>>
      %dma_wait3A_83 = arith.constant 0 : i32
      %dma_wait3A_84 = arith.constant 0 : i32
      %dma_wait3A_85 = tpu.memref_slice %arg2[%dma_wait3A_83, %dma_wait3A_84] : memref<10000x128xf32, #tpu.memory_space<hbm>> -> memref<10000x128xf32, #tpu.memory_space<hbm>>
      tpu.wait_indirect_dma semaphore(%arg14 : memref<!tpu.dma_semaphore, #tpu.memory_space<semaphore_mem>>) src(%dma_wait3A_85 : memref<10000x128xf32, #tpu.memory_space<hbm>>) dst(%arg10 : memref<80x128xf32, #tpu.memory_space<vmem>>)
      %parallel_loop3A_86 = arith.constant 0 : i32
      %parallel_loop3A_87 = arith.constant 80 : i32
      %parallel_loop3A_88 = arith.constant 1 : i32
      scf.for %parallel_loop3A_110 = %parallel_loop3A_86 to %parallel_loop3A_87 step %parallel_loop3A_88  : i32 {
        %parallel_loop3A_111 = arith.index_cast %parallel_loop3A_110 : i32 to index
        %parallel_loop3A_112 = arith.constant 0 : index
        %parallel_loop3A_113 = tpu.vector_load %arg10[%parallel_loop3A_111, %parallel_loop3A_112] {strides = array<i32>} : memref<80x128xf32, #tpu.memory_space<vmem>>, vector<1x16xf32>,
        %parallel_loop3A_114 = vector.shape_cast %parallel_loop3A_113 : vector<1x16xf32> to vector<16xf32>
        %parallel_loop3A_115 = arith.constant 0 : i32
        %parallel_loop3A_116 = arith.addi %parallel_loop3A_115, %parallel_loop3A_110 : i32
        %parallel_loop3A_117 = arith.index_cast %parallel_loop3A_116 : i32 to index
        %parallel_loop3A_118 = arith.constant 0 : index
        %parallel_loop3A_119 = tpu.vector_load %arg12[%parallel_loop3A_117, %parallel_loop3A_118] {strides = array<i32>} : memref<160x128xf32, #tpu.memory_space<vmem>>, vector<1x16xf32>,
        %parallel_loop3A_120 = vector.shape_cast %parallel_loop3A_119 : vector<1x16xf32> to vector<16xf32>
        %parallel_loop3A_121 = arith.mulf %parallel_loop3A_114, %parallel_loop3A_120 : vector<16xf32>
        %parallel_loop3A_122 = arith.index_cast %parallel_loop3A_110 : i32 to index
        %parallel_loop3A_123 = arith.constant 0 : index
        %parallel_loop3A_124 = tpu.vector_load %arg10[%parallel_loop3A_122, %parallel_loop3A_123] {strides = array<i32>} : memref<80x128xf32, #tpu.memory_space<vmem>>, vector<1x16xf32>,
        %parallel_loop3A_125 = vector.shape_cast %parallel_loop3A_124 : vector<1x16xf32> to vector<16xf32>
        %parallel_loop3A_126 = vector.shape_cast %parallel_loop3A_121 : vector<16xf32> to vector<1x16xf32>
        tpu.vector_store %arg10[%parallel_loop3A_122, %parallel_loop3A_123], %parallel_loop3A_126 {strides = array<i32>} : memref<80x128xf32, #tpu.memory_space<vmem>>, vector<1x16xf32>,
        %parallel_loop3A_127 = arith.index_cast %parallel_loop3A_110 : i32 to index
        %parallel_loop3A_128 = arith.constant 16 : index
        %parallel_loop3A_129 = tpu.vector_load %arg10[%parallel_loop3A_127, %parallel_loop3A_128] {strides = array<i32>} : memref<80x128xf32, #tpu.memory_space<vmem>>, vector<1x16xf32>,
        %parallel_loop3A_130 = vector.shape_cast %parallel_loop3A_129 : vector<1x16xf32> to vector<16xf32>
        %parallel_loop3A_131 = arith.constant 0 : i32
        %parallel_loop3A_132 = arith.addi %parallel_loop3A_131, %parallel_loop3A_110 : i32
        %parallel_loop3A_133 = arith.index_cast %parallel_loop3A_132 : i32 to index
        %parallel_loop3A_134 = arith.constant 16 : index
        %parallel_loop3A_135 = tpu.vector_load %arg12[%parallel_loop3A_133, %parallel_loop3A_134] {strides = array<i32>} : memref<160x128xf32, #tpu.memory_space<vmem>>, vector<1x16xf32>,
        %parallel_loop3A_136 = vector.shape_cast %parallel_loop3A_135 : vector<1x16xf32> to vector<16xf32>
        %parallel_loop3A_137 = arith.mulf %parallel_loop3A_130, %parallel_loop3A_136 : vector<16xf32>
        %parallel_loop3A_138 = arith.index_cast %parallel_loop3A_110 : i32 to index
        %parallel_loop3A_139 = arith.constant 16 : index
        %parallel_loop3A_140 = tpu.vector_load %arg10[%parallel_loop3A_138, %parallel_loop3A_139] {strides = array<i32>} : memref<80x128xf32, #tpu.memory_space<vmem>>, vector<1x16xf32>,
        %parallel_loop3A_141 = vector.shape_cast %parallel_loop3A_140 : vector<1x16xf32> to vector<16xf32>
        %parallel_loop3A_142 = vector.shape_cast %parallel_loop3A_137 : vector<16xf32> to vector<1x16xf32>
        tpu.vector_store %arg10[%parallel_loop3A_138, %parallel_loop3A_139], %parallel_loop3A_142 {strides = array<i32>} : memref<80x128xf32, #tpu.memory_space<vmem>>, vector<1x16xf32>,
        %parallel_loop3A_143 = arith.index_cast %parallel_loop3A_110 : i32 to index
        %parallel_loop3A_144 = arith.constant 32 : index
        %parallel_loop3A_145 = tpu.vector_load %arg10[%parallel_loop3A_143, %parallel_loop3A_144] {strides = array<i32>} : memref<80x128xf32, #tpu.memory_space<vmem>>, vector<1x16xf32>,
        %parallel_loop3A_146 = vector.shape_cast %parallel_loop3A_145 : vector<1x16xf32> to vector<16xf32>
        %parallel_loop3A_147 = arith.constant 0 : i32
        %parallel_loop3A_148 = arith.addi %parallel_loop3A_147, %parallel_loop3A_110 : i32
        %parallel_loop3A_149 = arith.index_cast %parallel_loop3A_148 : i32 to index
        %parallel_loop3A_150 = arith.constant 32 : index
        %parallel_loop3A_151 = tpu.vector_load %arg12[%parallel_loop3A_149, %parallel_loop3A_150] {strides = array<i32>} : memref<160x128xf32, #tpu.memory_space<vmem>>, vector<1x16xf32>,
        %parallel_loop3A_152 = vector.shape_cast %parallel_loop3A_151 : vector<1x16xf32> to vector<16xf32>
        %parallel_loop3A_153 = arith.mulf %parallel_loop3A_146, %parallel_loop3A_152 : vector<16xf32>
        %parallel_loop3A_154 = arith.index_cast %parallel_loop3A_110 : i32 to index
        %parallel_loop3A_155 = arith.constant 32 : index
        %parallel_loop3A_156 = tpu.vector_load %arg10[%parallel_loop3A_154, %parallel_loop3A_155] {strides = array<i32>} : memref<80x128xf32, #tpu.memory_space<vmem>>, vector<1x16xf32>,
        %parallel_loop3A_157 = vector.shape_cast %parallel_loop3A_156 : vector<1x16xf32> to vector<16xf32>
        %parallel_loop3A_158 = vector.shape_cast %parallel_loop3A_153 : vector<16xf32> to vector<1x16xf32>
        tpu.vector_store %arg10[%parallel_loop3A_154, %parallel_loop3A_155], %parallel_loop3A_158 {strides = array<i32>} : memref<80x128xf32, #tpu.memory_space<vmem>>, vector<1x16xf32>,
        %parallel_loop3A_159 = arith.index_cast %parallel_loop3A_110 : i32 to index
        %parallel_loop3A_160 = arith.constant 48 : index
        %parallel_loop3A_161 = tpu.vector_load %arg10[%parallel_loop3A_159, %parallel_loop3A_160] {strides = array<i32>} : memref<80x128xf32, #tpu.memory_space<vmem>>, vector<1x16xf32>,
        %parallel_loop3A_162 = vector.shape_cast %parallel_loop3A_161 : vector<1x16xf32> to vector<16xf32>
        %parallel_loop3A_163 = arith.constant 0 : i32
        %parallel_loop3A_164 = arith.addi %parallel_loop3A_163, %parallel_loop3A_110 : i32
        %parallel_loop3A_165 = arith.index_cast %parallel_loop3A_164 : i32 to index
        %parallel_loop3A_166 = arith.constant 48 : index
        %parallel_loop3A_167 = tpu.vector_load %arg12[%parallel_loop3A_165, %parallel_loop3A_166] {strides = array<i32>} : memref<160x128xf32, #tpu.memory_space<vmem>>, vector<1x16xf32>,
        %parallel_loop3A_168 = vector.shape_cast %parallel_loop3A_167 : vector<1x16xf32> to vector<16xf32>
        %parallel_loop3A_169 = arith.mulf %parallel_loop3A_162, %parallel_loop3A_168 : vector<16xf32>
        %parallel_loop3A_170 = arith.index_cast %parallel_loop3A_110 : i32 to index
        %parallel_loop3A_171 = arith.constant 48 : index
        %parallel_loop3A_172 = tpu.vector_load %arg10[%parallel_loop3A_170, %parallel_loop3A_171] {strides = array<i32>} : memref<80x128xf32, #tpu.memory_space<vmem>>, vector<1x16xf32>,
        %parallel_loop3A_173 = vector.shape_cast %parallel_loop3A_172 : vector<1x16xf32> to vector<16xf32>
        %parallel_loop3A_174 = vector.shape_cast %parallel_loop3A_169 : vector<16xf32> to vector<1x16xf32>
        tpu.vector_store %arg10[%parallel_loop3A_170, %parallel_loop3A_171], %parallel_loop3A_174 {strides = array<i32>} : memref<80x128xf32, #tpu.memory_space<vmem>>, vector<1x16xf32>,
        %parallel_loop3A_175 = arith.index_cast %parallel_loop3A_110 : i32 to index
        %parallel_loop3A_176 = arith.constant 64 : index
        %parallel_loop3A_177 = tpu.vector_load %arg10[%parallel_loop3A_175, %parallel_loop3A_176] {strides = array<i32>} : memref<80x128xf32, #tpu.memory_space<vmem>>, vector<1x16xf32>,
        %parallel_loop3A_178 = vector.shape_cast %parallel_loop3A_177 : vector<1x16xf32> to vector<16xf32>
        %parallel_loop3A_179 = arith.constant 0 : i32
        %parallel_loop3A_180 = arith.addi %parallel_loop3A_179, %parallel_loop3A_110 : i32
        %parallel_loop3A_181 = arith.index_cast %parallel_loop3A_180 : i32 to index
        %parallel_loop3A_182 = arith.constant 64 : index
        %parallel_loop3A_183 = tpu.vector_load %arg12[%parallel_loop3A_181, %parallel_loop3A_182] {strides = array<i32>} : memref<160x128xf32, #tpu.memory_space<vmem>>, vector<1x16xf32>,
        %parallel_loop3A_184 = vector.shape_cast %parallel_loop3A_183 : vector<1x16xf32> to vector<16xf32>
        %parallel_loop3A_185 = arith.mulf %parallel_loop3A_178, %parallel_loop3A_184 : vector<16xf32>
        %parallel_loop3A_186 = arith.index_cast %parallel_loop3A_110 : i32 to index
        %parallel_loop3A_187 = arith.constant 64 : index
        %parallel_loop3A_188 = tpu.vector_load %arg10[%parallel_loop3A_186, %parallel_loop3A_187] {strides = array<i32>} : memref<80x128xf32, #tpu.memory_space<vmem>>, vector<1x16xf32>,
        %parallel_loop3A_189 = vector.shape_cast %parallel_loop3A_188 : vector<1x16xf32> to vector<16xf32>
        %parallel_loop3A_190 = vector.shape_cast %parallel_loop3A_185 : vector<16xf32> to vector<1x16xf32>
        tpu.vector_store %arg10[%parallel_loop3A_186, %parallel_loop3A_187], %parallel_loop3A_190 {strides = array<i32>} : memref<80x128xf32, #tpu.memory_space<vmem>>, vector<1x16xf32>,
        %parallel_loop3A_191 = arith.index_cast %parallel_loop3A_110 : i32 to index
        %parallel_loop3A_192 = arith.constant 80 : index
        %parallel_loop3A_193 = tpu.vector_load %arg10[%parallel_loop3A_191, %parallel_loop3A_192] {strides = array<i32>} : memref<80x128xf32, #tpu.memory_space<vmem>>, vector<1x16xf32>,
        %parallel_loop3A_194 = vector.shape_cast %parallel_loop3A_193 : vector<1x16xf32> to vector<16xf32>
        %parallel_loop3A_195 = arith.constant 0 : i32
        %parallel_loop3A_196 = arith.addi %parallel_loop3A_195, %parallel_loop3A_110 : i32
        %parallel_loop3A_197 = arith.index_cast %parallel_loop3A_196 : i32 to index
        %parallel_loop3A_198 = arith.constant 80 : index
        %parallel_loop3A_199 = tpu.vector_load %arg12[%parallel_loop3A_197, %parallel_loop3A_198] {strides = array<i32>} : memref<160x128xf32, #tpu.memory_space<vmem>>, vector<1x16xf32>,
        %parallel_loop3A_200 = vector.shape_cast %parallel_loop3A_199 : vector<1x16xf32> to vector<16xf32>
        %parallel_loop3A_201 = arith.mulf %parallel_loop3A_194, %parallel_loop3A_200 : vector<16xf32>
        %parallel_loop3A_202 = arith.index_cast %parallel_loop3A_110 : i32 to index
        %parallel_loop3A_203 = arith.constant 80 : index
        %parallel_loop3A_204 = tpu.vector_load %arg10[%parallel_loop3A_202, %parallel_loop3A_203] {strides = array<i32>} : memref<80x128xf32, #tpu.memory_space<vmem>>, vector<1x16xf32>,
        %parallel_loop3A_205 = vector.shape_cast %parallel_loop3A_204 : vector<1x16xf32> to vector<16xf32>
        %parallel_loop3A_206 = vector.shape_cast %parallel_loop3A_201 : vector<16xf32> to vector<1x16xf32>
        tpu.vector_store %arg10[%parallel_loop3A_202, %parallel_loop3A_203], %parallel_loop3A_206 {strides = array<i32>} : memref<80x128xf32, #tpu.memory_space<vmem>>, vector<1x16xf32>,
        %parallel_loop3A_207 = arith.index_cast %parallel_loop3A_110 : i32 to index
        %parallel_loop3A_208 = arith.constant 96 : index
        %parallel_loop3A_209 = tpu.vector_load %arg10[%parallel_loop3A_207, %parallel_loop3A_208] {strides = array<i32>} : memref<80x128xf32, #tpu.memory_space<vmem>>, vector<1x16xf32>,
        %parallel_loop3A_210 = vector.shape_cast %parallel_loop3A_209 : vector<1x16xf32> to vector<16xf32>
        %parallel_loop3A_211 = arith.constant 0 : i32
        %parallel_loop3A_212 = arith.addi %parallel_loop3A_211, %parallel_loop3A_110 : i32
        %parallel_loop3A_213 = arith.index_cast %parallel_loop3A_212 : i32 to index
        %parallel_loop3A_214 = arith.constant 96 : index
        %parallel_loop3A_215 = tpu.vector_load %arg12[%parallel_loop3A_213, %parallel_loop3A_214] {strides = array<i32>} : memref<160x128xf32, #tpu.memory_space<vmem>>, vector<1x16xf32>,
        %parallel_loop3A_216 = vector.shape_cast %parallel_loop3A_215 : vector<1x16xf32> to vector<16xf32>
        %parallel_loop3A_217 = arith.mulf %parallel_loop3A_210, %parallel_loop3A_216 : vector<16xf32>
        %parallel_loop3A_218 = arith.index_cast %parallel_loop3A_110 : i32 to index
        %parallel_loop3A_219 = arith.constant 96 : index
        %parallel_loop3A_220 = tpu.vector_load %arg10[%parallel_loop3A_218, %parallel_loop3A_219] {strides = array<i32>} : memref<80x128xf32, #tpu.memory_space<vmem>>, vector<1x16xf32>,
        %parallel_loop3A_221 = vector.shape_cast %parallel_loop3A_220 : vector<1x16xf32> to vector<16xf32>
        %parallel_loop3A_222 = vector.shape_cast %parallel_loop3A_217 : vector<16xf32> to vector<1x16xf32>
        tpu.vector_store %arg10[%parallel_loop3A_218, %parallel_loop3A_219], %parallel_loop3A_222 {strides = array<i32>} : memref<80x128xf32, #tpu.memory_space<vmem>>, vector<1x16xf32>,
        %parallel_loop3A_223 = arith.index_cast %parallel_loop3A_110 : i32 to index
        %parallel_loop3A_224 = arith.constant 112 : index
        %parallel_loop3A_225 = tpu.vector_load %arg10[%parallel_loop3A_223, %parallel_loop3A_224] {strides = array<i32>} : memref<80x128xf32, #tpu.memory_space<vmem>>, vector<1x16xf32>,
        %parallel_loop3A_226 = vector.shape_cast %parallel_loop3A_225 : vector<1x16xf32> to vector<16xf32>
        %parallel_loop3A_227 = arith.constant 0 : i32
        %parallel_loop3A_228 = arith.addi %parallel_loop3A_227, %parallel_loop3A_110 : i32
        %parallel_loop3A_229 = arith.index_cast %parallel_loop3A_228 : i32 to index
        %parallel_loop3A_230 = arith.constant 112 : index
        %parallel_loop3A_231 = tpu.vector_load %arg12[%parallel_loop3A_229, %parallel_loop3A_230] {strides = array<i32>} : memref<160x128xf32, #tpu.memory_space<vmem>>, vector<1x16xf32>,
        %parallel_loop3A_232 = vector.shape_cast %parallel_loop3A_231 : vector<1x16xf32> to vector<16xf32>
        %parallel_loop3A_233 = arith.mulf %parallel_loop3A_226, %parallel_loop3A_232 : vector<16xf32>
        %parallel_loop3A_234 = arith.index_cast %parallel_loop3A_110 : i32 to index
        %parallel_loop3A_235 = arith.constant 112 : index
        %parallel_loop3A_236 = tpu.vector_load %arg10[%parallel_loop3A_234, %parallel_loop3A_235] {strides = array<i32>} : memref<80x128xf32, #tpu.memory_space<vmem>>, vector<1x16xf32>,
        %parallel_loop3A_237 = vector.shape_cast %parallel_loop3A_236 : vector<1x16xf32> to vector<16xf32>
        %parallel_loop3A_238 = vector.shape_cast %parallel_loop3A_233 : vector<16xf32> to vector<1x16xf32>
        tpu.vector_store %arg10[%parallel_loop3A_234, %parallel_loop3A_235], %parallel_loop3A_238 {strides = array<i32>} : memref<80x128xf32, #tpu.memory_space<vmem>>, vector<1x16xf32>,
      } {sc.loop_unroll_factor = 2 : i64, sc.parallel_access}
      %dma_start3A_89 = arith.constant 0 : i32
      %dma_start3A_90 = tpu.memref_slice %arg9[%mul3A_56, %dma_start3A_89] : memref<29x80xi32, #tpu.memory_space<vmem>> -> memref<1x80xi32, #tpu.memory_space<vmem>>
      %dma_start3A_91 = tpu.memref_squeeze %dma_start3A_90 : memref<1x80xi32, #tpu.memory_space<vmem>> -> memref<80xi32, #tpu.memory_space<vmem>>
      %dma_start3A_92 = arith.constant 0 : i32
      %dma_start3A_93 = arith.constant 0 : i32
      %dma_start3A_94 = tpu.memref_slice %arg13[%dma_start3A_92, %dma_start3A_93] : memref<10000x128xf32, #tpu.memory_space<vmem_shared>> -> memref<10000x128xf32, #tpu.memory_space<vmem_shared>>
      tpu.enqueue_indirect_dma source(%arg10 : memref<80x128xf32, #tpu.memory_space<vmem>>) target(%dma_start3A_94 : memref<10000x128xf32, #tpu.memory_space<vmem_shared>>) offsets(%dma_start3A_91 : memref<80xi32, #tpu.memory_space<vmem>>) semaphore(%arg16 : memref<!tpu.dma_semaphore, #tpu.memory_space<semaphore_mem>>) {add = true}
      %dma_wait3A_95 = arith.constant 0 : i32
      %dma_wait3A_96 = tpu.memref_slice %arg8[%add3A_58, %dma_wait3A_95] : memref<29x80xi32, #tpu.memory_space<vmem>> -> memref<1x80xi32, #tpu.memory_space<vmem>>
      %dma_wait3A_97 = tpu.memref_squeeze %dma_wait3A_96 : memref<1x80xi32, #tpu.memory_space<vmem>> -> memref<80xi32, #tpu.memory_space<vmem>>
      %dma_wait3A_98 = arith.constant 0 : i32
      %dma_wait3A_99 = arith.constant 0 : i32
      %dma_wait3A_100 = tpu.memref_slice %arg2[%dma_wait3A_98, %dma_wait3A_99] : memref<10000x128xf32, #tpu.memory_space<hbm>> -> memref<10000x128xf32, #tpu.memory_space<hbm>>
      tpu.wait_indirect_dma semaphore(%arg15 : memref<!tpu.dma_semaphore, #tpu.memory_space<semaphore_mem>>) src(%dma_wait3A_100 : memref<10000x128xf32, #tpu.memory_space<hbm>>) dst(%arg11 : memref<80x128xf32, #tpu.memory_space<vmem>>)
      %parallel_loop3A_101 = arith.constant 0 : i32
      %parallel_loop3A_102 = arith.constant 80 : i32
      %parallel_loop3A_103 = arith.constant 1 : i32
      scf.for %parallel_loop3A_110 = %parallel_loop3A_101 to %parallel_loop3A_102 step %parallel_loop3A_103  : i32 {
        %parallel_loop3A_111 = arith.index_cast %parallel_loop3A_110 : i32 to index
        %parallel_loop3A_112 = arith.constant 0 : index
        %parallel_loop3A_113 = tpu.vector_load %arg11[%parallel_loop3A_111, %parallel_loop3A_112] {strides = array<i32>} : memref<80x128xf32, #tpu.memory_space<vmem>>, vector<1x16xf32>,
        %parallel_loop3A_114 = vector.shape_cast %parallel_loop3A_113 : vector<1x16xf32> to vector<16xf32>
        %parallel_loop3A_115 = arith.constant 80 : i32
        %parallel_loop3A_116 = arith.addi %parallel_loop3A_115, %parallel_loop3A_110 : i32
        %parallel_loop3A_117 = arith.index_cast %parallel_loop3A_116 : i32 to index
        %parallel_loop3A_118 = arith.constant 0 : index
        %parallel_loop3A_119 = tpu.vector_load %arg12[%parallel_loop3A_117, %parallel_loop3A_118] {strides = array<i32>} : memref<160x128xf32, #tpu.memory_space<vmem>>, vector<1x16xf32>,
        %parallel_loop3A_120 = vector.shape_cast %parallel_loop3A_119 : vector<1x16xf32> to vector<16xf32>
        %parallel_loop3A_121 = arith.mulf %parallel_loop3A_114, %parallel_loop3A_120 : vector<16xf32>
        %parallel_loop3A_122 = arith.index_cast %parallel_loop3A_110 : i32 to index
        %parallel_loop3A_123 = arith.constant 0 : index
        %parallel_loop3A_124 = tpu.vector_load %arg11[%parallel_loop3A_122, %parallel_loop3A_123] {strides = array<i32>} : memref<80x128xf32, #tpu.memory_space<vmem>>, vector<1x16xf32>,
        %parallel_loop3A_125 = vector.shape_cast %parallel_loop3A_124 : vector<1x16xf32> to vector<16xf32>
        %parallel_loop3A_126 = vector.shape_cast %parallel_loop3A_121 : vector<16xf32> to vector<1x16xf32>
        tpu.vector_store %arg11[%parallel_loop3A_122, %parallel_loop3A_123], %parallel_loop3A_126 {strides = array<i32>} : memref<80x128xf32, #tpu.memory_space<vmem>>, vector<1x16xf32>,
        %parallel_loop3A_127 = arith.index_cast %parallel_loop3A_110 : i32 to index
        %parallel_loop3A_128 = arith.constant 16 : index
        %parallel_loop3A_129 = tpu.vector_load %arg11[%parallel_loop3A_127, %parallel_loop3A_128] {strides = array<i32>} : memref<80x128xf32, #tpu.memory_space<vmem>>, vector<1x16xf32>,
        %parallel_loop3A_130 = vector.shape_cast %parallel_loop3A_129 : vector<1x16xf32> to vector<16xf32>
        %parallel_loop3A_131 = arith.constant 80 : i32
        %parallel_loop3A_132 = arith.addi %parallel_loop3A_131, %parallel_loop3A_110 : i32
        %parallel_loop3A_133 = arith.index_cast %parallel_loop3A_132 : i32 to index
        %parallel_loop3A_134 = arith.constant 16 : index
        %parallel_loop3A_135 = tpu.vector_load %arg12[%parallel_loop3A_133, %parallel_loop3A_134] {strides = array<i32>} : memref<160x128xf32, #tpu.memory_space<vmem>>, vector<1x16xf32>,
        %parallel_loop3A_136 = vector.shape_cast %parallel_loop3A_135 : vector<1x16xf32> to vector<16xf32>
        %parallel_loop3A_137 = arith.mulf %parallel_loop3A_130, %parallel_loop3A_136 : vector<16xf32>
        %parallel_loop3A_138 = arith.index_cast %parallel_loop3A_110 : i32 to index
        %parallel_loop3A_139 = arith.constant 16 : index
        %parallel_loop3A_140 = tpu.vector_load %arg11[%parallel_loop3A_138, %parallel_loop3A_139] {strides = array<i32>} : memref<80x128xf32, #tpu.memory_space<vmem>>, vector<1x16xf32>,
        %parallel_loop3A_141 = vector.shape_cast %parallel_loop3A_140 : vector<1x16xf32> to vector<16xf32>
        %parallel_loop3A_142 = vector.shape_cast %parallel_loop3A_137 : vector<16xf32> to vector<1x16xf32>
        tpu.vector_store %arg11[%parallel_loop3A_138, %parallel_loop3A_139], %parallel_loop3A_142 {strides = array<i32>} : memref<80x128xf32, #tpu.memory_space<vmem>>, vector<1x16xf32>,
        %parallel_loop3A_143 = arith.index_cast %parallel_loop3A_110 : i32 to index
        %parallel_loop3A_144 = arith.constant 32 : index
        %parallel_loop3A_145 = tpu.vector_load %arg11[%parallel_loop3A_143, %parallel_loop3A_144] {strides = array<i32>} : memref<80x128xf32, #tpu.memory_space<vmem>>, vector<1x16xf32>,
        %parallel_loop3A_146 = vector.shape_cast %parallel_loop3A_145 : vector<1x16xf32> to vector<16xf32>
        %parallel_loop3A_147 = arith.constant 80 : i32
        %parallel_loop3A_148 = arith.addi %parallel_loop3A_147, %parallel_loop3A_110 : i32
        %parallel_loop3A_149 = arith.index_cast %parallel_loop3A_148 : i32 to index
        %parallel_loop3A_150 = arith.constant 32 : index
        %parallel_loop3A_151 = tpu.vector_load %arg12[%parallel_loop3A_149, %parallel_loop3A_150] {strides = array<i32>} : memref<160x128xf32, #tpu.memory_space<vmem>>, vector<1x16xf32>,
        %parallel_loop3A_152 = vector.shape_cast %parallel_loop3A_151 : vector<1x16xf32> to vector<16xf32>
        %parallel_loop3A_153 = arith.mulf %parallel_loop3A_146, %parallel_loop3A_152 : vector<16xf32>
        %parallel_loop3A_154 = arith.index_cast %parallel_loop3A_110 : i32 to index
        %parallel_loop3A_155 = arith.constant 32 : index
        %parallel_loop3A_156 = tpu.vector_load %arg11[%parallel_loop3A_154, %parallel_loop3A_155] {strides = array<i32>} : memref<80x128xf32, #tpu.memory_space<vmem>>, vector<1x16xf32>,
        %parallel_loop3A_157 = vector.shape_cast %parallel_loop3A_156 : vector<1x16xf32> to vector<16xf32>
        %parallel_loop3A_158 = vector.shape_cast %parallel_loop3A_153 : vector<16xf32> to vector<1x16xf32>
        tpu.vector_store %arg11[%parallel_loop3A_154, %parallel_loop3A_155], %parallel_loop3A_158 {strides = array<i32>} : memref<80x128xf32, #tpu.memory_space<vmem>>, vector<1x16xf32>,
        %parallel_loop3A_159 = arith.index_cast %parallel_loop3A_110 : i32 to index
        %parallel_loop3A_160 = arith.constant 48 : index
        %parallel_loop3A_161 = tpu.vector_load %arg11[%parallel_loop3A_159, %parallel_loop3A_160] {strides = array<i32>} : memref<80x128xf32, #tpu.memory_space<vmem>>, vector<1x16xf32>,
        %parallel_loop3A_162 = vector.shape_cast %parallel_loop3A_161 : vector<1x16xf32> to vector<16xf32>
        %parallel_loop3A_163 = arith.constant 80 : i32
        %parallel_loop3A_164 = arith.addi %parallel_loop3A_163, %parallel_loop3A_110 : i32
        %parallel_loop3A_165 = arith.index_cast %parallel_loop3A_164 : i32 to index
        %parallel_loop3A_166 = arith.constant 48 : index
        %parallel_loop3A_167 = tpu.vector_load %arg12[%parallel_loop3A_165, %parallel_loop3A_166] {strides = array<i32>} : memref<160x128xf32, #tpu.memory_space<vmem>>, vector<1x16xf32>,
        %parallel_loop3A_168 = vector.shape_cast %parallel_loop3A_167 : vector<1x16xf32> to vector<16xf32>
        %parallel_loop3A_169 = arith.mulf %parallel_loop3A_162, %parallel_loop3A_168 : vector<16xf32>
        %parallel_loop3A_170 = arith.index_cast %parallel_loop3A_110 : i32 to index
        %parallel_loop3A_171 = arith.constant 48 : index
        %parallel_loop3A_172 = tpu.vector_load %arg11[%parallel_loop3A_170, %parallel_loop3A_171] {strides = array<i32>} : memref<80x128xf32, #tpu.memory_space<vmem>>, vector<1x16xf32>,
        %parallel_loop3A_173 = vector.shape_cast %parallel_loop3A_172 : vector<1x16xf32> to vector<16xf32>
        %parallel_loop3A_174 = vector.shape_cast %parallel_loop3A_169 : vector<16xf32> to vector<1x16xf32>
        tpu.vector_store %arg11[%parallel_loop3A_170, %parallel_loop3A_171], %parallel_loop3A_174 {strides = array<i32>} : memref<80x128xf32, #tpu.memory_space<vmem>>, vector<1x16xf32>,
        %parallel_loop3A_175 = arith.index_cast %parallel_loop3A_110 : i32 to index
        %parallel_loop3A_176 = arith.constant 64 : index
        %parallel_loop3A_177 = tpu.vector_load %arg11[%parallel_loop3A_175, %parallel_loop3A_176] {strides = array<i32>} : memref<80x128xf32, #tpu.memory_space<vmem>>, vector<1x16xf32>,
        %parallel_loop3A_178 = vector.shape_cast %parallel_loop3A_177 : vector<1x16xf32> to vector<16xf32>
        %parallel_loop3A_179 = arith.constant 80 : i32
        %parallel_loop3A_180 = arith.addi %parallel_loop3A_179, %parallel_loop3A_110 : i32
        %parallel_loop3A_181 = arith.index_cast %parallel_loop3A_180 : i32 to index
        %parallel_loop3A_182 = arith.constant 64 : index
        %parallel_loop3A_183 = tpu.vector_load %arg12[%parallel_loop3A_181, %parallel_loop3A_182] {strides = array<i32>} : memref<160x128xf32, #tpu.memory_space<vmem>>, vector<1x16xf32>,
        %parallel_loop3A_184 = vector.shape_cast %parallel_loop3A_183 : vector<1x16xf32> to vector<16xf32>
        %parallel_loop3A_185 = arith.mulf %parallel_loop3A_178, %parallel_loop3A_184 : vector<16xf32>
        %parallel_loop3A_186 = arith.index_cast %parallel_loop3A_110 : i32 to index
        %parallel_loop3A_187 = arith.constant 64 : index
        %parallel_loop3A_188 = tpu.vector_load %arg11[%parallel_loop3A_186, %parallel_loop3A_187] {strides = array<i32>} : memref<80x128xf32, #tpu.memory_space<vmem>>, vector<1x16xf32>,
        %parallel_loop3A_189 = vector.shape_cast %parallel_loop3A_188 : vector<1x16xf32> to vector<16xf32>
        %parallel_loop3A_190 = vector.shape_cast %parallel_loop3A_185 : vector<16xf32> to vector<1x16xf32>
        tpu.vector_store %arg11[%parallel_loop3A_186, %parallel_loop3A_187], %parallel_loop3A_190 {strides = array<i32>} : memref<80x128xf32, #tpu.memory_space<vmem>>, vector<1x16xf32>,
        %parallel_loop3A_191 = arith.index_cast %parallel_loop3A_110 : i32 to index
        %parallel_loop3A_192 = arith.constant 80 : index
        %parallel_loop3A_193 = tpu.vector_load %arg11[%parallel_loop3A_191, %parallel_loop3A_192] {strides = array<i32>} : memref<80x128xf32, #tpu.memory_space<vmem>>, vector<1x16xf32>,
        %parallel_loop3A_194 = vector.shape_cast %parallel_loop3A_193 : vector<1x16xf32> to vector<16xf32>
        %parallel_loop3A_195 = arith.constant 80 : i32
        %parallel_loop3A_196 = arith.addi %parallel_loop3A_195, %parallel_loop3A_110 : i32
        %parallel_loop3A_197 = arith.index_cast %parallel_loop3A_196 : i32 to index
        %parallel_loop3A_198 = arith.constant 80 : index
        %parallel_loop3A_199 = tpu.vector_load %arg12[%parallel_loop3A_197, %parallel_loop3A_198] {strides = array<i32>} : memref<160x128xf32, #tpu.memory_space<vmem>>, vector<1x16xf32>,
        %parallel_loop3A_200 = vector.shape_cast %parallel_loop3A_199 : vector<1x16xf32> to vector<16xf32>
        %parallel_loop3A_201 = arith.mulf %parallel_loop3A_194, %parallel_loop3A_200 : vector<16xf32>
        %parallel_loop3A_202 = arith.index_cast %parallel_loop3A_110 : i32 to index
        %parallel_loop3A_203 = arith.constant 80 : index
        %parallel_loop3A_204 = tpu.vector_load %arg11[%parallel_loop3A_202, %parallel_loop3A_203] {strides = array<i32>} : memref<80x128xf32, #tpu.memory_space<vmem>>, vector<1x16xf32>,
        %parallel_loop3A_205 = vector.shape_cast %parallel_loop3A_204 : vector<1x16xf32> to vector<16xf32>
        %parallel_loop3A_206 = vector.shape_cast %parallel_loop3A_201 : vector<16xf32> to vector<1x16xf32>
        tpu.vector_store %arg11[%parallel_loop3A_202, %parallel_loop3A_203], %parallel_loop3A_206 {strides = array<i32>} : memref<80x128xf32, #tpu.memory_space<vmem>>, vector<1x16xf32>,
        %parallel_loop3A_207 = arith.index_cast %parallel_loop3A_110 : i32 to index
        %parallel_loop3A_208 = arith.constant 96 : index
        %parallel_loop3A_209 = tpu.vector_load %arg11[%parallel_loop3A_207, %parallel_loop3A_208] {strides = array<i32>} : memref<80x128xf32, #tpu.memory_space<vmem>>, vector<1x16xf32>,
        %parallel_loop3A_210 = vector.shape_cast %parallel_loop3A_209 : vector<1x16xf32> to vector<16xf32>
        %parallel_loop3A_211 = arith.constant 80 : i32
        %parallel_loop3A_212 = arith.addi %parallel_loop3A_211, %parallel_loop3A_110 : i32
        %parallel_loop3A_213 = arith.index_cast %parallel_loop3A_212 : i32 to index
        %parallel_loop3A_214 = arith.constant 96 : index
        %parallel_loop3A_215 = tpu.vector_load %arg12[%parallel_loop3A_213, %parallel_loop3A_214] {strides = array<i32>} : memref<160x128xf32, #tpu.memory_space<vmem>>, vector<1x16xf32>,
        %parallel_loop3A_216 = vector.shape_cast %parallel_loop3A_215 : vector<1x16xf32> to vector<16xf32>
        %parallel_loop3A_217 = arith.mulf %parallel_loop3A_210, %parallel_loop3A_216 : vector<16xf32>
        %parallel_loop3A_218 = arith.index_cast %parallel_loop3A_110 : i32 to index
        %parallel_loop3A_219 = arith.constant 96 : index
        %parallel_loop3A_220 = tpu.vector_load %arg11[%parallel_loop3A_218, %parallel_loop3A_219] {strides = array<i32>} : memref<80x128xf32, #tpu.memory_space<vmem>>, vector<1x16xf32>,
        %parallel_loop3A_221 = vector.shape_cast %parallel_loop3A_220 : vector<1x16xf32> to vector<16xf32>
        %parallel_loop3A_222 = vector.shape_cast %parallel_loop3A_217 : vector<16xf32> to vector<1x16xf32>
        tpu.vector_store %arg11[%parallel_loop3A_218, %parallel_loop3A_219], %parallel_loop3A_222 {strides = array<i32>} : memref<80x128xf32, #tpu.memory_space<vmem>>, vector<1x16xf32>,
        %parallel_loop3A_223 = arith.index_cast %parallel_loop3A_110 : i32 to index
        %parallel_loop3A_224 = arith.constant 112 : index
        %parallel_loop3A_225 = tpu.vector_load %arg11[%parallel_loop3A_223, %parallel_loop3A_224] {strides = array<i32>} : memref<80x128xf32, #tpu.memory_space<vmem>>, vector<1x16xf32>,
        %parallel_loop3A_226 = vector.shape_cast %parallel_loop3A_225 : vector<1x16xf32> to vector<16xf32>
        %parallel_loop3A_227 = arith.constant 80 : i32
        %parallel_loop3A_228 = arith.addi %parallel_loop3A_227, %parallel_loop3A_110 : i32
        %parallel_loop3A_229 = arith.index_cast %parallel_loop3A_228 : i32 to index
        %parallel_loop3A_230 = arith.constant 112 : index
        %parallel_loop3A_231 = tpu.vector_load %arg12[%parallel_loop3A_229, %parallel_loop3A_230] {strides = array<i32>} : memref<160x128xf32, #tpu.memory_space<vmem>>, vector<1x16xf32>,
        %parallel_loop3A_232 = vector.shape_cast %parallel_loop3A_231 : vector<1x16xf32> to vector<16xf32>
        %parallel_loop3A_233 = arith.mulf %parallel_loop3A_226, %parallel_loop3A_232 : vector<16xf32>
        %parallel_loop3A_234 = arith.index_cast %parallel_loop3A_110 : i32 to index
        %parallel_loop3A_235 = arith.constant 112 : index
        %parallel_loop3A_236 = tpu.vector_load %arg11[%parallel_loop3A_234, %parallel_loop3A_235] {strides = array<i32>} : memref<80x128xf32, #tpu.memory_space<vmem>>, vector<1x16xf32>,
        %parallel_loop3A_237 = vector.shape_cast %parallel_loop3A_236 : vector<1x16xf32> to vector<16xf32>
        %parallel_loop3A_238 = vector.shape_cast %parallel_loop3A_233 : vector<16xf32> to vector<1x16xf32>
        tpu.vector_store %arg11[%parallel_loop3A_234, %parallel_loop3A_235], %parallel_loop3A_238 {strides = array<i32>} : memref<80x128xf32, #tpu.memory_space<vmem>>, vector<1x16xf32>,
      } {sc.loop_unroll_factor = 2 : i64, sc.parallel_access}
      %dma_start3A_104 = arith.constant 0 : i32
      %dma_start3A_105 = tpu.memref_slice %arg9[%add3A_58, %dma_start3A_104] : memref<29x80xi32, #tpu.memory_space<vmem>> -> memref<1x80xi32, #tpu.memory_space<vmem>>
      %dma_start3A_106 = tpu.memref_squeeze %dma_start3A_105 : memref<1x80xi32, #tpu.memory_space<vmem>> -> memref<80xi32, #tpu.memory_space<vmem>>
      %dma_start3A_107 = arith.constant 0 : i32
      %dma_start3A_108 = arith.constant 0 : i32
      %dma_start3A_109 = tpu.memref_slice %arg13[%dma_start3A_107, %dma_start3A_108] : memref<10000x128xf32, #tpu.memory_space<vmem_shared>> -> memref<10000x128xf32, #tpu.memory_space<vmem_shared>>
      tpu.enqueue_indirect_dma source(%arg11 : memref<80x128xf32, #tpu.memory_space<vmem>>) target(%dma_start3A_109 : memref<10000x128xf32, #tpu.memory_space<vmem_shared>>) offsets(%dma_start3A_106 : memref<80xi32, #tpu.memory_space<vmem>>) semaphore(%arg17 : memref<!tpu.dma_semaphore, #tpu.memory_space<semaphore_mem>>) {add = true}
    }
    %scan3A_13 = arith.constant 14 : i32
    %dma_wait3A = arith.constant 26 : i32
    %dma_wait3A_14 = arith.constant 0 : i32
    %dma_wait3A_15 = tpu.memref_slice %arg9[%dma_wait3A, %dma_wait3A_14] : memref<29x80xi32, #tpu.memory_space<vmem>> -> memref<1x80xi32, #tpu.memory_space<vmem>>
    %dma_wait3A_16 = tpu.memref_squeeze %dma_wait3A_15 : memref<1x80xi32, #tpu.memory_space<vmem>> -> memref<80xi32, #tpu.memory_space<vmem>>
    %dma_wait3A_17 = arith.constant 0 : i32
    %dma_wait3A_18 = arith.constant 0 : i32
    %dma_wait3A_19 = tpu.memref_slice %arg13[%dma_wait3A_17, %dma_wait3A_18] : memref<10000x128xf32, #tpu.memory_space<vmem_shared>> -> memref<10000x128xf32, #tpu.memory_space<vmem_shared>>
    tpu.wait_indirect_dma semaphore(%arg16 : memref<!tpu.dma_semaphore, #tpu.memory_space<semaphore_mem>>) src(%arg10 : memref<80x128xf32, #tpu.memory_space<vmem>>) dst(%dma_wait3A_19 : memref<10000x128xf32, #tpu.memory_space<vmem_shared>>)
    %dma_wait3A_20 = arith.constant 27 : i32
    %dma_wait3A_21 = arith.constant 0 : i32
    %dma_wait3A_22 = tpu.memref_slice %arg9[%dma_wait3A_20, %dma_wait3A_21] : memref<29x80xi32, #tpu.memory_space<vmem>> -> memref<1x80xi32, #tpu.memory_space<vmem>>
    %dma_wait3A_23 = tpu.memref_squeeze %dma_wait3A_22 : memref<1x80xi32, #tpu.memory_space<vmem>> -> memref<80xi32, #tpu.memory_space<vmem>>
    %dma_wait3A_24 = arith.constant 0 : i32
    %dma_wait3A_25 = arith.constant 0 : i32
    %dma_wait3A_26 = tpu.memref_slice %arg13[%dma_wait3A_24, %dma_wait3A_25] : memref<10000x128xf32, #tpu.memory_space<vmem_shared>> -> memref<10000x128xf32, #tpu.memory_space<vmem_shared>>
    tpu.wait_indirect_dma semaphore(%arg17 : memref<!tpu.dma_semaphore, #tpu.memory_space<semaphore_mem>>) src(%arg11 : memref<80x128xf32, #tpu.memory_space<vmem>>) dst(%dma_wait3A_26 : memref<10000x128xf32, #tpu.memory_space<vmem_shared>>)
    %add3A_27 = arith.constant 2240 : i32
    %add3A_28 = arith.addi %mul3A_8, %add3A_27 : i32
    %dma_start3A = arith.constant 28 : i32
    %dma_start3A_29 = arith.constant 0 : i32
    %dma_start3A_30 = tpu.memref_slice %arg8[%dma_start3A, %dma_start3A_29] : memref<29x80xi32, #tpu.memory_space<vmem>> -> memref<1x80xi32, #tpu.memory_space<vmem>>
    %dma_start3A_31 = tpu.memref_squeeze %dma_start3A_30 : memref<1x80xi32, #tpu.memory_space<vmem>> -> memref<80xi32, #tpu.memory_space<vmem>>
    %dma_start3A_32 = arith.constant 0 : i32
    %dma_start3A_33 = arith.constant 0 : i32
    %dma_start3A_34 = tpu.memref_slice %arg2[%dma_start3A_32, %dma_start3A_33] : memref<10000x128xf32, #tpu.memory_space<hbm>> -> memref<10000x128xf32, #tpu.memory_space<hbm>>
    tpu.enqueue_indirect_dma source(%dma_start3A_34 : memref<10000x128xf32, #tpu.memory_space<hbm>>) target(%arg10 : memref<80x128xf32, #tpu.memory_space<vmem>>) offsets(%dma_start3A_31 : memref<80xi32, #tpu.memory_space<vmem>>) semaphore(%arg14 : memref<!tpu.dma_semaphore, #tpu.memory_space<semaphore_mem>>)
    "tpu.region"() ({
      %run_scoped3A_54 = tpu.sem_alloc : memref<!tpu.dma_semaphore, #tpu.memory_space<semaphore_mem>>
      %dma_start3A_55 = arith.constant 0 : i32
      %dma_start3A_56 = arith.constant 0 : i32
      %dma_start3A_57 = tpu.memref_slice %arg12[%dma_start3A_55, %dma_start3A_56] : memref<160x128xf32, #tpu.memory_space<vmem>> -> memref<80x128xf32, #tpu.memory_space<vmem>>
      %dma_start3A_58 = arith.constant 0 : i32
      %dma_start3A_59 = tpu.memref_slice %arg3[%add3A_28, %dma_start3A_58] : memref<74240x128xf32, #tpu.memory_space<hbm>> -> memref<80x128xf32, #tpu.memory_space<hbm>>
      %dma_start3A_60 = arith.constant 0 : i32
      %dma_start3A_61 = arith.constant 0 : i32
      %dma_start3A_62 = tpu.memref_slice %arg12[%dma_start3A_60, %dma_start3A_61] : memref<160x128xf32, #tpu.memory_space<vmem>> -> memref<80x128xf32, #tpu.memory_space<vmem>>
      %dma_start3A_63 = arith.constant 0 : i32
      %dma_start3A_64 = tpu.memref_slice %arg3[%add3A_28, %dma_start3A_63] : memref<74240x128xf32, #tpu.memory_space<hbm>> -> memref<80x128xf32, #tpu.memory_space<hbm>>
      tpu.enqueue_dma source(%dma_start3A_64 : memref<80x128xf32, #tpu.memory_space<hbm>>) target(%dma_start3A_62 : memref<80x128xf32, #tpu.memory_space<vmem>>) target_semaphore(%run_scoped3A_54 : memref<!tpu.dma_semaphore, #tpu.memory_space<semaphore_mem>>)
      %dma_wait3A_65 = arith.constant 0 : i32
      %dma_wait3A_66 = arith.constant 0 : i32
      %dma_wait3A_67 = tpu.memref_slice %arg12[%dma_wait3A_65, %dma_wait3A_66] : memref<160x128xf32, #tpu.memory_space<vmem>> -> memref<80x128xf32, #tpu.memory_space<vmem>>
      %dma_wait3A_68 = arith.constant 0 : i32
      %dma_wait3A_69 = tpu.memref_slice %arg3[%add3A_28, %dma_wait3A_68] : memref<74240x128xf32, #tpu.memory_space<hbm>> -> memref<80x128xf32, #tpu.memory_space<hbm>>
      %dma_wait3A_70 = arith.constant 0 : i32
      %dma_wait3A_71 = arith.constant 0 : i32
      %dma_wait3A_72 = tpu.memref_slice %arg12[%dma_wait3A_70, %dma_wait3A_71] : memref<160x128xf32, #tpu.memory_space<vmem>> -> memref<80x128xf32, #tpu.memory_space<vmem>>
      %dma_wait3A_73 = arith.constant 0 : i32
      %dma_wait3A_74 = tpu.memref_slice %arg3[%add3A_28, %dma_wait3A_73] : memref<74240x128xf32, #tpu.memory_space<hbm>> -> memref<80x128xf32, #tpu.memory_space<hbm>>
      tpu.wait_dma2 semaphore(%run_scoped3A_54 : memref<!tpu.dma_semaphore, #tpu.memory_space<semaphore_mem>>) src(%dma_wait3A_74 : memref<80x128xf32, #tpu.memory_space<hbm>>) dst(%dma_wait3A_72 : memref<80x128xf32, #tpu.memory_space<vmem>>)
      tpu.yield
    }) : () -> ()
    %dma_wait3A_35 = arith.constant 28 : i32
    %dma_wait3A_36 = arith.constant 0 : i32
    %dma_wait3A_37 = tpu.memref_slice %arg8[%dma_wait3A_35, %dma_wait3A_36] : memref<29x80xi32, #tpu.memory_space<vmem>> -> memref<1x80xi32, #tpu.memory_space<vmem>>
    %dma_wait3A_38 = tpu.memref_squeeze %dma_wait3A_37 : memref<1x80xi32, #tpu.memory_space<vmem>> -> memref<80xi32, #tpu.memory_space<vmem>>
    %dma_wait3A_39 = arith.constant 0 : i32
    %dma_wait3A_40 = arith.constant 0 : i32
    %dma_wait3A_41 = tpu.memref_slice %arg2[%dma_wait3A_39, %dma_wait3A_40] : memref<10000x128xf32, #tpu.memory_space<hbm>> -> memref<10000x128xf32, #tpu.memory_space<hbm>>
    tpu.wait_indirect_dma semaphore(%arg14 : memref<!tpu.dma_semaphore, #tpu.memory_space<semaphore_mem>>) src(%dma_wait3A_41 : memref<10000x128xf32, #tpu.memory_space<hbm>>) dst(%arg10 : memref<80x128xf32, #tpu.memory_space<vmem>>)
    %parallel_loop3A = arith.constant 0 : i32
    %parallel_loop3A_42 = arith.constant 80 : i32
    %parallel_loop3A_43 = arith.constant 1 : i32
    scf.for %parallel_loop3A_54 = %parallel_loop3A to %parallel_loop3A_42 step %parallel_loop3A_43  : i32 {
      %parallel_loop3A_55 = arith.index_cast %parallel_loop3A_54 : i32 to index
      %parallel_loop3A_56 = arith.constant 0 : index
      %parallel_loop3A_57 = tpu.vector_load %arg10[%parallel_loop3A_55, %parallel_loop3A_56] {strides = array<i32>} : memref<80x128xf32, #tpu.memory_space<vmem>>, vector<1x16xf32>,
      %parallel_loop3A_58 = vector.shape_cast %parallel_loop3A_57 : vector<1x16xf32> to vector<16xf32>
      %parallel_loop3A_59 = arith.constant 0 : i32
      %parallel_loop3A_60 = arith.addi %parallel_loop3A_59, %parallel_loop3A_54 : i32
      %parallel_loop3A_61 = arith.index_cast %parallel_loop3A_60 : i32 to index
      %parallel_loop3A_62 = arith.constant 0 : index
      %parallel_loop3A_63 = tpu.vector_load %arg12[%parallel_loop3A_61, %parallel_loop3A_62] {strides = array<i32>} : memref<160x128xf32, #tpu.memory_space<vmem>>, vector<1x16xf32>,
      %parallel_loop3A_64 = vector.shape_cast %parallel_loop3A_63 : vector<1x16xf32> to vector<16xf32>
      %parallel_loop3A_65 = arith.mulf %parallel_loop3A_58, %parallel_loop3A_64 : vector<16xf32>
      %parallel_loop3A_66 = arith.index_cast %parallel_loop3A_54 : i32 to index
      %parallel_loop3A_67 = arith.constant 0 : index
      %parallel_loop3A_68 = tpu.vector_load %arg10[%parallel_loop3A_66, %parallel_loop3A_67] {strides = array<i32>} : memref<80x128xf32, #tpu.memory_space<vmem>>, vector<1x16xf32>,
      %parallel_loop3A_69 = vector.shape_cast %parallel_loop3A_68 : vector<1x16xf32> to vector<16xf32>
      %parallel_loop3A_70 = vector.shape_cast %parallel_loop3A_65 : vector<16xf32> to vector<1x16xf32>
      tpu.vector_store %arg10[%parallel_loop3A_66, %parallel_loop3A_67], %parallel_loop3A_70 {strides = array<i32>} : memref<80x128xf32, #tpu.memory_space<vmem>>, vector<1x16xf32>,
      %parallel_loop3A_71 = arith.index_cast %parallel_loop3A_54 : i32 to index
      %parallel_loop3A_72 = arith.constant 16 : index
      %parallel_loop3A_73 = tpu.vector_load %arg10[%parallel_loop3A_71, %parallel_loop3A_72] {strides = array<i32>} : memref<80x128xf32, #tpu.memory_space<vmem>>, vector<1x16xf32>,
      %parallel_loop3A_74 = vector.shape_cast %parallel_loop3A_73 : vector<1x16xf32> to vector<16xf32>
      %parallel_loop3A_75 = arith.constant 0 : i32
      %parallel_loop3A_76 = arith.addi %parallel_loop3A_75, %parallel_loop3A_54 : i32
      %parallel_loop3A_77 = arith.index_cast %parallel_loop3A_76 : i32 to index
      %parallel_loop3A_78 = arith.constant 16 : index
      %parallel_loop3A_79 = tpu.vector_load %arg12[%parallel_loop3A_77, %parallel_loop3A_78] {strides = array<i32>} : memref<160x128xf32, #tpu.memory_space<vmem>>, vector<1x16xf32>,
      %parallel_loop3A_80 = vector.shape_cast %parallel_loop3A_79 : vector<1x16xf32> to vector<16xf32>
      %parallel_loop3A_81 = arith.mulf %parallel_loop3A_74, %parallel_loop3A_80 : vector<16xf32>
      %parallel_loop3A_82 = arith.index_cast %parallel_loop3A_54 : i32 to index
      %parallel_loop3A_83 = arith.constant 16 : index
      %parallel_loop3A_84 = tpu.vector_load %arg10[%parallel_loop3A_82, %parallel_loop3A_83] {strides = array<i32>} : memref<80x128xf32, #tpu.memory_space<vmem>>, vector<1x16xf32>,
      %parallel_loop3A_85 = vector.shape_cast %parallel_loop3A_84 : vector<1x16xf32> to vector<16xf32>
      %parallel_loop3A_86 = vector.shape_cast %parallel_loop3A_81 : vector<16xf32> to vector<1x16xf32>
      tpu.vector_store %arg10[%parallel_loop3A_82, %parallel_loop3A_83], %parallel_loop3A_86 {strides = array<i32>} : memref<80x128xf32, #tpu.memory_space<vmem>>, vector<1x16xf32>,
      %parallel_loop3A_87 = arith.index_cast %parallel_loop3A_54 : i32 to index
      %parallel_loop3A_88 = arith.constant 32 : index
      %parallel_loop3A_89 = tpu.vector_load %arg10[%parallel_loop3A_87, %parallel_loop3A_88] {strides = array<i32>} : memref<80x128xf32, #tpu.memory_space<vmem>>, vector<1x16xf32>,
      %parallel_loop3A_90 = vector.shape_cast %parallel_loop3A_89 : vector<1x16xf32> to vector<16xf32>
      %parallel_loop3A_91 = arith.constant 0 : i32
      %parallel_loop3A_92 = arith.addi %parallel_loop3A_91, %parallel_loop3A_54 : i32
      %parallel_loop3A_93 = arith.index_cast %parallel_loop3A_92 : i32 to index
      %parallel_loop3A_94 = arith.constant 32 : index
      %parallel_loop3A_95 = tpu.vector_load %arg12[%parallel_loop3A_93, %parallel_loop3A_94] {strides = array<i32>} : memref<160x128xf32, #tpu.memory_space<vmem>>, vector<1x16xf32>,
      %parallel_loop3A_96 = vector.shape_cast %parallel_loop3A_95 : vector<1x16xf32> to vector<16xf32>
      %parallel_loop3A_97 = arith.mulf %parallel_loop3A_90, %parallel_loop3A_96 : vector<16xf32>
      %parallel_loop3A_98 = arith.index_cast %parallel_loop3A_54 : i32 to index
      %parallel_loop3A_99 = arith.constant 32 : index
      %parallel_loop3A_100 = tpu.vector_load %arg10[%parallel_loop3A_98, %parallel_loop3A_99] {strides = array<i32>} : memref<80x128xf32, #tpu.memory_space<vmem>>, vector<1x16xf32>,
      %parallel_loop3A_101 = vector.shape_cast %parallel_loop3A_100 : vector<1x16xf32> to vector<16xf32>
      %parallel_loop3A_102 = vector.shape_cast %parallel_loop3A_97 : vector<16xf32> to vector<1x16xf32>
      tpu.vector_store %arg10[%parallel_loop3A_98, %parallel_loop3A_99], %parallel_loop3A_102 {strides = array<i32>} : memref<80x128xf32, #tpu.memory_space<vmem>>, vector<1x16xf32>,
      %parallel_loop3A_103 = arith.index_cast %parallel_loop3A_54 : i32 to index
      %parallel_loop3A_104 = arith.constant 48 : index
      %parallel_loop3A_105 = tpu.vector_load %arg10[%parallel_loop3A_103, %parallel_loop3A_104] {strides = array<i32>} : memref<80x128xf32, #tpu.memory_space<vmem>>, vector<1x16xf32>,
      %parallel_loop3A_106 = vector.shape_cast %parallel_loop3A_105 : vector<1x16xf32> to vector<16xf32>
      %parallel_loop3A_107 = arith.constant 0 : i32
      %parallel_loop3A_108 = arith.addi %parallel_loop3A_107, %parallel_loop3A_54 : i32
      %parallel_loop3A_109 = arith.index_cast %parallel_loop3A_108 : i32 to index
      %parallel_loop3A_110 = arith.constant 48 : index
      %parallel_loop3A_111 = tpu.vector_load %arg12[%parallel_loop3A_109, %parallel_loop3A_110] {strides = array<i32>} : memref<160x128xf32, #tpu.memory_space<vmem>>, vector<1x16xf32>,
      %parallel_loop3A_112 = vector.shape_cast %parallel_loop3A_111 : vector<1x16xf32> to vector<16xf32>
      %parallel_loop3A_113 = arith.mulf %parallel_loop3A_106, %parallel_loop3A_112 : vector<16xf32>
      %parallel_loop3A_114 = arith.index_cast %parallel_loop3A_54 : i32 to index
      %parallel_loop3A_115 = arith.constant 48 : index
      %parallel_loop3A_116 = tpu.vector_load %arg10[%parallel_loop3A_114, %parallel_loop3A_115] {strides = array<i32>} : memref<80x128xf32, #tpu.memory_space<vmem>>, vector<1x16xf32>,
      %parallel_loop3A_117 = vector.shape_cast %parallel_loop3A_116 : vector<1x16xf32> to vector<16xf32>
      %parallel_loop3A_118 = vector.shape_cast %parallel_loop3A_113 : vector<16xf32> to vector<1x16xf32>
      tpu.vector_store %arg10[%parallel_loop3A_114, %parallel_loop3A_115], %parallel_loop3A_118 {strides = array<i32>} : memref<80x128xf32, #tpu.memory_space<vmem>>, vector<1x16xf32>,
      %parallel_loop3A_119 = arith.index_cast %parallel_loop3A_54 : i32 to index
      %parallel_loop3A_120 = arith.constant 64 : index
      %parallel_loop3A_121 = tpu.vector_load %arg10[%parallel_loop3A_119, %parallel_loop3A_120] {strides = array<i32>} : memref<80x128xf32, #tpu.memory_space<vmem>>, vector<1x16xf32>,
      %parallel_loop3A_122 = vector.shape_cast %parallel_loop3A_121 : vector<1x16xf32> to vector<16xf32>
      %parallel_loop3A_123 = arith.constant 0 : i32
      %parallel_loop3A_124 = arith.addi %parallel_loop3A_123, %parallel_loop3A_54 : i32
      %parallel_loop3A_125 = arith.index_cast %parallel_loop3A_124 : i32 to index
      %parallel_loop3A_126 = arith.constant 64 : index
      %parallel_loop3A_127 = tpu.vector_load %arg12[%parallel_loop3A_125, %parallel_loop3A_126] {strides = array<i32>} : memref<160x128xf32, #tpu.memory_space<vmem>>, vector<1x16xf32>,
      %parallel_loop3A_128 = vector.shape_cast %parallel_loop3A_127 : vector<1x16xf32> to vector<16xf32>
      %parallel_loop3A_129 = arith.mulf %parallel_loop3A_122, %parallel_loop3A_128 : vector<16xf32>
      %parallel_loop3A_130 = arith.index_cast %parallel_loop3A_54 : i32 to index
      %parallel_loop3A_131 = arith.constant 64 : index
      %parallel_loop3A_132 = tpu.vector_load %arg10[%parallel_loop3A_130, %parallel_loop3A_131] {strides = array<i32>} : memref<80x128xf32, #tpu.memory_space<vmem>>, vector<1x16xf32>,
      %parallel_loop3A_133 = vector.shape_cast %parallel_loop3A_132 : vector<1x16xf32> to vector<16xf32>
      %parallel_loop3A_134 = vector.shape_cast %parallel_loop3A_129 : vector<16xf32> to vector<1x16xf32>
      tpu.vector_store %arg10[%parallel_loop3A_130, %parallel_loop3A_131], %parallel_loop3A_134 {strides = array<i32>} : memref<80x128xf32, #tpu.memory_space<vmem>>, vector<1x16xf32>,
      %parallel_loop3A_135 = arith.index_cast %parallel_loop3A_54 : i32 to index
      %parallel_loop3A_136 = arith.constant 80 : index
      %parallel_loop3A_137 = tpu.vector_load %arg10[%parallel_loop3A_135, %parallel_loop3A_136] {strides = array<i32>} : memref<80x128xf32, #tpu.memory_space<vmem>>, vector<1x16xf32>,
      %parallel_loop3A_138 = vector.shape_cast %parallel_loop3A_137 : vector<1x16xf32> to vector<16xf32>
      %parallel_loop3A_139 = arith.constant 0 : i32
      %parallel_loop3A_140 = arith.addi %parallel_loop3A_139, %parallel_loop3A_54 : i32
      %parallel_loop3A_141 = arith.index_cast %parallel_loop3A_140 : i32 to index
      %parallel_loop3A_142 = arith.constant 80 : index
      %parallel_loop3A_143 = tpu.vector_load %arg12[%parallel_loop3A_141, %parallel_loop3A_142] {strides = array<i32>} : memref<160x128xf32, #tpu.memory_space<vmem>>, vector<1x16xf32>,
      %parallel_loop3A_144 = vector.shape_cast %parallel_loop3A_143 : vector<1x16xf32> to vector<16xf32>
      %parallel_loop3A_145 = arith.mulf %parallel_loop3A_138, %parallel_loop3A_144 : vector<16xf32>
      %parallel_loop3A_146 = arith.index_cast %parallel_loop3A_54 : i32 to index
      %parallel_loop3A_147 = arith.constant 80 : index
      %parallel_loop3A_148 = tpu.vector_load %arg10[%parallel_loop3A_146, %parallel_loop3A_147] {strides = array<i32>} : memref<80x128xf32, #tpu.memory_space<vmem>>, vector<1x16xf32>,
      %parallel_loop3A_149 = vector.shape_cast %parallel_loop3A_148 : vector<1x16xf32> to vector<16xf32>
      %parallel_loop3A_150 = vector.shape_cast %parallel_loop3A_145 : vector<16xf32> to vector<1x16xf32>
      tpu.vector_store %arg10[%parallel_loop3A_146, %parallel_loop3A_147], %parallel_loop3A_150 {strides = array<i32>} : memref<80x128xf32, #tpu.memory_space<vmem>>, vector<1x16xf32>,
      %parallel_loop3A_151 = arith.index_cast %parallel_loop3A_54 : i32 to index
      %parallel_loop3A_152 = arith.constant 96 : index
      %parallel_loop3A_153 = tpu.vector_load %arg10[%parallel_loop3A_151, %parallel_loop3A_152] {strides = array<i32>} : memref<80x128xf32, #tpu.memory_space<vmem>>, vector<1x16xf32>,
      %parallel_loop3A_154 = vector.shape_cast %parallel_loop3A_153 : vector<1x16xf32> to vector<16xf32>
      %parallel_loop3A_155 = arith.constant 0 : i32
      %parallel_loop3A_156 = arith.addi %parallel_loop3A_155, %parallel_loop3A_54 : i32
      %parallel_loop3A_157 = arith.index_cast %parallel_loop3A_156 : i32 to index
      %parallel_loop3A_158 = arith.constant 96 : index
      %parallel_loop3A_159 = tpu.vector_load %arg12[%parallel_loop3A_157, %parallel_loop3A_158] {strides = array<i32>} : memref<160x128xf32, #tpu.memory_space<vmem>>, vector<1x16xf32>,
      %parallel_loop3A_160 = vector.shape_cast %parallel_loop3A_159 : vector<1x16xf32> to vector<16xf32>
      %parallel_loop3A_161 = arith.mulf %parallel_loop3A_154, %parallel_loop3A_160 : vector<16xf32>
      %parallel_loop3A_162 = arith.index_cast %parallel_loop3A_54 : i32 to index
      %parallel_loop3A_163 = arith.constant 96 : index
      %parallel_loop3A_164 = tpu.vector_load %arg10[%parallel_loop3A_162, %parallel_loop3A_163] {strides = array<i32>} : memref<80x128xf32, #tpu.memory_space<vmem>>, vector<1x16xf32>,
      %parallel_loop3A_165 = vector.shape_cast %parallel_loop3A_164 : vector<1x16xf32> to vector<16xf32>
      %parallel_loop3A_166 = vector.shape_cast %parallel_loop3A_161 : vector<16xf32> to vector<1x16xf32>
      tpu.vector_store %arg10[%parallel_loop3A_162, %parallel_loop3A_163], %parallel_loop3A_166 {strides = array<i32>} : memref<80x128xf32, #tpu.memory_space<vmem>>, vector<1x16xf32>,
      %parallel_loop3A_167 = arith.index_cast %parallel_loop3A_54 : i32 to index
      %parallel_loop3A_168 = arith.constant 112 : index
      %parallel_loop3A_169 = tpu.vector_load %arg10[%parallel_loop3A_167, %parallel_loop3A_168] {strides = array<i32>} : memref<80x128xf32, #tpu.memory_space<vmem>>, vector<1x16xf32>,
      %parallel_loop3A_170 = vector.shape_cast %parallel_loop3A_169 : vector<1x16xf32> to vector<16xf32>
      %parallel_loop3A_171 = arith.constant 0 : i32
      %parallel_loop3A_172 = arith.addi %parallel_loop3A_171, %parallel_loop3A_54 : i32
      %parallel_loop3A_173 = arith.index_cast %parallel_loop3A_172 : i32 to index
      %parallel_loop3A_174 = arith.constant 112 : index
      %parallel_loop3A_175 = tpu.vector_load %arg12[%parallel_loop3A_173, %parallel_loop3A_174] {strides = array<i32>} : memref<160x128xf32, #tpu.memory_space<vmem>>, vector<1x16xf32>,
      %parallel_loop3A_176 = vector.shape_cast %parallel_loop3A_175 : vector<1x16xf32> to vector<16xf32>
      %parallel_loop3A_177 = arith.mulf %parallel_loop3A_170, %parallel_loop3A_176 : vector<16xf32>
      %parallel_loop3A_178 = arith.index_cast %parallel_loop3A_54 : i32 to index
      %parallel_loop3A_179 = arith.constant 112 : index
      %parallel_loop3A_180 = tpu.vector_load %arg10[%parallel_loop3A_178, %parallel_loop3A_179] {strides = array<i32>} : memref<80x128xf32, #tpu.memory_space<vmem>>, vector<1x16xf32>,
      %parallel_loop3A_181 = vector.shape_cast %parallel_loop3A_180 : vector<1x16xf32> to vector<16xf32>
      %parallel_loop3A_182 = vector.shape_cast %parallel_loop3A_177 : vector<16xf32> to vector<1x16xf32>
      tpu.vector_store %arg10[%parallel_loop3A_178, %parallel_loop3A_179], %parallel_loop3A_182 {strides = array<i32>} : memref<80x128xf32, #tpu.memory_space<vmem>>, vector<1x16xf32>,
    } {sc.loop_unroll_factor = 2 : i64, sc.parallel_access}
    %run_scoped3A = arith.constant 28 : i32
    "tpu.region"() ({
      %run_scoped3A_54 = tpu.sem_alloc : memref<!tpu.dma_semaphore, #tpu.memory_space<semaphore_mem>>
      %dma_start3A_55 = arith.constant 0 : i32
      %dma_start3A_56 = tpu.memref_slice %arg9[%run_scoped3A, %dma_start3A_55] : memref<29x80xi32, #tpu.memory_space<vmem>> -> memref<1x80xi32, #tpu.memory_space<vmem>>
      %dma_start3A_57 = tpu.memref_squeeze %dma_start3A_56 : memref<1x80xi32, #tpu.memory_space<vmem>> -> memref<80xi32, #tpu.memory_space<vmem>>
      %dma_start3A_58 = arith.constant 0 : i32
      %dma_start3A_59 = arith.constant 0 : i32
      %dma_start3A_60 = tpu.memref_slice %arg13[%dma_start3A_58, %dma_start3A_59] : memref<10000x128xf32, #tpu.memory_space<vmem_shared>> -> memref<10000x128xf32, #tpu.memory_space<vmem_shared>>
      tpu.enqueue_indirect_dma source(%arg10 : memref<80x128xf32, #tpu.memory_space<vmem>>) target(%dma_start3A_60 : memref<10000x128xf32, #tpu.memory_space<vmem_shared>>) offsets(%dma_start3A_57 : memref<80xi32, #tpu.memory_space<vmem>>) semaphore(%run_scoped3A_54 : memref<!tpu.dma_semaphore, #tpu.memory_space<semaphore_mem>>) {add = true}
      %dma_wait3A_61 = arith.constant 0 : i32
      %dma_wait3A_62 = tpu.memref_slice %arg9[%run_scoped3A, %dma_wait3A_61] : memref<29x80xi32, #tpu.memory_space<vmem>> -> memref<1x80xi32, #tpu.memory_space<vmem>>
      %dma_wait3A_63 = tpu.memref_squeeze %dma_wait3A_62 : memref<1x80xi32, #tpu.memory_space<vmem>> -> memref<80xi32, #tpu.memory_space<vmem>>
      %dma_wait3A_64 = arith.constant 0 : i32
      %dma_wait3A_65 = arith.constant 0 : i32
      %dma_wait3A_66 = tpu.memref_slice %arg13[%dma_wait3A_64, %dma_wait3A_65] : memref<10000x128xf32, #tpu.memory_space<vmem_shared>> -> memref<10000x128xf32, #tpu.memory_space<vmem_shared>>
      tpu.wait_indirect_dma semaphore(%run_scoped3A_54 : memref<!tpu.dma_semaphore, #tpu.memory_space<semaphore_mem>>) src(%arg10 : memref<80x128xf32, #tpu.memory_space<vmem>>) dst(%dma_wait3A_66 : memref<10000x128xf32, #tpu.memory_space<vmem_shared>>)
      tpu.yield
    }) : () -> ()
    %barrier3A_44 = arith.constant 0 : index
    tpu.barrier barrier_id(%barrier3A_44)
    %mul3A_45 = arith.constant 624 : i32
    %mul3A_46 = arith.muli %arg1, %mul3A_45 : i32
    %mul3A_47 = arith.constant 624 : i32
    %mul3A_48 = arith.muli %arg1, %mul3A_47 : i32
    "tpu.region"() ({
      %run_scoped3A_54 = tpu.sem_alloc : memref<!tpu.dma_semaphore, #tpu.memory_space<semaphore_mem>>
      %dma_start3A_55 = arith.constant 0 : i32
      %dma_start3A_56 = tpu.memref_slice %arg7[%arg0, %mul3A_48, %dma_start3A_55] : memref<2x10000x128xf32, #tpu.memory_space<hbm>> -> memref<1x624x128xf32, #tpu.memory_space<hbm>>
      %dma_start3A_57 = tpu.memref_squeeze %dma_start3A_56 : memref<1x624x128xf32, #tpu.memory_space<hbm>> -> memref<624x128xf32, #tpu.memory_space<hbm>>
      %dma_start3A_58 = arith.constant 0 : i32
      %dma_start3A_59 = tpu.memref_slice %arg13[%mul3A_46, %dma_start3A_58] : memref<10000x128xf32, #tpu.memory_space<vmem_shared>> -> memref<624x128xf32, #tpu.memory_space<vmem_shared>>
      tpu.enqueue_dma source(%dma_start3A_59 : memref<624x128xf32, #tpu.memory_space<vmem_shared>>) target(%dma_start3A_57 : memref<624x128xf32, #tpu.memory_space<hbm>>) target_semaphore(%run_scoped3A_54 : memref<!tpu.dma_semaphore, #tpu.memory_space<semaphore_mem>>)
      %dma_wait3A_60 = arith.constant 0 : i32
      %dma_wait3A_61 = tpu.memref_slice %arg7[%arg0, %mul3A_48, %dma_wait3A_60] : memref<2x10000x128xf32, #tpu.memory_space<hbm>> -> memref<1x624x128xf32, #tpu.memory_space<hbm>>
      %dma_wait3A_62 = tpu.memref_squeeze %dma_wait3A_61 : memref<1x624x128xf32, #tpu.memory_space<hbm>> -> memref<624x128xf32, #tpu.memory_space<hbm>>
      %dma_wait3A_63 = arith.constant 0 : i32
      %dma_wait3A_64 = tpu.memref_slice %arg13[%mul3A_46, %dma_wait3A_63] : memref<10000x128xf32, #tpu.memory_space<vmem_shared>> -> memref<624x128xf32, #tpu.memory_space<vmem_shared>>
      tpu.wait_dma2 semaphore(%run_scoped3A_54 : memref<!tpu.dma_semaphore, #tpu.memory_space<semaphore_mem>>) src(%dma_wait3A_64 : memref<624x128xf32, #tpu.memory_space<vmem_shared>>) dst(%dma_wait3A_62 : memref<624x128xf32, #tpu.memory_space<hbm>>)
      tpu.yield
    }) : () -> ()
    %eq3A_49 = arith.constant 15 : i32
    %eq3A_50 = arith.cmpi eq, %arg1, %eq3A_49 : i32
    %convert_element_type3A_51 = arith.extui %eq3A_50 : i1 to i32
    %cond3A_52 = arith.constant 0 : i32
    %cond3A_53 = arith.cmpi ne, %convert_element_type3A_51, %cond3A_52 : i32
    scf.if %cond3A_53 {
      "tpu.region"() ({
        %run_scoped3A_54 = tpu.sem_alloc : memref<!tpu.dma_semaphore, #tpu.memory_space<semaphore_mem>>
        %dma_start3A_55 = arith.constant 9984 : i32
        %dma_start3A_56 = arith.constant 0 : i32
        %dma_start3A_57 = tpu.memref_slice %arg7[%arg0, %dma_start3A_55, %dma_start3A_56] : memref<2x10000x128xf32, #tpu.memory_space<hbm>> -> memref<1x16x128xf32, #tpu.memory_space<hbm>>
        %dma_start3A_58 = tpu.memref_squeeze %dma_start3A_57 : memref<1x16x128xf32, #tpu.memory_space<hbm>> -> memref<16x128xf32, #tpu.memory_space<hbm>>
        %dma_start3A_59 = arith.constant 9984 : i32
        %dma_start3A_60 = arith.constant 0 : i32
        %dma_start3A_61 = tpu.memref_slice %arg13[%dma_start3A_59, %dma_start3A_60] : memref<10000x128xf32, #tpu.memory_space<vmem_shared>> -> memref<16x128xf32, #tpu.memory_space<vmem_shared>>
        tpu.enqueue_dma source(%dma_start3A_61 : memref<16x128xf32, #tpu.memory_space<vmem_shared>>) target(%dma_start3A_58 : memref<16x128xf32, #tpu.memory_space<hbm>>) target_semaphore(%run_scoped3A_54 : memref<!tpu.dma_semaphore, #tpu.memory_space<semaphore_mem>>)
        %dma_wait3A_62 = arith.constant 9984 : i32
        %dma_wait3A_63 = arith.constant 0 : i32
        %dma_wait3A_64 = tpu.memref_slice %arg7[%arg0, %dma_wait3A_62, %dma_wait3A_63] : memref<2x10000x128xf32, #tpu.memory_space<hbm>> -> memref<1x16x128xf32, #tpu.memory_space<hbm>>
        %dma_wait3A_65 = tpu.memref_squeeze %dma_wait3A_64 : memref<1x16x128xf32, #tpu.memory_space<hbm>> -> memref<16x128xf32, #tpu.memory_space<hbm>>
        %dma_wait3A_66 = arith.constant 9984 : i32
        %dma_wait3A_67 = arith.constant 0 : i32
        %dma_wait3A_68 = tpu.memref_slice %arg13[%dma_wait3A_66, %dma_wait3A_67] : memref<10000x128xf32, #tpu.memory_space<vmem_shared>> -> memref<16x128xf32, #tpu.memory_space<vmem_shared>>
        tpu.wait_dma2 semaphore(%run_scoped3A_54 : memref<!tpu.dma_semaphore, #tpu.memory_space<semaphore_mem>>) src(%dma_wait3A_68 : memref<16x128xf32, #tpu.memory_space<vmem_shared>>) dst(%dma_wait3A_65 : memref<16x128xf32, #tpu.memory_space<hbm>>)
        tpu.yield
      }) : () -> ()
    } else {
    }
    return
  }
}

#map = affine_map<(d0, d1) -> (0, 0)>
#map1 = affine_map<(d0, d1) -> (0, 0, 0)>
module attributes {stable_mosaic.version = 14 : i64} {
  func.func @k(%arg0: i32, %arg1: i32, %arg2: memref<10000x128xf32, #tpu.memory_space<hbm>>, %arg3: memref<81920x128xf32, #tpu.memory_space<hbm>>, %arg4: memref<32x32x80xi32, #tpu.memory_space<hbm>>, %arg5: memref<32x32x80xi32, #tpu.memory_space<hbm>>, %arg6: memref<2x10000x128xf32, #tpu.memory_space<hbm>>, %arg7: memref<2x10000x128xf32, #tpu.memory_space<hbm>>, %arg8: memref<32x80xi32, #tpu.memory_space<vmem>>, %arg9: memref<32x80xi32, #tpu.memory_space<vmem>>, %arg10: memref<80x128xf32, #tpu.memory_space<vmem>>, %arg11: memref<80x128xf32, #tpu.memory_space<vmem>>, %arg12: memref<160x128xf32, #tpu.memory_space<vmem>>, %arg13: memref<10000x128xf32, #tpu.memory_space<vmem_shared>>, %arg14: memref<!tpu.dma_semaphore, #tpu.memory_space<semaphore_mem>>, %arg15: memref<!tpu.dma_semaphore, #tpu.memory_space<semaphore_mem>>, %arg16: memref<!tpu.dma_semaphore, #tpu.memory_space<semaphore_mem>>, %arg17: memref<!tpu.dma_semaphore, #tpu.memory_space<semaphore_mem>>) attributes {dimension_semantics = [#tpu.dimension_semantics<core_parallel>, #tpu.dimension_semantics<subcore_parallel>], iteration_bounds = array<i64: 2, 16>, scalar_prefetch = 0 : i64, scratch_operands = 10 : i64, tpu.core_type = #tpu.core_type<sc_vector_subcore>, window_params = [{transform_indices = #map}, {transform_indices = #map}, {transform_indices = #map1}, {transform_indices = #map1}, {transform_indices = #map1}, {transform_indices = #map1}]} {
    %mul3A = arith.constant 16 : i32
    %mul3A_0 = arith.muli %arg0, %mul3A : i32
    %add3A = arith.addi %mul3A_0, %arg1 : i32
    %mul3A_1 = arith.constant 624 : i32
    %mul3A_2 = arith.muli %arg1, %mul3A_1 : i32
    %mul3A_3 = arith.constant 624 : i32
    %mul3A_4 = arith.muli %arg1, %mul3A_3 : i32
    "tpu.region"() ({
      %run_scoped3A = tpu.sem_alloc : memref<!tpu.dma_semaphore, #tpu.memory_space<semaphore_mem>>
      %dma_start3A = arith.constant 0 : i32
      %dma_start3A_37 = tpu.memref_slice %arg13[%mul3A_4, %dma_start3A] : memref<10000x128xf32, #tpu.memory_space<vmem_shared>> -> memref<624x128xf32, #tpu.memory_space<vmem_shared>>
      %dma_start3A_38 = arith.constant 0 : i32
      %dma_start3A_39 = tpu.memref_slice %arg6[%arg0, %mul3A_2, %dma_start3A_38] : memref<2x10000x128xf32, #tpu.memory_space<hbm>> -> memref<1x624x128xf32, #tpu.memory_space<hbm>>
      %dma_start3A_40 = tpu.memref_squeeze %dma_start3A_39 : memref<1x624x128xf32, #tpu.memory_space<hbm>> -> memref<624x128xf32, #tpu.memory_space<hbm>>
      tpu.enqueue_dma source(%dma_start3A_40 : memref<624x128xf32, #tpu.memory_space<hbm>>) target(%dma_start3A_37 : memref<624x128xf32, #tpu.memory_space<vmem_shared>>) target_semaphore(%run_scoped3A : memref<!tpu.dma_semaphore, #tpu.memory_space<semaphore_mem>>)
      %dma_wait3A_41 = arith.constant 0 : i32
      %dma_wait3A_42 = tpu.memref_slice %arg13[%mul3A_4, %dma_wait3A_41] : memref<10000x128xf32, #tpu.memory_space<vmem_shared>> -> memref<624x128xf32, #tpu.memory_space<vmem_shared>>
      %dma_wait3A_43 = arith.constant 0 : i32
      %dma_wait3A_44 = tpu.memref_slice %arg6[%arg0, %mul3A_2, %dma_wait3A_43] : memref<2x10000x128xf32, #tpu.memory_space<hbm>> -> memref<1x624x128xf32, #tpu.memory_space<hbm>>
      %dma_wait3A_45 = tpu.memref_squeeze %dma_wait3A_44 : memref<1x624x128xf32, #tpu.memory_space<hbm>> -> memref<624x128xf32, #tpu.memory_space<hbm>>
      tpu.wait_dma2 semaphore(%run_scoped3A : memref<!tpu.dma_semaphore, #tpu.memory_space<semaphore_mem>>) src(%dma_wait3A_45 : memref<624x128xf32, #tpu.memory_space<hbm>>) dst(%dma_wait3A_42 : memref<624x128xf32, #tpu.memory_space<vmem_shared>>)
      tpu.yield
    }) : () -> ()
    %eq3A = arith.constant 15 : i32
    %eq3A_5 = arith.cmpi eq, %arg1, %eq3A : i32
    %convert_element_type3A = arith.extui %eq3A_5 : i1 to i32
    %cond3A = arith.constant 0 : i32
    %cond3A_6 = arith.cmpi ne, %convert_element_type3A, %cond3A : i32
    scf.if %cond3A_6 {
      "tpu.region"() ({
        %run_scoped3A = tpu.sem_alloc : memref<!tpu.dma_semaphore, #tpu.memory_space<semaphore_mem>>
        %dma_start3A = arith.constant 9984 : i32
        %dma_start3A_37 = arith.constant 0 : i32
        %dma_start3A_38 = tpu.memref_slice %arg13[%dma_start3A, %dma_start3A_37] : memref<10000x128xf32, #tpu.memory_space<vmem_shared>> -> memref<16x128xf32, #tpu.memory_space<vmem_shared>>
        %dma_start3A_39 = arith.constant 9984 : i32
        %dma_start3A_40 = arith.constant 0 : i32
        %dma_start3A_41 = tpu.memref_slice %arg6[%arg0, %dma_start3A_39, %dma_start3A_40] : memref<2x10000x128xf32, #tpu.memory_space<hbm>> -> memref<1x16x128xf32, #tpu.memory_space<hbm>>
        %dma_start3A_42 = tpu.memref_squeeze %dma_start3A_41 : memref<1x16x128xf32, #tpu.memory_space<hbm>> -> memref<16x128xf32, #tpu.memory_space<hbm>>
        tpu.enqueue_dma source(%dma_start3A_42 : memref<16x128xf32, #tpu.memory_space<hbm>>) target(%dma_start3A_38 : memref<16x128xf32, #tpu.memory_space<vmem_shared>>) target_semaphore(%run_scoped3A : memref<!tpu.dma_semaphore, #tpu.memory_space<semaphore_mem>>)
        %dma_wait3A_43 = arith.constant 9984 : i32
        %dma_wait3A_44 = arith.constant 0 : i32
        %dma_wait3A_45 = tpu.memref_slice %arg13[%dma_wait3A_43, %dma_wait3A_44] : memref<10000x128xf32, #tpu.memory_space<vmem_shared>> -> memref<16x128xf32, #tpu.memory_space<vmem_shared>>
        %dma_wait3A_46 = arith.constant 9984 : i32
        %dma_wait3A_47 = arith.constant 0 : i32
        %dma_wait3A_48 = tpu.memref_slice %arg6[%arg0, %dma_wait3A_46, %dma_wait3A_47] : memref<2x10000x128xf32, #tpu.memory_space<hbm>> -> memref<1x16x128xf32, #tpu.memory_space<hbm>>
        %dma_wait3A_49 = tpu.memref_squeeze %dma_wait3A_48 : memref<1x16x128xf32, #tpu.memory_space<hbm>> -> memref<16x128xf32, #tpu.memory_space<hbm>>
        tpu.wait_dma2 semaphore(%run_scoped3A : memref<!tpu.dma_semaphore, #tpu.memory_space<semaphore_mem>>) src(%dma_wait3A_49 : memref<16x128xf32, #tpu.memory_space<hbm>>) dst(%dma_wait3A_45 : memref<16x128xf32, #tpu.memory_space<vmem_shared>>)
        tpu.yield
      }) : () -> ()
    } else {
    }
    %barrier3A = arith.constant 0 : index
    tpu.barrier barrier_id(%barrier3A)
    %mul3A_7 = arith.constant 2560 : i32
    %mul3A_8 = arith.muli %add3A, %mul3A_7 : i32
    "tpu.region"() ({
      %run_scoped3A = tpu.sem_alloc : memref<!tpu.dma_semaphore, #tpu.memory_space<semaphore_mem>>
      %dma_start3A = arith.constant 0 : i32
      %dma_start3A_37 = arith.constant 0 : i32
      %dma_start3A_38 = tpu.memref_slice %arg4[%add3A, %dma_start3A, %dma_start3A_37] : memref<32x32x80xi32, #tpu.memory_space<hbm>> -> memref<1x32x80xi32, #tpu.memory_space<hbm>>
      %dma_start3A_39 = tpu.memref_squeeze %dma_start3A_38 : memref<1x32x80xi32, #tpu.memory_space<hbm>> -> memref<32x80xi32, #tpu.memory_space<hbm>>
      %dma_start3A_40 = arith.constant 0 : i32
      %dma_start3A_41 = arith.constant 0 : i32
      %dma_start3A_42 = tpu.memref_slice %arg4[%add3A, %dma_start3A_40, %dma_start3A_41] : memref<32x32x80xi32, #tpu.memory_space<hbm>> -> memref<1x32x80xi32, #tpu.memory_space<hbm>>
      %dma_start3A_43 = tpu.memref_squeeze %dma_start3A_42 : memref<1x32x80xi32, #tpu.memory_space<hbm>> -> memref<32x80xi32, #tpu.memory_space<hbm>>
      tpu.enqueue_dma source(%dma_start3A_43 : memref<32x80xi32, #tpu.memory_space<hbm>>) target(%arg8 : memref<32x80xi32, #tpu.memory_space<vmem>>) target_semaphore(%run_scoped3A : memref<!tpu.dma_semaphore, #tpu.memory_space<semaphore_mem>>)
      %dma_wait3A_44 = arith.constant 0 : i32
      %dma_wait3A_45 = arith.constant 0 : i32
      %dma_wait3A_46 = tpu.memref_slice %arg4[%add3A, %dma_wait3A_44, %dma_wait3A_45] : memref<32x32x80xi32, #tpu.memory_space<hbm>> -> memref<1x32x80xi32, #tpu.memory_space<hbm>>
      %dma_wait3A_47 = tpu.memref_squeeze %dma_wait3A_46 : memref<1x32x80xi32, #tpu.memory_space<hbm>> -> memref<32x80xi32, #tpu.memory_space<hbm>>
      %dma_wait3A_48 = arith.constant 0 : i32
      %dma_wait3A_49 = arith.constant 0 : i32
      %dma_wait3A_50 = tpu.memref_slice %arg4[%add3A, %dma_wait3A_48, %dma_wait3A_49] : memref<32x32x80xi32, #tpu.memory_space<hbm>> -> memref<1x32x80xi32, #tpu.memory_space<hbm>>
      %dma_wait3A_51 = tpu.memref_squeeze %dma_wait3A_50 : memref<1x32x80xi32, #tpu.memory_space<hbm>> -> memref<32x80xi32, #tpu.memory_space<hbm>>
      tpu.wait_dma2 semaphore(%run_scoped3A : memref<!tpu.dma_semaphore, #tpu.memory_space<semaphore_mem>>) src(%dma_wait3A_51 : memref<32x80xi32, #tpu.memory_space<hbm>>) dst(%arg8 : memref<32x80xi32, #tpu.memory_space<vmem>>)
      tpu.yield
    }) : () -> ()
    "tpu.region"() ({
      %run_scoped3A = tpu.sem_alloc : memref<!tpu.dma_semaphore, #tpu.memory_space<semaphore_mem>>
      %dma_start3A = arith.constant 0 : i32
      %dma_start3A_37 = arith.constant 0 : i32
      %dma_start3A_38 = tpu.memref_slice %arg5[%add3A, %dma_start3A, %dma_start3A_37] : memref<32x32x80xi32, #tpu.memory_space<hbm>> -> memref<1x32x80xi32, #tpu.memory_space<hbm>>
      %dma_start3A_39 = tpu.memref_squeeze %dma_start3A_38 : memref<1x32x80xi32, #tpu.memory_space<hbm>> -> memref<32x80xi32, #tpu.memory_space<hbm>>
      %dma_start3A_40 = arith.constant 0 : i32
      %dma_start3A_41 = arith.constant 0 : i32
      %dma_start3A_42 = tpu.memref_slice %arg5[%add3A, %dma_start3A_40, %dma_start3A_41] : memref<32x32x80xi32, #tpu.memory_space<hbm>> -> memref<1x32x80xi32, #tpu.memory_space<hbm>>
      %dma_start3A_43 = tpu.memref_squeeze %dma_start3A_42 : memref<1x32x80xi32, #tpu.memory_space<hbm>> -> memref<32x80xi32, #tpu.memory_space<hbm>>
      tpu.enqueue_dma source(%dma_start3A_43 : memref<32x80xi32, #tpu.memory_space<hbm>>) target(%arg9 : memref<32x80xi32, #tpu.memory_space<vmem>>) target_semaphore(%run_scoped3A : memref<!tpu.dma_semaphore, #tpu.memory_space<semaphore_mem>>)
      %dma_wait3A_44 = arith.constant 0 : i32
      %dma_wait3A_45 = arith.constant 0 : i32
      %dma_wait3A_46 = tpu.memref_slice %arg5[%add3A, %dma_wait3A_44, %dma_wait3A_45] : memref<32x32x80xi32, #tpu.memory_space<hbm>> -> memref<1x32x80xi32, #tpu.memory_space<hbm>>
      %dma_wait3A_47 = tpu.memref_squeeze %dma_wait3A_46 : memref<1x32x80xi32, #tpu.memory_space<hbm>> -> memref<32x80xi32, #tpu.memory_space<hbm>>
      %dma_wait3A_48 = arith.constant 0 : i32
      %dma_wait3A_49 = arith.constant 0 : i32
      %dma_wait3A_50 = tpu.memref_slice %arg5[%add3A, %dma_wait3A_48, %dma_wait3A_49] : memref<32x32x80xi32, #tpu.memory_space<hbm>> -> memref<1x32x80xi32, #tpu.memory_space<hbm>>
      %dma_wait3A_51 = tpu.memref_squeeze %dma_wait3A_50 : memref<1x32x80xi32, #tpu.memory_space<hbm>> -> memref<32x80xi32, #tpu.memory_space<hbm>>
      tpu.wait_dma2 semaphore(%run_scoped3A : memref<!tpu.dma_semaphore, #tpu.memory_space<semaphore_mem>>) src(%dma_wait3A_51 : memref<32x80xi32, #tpu.memory_space<hbm>>) dst(%arg9 : memref<32x80xi32, #tpu.memory_space<vmem>>)
      tpu.yield
    }) : () -> ()
    %scan3A = arith.constant 0 : i32
    %scan3A_9 = arith.constant 0 : i32
    %scan3A_10 = arith.constant 16 : i32
    %scan3A_11 = arith.addi %scan3A_9, %scan3A_10 : i32
    %scan3A_12 = arith.constant 1 : i32
    scf.for %scan3A_37 = %scan3A_9 to %scan3A_11 step %scan3A_12  : i32 {
      %mul3A_38 = arith.constant 2 : i32
      %mul3A_39 = arith.muli %mul3A_38, %scan3A_37 : i32
      %add3A_40 = arith.constant 1 : i32
      %add3A_41 = arith.addi %mul3A_39, %add3A_40 : i32
      %mul3A_42 = arith.constant 80 : i32
      %mul3A_43 = arith.muli %mul3A_39, %mul3A_42 : i32
      %add3A_44 = arith.addi %mul3A_8, %mul3A_43 : i32
      %add3A_45 = arith.constant 80 : i32
      %add3A_46 = arith.addi %add3A_44, %add3A_45 : i32
      %gt3A = arith.constant 0 : i32
      %gt3A_47 = arith.cmpi sgt, %scan3A_37, %gt3A : i32
      %convert_element_type3A_48 = arith.extui %gt3A_47 : i1 to i32
      %cond3A_49 = arith.constant 0 : i32
      %cond3A_50 = arith.cmpi ne, %convert_element_type3A_48, %cond3A_49 : i32
      scf.if %cond3A_50 {
        %sub3A = arith.constant 2 : i32
        %sub3A_91 = arith.subi %mul3A_39, %sub3A : i32
        %sub3A_92 = arith.constant 2 : i32
        %sub3A_93 = arith.subi %add3A_41, %sub3A_92 : i32
        %dma_wait3A_94 = arith.constant 0 : i32
        %dma_wait3A_95 = tpu.memref_slice %arg9[%sub3A_91, %dma_wait3A_94] : memref<32x80xi32, #tpu.memory_space<vmem>> -> memref<1x80xi32, #tpu.memory_space<vmem>>
        %dma_wait3A_96 = tpu.memref_squeeze %dma_wait3A_95 : memref<1x80xi32, #tpu.memory_space<vmem>> -> memref<80xi32, #tpu.memory_space<vmem>>
        %dma_wait3A_97 = arith.constant 0 : i32
        %dma_wait3A_98 = arith.constant 0 : i32
        %dma_wait3A_99 = tpu.memref_slice %arg13[%dma_wait3A_97, %dma_wait3A_98] : memref<10000x128xf32, #tpu.memory_space<vmem_shared>> -> memref<10000x128xf32, #tpu.memory_space<vmem_shared>>
        tpu.wait_indirect_dma semaphore(%arg16 : memref<!tpu.dma_semaphore, #tpu.memory_space<semaphore_mem>>) src(%arg10 : memref<80x128xf32, #tpu.memory_space<vmem>>) dst(%dma_wait3A_99 : memref<10000x128xf32, #tpu.memory_space<vmem_shared>>)
        %dma_wait3A_100 = arith.constant 0 : i32
        %dma_wait3A_101 = tpu.memref_slice %arg9[%sub3A_93, %dma_wait3A_100] : memref<32x80xi32, #tpu.memory_space<vmem>> -> memref<1x80xi32, #tpu.memory_space<vmem>>
        %dma_wait3A_102 = tpu.memref_squeeze %dma_wait3A_101 : memref<1x80xi32, #tpu.memory_space<vmem>> -> memref<80xi32, #tpu.memory_space<vmem>>
        %dma_wait3A_103 = arith.constant 0 : i32
        %dma_wait3A_104 = arith.constant 0 : i32
        %dma_wait3A_105 = tpu.memref_slice %arg13[%dma_wait3A_103, %dma_wait3A_104] : memref<10000x128xf32, #tpu.memory_space<vmem_shared>> -> memref<10000x128xf32, #tpu.memory_space<vmem_shared>>
        tpu.wait_indirect_dma semaphore(%arg17 : memref<!tpu.dma_semaphore, #tpu.memory_space<semaphore_mem>>) src(%arg11 : memref<80x128xf32, #tpu.memory_space<vmem>>) dst(%dma_wait3A_105 : memref<10000x128xf32, #tpu.memory_space<vmem_shared>>)
      } else {
      }
      %dma_start3A = arith.constant 0 : i32
      %dma_start3A_51 = tpu.memref_slice %arg8[%mul3A_39, %dma_start3A] : memref<32x80xi32, #tpu.memory_space<vmem>> -> memref<1x80xi32, #tpu.memory_space<vmem>>
      %dma_start3A_52 = tpu.memref_squeeze %dma_start3A_51 : memref<1x80xi32, #tpu.memory_space<vmem>> -> memref<80xi32, #tpu.memory_space<vmem>>
      %dma_start3A_53 = arith.constant 0 : i32
      %dma_start3A_54 = arith.constant 0 : i32
      %dma_start3A_55 = tpu.memref_slice %arg2[%dma_start3A_53, %dma_start3A_54] : memref<10000x128xf32, #tpu.memory_space<hbm>> -> memref<10000x128xf32, #tpu.memory_space<hbm>>
      tpu.enqueue_indirect_dma source(%dma_start3A_55 : memref<10000x128xf32, #tpu.memory_space<hbm>>) target(%arg10 : memref<80x128xf32, #tpu.memory_space<vmem>>) offsets(%dma_start3A_52 : memref<80xi32, #tpu.memory_space<vmem>>) semaphore(%arg14 : memref<!tpu.dma_semaphore, #tpu.memory_space<semaphore_mem>>)
      %dma_start3A_56 = arith.constant 0 : i32
      %dma_start3A_57 = tpu.memref_slice %arg8[%add3A_41, %dma_start3A_56] : memref<32x80xi32, #tpu.memory_space<vmem>> -> memref<1x80xi32, #tpu.memory_space<vmem>>
      %dma_start3A_58 = tpu.memref_squeeze %dma_start3A_57 : memref<1x80xi32, #tpu.memory_space<vmem>> -> memref<80xi32, #tpu.memory_space<vmem>>
      %dma_start3A_59 = arith.constant 0 : i32
      %dma_start3A_60 = arith.constant 0 : i32
      %dma_start3A_61 = tpu.memref_slice %arg2[%dma_start3A_59, %dma_start3A_60] : memref<10000x128xf32, #tpu.memory_space<hbm>> -> memref<10000x128xf32, #tpu.memory_space<hbm>>
      tpu.enqueue_indirect_dma source(%dma_start3A_61 : memref<10000x128xf32, #tpu.memory_space<hbm>>) target(%arg11 : memref<80x128xf32, #tpu.memory_space<vmem>>) offsets(%dma_start3A_58 : memref<80xi32, #tpu.memory_space<vmem>>) semaphore(%arg15 : memref<!tpu.dma_semaphore, #tpu.memory_space<semaphore_mem>>)
      "tpu.region"() ({
        %run_scoped3A = tpu.sem_alloc : memref<!tpu.dma_semaphore, #tpu.memory_space<semaphore_mem>>
        %dma_start3A_91 = arith.constant 0 : i32
        %dma_start3A_92 = tpu.memref_slice %arg3[%add3A_44, %dma_start3A_91] : memref<81920x128xf32, #tpu.memory_space<hbm>> -> memref<160x128xf32, #tpu.memory_space<hbm>>
        %dma_start3A_93 = arith.constant 0 : i32
        %dma_start3A_94 = tpu.memref_slice %arg3[%add3A_44, %dma_start3A_93] : memref<81920x128xf32, #tpu.memory_space<hbm>> -> memref<160x128xf32, #tpu.memory_space<hbm>>
        tpu.enqueue_dma source(%dma_start3A_94 : memref<160x128xf32, #tpu.memory_space<hbm>>) target(%arg12 : memref<160x128xf32, #tpu.memory_space<vmem>>) target_semaphore(%run_scoped3A : memref<!tpu.dma_semaphore, #tpu.memory_space<semaphore_mem>>)
        %dma_wait3A_95 = arith.constant 0 : i32
        %dma_wait3A_96 = tpu.memref_slice %arg3[%add3A_44, %dma_wait3A_95] : memref<81920x128xf32, #tpu.memory_space<hbm>> -> memref<160x128xf32, #tpu.memory_space<hbm>>
        %dma_wait3A_97 = arith.constant 0 : i32
        %dma_wait3A_98 = tpu.memref_slice %arg3[%add3A_44, %dma_wait3A_97] : memref<81920x128xf32, #tpu.memory_space<hbm>> -> memref<160x128xf32, #tpu.memory_space<hbm>>
        tpu.wait_dma2 semaphore(%run_scoped3A : memref<!tpu.dma_semaphore, #tpu.memory_space<semaphore_mem>>) src(%dma_wait3A_98 : memref<160x128xf32, #tpu.memory_space<hbm>>) dst(%arg12 : memref<160x128xf32, #tpu.memory_space<vmem>>)
        tpu.yield
      }) : () -> ()
      %dma_wait3A_62 = arith.constant 0 : i32
      %dma_wait3A_63 = tpu.memref_slice %arg8[%mul3A_39, %dma_wait3A_62] : memref<32x80xi32, #tpu.memory_space<vmem>> -> memref<1x80xi32, #tpu.memory_space<vmem>>
      %dma_wait3A_64 = tpu.memref_squeeze %dma_wait3A_63 : memref<1x80xi32, #tpu.memory_space<vmem>> -> memref<80xi32, #tpu.memory_space<vmem>>
      %dma_wait3A_65 = arith.constant 0 : i32
      %dma_wait3A_66 = arith.constant 0 : i32
      %dma_wait3A_67 = tpu.memref_slice %arg2[%dma_wait3A_65, %dma_wait3A_66] : memref<10000x128xf32, #tpu.memory_space<hbm>> -> memref<10000x128xf32, #tpu.memory_space<hbm>>
      tpu.wait_indirect_dma semaphore(%arg14 : memref<!tpu.dma_semaphore, #tpu.memory_space<semaphore_mem>>) src(%dma_wait3A_67 : memref<10000x128xf32, #tpu.memory_space<hbm>>) dst(%arg10 : memref<80x128xf32, #tpu.memory_space<vmem>>)
      %parallel_loop3A = arith.constant 0 : i32
      %parallel_loop3A_68 = arith.constant 80 : i32
      %parallel_loop3A_69 = arith.constant 1 : i32
      scf.for %parallel_loop3A_91 = %parallel_loop3A to %parallel_loop3A_68 step %parallel_loop3A_69  : i32 {
        %parallel_loop3A_92 = arith.index_cast %parallel_loop3A_91 : i32 to index
        %parallel_loop3A_93 = arith.constant 0 : index
        %parallel_loop3A_94 = tpu.vector_load %arg10[%parallel_loop3A_92, %parallel_loop3A_93] {strides = array<i32>} : memref<80x128xf32, #tpu.memory_space<vmem>>, vector<1x16xf32>,
        %parallel_loop3A_95 = vector.shape_cast %parallel_loop3A_94 : vector<1x16xf32> to vector<16xf32>
        %parallel_loop3A_96 = arith.constant 0 : i32
        %parallel_loop3A_97 = arith.addi %parallel_loop3A_96, %parallel_loop3A_91 : i32
        %parallel_loop3A_98 = arith.index_cast %parallel_loop3A_97 : i32 to index
        %parallel_loop3A_99 = arith.constant 0 : index
        %parallel_loop3A_100 = tpu.vector_load %arg12[%parallel_loop3A_98, %parallel_loop3A_99] {strides = array<i32>} : memref<160x128xf32, #tpu.memory_space<vmem>>, vector<1x16xf32>,
        %parallel_loop3A_101 = vector.shape_cast %parallel_loop3A_100 : vector<1x16xf32> to vector<16xf32>
        %parallel_loop3A_102 = arith.mulf %parallel_loop3A_95, %parallel_loop3A_101 : vector<16xf32>
        %parallel_loop3A_103 = arith.index_cast %parallel_loop3A_91 : i32 to index
        %parallel_loop3A_104 = arith.constant 0 : index
        %parallel_loop3A_105 = tpu.vector_load %arg10[%parallel_loop3A_103, %parallel_loop3A_104] {strides = array<i32>} : memref<80x128xf32, #tpu.memory_space<vmem>>, vector<1x16xf32>,
        %parallel_loop3A_106 = vector.shape_cast %parallel_loop3A_105 : vector<1x16xf32> to vector<16xf32>
        %parallel_loop3A_107 = vector.shape_cast %parallel_loop3A_102 : vector<16xf32> to vector<1x16xf32>
        tpu.vector_store %arg10[%parallel_loop3A_103, %parallel_loop3A_104], %parallel_loop3A_107 {strides = array<i32>} : memref<80x128xf32, #tpu.memory_space<vmem>>, vector<1x16xf32>,
        %parallel_loop3A_108 = arith.index_cast %parallel_loop3A_91 : i32 to index
        %parallel_loop3A_109 = arith.constant 16 : index
        %parallel_loop3A_110 = tpu.vector_load %arg10[%parallel_loop3A_108, %parallel_loop3A_109] {strides = array<i32>} : memref<80x128xf32, #tpu.memory_space<vmem>>, vector<1x16xf32>,
        %parallel_loop3A_111 = vector.shape_cast %parallel_loop3A_110 : vector<1x16xf32> to vector<16xf32>
        %parallel_loop3A_112 = arith.constant 0 : i32
        %parallel_loop3A_113 = arith.addi %parallel_loop3A_112, %parallel_loop3A_91 : i32
        %parallel_loop3A_114 = arith.index_cast %parallel_loop3A_113 : i32 to index
        %parallel_loop3A_115 = arith.constant 16 : index
        %parallel_loop3A_116 = tpu.vector_load %arg12[%parallel_loop3A_114, %parallel_loop3A_115] {strides = array<i32>} : memref<160x128xf32, #tpu.memory_space<vmem>>, vector<1x16xf32>,
        %parallel_loop3A_117 = vector.shape_cast %parallel_loop3A_116 : vector<1x16xf32> to vector<16xf32>
        %parallel_loop3A_118 = arith.mulf %parallel_loop3A_111, %parallel_loop3A_117 : vector<16xf32>
        %parallel_loop3A_119 = arith.index_cast %parallel_loop3A_91 : i32 to index
        %parallel_loop3A_120 = arith.constant 16 : index
        %parallel_loop3A_121 = tpu.vector_load %arg10[%parallel_loop3A_119, %parallel_loop3A_120] {strides = array<i32>} : memref<80x128xf32, #tpu.memory_space<vmem>>, vector<1x16xf32>,
        %parallel_loop3A_122 = vector.shape_cast %parallel_loop3A_121 : vector<1x16xf32> to vector<16xf32>
        %parallel_loop3A_123 = vector.shape_cast %parallel_loop3A_118 : vector<16xf32> to vector<1x16xf32>
        tpu.vector_store %arg10[%parallel_loop3A_119, %parallel_loop3A_120], %parallel_loop3A_123 {strides = array<i32>} : memref<80x128xf32, #tpu.memory_space<vmem>>, vector<1x16xf32>,
        %parallel_loop3A_124 = arith.index_cast %parallel_loop3A_91 : i32 to index
        %parallel_loop3A_125 = arith.constant 32 : index
        %parallel_loop3A_126 = tpu.vector_load %arg10[%parallel_loop3A_124, %parallel_loop3A_125] {strides = array<i32>} : memref<80x128xf32, #tpu.memory_space<vmem>>, vector<1x16xf32>,
        %parallel_loop3A_127 = vector.shape_cast %parallel_loop3A_126 : vector<1x16xf32> to vector<16xf32>
        %parallel_loop3A_128 = arith.constant 0 : i32
        %parallel_loop3A_129 = arith.addi %parallel_loop3A_128, %parallel_loop3A_91 : i32
        %parallel_loop3A_130 = arith.index_cast %parallel_loop3A_129 : i32 to index
        %parallel_loop3A_131 = arith.constant 32 : index
        %parallel_loop3A_132 = tpu.vector_load %arg12[%parallel_loop3A_130, %parallel_loop3A_131] {strides = array<i32>} : memref<160x128xf32, #tpu.memory_space<vmem>>, vector<1x16xf32>,
        %parallel_loop3A_133 = vector.shape_cast %parallel_loop3A_132 : vector<1x16xf32> to vector<16xf32>
        %parallel_loop3A_134 = arith.mulf %parallel_loop3A_127, %parallel_loop3A_133 : vector<16xf32>
        %parallel_loop3A_135 = arith.index_cast %parallel_loop3A_91 : i32 to index
        %parallel_loop3A_136 = arith.constant 32 : index
        %parallel_loop3A_137 = tpu.vector_load %arg10[%parallel_loop3A_135, %parallel_loop3A_136] {strides = array<i32>} : memref<80x128xf32, #tpu.memory_space<vmem>>, vector<1x16xf32>,
        %parallel_loop3A_138 = vector.shape_cast %parallel_loop3A_137 : vector<1x16xf32> to vector<16xf32>
        %parallel_loop3A_139 = vector.shape_cast %parallel_loop3A_134 : vector<16xf32> to vector<1x16xf32>
        tpu.vector_store %arg10[%parallel_loop3A_135, %parallel_loop3A_136], %parallel_loop3A_139 {strides = array<i32>} : memref<80x128xf32, #tpu.memory_space<vmem>>, vector<1x16xf32>,
        %parallel_loop3A_140 = arith.index_cast %parallel_loop3A_91 : i32 to index
        %parallel_loop3A_141 = arith.constant 48 : index
        %parallel_loop3A_142 = tpu.vector_load %arg10[%parallel_loop3A_140, %parallel_loop3A_141] {strides = array<i32>} : memref<80x128xf32, #tpu.memory_space<vmem>>, vector<1x16xf32>,
        %parallel_loop3A_143 = vector.shape_cast %parallel_loop3A_142 : vector<1x16xf32> to vector<16xf32>
        %parallel_loop3A_144 = arith.constant 0 : i32
        %parallel_loop3A_145 = arith.addi %parallel_loop3A_144, %parallel_loop3A_91 : i32
        %parallel_loop3A_146 = arith.index_cast %parallel_loop3A_145 : i32 to index
        %parallel_loop3A_147 = arith.constant 48 : index
        %parallel_loop3A_148 = tpu.vector_load %arg12[%parallel_loop3A_146, %parallel_loop3A_147] {strides = array<i32>} : memref<160x128xf32, #tpu.memory_space<vmem>>, vector<1x16xf32>,
        %parallel_loop3A_149 = vector.shape_cast %parallel_loop3A_148 : vector<1x16xf32> to vector<16xf32>
        %parallel_loop3A_150 = arith.mulf %parallel_loop3A_143, %parallel_loop3A_149 : vector<16xf32>
        %parallel_loop3A_151 = arith.index_cast %parallel_loop3A_91 : i32 to index
        %parallel_loop3A_152 = arith.constant 48 : index
        %parallel_loop3A_153 = tpu.vector_load %arg10[%parallel_loop3A_151, %parallel_loop3A_152] {strides = array<i32>} : memref<80x128xf32, #tpu.memory_space<vmem>>, vector<1x16xf32>,
        %parallel_loop3A_154 = vector.shape_cast %parallel_loop3A_153 : vector<1x16xf32> to vector<16xf32>
        %parallel_loop3A_155 = vector.shape_cast %parallel_loop3A_150 : vector<16xf32> to vector<1x16xf32>
        tpu.vector_store %arg10[%parallel_loop3A_151, %parallel_loop3A_152], %parallel_loop3A_155 {strides = array<i32>} : memref<80x128xf32, #tpu.memory_space<vmem>>, vector<1x16xf32>,
        %parallel_loop3A_156 = arith.index_cast %parallel_loop3A_91 : i32 to index
        %parallel_loop3A_157 = arith.constant 64 : index
        %parallel_loop3A_158 = tpu.vector_load %arg10[%parallel_loop3A_156, %parallel_loop3A_157] {strides = array<i32>} : memref<80x128xf32, #tpu.memory_space<vmem>>, vector<1x16xf32>,
        %parallel_loop3A_159 = vector.shape_cast %parallel_loop3A_158 : vector<1x16xf32> to vector<16xf32>
        %parallel_loop3A_160 = arith.constant 0 : i32
        %parallel_loop3A_161 = arith.addi %parallel_loop3A_160, %parallel_loop3A_91 : i32
        %parallel_loop3A_162 = arith.index_cast %parallel_loop3A_161 : i32 to index
        %parallel_loop3A_163 = arith.constant 64 : index
        %parallel_loop3A_164 = tpu.vector_load %arg12[%parallel_loop3A_162, %parallel_loop3A_163] {strides = array<i32>} : memref<160x128xf32, #tpu.memory_space<vmem>>, vector<1x16xf32>,
        %parallel_loop3A_165 = vector.shape_cast %parallel_loop3A_164 : vector<1x16xf32> to vector<16xf32>
        %parallel_loop3A_166 = arith.mulf %parallel_loop3A_159, %parallel_loop3A_165 : vector<16xf32>
        %parallel_loop3A_167 = arith.index_cast %parallel_loop3A_91 : i32 to index
        %parallel_loop3A_168 = arith.constant 64 : index
        %parallel_loop3A_169 = tpu.vector_load %arg10[%parallel_loop3A_167, %parallel_loop3A_168] {strides = array<i32>} : memref<80x128xf32, #tpu.memory_space<vmem>>, vector<1x16xf32>,
        %parallel_loop3A_170 = vector.shape_cast %parallel_loop3A_169 : vector<1x16xf32> to vector<16xf32>
        %parallel_loop3A_171 = vector.shape_cast %parallel_loop3A_166 : vector<16xf32> to vector<1x16xf32>
        tpu.vector_store %arg10[%parallel_loop3A_167, %parallel_loop3A_168], %parallel_loop3A_171 {strides = array<i32>} : memref<80x128xf32, #tpu.memory_space<vmem>>, vector<1x16xf32>,
        %parallel_loop3A_172 = arith.index_cast %parallel_loop3A_91 : i32 to index
        %parallel_loop3A_173 = arith.constant 80 : index
        %parallel_loop3A_174 = tpu.vector_load %arg10[%parallel_loop3A_172, %parallel_loop3A_173] {strides = array<i32>} : memref<80x128xf32, #tpu.memory_space<vmem>>, vector<1x16xf32>,
        %parallel_loop3A_175 = vector.shape_cast %parallel_loop3A_174 : vector<1x16xf32> to vector<16xf32>
        %parallel_loop3A_176 = arith.constant 0 : i32
        %parallel_loop3A_177 = arith.addi %parallel_loop3A_176, %parallel_loop3A_91 : i32
        %parallel_loop3A_178 = arith.index_cast %parallel_loop3A_177 : i32 to index
        %parallel_loop3A_179 = arith.constant 80 : index
        %parallel_loop3A_180 = tpu.vector_load %arg12[%parallel_loop3A_178, %parallel_loop3A_179] {strides = array<i32>} : memref<160x128xf32, #tpu.memory_space<vmem>>, vector<1x16xf32>,
        %parallel_loop3A_181 = vector.shape_cast %parallel_loop3A_180 : vector<1x16xf32> to vector<16xf32>
        %parallel_loop3A_182 = arith.mulf %parallel_loop3A_175, %parallel_loop3A_181 : vector<16xf32>
        %parallel_loop3A_183 = arith.index_cast %parallel_loop3A_91 : i32 to index
        %parallel_loop3A_184 = arith.constant 80 : index
        %parallel_loop3A_185 = tpu.vector_load %arg10[%parallel_loop3A_183, %parallel_loop3A_184] {strides = array<i32>} : memref<80x128xf32, #tpu.memory_space<vmem>>, vector<1x16xf32>,
        %parallel_loop3A_186 = vector.shape_cast %parallel_loop3A_185 : vector<1x16xf32> to vector<16xf32>
        %parallel_loop3A_187 = vector.shape_cast %parallel_loop3A_182 : vector<16xf32> to vector<1x16xf32>
        tpu.vector_store %arg10[%parallel_loop3A_183, %parallel_loop3A_184], %parallel_loop3A_187 {strides = array<i32>} : memref<80x128xf32, #tpu.memory_space<vmem>>, vector<1x16xf32>,
        %parallel_loop3A_188 = arith.index_cast %parallel_loop3A_91 : i32 to index
        %parallel_loop3A_189 = arith.constant 96 : index
        %parallel_loop3A_190 = tpu.vector_load %arg10[%parallel_loop3A_188, %parallel_loop3A_189] {strides = array<i32>} : memref<80x128xf32, #tpu.memory_space<vmem>>, vector<1x16xf32>,
        %parallel_loop3A_191 = vector.shape_cast %parallel_loop3A_190 : vector<1x16xf32> to vector<16xf32>
        %parallel_loop3A_192 = arith.constant 0 : i32
        %parallel_loop3A_193 = arith.addi %parallel_loop3A_192, %parallel_loop3A_91 : i32
        %parallel_loop3A_194 = arith.index_cast %parallel_loop3A_193 : i32 to index
        %parallel_loop3A_195 = arith.constant 96 : index
        %parallel_loop3A_196 = tpu.vector_load %arg12[%parallel_loop3A_194, %parallel_loop3A_195] {strides = array<i32>} : memref<160x128xf32, #tpu.memory_space<vmem>>, vector<1x16xf32>,
        %parallel_loop3A_197 = vector.shape_cast %parallel_loop3A_196 : vector<1x16xf32> to vector<16xf32>
        %parallel_loop3A_198 = arith.mulf %parallel_loop3A_191, %parallel_loop3A_197 : vector<16xf32>
        %parallel_loop3A_199 = arith.index_cast %parallel_loop3A_91 : i32 to index
        %parallel_loop3A_200 = arith.constant 96 : index
        %parallel_loop3A_201 = tpu.vector_load %arg10[%parallel_loop3A_199, %parallel_loop3A_200] {strides = array<i32>} : memref<80x128xf32, #tpu.memory_space<vmem>>, vector<1x16xf32>,
        %parallel_loop3A_202 = vector.shape_cast %parallel_loop3A_201 : vector<1x16xf32> to vector<16xf32>
        %parallel_loop3A_203 = vector.shape_cast %parallel_loop3A_198 : vector<16xf32> to vector<1x16xf32>
        tpu.vector_store %arg10[%parallel_loop3A_199, %parallel_loop3A_200], %parallel_loop3A_203 {strides = array<i32>} : memref<80x128xf32, #tpu.memory_space<vmem>>, vector<1x16xf32>,
        %parallel_loop3A_204 = arith.index_cast %parallel_loop3A_91 : i32 to index
        %parallel_loop3A_205 = arith.constant 112 : index
        %parallel_loop3A_206 = tpu.vector_load %arg10[%parallel_loop3A_204, %parallel_loop3A_205] {strides = array<i32>} : memref<80x128xf32, #tpu.memory_space<vmem>>, vector<1x16xf32>,
        %parallel_loop3A_207 = vector.shape_cast %parallel_loop3A_206 : vector<1x16xf32> to vector<16xf32>
        %parallel_loop3A_208 = arith.constant 0 : i32
        %parallel_loop3A_209 = arith.addi %parallel_loop3A_208, %parallel_loop3A_91 : i32
        %parallel_loop3A_210 = arith.index_cast %parallel_loop3A_209 : i32 to index
        %parallel_loop3A_211 = arith.constant 112 : index
        %parallel_loop3A_212 = tpu.vector_load %arg12[%parallel_loop3A_210, %parallel_loop3A_211] {strides = array<i32>} : memref<160x128xf32, #tpu.memory_space<vmem>>, vector<1x16xf32>,
        %parallel_loop3A_213 = vector.shape_cast %parallel_loop3A_212 : vector<1x16xf32> to vector<16xf32>
        %parallel_loop3A_214 = arith.mulf %parallel_loop3A_207, %parallel_loop3A_213 : vector<16xf32>
        %parallel_loop3A_215 = arith.index_cast %parallel_loop3A_91 : i32 to index
        %parallel_loop3A_216 = arith.constant 112 : index
        %parallel_loop3A_217 = tpu.vector_load %arg10[%parallel_loop3A_215, %parallel_loop3A_216] {strides = array<i32>} : memref<80x128xf32, #tpu.memory_space<vmem>>, vector<1x16xf32>,
        %parallel_loop3A_218 = vector.shape_cast %parallel_loop3A_217 : vector<1x16xf32> to vector<16xf32>
        %parallel_loop3A_219 = vector.shape_cast %parallel_loop3A_214 : vector<16xf32> to vector<1x16xf32>
        tpu.vector_store %arg10[%parallel_loop3A_215, %parallel_loop3A_216], %parallel_loop3A_219 {strides = array<i32>} : memref<80x128xf32, #tpu.memory_space<vmem>>, vector<1x16xf32>,
      } {sc.loop_unroll_factor = 2 : i64, sc.parallel_access}
      %dma_start3A_70 = arith.constant 0 : i32
      %dma_start3A_71 = tpu.memref_slice %arg9[%mul3A_39, %dma_start3A_70] : memref<32x80xi32, #tpu.memory_space<vmem>> -> memref<1x80xi32, #tpu.memory_space<vmem>>
      %dma_start3A_72 = tpu.memref_squeeze %dma_start3A_71 : memref<1x80xi32, #tpu.memory_space<vmem>> -> memref<80xi32, #tpu.memory_space<vmem>>
      %dma_start3A_73 = arith.constant 0 : i32
      %dma_start3A_74 = arith.constant 0 : i32
      %dma_start3A_75 = tpu.memref_slice %arg13[%dma_start3A_73, %dma_start3A_74] : memref<10000x128xf32, #tpu.memory_space<vmem_shared>> -> memref<10000x128xf32, #tpu.memory_space<vmem_shared>>
      tpu.enqueue_indirect_dma source(%arg10 : memref<80x128xf32, #tpu.memory_space<vmem>>) target(%dma_start3A_75 : memref<10000x128xf32, #tpu.memory_space<vmem_shared>>) offsets(%dma_start3A_72 : memref<80xi32, #tpu.memory_space<vmem>>) semaphore(%arg16 : memref<!tpu.dma_semaphore, #tpu.memory_space<semaphore_mem>>) {add = true}
      %dma_wait3A_76 = arith.constant 0 : i32
      %dma_wait3A_77 = tpu.memref_slice %arg8[%add3A_41, %dma_wait3A_76] : memref<32x80xi32, #tpu.memory_space<vmem>> -> memref<1x80xi32, #tpu.memory_space<vmem>>
      %dma_wait3A_78 = tpu.memref_squeeze %dma_wait3A_77 : memref<1x80xi32, #tpu.memory_space<vmem>> -> memref<80xi32, #tpu.memory_space<vmem>>
      %dma_wait3A_79 = arith.constant 0 : i32
      %dma_wait3A_80 = arith.constant 0 : i32
      %dma_wait3A_81 = tpu.memref_slice %arg2[%dma_wait3A_79, %dma_wait3A_80] : memref<10000x128xf32, #tpu.memory_space<hbm>> -> memref<10000x128xf32, #tpu.memory_space<hbm>>
      tpu.wait_indirect_dma semaphore(%arg15 : memref<!tpu.dma_semaphore, #tpu.memory_space<semaphore_mem>>) src(%dma_wait3A_81 : memref<10000x128xf32, #tpu.memory_space<hbm>>) dst(%arg11 : memref<80x128xf32, #tpu.memory_space<vmem>>)
      %parallel_loop3A_82 = arith.constant 0 : i32
      %parallel_loop3A_83 = arith.constant 80 : i32
      %parallel_loop3A_84 = arith.constant 1 : i32
      scf.for %parallel_loop3A_91 = %parallel_loop3A_82 to %parallel_loop3A_83 step %parallel_loop3A_84  : i32 {
        %parallel_loop3A_92 = arith.index_cast %parallel_loop3A_91 : i32 to index
        %parallel_loop3A_93 = arith.constant 0 : index
        %parallel_loop3A_94 = tpu.vector_load %arg11[%parallel_loop3A_92, %parallel_loop3A_93] {strides = array<i32>} : memref<80x128xf32, #tpu.memory_space<vmem>>, vector<1x16xf32>,
        %parallel_loop3A_95 = vector.shape_cast %parallel_loop3A_94 : vector<1x16xf32> to vector<16xf32>
        %parallel_loop3A_96 = arith.constant 80 : i32
        %parallel_loop3A_97 = arith.addi %parallel_loop3A_96, %parallel_loop3A_91 : i32
        %parallel_loop3A_98 = arith.index_cast %parallel_loop3A_97 : i32 to index
        %parallel_loop3A_99 = arith.constant 0 : index
        %parallel_loop3A_100 = tpu.vector_load %arg12[%parallel_loop3A_98, %parallel_loop3A_99] {strides = array<i32>} : memref<160x128xf32, #tpu.memory_space<vmem>>, vector<1x16xf32>,
        %parallel_loop3A_101 = vector.shape_cast %parallel_loop3A_100 : vector<1x16xf32> to vector<16xf32>
        %parallel_loop3A_102 = arith.mulf %parallel_loop3A_95, %parallel_loop3A_101 : vector<16xf32>
        %parallel_loop3A_103 = arith.index_cast %parallel_loop3A_91 : i32 to index
        %parallel_loop3A_104 = arith.constant 0 : index
        %parallel_loop3A_105 = tpu.vector_load %arg11[%parallel_loop3A_103, %parallel_loop3A_104] {strides = array<i32>} : memref<80x128xf32, #tpu.memory_space<vmem>>, vector<1x16xf32>,
        %parallel_loop3A_106 = vector.shape_cast %parallel_loop3A_105 : vector<1x16xf32> to vector<16xf32>
        %parallel_loop3A_107 = vector.shape_cast %parallel_loop3A_102 : vector<16xf32> to vector<1x16xf32>
        tpu.vector_store %arg11[%parallel_loop3A_103, %parallel_loop3A_104], %parallel_loop3A_107 {strides = array<i32>} : memref<80x128xf32, #tpu.memory_space<vmem>>, vector<1x16xf32>,
        %parallel_loop3A_108 = arith.index_cast %parallel_loop3A_91 : i32 to index
        %parallel_loop3A_109 = arith.constant 16 : index
        %parallel_loop3A_110 = tpu.vector_load %arg11[%parallel_loop3A_108, %parallel_loop3A_109] {strides = array<i32>} : memref<80x128xf32, #tpu.memory_space<vmem>>, vector<1x16xf32>,
        %parallel_loop3A_111 = vector.shape_cast %parallel_loop3A_110 : vector<1x16xf32> to vector<16xf32>
        %parallel_loop3A_112 = arith.constant 80 : i32
        %parallel_loop3A_113 = arith.addi %parallel_loop3A_112, %parallel_loop3A_91 : i32
        %parallel_loop3A_114 = arith.index_cast %parallel_loop3A_113 : i32 to index
        %parallel_loop3A_115 = arith.constant 16 : index
        %parallel_loop3A_116 = tpu.vector_load %arg12[%parallel_loop3A_114, %parallel_loop3A_115] {strides = array<i32>} : memref<160x128xf32, #tpu.memory_space<vmem>>, vector<1x16xf32>,
        %parallel_loop3A_117 = vector.shape_cast %parallel_loop3A_116 : vector<1x16xf32> to vector<16xf32>
        %parallel_loop3A_118 = arith.mulf %parallel_loop3A_111, %parallel_loop3A_117 : vector<16xf32>
        %parallel_loop3A_119 = arith.index_cast %parallel_loop3A_91 : i32 to index
        %parallel_loop3A_120 = arith.constant 16 : index
        %parallel_loop3A_121 = tpu.vector_load %arg11[%parallel_loop3A_119, %parallel_loop3A_120] {strides = array<i32>} : memref<80x128xf32, #tpu.memory_space<vmem>>, vector<1x16xf32>,
        %parallel_loop3A_122 = vector.shape_cast %parallel_loop3A_121 : vector<1x16xf32> to vector<16xf32>
        %parallel_loop3A_123 = vector.shape_cast %parallel_loop3A_118 : vector<16xf32> to vector<1x16xf32>
        tpu.vector_store %arg11[%parallel_loop3A_119, %parallel_loop3A_120], %parallel_loop3A_123 {strides = array<i32>} : memref<80x128xf32, #tpu.memory_space<vmem>>, vector<1x16xf32>,
        %parallel_loop3A_124 = arith.index_cast %parallel_loop3A_91 : i32 to index
        %parallel_loop3A_125 = arith.constant 32 : index
        %parallel_loop3A_126 = tpu.vector_load %arg11[%parallel_loop3A_124, %parallel_loop3A_125] {strides = array<i32>} : memref<80x128xf32, #tpu.memory_space<vmem>>, vector<1x16xf32>,
        %parallel_loop3A_127 = vector.shape_cast %parallel_loop3A_126 : vector<1x16xf32> to vector<16xf32>
        %parallel_loop3A_128 = arith.constant 80 : i32
        %parallel_loop3A_129 = arith.addi %parallel_loop3A_128, %parallel_loop3A_91 : i32
        %parallel_loop3A_130 = arith.index_cast %parallel_loop3A_129 : i32 to index
        %parallel_loop3A_131 = arith.constant 32 : index
        %parallel_loop3A_132 = tpu.vector_load %arg12[%parallel_loop3A_130, %parallel_loop3A_131] {strides = array<i32>} : memref<160x128xf32, #tpu.memory_space<vmem>>, vector<1x16xf32>,
        %parallel_loop3A_133 = vector.shape_cast %parallel_loop3A_132 : vector<1x16xf32> to vector<16xf32>
        %parallel_loop3A_134 = arith.mulf %parallel_loop3A_127, %parallel_loop3A_133 : vector<16xf32>
        %parallel_loop3A_135 = arith.index_cast %parallel_loop3A_91 : i32 to index
        %parallel_loop3A_136 = arith.constant 32 : index
        %parallel_loop3A_137 = tpu.vector_load %arg11[%parallel_loop3A_135, %parallel_loop3A_136] {strides = array<i32>} : memref<80x128xf32, #tpu.memory_space<vmem>>, vector<1x16xf32>,
        %parallel_loop3A_138 = vector.shape_cast %parallel_loop3A_137 : vector<1x16xf32> to vector<16xf32>
        %parallel_loop3A_139 = vector.shape_cast %parallel_loop3A_134 : vector<16xf32> to vector<1x16xf32>
        tpu.vector_store %arg11[%parallel_loop3A_135, %parallel_loop3A_136], %parallel_loop3A_139 {strides = array<i32>} : memref<80x128xf32, #tpu.memory_space<vmem>>, vector<1x16xf32>,
        %parallel_loop3A_140 = arith.index_cast %parallel_loop3A_91 : i32 to index
        %parallel_loop3A_141 = arith.constant 48 : index
        %parallel_loop3A_142 = tpu.vector_load %arg11[%parallel_loop3A_140, %parallel_loop3A_141] {strides = array<i32>} : memref<80x128xf32, #tpu.memory_space<vmem>>, vector<1x16xf32>,
        %parallel_loop3A_143 = vector.shape_cast %parallel_loop3A_142 : vector<1x16xf32> to vector<16xf32>
        %parallel_loop3A_144 = arith.constant 80 : i32
        %parallel_loop3A_145 = arith.addi %parallel_loop3A_144, %parallel_loop3A_91 : i32
        %parallel_loop3A_146 = arith.index_cast %parallel_loop3A_145 : i32 to index
        %parallel_loop3A_147 = arith.constant 48 : index
        %parallel_loop3A_148 = tpu.vector_load %arg12[%parallel_loop3A_146, %parallel_loop3A_147] {strides = array<i32>} : memref<160x128xf32, #tpu.memory_space<vmem>>, vector<1x16xf32>,
        %parallel_loop3A_149 = vector.shape_cast %parallel_loop3A_148 : vector<1x16xf32> to vector<16xf32>
        %parallel_loop3A_150 = arith.mulf %parallel_loop3A_143, %parallel_loop3A_149 : vector<16xf32>
        %parallel_loop3A_151 = arith.index_cast %parallel_loop3A_91 : i32 to index
        %parallel_loop3A_152 = arith.constant 48 : index
        %parallel_loop3A_153 = tpu.vector_load %arg11[%parallel_loop3A_151, %parallel_loop3A_152] {strides = array<i32>} : memref<80x128xf32, #tpu.memory_space<vmem>>, vector<1x16xf32>,
        %parallel_loop3A_154 = vector.shape_cast %parallel_loop3A_153 : vector<1x16xf32> to vector<16xf32>
        %parallel_loop3A_155 = vector.shape_cast %parallel_loop3A_150 : vector<16xf32> to vector<1x16xf32>
        tpu.vector_store %arg11[%parallel_loop3A_151, %parallel_loop3A_152], %parallel_loop3A_155 {strides = array<i32>} : memref<80x128xf32, #tpu.memory_space<vmem>>, vector<1x16xf32>,
        %parallel_loop3A_156 = arith.index_cast %parallel_loop3A_91 : i32 to index
        %parallel_loop3A_157 = arith.constant 64 : index
        %parallel_loop3A_158 = tpu.vector_load %arg11[%parallel_loop3A_156, %parallel_loop3A_157] {strides = array<i32>} : memref<80x128xf32, #tpu.memory_space<vmem>>, vector<1x16xf32>,
        %parallel_loop3A_159 = vector.shape_cast %parallel_loop3A_158 : vector<1x16xf32> to vector<16xf32>
        %parallel_loop3A_160 = arith.constant 80 : i32
        %parallel_loop3A_161 = arith.addi %parallel_loop3A_160, %parallel_loop3A_91 : i32
        %parallel_loop3A_162 = arith.index_cast %parallel_loop3A_161 : i32 to index
        %parallel_loop3A_163 = arith.constant 64 : index
        %parallel_loop3A_164 = tpu.vector_load %arg12[%parallel_loop3A_162, %parallel_loop3A_163] {strides = array<i32>} : memref<160x128xf32, #tpu.memory_space<vmem>>, vector<1x16xf32>,
        %parallel_loop3A_165 = vector.shape_cast %parallel_loop3A_164 : vector<1x16xf32> to vector<16xf32>
        %parallel_loop3A_166 = arith.mulf %parallel_loop3A_159, %parallel_loop3A_165 : vector<16xf32>
        %parallel_loop3A_167 = arith.index_cast %parallel_loop3A_91 : i32 to index
        %parallel_loop3A_168 = arith.constant 64 : index
        %parallel_loop3A_169 = tpu.vector_load %arg11[%parallel_loop3A_167, %parallel_loop3A_168] {strides = array<i32>} : memref<80x128xf32, #tpu.memory_space<vmem>>, vector<1x16xf32>,
        %parallel_loop3A_170 = vector.shape_cast %parallel_loop3A_169 : vector<1x16xf32> to vector<16xf32>
        %parallel_loop3A_171 = vector.shape_cast %parallel_loop3A_166 : vector<16xf32> to vector<1x16xf32>
        tpu.vector_store %arg11[%parallel_loop3A_167, %parallel_loop3A_168], %parallel_loop3A_171 {strides = array<i32>} : memref<80x128xf32, #tpu.memory_space<vmem>>, vector<1x16xf32>,
        %parallel_loop3A_172 = arith.index_cast %parallel_loop3A_91 : i32 to index
        %parallel_loop3A_173 = arith.constant 80 : index
        %parallel_loop3A_174 = tpu.vector_load %arg11[%parallel_loop3A_172, %parallel_loop3A_173] {strides = array<i32>} : memref<80x128xf32, #tpu.memory_space<vmem>>, vector<1x16xf32>,
        %parallel_loop3A_175 = vector.shape_cast %parallel_loop3A_174 : vector<1x16xf32> to vector<16xf32>
        %parallel_loop3A_176 = arith.constant 80 : i32
        %parallel_loop3A_177 = arith.addi %parallel_loop3A_176, %parallel_loop3A_91 : i32
        %parallel_loop3A_178 = arith.index_cast %parallel_loop3A_177 : i32 to index
        %parallel_loop3A_179 = arith.constant 80 : index
        %parallel_loop3A_180 = tpu.vector_load %arg12[%parallel_loop3A_178, %parallel_loop3A_179] {strides = array<i32>} : memref<160x128xf32, #tpu.memory_space<vmem>>, vector<1x16xf32>,
        %parallel_loop3A_181 = vector.shape_cast %parallel_loop3A_180 : vector<1x16xf32> to vector<16xf32>
        %parallel_loop3A_182 = arith.mulf %parallel_loop3A_175, %parallel_loop3A_181 : vector<16xf32>
        %parallel_loop3A_183 = arith.index_cast %parallel_loop3A_91 : i32 to index
        %parallel_loop3A_184 = arith.constant 80 : index
        %parallel_loop3A_185 = tpu.vector_load %arg11[%parallel_loop3A_183, %parallel_loop3A_184] {strides = array<i32>} : memref<80x128xf32, #tpu.memory_space<vmem>>, vector<1x16xf32>,
        %parallel_loop3A_186 = vector.shape_cast %parallel_loop3A_185 : vector<1x16xf32> to vector<16xf32>
        %parallel_loop3A_187 = vector.shape_cast %parallel_loop3A_182 : vector<16xf32> to vector<1x16xf32>
        tpu.vector_store %arg11[%parallel_loop3A_183, %parallel_loop3A_184], %parallel_loop3A_187 {strides = array<i32>} : memref<80x128xf32, #tpu.memory_space<vmem>>, vector<1x16xf32>,
        %parallel_loop3A_188 = arith.index_cast %parallel_loop3A_91 : i32 to index
        %parallel_loop3A_189 = arith.constant 96 : index
        %parallel_loop3A_190 = tpu.vector_load %arg11[%parallel_loop3A_188, %parallel_loop3A_189] {strides = array<i32>} : memref<80x128xf32, #tpu.memory_space<vmem>>, vector<1x16xf32>,
        %parallel_loop3A_191 = vector.shape_cast %parallel_loop3A_190 : vector<1x16xf32> to vector<16xf32>
        %parallel_loop3A_192 = arith.constant 80 : i32
        %parallel_loop3A_193 = arith.addi %parallel_loop3A_192, %parallel_loop3A_91 : i32
        %parallel_loop3A_194 = arith.index_cast %parallel_loop3A_193 : i32 to index
        %parallel_loop3A_195 = arith.constant 96 : index
        %parallel_loop3A_196 = tpu.vector_load %arg12[%parallel_loop3A_194, %parallel_loop3A_195] {strides = array<i32>} : memref<160x128xf32, #tpu.memory_space<vmem>>, vector<1x16xf32>,
        %parallel_loop3A_197 = vector.shape_cast %parallel_loop3A_196 : vector<1x16xf32> to vector<16xf32>
        %parallel_loop3A_198 = arith.mulf %parallel_loop3A_191, %parallel_loop3A_197 : vector<16xf32>
        %parallel_loop3A_199 = arith.index_cast %parallel_loop3A_91 : i32 to index
        %parallel_loop3A_200 = arith.constant 96 : index
        %parallel_loop3A_201 = tpu.vector_load %arg11[%parallel_loop3A_199, %parallel_loop3A_200] {strides = array<i32>} : memref<80x128xf32, #tpu.memory_space<vmem>>, vector<1x16xf32>,
        %parallel_loop3A_202 = vector.shape_cast %parallel_loop3A_201 : vector<1x16xf32> to vector<16xf32>
        %parallel_loop3A_203 = vector.shape_cast %parallel_loop3A_198 : vector<16xf32> to vector<1x16xf32>
        tpu.vector_store %arg11[%parallel_loop3A_199, %parallel_loop3A_200], %parallel_loop3A_203 {strides = array<i32>} : memref<80x128xf32, #tpu.memory_space<vmem>>, vector<1x16xf32>,
        %parallel_loop3A_204 = arith.index_cast %parallel_loop3A_91 : i32 to index
        %parallel_loop3A_205 = arith.constant 112 : index
        %parallel_loop3A_206 = tpu.vector_load %arg11[%parallel_loop3A_204, %parallel_loop3A_205] {strides = array<i32>} : memref<80x128xf32, #tpu.memory_space<vmem>>, vector<1x16xf32>,
        %parallel_loop3A_207 = vector.shape_cast %parallel_loop3A_206 : vector<1x16xf32> to vector<16xf32>
        %parallel_loop3A_208 = arith.constant 80 : i32
        %parallel_loop3A_209 = arith.addi %parallel_loop3A_208, %parallel_loop3A_91 : i32
        %parallel_loop3A_210 = arith.index_cast %parallel_loop3A_209 : i32 to index
        %parallel_loop3A_211 = arith.constant 112 : index
        %parallel_loop3A_212 = tpu.vector_load %arg12[%parallel_loop3A_210, %parallel_loop3A_211] {strides = array<i32>} : memref<160x128xf32, #tpu.memory_space<vmem>>, vector<1x16xf32>,
        %parallel_loop3A_213 = vector.shape_cast %parallel_loop3A_212 : vector<1x16xf32> to vector<16xf32>
        %parallel_loop3A_214 = arith.mulf %parallel_loop3A_207, %parallel_loop3A_213 : vector<16xf32>
        %parallel_loop3A_215 = arith.index_cast %parallel_loop3A_91 : i32 to index
        %parallel_loop3A_216 = arith.constant 112 : index
        %parallel_loop3A_217 = tpu.vector_load %arg11[%parallel_loop3A_215, %parallel_loop3A_216] {strides = array<i32>} : memref<80x128xf32, #tpu.memory_space<vmem>>, vector<1x16xf32>,
        %parallel_loop3A_218 = vector.shape_cast %parallel_loop3A_217 : vector<1x16xf32> to vector<16xf32>
        %parallel_loop3A_219 = vector.shape_cast %parallel_loop3A_214 : vector<16xf32> to vector<1x16xf32>
        tpu.vector_store %arg11[%parallel_loop3A_215, %parallel_loop3A_216], %parallel_loop3A_219 {strides = array<i32>} : memref<80x128xf32, #tpu.memory_space<vmem>>, vector<1x16xf32>,
      } {sc.loop_unroll_factor = 2 : i64, sc.parallel_access}
      %dma_start3A_85 = arith.constant 0 : i32
      %dma_start3A_86 = tpu.memref_slice %arg9[%add3A_41, %dma_start3A_85] : memref<32x80xi32, #tpu.memory_space<vmem>> -> memref<1x80xi32, #tpu.memory_space<vmem>>
      %dma_start3A_87 = tpu.memref_squeeze %dma_start3A_86 : memref<1x80xi32, #tpu.memory_space<vmem>> -> memref<80xi32, #tpu.memory_space<vmem>>
      %dma_start3A_88 = arith.constant 0 : i32
      %dma_start3A_89 = arith.constant 0 : i32
      %dma_start3A_90 = tpu.memref_slice %arg13[%dma_start3A_88, %dma_start3A_89] : memref<10000x128xf32, #tpu.memory_space<vmem_shared>> -> memref<10000x128xf32, #tpu.memory_space<vmem_shared>>
      tpu.enqueue_indirect_dma source(%arg11 : memref<80x128xf32, #tpu.memory_space<vmem>>) target(%dma_start3A_90 : memref<10000x128xf32, #tpu.memory_space<vmem_shared>>) offsets(%dma_start3A_87 : memref<80xi32, #tpu.memory_space<vmem>>) semaphore(%arg17 : memref<!tpu.dma_semaphore, #tpu.memory_space<semaphore_mem>>) {add = true}
    }
    %scan3A_13 = arith.constant 16 : i32
    %dma_wait3A = arith.constant 30 : i32
    %dma_wait3A_14 = arith.constant 0 : i32
    %dma_wait3A_15 = tpu.memref_slice %arg9[%dma_wait3A, %dma_wait3A_14] : memref<32x80xi32, #tpu.memory_space<vmem>> -> memref<1x80xi32, #tpu.memory_space<vmem>>
    %dma_wait3A_16 = tpu.memref_squeeze %dma_wait3A_15 : memref<1x80xi32, #tpu.memory_space<vmem>> -> memref<80xi32, #tpu.memory_space<vmem>>
    %dma_wait3A_17 = arith.constant 0 : i32
    %dma_wait3A_18 = arith.constant 0 : i32
    %dma_wait3A_19 = tpu.memref_slice %arg13[%dma_wait3A_17, %dma_wait3A_18] : memref<10000x128xf32, #tpu.memory_space<vmem_shared>> -> memref<10000x128xf32, #tpu.memory_space<vmem_shared>>
    tpu.wait_indirect_dma semaphore(%arg16 : memref<!tpu.dma_semaphore, #tpu.memory_space<semaphore_mem>>) src(%arg10 : memref<80x128xf32, #tpu.memory_space<vmem>>) dst(%dma_wait3A_19 : memref<10000x128xf32, #tpu.memory_space<vmem_shared>>)
    %dma_wait3A_20 = arith.constant 31 : i32
    %dma_wait3A_21 = arith.constant 0 : i32
    %dma_wait3A_22 = tpu.memref_slice %arg9[%dma_wait3A_20, %dma_wait3A_21] : memref<32x80xi32, #tpu.memory_space<vmem>> -> memref<1x80xi32, #tpu.memory_space<vmem>>
    %dma_wait3A_23 = tpu.memref_squeeze %dma_wait3A_22 : memref<1x80xi32, #tpu.memory_space<vmem>> -> memref<80xi32, #tpu.memory_space<vmem>>
    %dma_wait3A_24 = arith.constant 0 : i32
    %dma_wait3A_25 = arith.constant 0 : i32
    %dma_wait3A_26 = tpu.memref_slice %arg13[%dma_wait3A_24, %dma_wait3A_25] : memref<10000x128xf32, #tpu.memory_space<vmem_shared>> -> memref<10000x128xf32, #tpu.memory_space<vmem_shared>>
    tpu.wait_indirect_dma semaphore(%arg17 : memref<!tpu.dma_semaphore, #tpu.memory_space<semaphore_mem>>) src(%arg11 : memref<80x128xf32, #tpu.memory_space<vmem>>) dst(%dma_wait3A_26 : memref<10000x128xf32, #tpu.memory_space<vmem_shared>>)
    %barrier3A_27 = arith.constant 0 : index
    tpu.barrier barrier_id(%barrier3A_27)
    %mul3A_28 = arith.constant 624 : i32
    %mul3A_29 = arith.muli %arg1, %mul3A_28 : i32
    %mul3A_30 = arith.constant 624 : i32
    %mul3A_31 = arith.muli %arg1, %mul3A_30 : i32
    "tpu.region"() ({
      %run_scoped3A = tpu.sem_alloc : memref<!tpu.dma_semaphore, #tpu.memory_space<semaphore_mem>>
      %dma_start3A = arith.constant 0 : i32
      %dma_start3A_37 = tpu.memref_slice %arg7[%arg0, %mul3A_31, %dma_start3A] : memref<2x10000x128xf32, #tpu.memory_space<hbm>> -> memref<1x624x128xf32, #tpu.memory_space<hbm>>
      %dma_start3A_38 = tpu.memref_squeeze %dma_start3A_37 : memref<1x624x128xf32, #tpu.memory_space<hbm>> -> memref<624x128xf32, #tpu.memory_space<hbm>>
      %dma_start3A_39 = arith.constant 0 : i32
      %dma_start3A_40 = tpu.memref_slice %arg13[%mul3A_29, %dma_start3A_39] : memref<10000x128xf32, #tpu.memory_space<vmem_shared>> -> memref<624x128xf32, #tpu.memory_space<vmem_shared>>
      tpu.enqueue_dma source(%dma_start3A_40 : memref<624x128xf32, #tpu.memory_space<vmem_shared>>) target(%dma_start3A_38 : memref<624x128xf32, #tpu.memory_space<hbm>>) target_semaphore(%run_scoped3A : memref<!tpu.dma_semaphore, #tpu.memory_space<semaphore_mem>>)
      %dma_wait3A_41 = arith.constant 0 : i32
      %dma_wait3A_42 = tpu.memref_slice %arg7[%arg0, %mul3A_31, %dma_wait3A_41] : memref<2x10000x128xf32, #tpu.memory_space<hbm>> -> memref<1x624x128xf32, #tpu.memory_space<hbm>>
      %dma_wait3A_43 = tpu.memref_squeeze %dma_wait3A_42 : memref<1x624x128xf32, #tpu.memory_space<hbm>> -> memref<624x128xf32, #tpu.memory_space<hbm>>
      %dma_wait3A_44 = arith.constant 0 : i32
      %dma_wait3A_45 = tpu.memref_slice %arg13[%mul3A_29, %dma_wait3A_44] : memref<10000x128xf32, #tpu.memory_space<vmem_shared>> -> memref<624x128xf32, #tpu.memory_space<vmem_shared>>
      tpu.wait_dma2 semaphore(%run_scoped3A : memref<!tpu.dma_semaphore, #tpu.memory_space<semaphore_mem>>) src(%dma_wait3A_45 : memref<624x128xf32, #tpu.memory_space<vmem_shared>>) dst(%dma_wait3A_43 : memref<624x128xf32, #tpu.memory_space<hbm>>)
      tpu.yield
    }) : () -> ()
    %eq3A_32 = arith.constant 15 : i32
    %eq3A_33 = arith.cmpi eq, %arg1, %eq3A_32 : i32
    %convert_element_type3A_34 = arith.extui %eq3A_33 : i1 to i32
    %cond3A_35 = arith.constant 0 : i32
    %cond3A_36 = arith.cmpi ne, %convert_element_type3A_34, %cond3A_35 : i32
    scf.if %cond3A_36 {
      "tpu.region"() ({
        %run_scoped3A = tpu.sem_alloc : memref<!tpu.dma_semaphore, #tpu.memory_space<semaphore_mem>>
        %dma_start3A = arith.constant 9984 : i32
        %dma_start3A_37 = arith.constant 0 : i32
        %dma_start3A_38 = tpu.memref_slice %arg7[%arg0, %dma_start3A, %dma_start3A_37] : memref<2x10000x128xf32, #tpu.memory_space<hbm>> -> memref<1x16x128xf32, #tpu.memory_space<hbm>>
        %dma_start3A_39 = tpu.memref_squeeze %dma_start3A_38 : memref<1x16x128xf32, #tpu.memory_space<hbm>> -> memref<16x128xf32, #tpu.memory_space<hbm>>
        %dma_start3A_40 = arith.constant 9984 : i32
        %dma_start3A_41 = arith.constant 0 : i32
        %dma_start3A_42 = tpu.memref_slice %arg13[%dma_start3A_40, %dma_start3A_41] : memref<10000x128xf32, #tpu.memory_space<vmem_shared>> -> memref<16x128xf32, #tpu.memory_space<vmem_shared>>
        tpu.enqueue_dma source(%dma_start3A_42 : memref<16x128xf32, #tpu.memory_space<vmem_shared>>) target(%dma_start3A_39 : memref<16x128xf32, #tpu.memory_space<hbm>>) target_semaphore(%run_scoped3A : memref<!tpu.dma_semaphore, #tpu.memory_space<semaphore_mem>>)
        %dma_wait3A_43 = arith.constant 9984 : i32
        %dma_wait3A_44 = arith.constant 0 : i32
        %dma_wait3A_45 = tpu.memref_slice %arg7[%arg0, %dma_wait3A_43, %dma_wait3A_44] : memref<2x10000x128xf32, #tpu.memory_space<hbm>> -> memref<1x16x128xf32, #tpu.memory_space<hbm>>
        %dma_wait3A_46 = tpu.memref_squeeze %dma_wait3A_45 : memref<1x16x128xf32, #tpu.memory_space<hbm>> -> memref<16x128xf32, #tpu.memory_space<hbm>>
        %dma_wait3A_47 = arith.constant 9984 : i32
        %dma_wait3A_48 = arith.constant 0 : i32
        %dma_wait3A_49 = tpu.memref_slice %arg13[%dma_wait3A_47, %dma_wait3A_48] : memref<10000x128xf32, #tpu.memory_space<vmem_shared>> -> memref<16x128xf32, #tpu.memory_space<vmem_shared>>
        tpu.wait_dma2 semaphore(%run_scoped3A : memref<!tpu.dma_semaphore, #tpu.memory_space<semaphore_mem>>) src(%dma_wait3A_49 : memref<16x128xf32, #tpu.memory_space<vmem_shared>>) dst(%dma_wait3A_46 : memref<16x128xf32, #tpu.memory_space<hbm>>)
        tpu.yield
      }) : () -> ()
    } else {
    }
    return
  }
}

#map = affine_map<(d0, d1) -> (0, 0)>
#map1 = affine_map<(d0, d1) -> (0, 0, 0)>
module attributes {stable_mosaic.version = 14 : i64} {
  func.func @k(%arg0: i32, %arg1: i32, %arg2: memref<10000x128xf32, #tpu.memory_space<hbm>>, %arg3: memref<81920x128xf32, #tpu.memory_space<hbm>>, %arg4: memref<32x32x80xi32, #tpu.memory_space<hbm>>, %arg5: memref<32x32x80xi32, #tpu.memory_space<hbm>>, %arg6: memref<2x10000x128xf32, #tpu.memory_space<hbm>>, %arg7: memref<2x10000x128xf32, #tpu.memory_space<hbm>>, %arg8: memref<32x80xi32, #tpu.memory_space<vmem>>, %arg9: memref<32x80xi32, #tpu.memory_space<vmem>>, %arg10: memref<80x128xf32, #tpu.memory_space<vmem>>, %arg11: memref<80x128xf32, #tpu.memory_space<vmem>>, %arg12: memref<160x128xf32, #tpu.memory_space<vmem>>, %arg13: memref<10000x128xf32, #tpu.memory_space<vmem_shared>>, %arg14: memref<!tpu.dma_semaphore, #tpu.memory_space<semaphore_mem>>, %arg15: memref<!tpu.dma_semaphore, #tpu.memory_space<semaphore_mem>>, %arg16: memref<!tpu.dma_semaphore, #tpu.memory_space<semaphore_mem>>, %arg17: memref<!tpu.dma_semaphore, #tpu.memory_space<semaphore_mem>>) attributes {dimension_semantics = [#tpu.dimension_semantics<core_parallel>, #tpu.dimension_semantics<subcore_parallel>], iteration_bounds = array<i64: 2, 16>, scalar_prefetch = 0 : i64, scratch_operands = 10 : i64, tpu.core_type = #tpu.core_type<sc_vector_subcore>, window_params = [{transform_indices = #map}, {transform_indices = #map}, {transform_indices = #map1}, {transform_indices = #map1}, {transform_indices = #map1}, {transform_indices = #map1}]} {
    %mul3A = arith.constant 16 : i32
    %mul3A_0 = arith.muli %arg0, %mul3A : i32
    %add3A = arith.addi %mul3A_0, %arg1 : i32
    %mul3A_1 = arith.constant 624 : i32
    %mul3A_2 = arith.muli %arg1, %mul3A_1 : i32
    %mul3A_3 = arith.constant 624 : i32
    %mul3A_4 = arith.muli %arg1, %mul3A_3 : i32
    "tpu.region"() ({
      %run_scoped3A = tpu.sem_alloc : memref<!tpu.dma_semaphore, #tpu.memory_space<semaphore_mem>>
      %dma_start3A = arith.constant 0 : i32
      %dma_start3A_37 = tpu.memref_slice %arg13[%mul3A_4, %dma_start3A] : memref<10000x128xf32, #tpu.memory_space<vmem_shared>> -> memref<624x128xf32, #tpu.memory_space<vmem_shared>>
      %dma_start3A_38 = arith.constant 0 : i32
      %dma_start3A_39 = tpu.memref_slice %arg6[%arg0, %mul3A_2, %dma_start3A_38] : memref<2x10000x128xf32, #tpu.memory_space<hbm>> -> memref<1x624x128xf32, #tpu.memory_space<hbm>>
      %dma_start3A_40 = tpu.memref_squeeze %dma_start3A_39 : memref<1x624x128xf32, #tpu.memory_space<hbm>> -> memref<624x128xf32, #tpu.memory_space<hbm>>
      tpu.enqueue_dma source(%dma_start3A_40 : memref<624x128xf32, #tpu.memory_space<hbm>>) target(%dma_start3A_37 : memref<624x128xf32, #tpu.memory_space<vmem_shared>>) target_semaphore(%run_scoped3A : memref<!tpu.dma_semaphore, #tpu.memory_space<semaphore_mem>>)
      %dma_wait3A_41 = arith.constant 0 : i32
      %dma_wait3A_42 = tpu.memref_slice %arg13[%mul3A_4, %dma_wait3A_41] : memref<10000x128xf32, #tpu.memory_space<vmem_shared>> -> memref<624x128xf32, #tpu.memory_space<vmem_shared>>
      %dma_wait3A_43 = arith.constant 0 : i32
      %dma_wait3A_44 = tpu.memref_slice %arg6[%arg0, %mul3A_2, %dma_wait3A_43] : memref<2x10000x128xf32, #tpu.memory_space<hbm>> -> memref<1x624x128xf32, #tpu.memory_space<hbm>>
      %dma_wait3A_45 = tpu.memref_squeeze %dma_wait3A_44 : memref<1x624x128xf32, #tpu.memory_space<hbm>> -> memref<624x128xf32, #tpu.memory_space<hbm>>
      tpu.wait_dma2 semaphore(%run_scoped3A : memref<!tpu.dma_semaphore, #tpu.memory_space<semaphore_mem>>) src(%dma_wait3A_45 : memref<624x128xf32, #tpu.memory_space<hbm>>) dst(%dma_wait3A_42 : memref<624x128xf32, #tpu.memory_space<vmem_shared>>)
      tpu.yield
    }) : () -> ()
    %eq3A = arith.constant 15 : i32
    %eq3A_5 = arith.cmpi eq, %arg1, %eq3A : i32
    %convert_element_type3A = arith.extui %eq3A_5 : i1 to i32
    %cond3A = arith.constant 0 : i32
    %cond3A_6 = arith.cmpi ne, %convert_element_type3A, %cond3A : i32
    scf.if %cond3A_6 {
      "tpu.region"() ({
        %run_scoped3A = tpu.sem_alloc : memref<!tpu.dma_semaphore, #tpu.memory_space<semaphore_mem>>
        %dma_start3A = arith.constant 9984 : i32
        %dma_start3A_37 = arith.constant 0 : i32
        %dma_start3A_38 = tpu.memref_slice %arg13[%dma_start3A, %dma_start3A_37] : memref<10000x128xf32, #tpu.memory_space<vmem_shared>> -> memref<16x128xf32, #tpu.memory_space<vmem_shared>>
        %dma_start3A_39 = arith.constant 9984 : i32
        %dma_start3A_40 = arith.constant 0 : i32
        %dma_start3A_41 = tpu.memref_slice %arg6[%arg0, %dma_start3A_39, %dma_start3A_40] : memref<2x10000x128xf32, #tpu.memory_space<hbm>> -> memref<1x16x128xf32, #tpu.memory_space<hbm>>
        %dma_start3A_42 = tpu.memref_squeeze %dma_start3A_41 : memref<1x16x128xf32, #tpu.memory_space<hbm>> -> memref<16x128xf32, #tpu.memory_space<hbm>>
        tpu.enqueue_dma source(%dma_start3A_42 : memref<16x128xf32, #tpu.memory_space<hbm>>) target(%dma_start3A_38 : memref<16x128xf32, #tpu.memory_space<vmem_shared>>) target_semaphore(%run_scoped3A : memref<!tpu.dma_semaphore, #tpu.memory_space<semaphore_mem>>)
        %dma_wait3A_43 = arith.constant 9984 : i32
        %dma_wait3A_44 = arith.constant 0 : i32
        %dma_wait3A_45 = tpu.memref_slice %arg13[%dma_wait3A_43, %dma_wait3A_44] : memref<10000x128xf32, #tpu.memory_space<vmem_shared>> -> memref<16x128xf32, #tpu.memory_space<vmem_shared>>
        %dma_wait3A_46 = arith.constant 9984 : i32
        %dma_wait3A_47 = arith.constant 0 : i32
        %dma_wait3A_48 = tpu.memref_slice %arg6[%arg0, %dma_wait3A_46, %dma_wait3A_47] : memref<2x10000x128xf32, #tpu.memory_space<hbm>> -> memref<1x16x128xf32, #tpu.memory_space<hbm>>
        %dma_wait3A_49 = tpu.memref_squeeze %dma_wait3A_48 : memref<1x16x128xf32, #tpu.memory_space<hbm>> -> memref<16x128xf32, #tpu.memory_space<hbm>>
        tpu.wait_dma2 semaphore(%run_scoped3A : memref<!tpu.dma_semaphore, #tpu.memory_space<semaphore_mem>>) src(%dma_wait3A_49 : memref<16x128xf32, #tpu.memory_space<hbm>>) dst(%dma_wait3A_45 : memref<16x128xf32, #tpu.memory_space<vmem_shared>>)
        tpu.yield
      }) : () -> ()
    } else {
    }
    %barrier3A = arith.constant 0 : index
    tpu.barrier barrier_id(%barrier3A)
    %mul3A_7 = arith.constant 2560 : i32
    %mul3A_8 = arith.muli %add3A, %mul3A_7 : i32
    "tpu.region"() ({
      %run_scoped3A = tpu.sem_alloc : memref<!tpu.dma_semaphore, #tpu.memory_space<semaphore_mem>>
      %dma_start3A = arith.constant 0 : i32
      %dma_start3A_37 = arith.constant 0 : i32
      %dma_start3A_38 = tpu.memref_slice %arg4[%add3A, %dma_start3A, %dma_start3A_37] : memref<32x32x80xi32, #tpu.memory_space<hbm>> -> memref<1x32x80xi32, #tpu.memory_space<hbm>>
      %dma_start3A_39 = tpu.memref_squeeze %dma_start3A_38 : memref<1x32x80xi32, #tpu.memory_space<hbm>> -> memref<32x80xi32, #tpu.memory_space<hbm>>
      %dma_start3A_40 = arith.constant 0 : i32
      %dma_start3A_41 = arith.constant 0 : i32
      %dma_start3A_42 = tpu.memref_slice %arg4[%add3A, %dma_start3A_40, %dma_start3A_41] : memref<32x32x80xi32, #tpu.memory_space<hbm>> -> memref<1x32x80xi32, #tpu.memory_space<hbm>>
      %dma_start3A_43 = tpu.memref_squeeze %dma_start3A_42 : memref<1x32x80xi32, #tpu.memory_space<hbm>> -> memref<32x80xi32, #tpu.memory_space<hbm>>
      tpu.enqueue_dma source(%dma_start3A_43 : memref<32x80xi32, #tpu.memory_space<hbm>>) target(%arg8 : memref<32x80xi32, #tpu.memory_space<vmem>>) target_semaphore(%run_scoped3A : memref<!tpu.dma_semaphore, #tpu.memory_space<semaphore_mem>>)
      %dma_wait3A_44 = arith.constant 0 : i32
      %dma_wait3A_45 = arith.constant 0 : i32
      %dma_wait3A_46 = tpu.memref_slice %arg4[%add3A, %dma_wait3A_44, %dma_wait3A_45] : memref<32x32x80xi32, #tpu.memory_space<hbm>> -> memref<1x32x80xi32, #tpu.memory_space<hbm>>
      %dma_wait3A_47 = tpu.memref_squeeze %dma_wait3A_46 : memref<1x32x80xi32, #tpu.memory_space<hbm>> -> memref<32x80xi32, #tpu.memory_space<hbm>>
      %dma_wait3A_48 = arith.constant 0 : i32
      %dma_wait3A_49 = arith.constant 0 : i32
      %dma_wait3A_50 = tpu.memref_slice %arg4[%add3A, %dma_wait3A_48, %dma_wait3A_49] : memref<32x32x80xi32, #tpu.memory_space<hbm>> -> memref<1x32x80xi32, #tpu.memory_space<hbm>>
      %dma_wait3A_51 = tpu.memref_squeeze %dma_wait3A_50 : memref<1x32x80xi32, #tpu.memory_space<hbm>> -> memref<32x80xi32, #tpu.memory_space<hbm>>
      tpu.wait_dma2 semaphore(%run_scoped3A : memref<!tpu.dma_semaphore, #tpu.memory_space<semaphore_mem>>) src(%dma_wait3A_51 : memref<32x80xi32, #tpu.memory_space<hbm>>) dst(%arg8 : memref<32x80xi32, #tpu.memory_space<vmem>>)
      tpu.yield
    }) : () -> ()
    "tpu.region"() ({
      %run_scoped3A = tpu.sem_alloc : memref<!tpu.dma_semaphore, #tpu.memory_space<semaphore_mem>>
      %dma_start3A = arith.constant 0 : i32
      %dma_start3A_37 = arith.constant 0 : i32
      %dma_start3A_38 = tpu.memref_slice %arg5[%add3A, %dma_start3A, %dma_start3A_37] : memref<32x32x80xi32, #tpu.memory_space<hbm>> -> memref<1x32x80xi32, #tpu.memory_space<hbm>>
      %dma_start3A_39 = tpu.memref_squeeze %dma_start3A_38 : memref<1x32x80xi32, #tpu.memory_space<hbm>> -> memref<32x80xi32, #tpu.memory_space<hbm>>
      %dma_start3A_40 = arith.constant 0 : i32
      %dma_start3A_41 = arith.constant 0 : i32
      %dma_start3A_42 = tpu.memref_slice %arg5[%add3A, %dma_start3A_40, %dma_start3A_41] : memref<32x32x80xi32, #tpu.memory_space<hbm>> -> memref<1x32x80xi32, #tpu.memory_space<hbm>>
      %dma_start3A_43 = tpu.memref_squeeze %dma_start3A_42 : memref<1x32x80xi32, #tpu.memory_space<hbm>> -> memref<32x80xi32, #tpu.memory_space<hbm>>
      tpu.enqueue_dma source(%dma_start3A_43 : memref<32x80xi32, #tpu.memory_space<hbm>>) target(%arg9 : memref<32x80xi32, #tpu.memory_space<vmem>>) target_semaphore(%run_scoped3A : memref<!tpu.dma_semaphore, #tpu.memory_space<semaphore_mem>>)
      %dma_wait3A_44 = arith.constant 0 : i32
      %dma_wait3A_45 = arith.constant 0 : i32
      %dma_wait3A_46 = tpu.memref_slice %arg5[%add3A, %dma_wait3A_44, %dma_wait3A_45] : memref<32x32x80xi32, #tpu.memory_space<hbm>> -> memref<1x32x80xi32, #tpu.memory_space<hbm>>
      %dma_wait3A_47 = tpu.memref_squeeze %dma_wait3A_46 : memref<1x32x80xi32, #tpu.memory_space<hbm>> -> memref<32x80xi32, #tpu.memory_space<hbm>>
      %dma_wait3A_48 = arith.constant 0 : i32
      %dma_wait3A_49 = arith.constant 0 : i32
      %dma_wait3A_50 = tpu.memref_slice %arg5[%add3A, %dma_wait3A_48, %dma_wait3A_49] : memref<32x32x80xi32, #tpu.memory_space<hbm>> -> memref<1x32x80xi32, #tpu.memory_space<hbm>>
      %dma_wait3A_51 = tpu.memref_squeeze %dma_wait3A_50 : memref<1x32x80xi32, #tpu.memory_space<hbm>> -> memref<32x80xi32, #tpu.memory_space<hbm>>
      tpu.wait_dma2 semaphore(%run_scoped3A : memref<!tpu.dma_semaphore, #tpu.memory_space<semaphore_mem>>) src(%dma_wait3A_51 : memref<32x80xi32, #tpu.memory_space<hbm>>) dst(%arg9 : memref<32x80xi32, #tpu.memory_space<vmem>>)
      tpu.yield
    }) : () -> ()
    %scan3A = arith.constant 0 : i32
    %scan3A_9 = arith.constant 0 : i32
    %scan3A_10 = arith.constant 16 : i32
    %scan3A_11 = arith.addi %scan3A_9, %scan3A_10 : i32
    %scan3A_12 = arith.constant 1 : i32
    scf.for %scan3A_37 = %scan3A_9 to %scan3A_11 step %scan3A_12  : i32 {
      %mul3A_38 = arith.constant 2 : i32
      %mul3A_39 = arith.muli %mul3A_38, %scan3A_37 : i32
      %add3A_40 = arith.constant 1 : i32
      %add3A_41 = arith.addi %mul3A_39, %add3A_40 : i32
      %mul3A_42 = arith.constant 80 : i32
      %mul3A_43 = arith.muli %mul3A_39, %mul3A_42 : i32
      %add3A_44 = arith.addi %mul3A_8, %mul3A_43 : i32
      %add3A_45 = arith.constant 80 : i32
      %add3A_46 = arith.addi %add3A_44, %add3A_45 : i32
      %gt3A = arith.constant 0 : i32
      %gt3A_47 = arith.cmpi sgt, %scan3A_37, %gt3A : i32
      %convert_element_type3A_48 = arith.extui %gt3A_47 : i1 to i32
      %cond3A_49 = arith.constant 0 : i32
      %cond3A_50 = arith.cmpi ne, %convert_element_type3A_48, %cond3A_49 : i32
      scf.if %cond3A_50 {
        %sub3A = arith.constant 2 : i32
        %sub3A_91 = arith.subi %mul3A_39, %sub3A : i32
        %sub3A_92 = arith.constant 2 : i32
        %sub3A_93 = arith.subi %add3A_41, %sub3A_92 : i32
        %dma_wait3A_94 = arith.constant 0 : i32
        %dma_wait3A_95 = tpu.memref_slice %arg9[%sub3A_91, %dma_wait3A_94] : memref<32x80xi32, #tpu.memory_space<vmem>> -> memref<1x80xi32, #tpu.memory_space<vmem>>
        %dma_wait3A_96 = tpu.memref_squeeze %dma_wait3A_95 : memref<1x80xi32, #tpu.memory_space<vmem>> -> memref<80xi32, #tpu.memory_space<vmem>>
        %dma_wait3A_97 = arith.constant 0 : i32
        %dma_wait3A_98 = arith.constant 0 : i32
        %dma_wait3A_99 = tpu.memref_slice %arg13[%dma_wait3A_97, %dma_wait3A_98] : memref<10000x128xf32, #tpu.memory_space<vmem_shared>> -> memref<10000x128xf32, #tpu.memory_space<vmem_shared>>
        tpu.wait_indirect_dma semaphore(%arg16 : memref<!tpu.dma_semaphore, #tpu.memory_space<semaphore_mem>>) src(%arg10 : memref<80x128xf32, #tpu.memory_space<vmem>>) dst(%dma_wait3A_99 : memref<10000x128xf32, #tpu.memory_space<vmem_shared>>)
        %dma_wait3A_100 = arith.constant 0 : i32
        %dma_wait3A_101 = tpu.memref_slice %arg9[%sub3A_93, %dma_wait3A_100] : memref<32x80xi32, #tpu.memory_space<vmem>> -> memref<1x80xi32, #tpu.memory_space<vmem>>
        %dma_wait3A_102 = tpu.memref_squeeze %dma_wait3A_101 : memref<1x80xi32, #tpu.memory_space<vmem>> -> memref<80xi32, #tpu.memory_space<vmem>>
        %dma_wait3A_103 = arith.constant 0 : i32
        %dma_wait3A_104 = arith.constant 0 : i32
        %dma_wait3A_105 = tpu.memref_slice %arg13[%dma_wait3A_103, %dma_wait3A_104] : memref<10000x128xf32, #tpu.memory_space<vmem_shared>> -> memref<10000x128xf32, #tpu.memory_space<vmem_shared>>
        tpu.wait_indirect_dma semaphore(%arg17 : memref<!tpu.dma_semaphore, #tpu.memory_space<semaphore_mem>>) src(%arg11 : memref<80x128xf32, #tpu.memory_space<vmem>>) dst(%dma_wait3A_105 : memref<10000x128xf32, #tpu.memory_space<vmem_shared>>)
      } else {
      }
      %dma_start3A = arith.constant 0 : i32
      %dma_start3A_51 = tpu.memref_slice %arg8[%mul3A_39, %dma_start3A] : memref<32x80xi32, #tpu.memory_space<vmem>> -> memref<1x80xi32, #tpu.memory_space<vmem>>
      %dma_start3A_52 = tpu.memref_squeeze %dma_start3A_51 : memref<1x80xi32, #tpu.memory_space<vmem>> -> memref<80xi32, #tpu.memory_space<vmem>>
      %dma_start3A_53 = arith.constant 0 : i32
      %dma_start3A_54 = arith.constant 0 : i32
      %dma_start3A_55 = tpu.memref_slice %arg2[%dma_start3A_53, %dma_start3A_54] : memref<10000x128xf32, #tpu.memory_space<hbm>> -> memref<10000x128xf32, #tpu.memory_space<hbm>>
      tpu.enqueue_indirect_dma source(%dma_start3A_55 : memref<10000x128xf32, #tpu.memory_space<hbm>>) target(%arg10 : memref<80x128xf32, #tpu.memory_space<vmem>>) offsets(%dma_start3A_52 : memref<80xi32, #tpu.memory_space<vmem>>) semaphore(%arg14 : memref<!tpu.dma_semaphore, #tpu.memory_space<semaphore_mem>>)
      %dma_start3A_56 = arith.constant 0 : i32
      %dma_start3A_57 = tpu.memref_slice %arg8[%add3A_41, %dma_start3A_56] : memref<32x80xi32, #tpu.memory_space<vmem>> -> memref<1x80xi32, #tpu.memory_space<vmem>>
      %dma_start3A_58 = tpu.memref_squeeze %dma_start3A_57 : memref<1x80xi32, #tpu.memory_space<vmem>> -> memref<80xi32, #tpu.memory_space<vmem>>
      %dma_start3A_59 = arith.constant 0 : i32
      %dma_start3A_60 = arith.constant 0 : i32
      %dma_start3A_61 = tpu.memref_slice %arg2[%dma_start3A_59, %dma_start3A_60] : memref<10000x128xf32, #tpu.memory_space<hbm>> -> memref<10000x128xf32, #tpu.memory_space<hbm>>
      tpu.enqueue_indirect_dma source(%dma_start3A_61 : memref<10000x128xf32, #tpu.memory_space<hbm>>) target(%arg11 : memref<80x128xf32, #tpu.memory_space<vmem>>) offsets(%dma_start3A_58 : memref<80xi32, #tpu.memory_space<vmem>>) semaphore(%arg15 : memref<!tpu.dma_semaphore, #tpu.memory_space<semaphore_mem>>)
      "tpu.region"() ({
        %run_scoped3A = tpu.sem_alloc : memref<!tpu.dma_semaphore, #tpu.memory_space<semaphore_mem>>
        %dma_start3A_91 = arith.constant 0 : i32
        %dma_start3A_92 = tpu.memref_slice %arg3[%add3A_44, %dma_start3A_91] : memref<81920x128xf32, #tpu.memory_space<hbm>> -> memref<160x128xf32, #tpu.memory_space<hbm>>
        %dma_start3A_93 = arith.constant 0 : i32
        %dma_start3A_94 = tpu.memref_slice %arg3[%add3A_44, %dma_start3A_93] : memref<81920x128xf32, #tpu.memory_space<hbm>> -> memref<160x128xf32, #tpu.memory_space<hbm>>
        tpu.enqueue_dma source(%dma_start3A_94 : memref<160x128xf32, #tpu.memory_space<hbm>>) target(%arg12 : memref<160x128xf32, #tpu.memory_space<vmem>>) target_semaphore(%run_scoped3A : memref<!tpu.dma_semaphore, #tpu.memory_space<semaphore_mem>>)
        %dma_wait3A_95 = arith.constant 0 : i32
        %dma_wait3A_96 = tpu.memref_slice %arg3[%add3A_44, %dma_wait3A_95] : memref<81920x128xf32, #tpu.memory_space<hbm>> -> memref<160x128xf32, #tpu.memory_space<hbm>>
        %dma_wait3A_97 = arith.constant 0 : i32
        %dma_wait3A_98 = tpu.memref_slice %arg3[%add3A_44, %dma_wait3A_97] : memref<81920x128xf32, #tpu.memory_space<hbm>> -> memref<160x128xf32, #tpu.memory_space<hbm>>
        tpu.wait_dma2 semaphore(%run_scoped3A : memref<!tpu.dma_semaphore, #tpu.memory_space<semaphore_mem>>) src(%dma_wait3A_98 : memref<160x128xf32, #tpu.memory_space<hbm>>) dst(%arg12 : memref<160x128xf32, #tpu.memory_space<vmem>>)
        tpu.yield
      }) : () -> ()
      %dma_wait3A_62 = arith.constant 0 : i32
      %dma_wait3A_63 = tpu.memref_slice %arg8[%mul3A_39, %dma_wait3A_62] : memref<32x80xi32, #tpu.memory_space<vmem>> -> memref<1x80xi32, #tpu.memory_space<vmem>>
      %dma_wait3A_64 = tpu.memref_squeeze %dma_wait3A_63 : memref<1x80xi32, #tpu.memory_space<vmem>> -> memref<80xi32, #tpu.memory_space<vmem>>
      %dma_wait3A_65 = arith.constant 0 : i32
      %dma_wait3A_66 = arith.constant 0 : i32
      %dma_wait3A_67 = tpu.memref_slice %arg2[%dma_wait3A_65, %dma_wait3A_66] : memref<10000x128xf32, #tpu.memory_space<hbm>> -> memref<10000x128xf32, #tpu.memory_space<hbm>>
      tpu.wait_indirect_dma semaphore(%arg14 : memref<!tpu.dma_semaphore, #tpu.memory_space<semaphore_mem>>) src(%dma_wait3A_67 : memref<10000x128xf32, #tpu.memory_space<hbm>>) dst(%arg10 : memref<80x128xf32, #tpu.memory_space<vmem>>)
      %parallel_loop3A = arith.constant 0 : i32
      %parallel_loop3A_68 = arith.constant 80 : i32
      %parallel_loop3A_69 = arith.constant 1 : i32
      scf.for %parallel_loop3A_91 = %parallel_loop3A to %parallel_loop3A_68 step %parallel_loop3A_69  : i32 {
        %parallel_loop3A_92 = arith.index_cast %parallel_loop3A_91 : i32 to index
        %parallel_loop3A_93 = arith.constant 0 : index
        %parallel_loop3A_94 = tpu.vector_load %arg10[%parallel_loop3A_92, %parallel_loop3A_93] {strides = array<i32>} : memref<80x128xf32, #tpu.memory_space<vmem>>, vector<1x16xf32>,
        %parallel_loop3A_95 = vector.shape_cast %parallel_loop3A_94 : vector<1x16xf32> to vector<16xf32>
        %parallel_loop3A_96 = arith.constant 0 : i32
        %parallel_loop3A_97 = arith.addi %parallel_loop3A_96, %parallel_loop3A_91 : i32
        %parallel_loop3A_98 = arith.index_cast %parallel_loop3A_97 : i32 to index
        %parallel_loop3A_99 = arith.constant 0 : index
        %parallel_loop3A_100 = tpu.vector_load %arg12[%parallel_loop3A_98, %parallel_loop3A_99] {strides = array<i32>} : memref<160x128xf32, #tpu.memory_space<vmem>>, vector<1x16xf32>,
        %parallel_loop3A_101 = vector.shape_cast %parallel_loop3A_100 : vector<1x16xf32> to vector<16xf32>
        %parallel_loop3A_102 = arith.mulf %parallel_loop3A_95, %parallel_loop3A_101 : vector<16xf32>
        %parallel_loop3A_103 = arith.index_cast %parallel_loop3A_91 : i32 to index
        %parallel_loop3A_104 = arith.constant 0 : index
        %parallel_loop3A_105 = tpu.vector_load %arg10[%parallel_loop3A_103, %parallel_loop3A_104] {strides = array<i32>} : memref<80x128xf32, #tpu.memory_space<vmem>>, vector<1x16xf32>,
        %parallel_loop3A_106 = vector.shape_cast %parallel_loop3A_105 : vector<1x16xf32> to vector<16xf32>
        %parallel_loop3A_107 = vector.shape_cast %parallel_loop3A_102 : vector<16xf32> to vector<1x16xf32>
        tpu.vector_store %arg10[%parallel_loop3A_103, %parallel_loop3A_104], %parallel_loop3A_107 {strides = array<i32>} : memref<80x128xf32, #tpu.memory_space<vmem>>, vector<1x16xf32>,
        %parallel_loop3A_108 = arith.index_cast %parallel_loop3A_91 : i32 to index
        %parallel_loop3A_109 = arith.constant 16 : index
        %parallel_loop3A_110 = tpu.vector_load %arg10[%parallel_loop3A_108, %parallel_loop3A_109] {strides = array<i32>} : memref<80x128xf32, #tpu.memory_space<vmem>>, vector<1x16xf32>,
        %parallel_loop3A_111 = vector.shape_cast %parallel_loop3A_110 : vector<1x16xf32> to vector<16xf32>
        %parallel_loop3A_112 = arith.constant 0 : i32
        %parallel_loop3A_113 = arith.addi %parallel_loop3A_112, %parallel_loop3A_91 : i32
        %parallel_loop3A_114 = arith.index_cast %parallel_loop3A_113 : i32 to index
        %parallel_loop3A_115 = arith.constant 16 : index
        %parallel_loop3A_116 = tpu.vector_load %arg12[%parallel_loop3A_114, %parallel_loop3A_115] {strides = array<i32>} : memref<160x128xf32, #tpu.memory_space<vmem>>, vector<1x16xf32>,
        %parallel_loop3A_117 = vector.shape_cast %parallel_loop3A_116 : vector<1x16xf32> to vector<16xf32>
        %parallel_loop3A_118 = arith.mulf %parallel_loop3A_111, %parallel_loop3A_117 : vector<16xf32>
        %parallel_loop3A_119 = arith.index_cast %parallel_loop3A_91 : i32 to index
        %parallel_loop3A_120 = arith.constant 16 : index
        %parallel_loop3A_121 = tpu.vector_load %arg10[%parallel_loop3A_119, %parallel_loop3A_120] {strides = array<i32>} : memref<80x128xf32, #tpu.memory_space<vmem>>, vector<1x16xf32>,
        %parallel_loop3A_122 = vector.shape_cast %parallel_loop3A_121 : vector<1x16xf32> to vector<16xf32>
        %parallel_loop3A_123 = vector.shape_cast %parallel_loop3A_118 : vector<16xf32> to vector<1x16xf32>
        tpu.vector_store %arg10[%parallel_loop3A_119, %parallel_loop3A_120], %parallel_loop3A_123 {strides = array<i32>} : memref<80x128xf32, #tpu.memory_space<vmem>>, vector<1x16xf32>,
        %parallel_loop3A_124 = arith.index_cast %parallel_loop3A_91 : i32 to index
        %parallel_loop3A_125 = arith.constant 32 : index
        %parallel_loop3A_126 = tpu.vector_load %arg10[%parallel_loop3A_124, %parallel_loop3A_125] {strides = array<i32>} : memref<80x128xf32, #tpu.memory_space<vmem>>, vector<1x16xf32>,
        %parallel_loop3A_127 = vector.shape_cast %parallel_loop3A_126 : vector<1x16xf32> to vector<16xf32>
        %parallel_loop3A_128 = arith.constant 0 : i32
        %parallel_loop3A_129 = arith.addi %parallel_loop3A_128, %parallel_loop3A_91 : i32
        %parallel_loop3A_130 = arith.index_cast %parallel_loop3A_129 : i32 to index
        %parallel_loop3A_131 = arith.constant 32 : index
        %parallel_loop3A_132 = tpu.vector_load %arg12[%parallel_loop3A_130, %parallel_loop3A_131] {strides = array<i32>} : memref<160x128xf32, #tpu.memory_space<vmem>>, vector<1x16xf32>,
        %parallel_loop3A_133 = vector.shape_cast %parallel_loop3A_132 : vector<1x16xf32> to vector<16xf32>
        %parallel_loop3A_134 = arith.mulf %parallel_loop3A_127, %parallel_loop3A_133 : vector<16xf32>
        %parallel_loop3A_135 = arith.index_cast %parallel_loop3A_91 : i32 to index
        %parallel_loop3A_136 = arith.constant 32 : index
        %parallel_loop3A_137 = tpu.vector_load %arg10[%parallel_loop3A_135, %parallel_loop3A_136] {strides = array<i32>} : memref<80x128xf32, #tpu.memory_space<vmem>>, vector<1x16xf32>,
        %parallel_loop3A_138 = vector.shape_cast %parallel_loop3A_137 : vector<1x16xf32> to vector<16xf32>
        %parallel_loop3A_139 = vector.shape_cast %parallel_loop3A_134 : vector<16xf32> to vector<1x16xf32>
        tpu.vector_store %arg10[%parallel_loop3A_135, %parallel_loop3A_136], %parallel_loop3A_139 {strides = array<i32>} : memref<80x128xf32, #tpu.memory_space<vmem>>, vector<1x16xf32>,
        %parallel_loop3A_140 = arith.index_cast %parallel_loop3A_91 : i32 to index
        %parallel_loop3A_141 = arith.constant 48 : index
        %parallel_loop3A_142 = tpu.vector_load %arg10[%parallel_loop3A_140, %parallel_loop3A_141] {strides = array<i32>} : memref<80x128xf32, #tpu.memory_space<vmem>>, vector<1x16xf32>,
        %parallel_loop3A_143 = vector.shape_cast %parallel_loop3A_142 : vector<1x16xf32> to vector<16xf32>
        %parallel_loop3A_144 = arith.constant 0 : i32
        %parallel_loop3A_145 = arith.addi %parallel_loop3A_144, %parallel_loop3A_91 : i32
        %parallel_loop3A_146 = arith.index_cast %parallel_loop3A_145 : i32 to index
        %parallel_loop3A_147 = arith.constant 48 : index
        %parallel_loop3A_148 = tpu.vector_load %arg12[%parallel_loop3A_146, %parallel_loop3A_147] {strides = array<i32>} : memref<160x128xf32, #tpu.memory_space<vmem>>, vector<1x16xf32>,
        %parallel_loop3A_149 = vector.shape_cast %parallel_loop3A_148 : vector<1x16xf32> to vector<16xf32>
        %parallel_loop3A_150 = arith.mulf %parallel_loop3A_143, %parallel_loop3A_149 : vector<16xf32>
        %parallel_loop3A_151 = arith.index_cast %parallel_loop3A_91 : i32 to index
        %parallel_loop3A_152 = arith.constant 48 : index
        %parallel_loop3A_153 = tpu.vector_load %arg10[%parallel_loop3A_151, %parallel_loop3A_152] {strides = array<i32>} : memref<80x128xf32, #tpu.memory_space<vmem>>, vector<1x16xf32>,
        %parallel_loop3A_154 = vector.shape_cast %parallel_loop3A_153 : vector<1x16xf32> to vector<16xf32>
        %parallel_loop3A_155 = vector.shape_cast %parallel_loop3A_150 : vector<16xf32> to vector<1x16xf32>
        tpu.vector_store %arg10[%parallel_loop3A_151, %parallel_loop3A_152], %parallel_loop3A_155 {strides = array<i32>} : memref<80x128xf32, #tpu.memory_space<vmem>>, vector<1x16xf32>,
        %parallel_loop3A_156 = arith.index_cast %parallel_loop3A_91 : i32 to index
        %parallel_loop3A_157 = arith.constant 64 : index
        %parallel_loop3A_158 = tpu.vector_load %arg10[%parallel_loop3A_156, %parallel_loop3A_157] {strides = array<i32>} : memref<80x128xf32, #tpu.memory_space<vmem>>, vector<1x16xf32>,
        %parallel_loop3A_159 = vector.shape_cast %parallel_loop3A_158 : vector<1x16xf32> to vector<16xf32>
        %parallel_loop3A_160 = arith.constant 0 : i32
        %parallel_loop3A_161 = arith.addi %parallel_loop3A_160, %parallel_loop3A_91 : i32
        %parallel_loop3A_162 = arith.index_cast %parallel_loop3A_161 : i32 to index
        %parallel_loop3A_163 = arith.constant 64 : index
        %parallel_loop3A_164 = tpu.vector_load %arg12[%parallel_loop3A_162, %parallel_loop3A_163] {strides = array<i32>} : memref<160x128xf32, #tpu.memory_space<vmem>>, vector<1x16xf32>,
        %parallel_loop3A_165 = vector.shape_cast %parallel_loop3A_164 : vector<1x16xf32> to vector<16xf32>
        %parallel_loop3A_166 = arith.mulf %parallel_loop3A_159, %parallel_loop3A_165 : vector<16xf32>
        %parallel_loop3A_167 = arith.index_cast %parallel_loop3A_91 : i32 to index
        %parallel_loop3A_168 = arith.constant 64 : index
        %parallel_loop3A_169 = tpu.vector_load %arg10[%parallel_loop3A_167, %parallel_loop3A_168] {strides = array<i32>} : memref<80x128xf32, #tpu.memory_space<vmem>>, vector<1x16xf32>,
        %parallel_loop3A_170 = vector.shape_cast %parallel_loop3A_169 : vector<1x16xf32> to vector<16xf32>
        %parallel_loop3A_171 = vector.shape_cast %parallel_loop3A_166 : vector<16xf32> to vector<1x16xf32>
        tpu.vector_store %arg10[%parallel_loop3A_167, %parallel_loop3A_168], %parallel_loop3A_171 {strides = array<i32>} : memref<80x128xf32, #tpu.memory_space<vmem>>, vector<1x16xf32>,
        %parallel_loop3A_172 = arith.index_cast %parallel_loop3A_91 : i32 to index
        %parallel_loop3A_173 = arith.constant 80 : index
        %parallel_loop3A_174 = tpu.vector_load %arg10[%parallel_loop3A_172, %parallel_loop3A_173] {strides = array<i32>} : memref<80x128xf32, #tpu.memory_space<vmem>>, vector<1x16xf32>,
        %parallel_loop3A_175 = vector.shape_cast %parallel_loop3A_174 : vector<1x16xf32> to vector<16xf32>
        %parallel_loop3A_176 = arith.constant 0 : i32
        %parallel_loop3A_177 = arith.addi %parallel_loop3A_176, %parallel_loop3A_91 : i32
        %parallel_loop3A_178 = arith.index_cast %parallel_loop3A_177 : i32 to index
        %parallel_loop3A_179 = arith.constant 80 : index
        %parallel_loop3A_180 = tpu.vector_load %arg12[%parallel_loop3A_178, %parallel_loop3A_179] {strides = array<i32>} : memref<160x128xf32, #tpu.memory_space<vmem>>, vector<1x16xf32>,
        %parallel_loop3A_181 = vector.shape_cast %parallel_loop3A_180 : vector<1x16xf32> to vector<16xf32>
        %parallel_loop3A_182 = arith.mulf %parallel_loop3A_175, %parallel_loop3A_181 : vector<16xf32>
        %parallel_loop3A_183 = arith.index_cast %parallel_loop3A_91 : i32 to index
        %parallel_loop3A_184 = arith.constant 80 : index
        %parallel_loop3A_185 = tpu.vector_load %arg10[%parallel_loop3A_183, %parallel_loop3A_184] {strides = array<i32>} : memref<80x128xf32, #tpu.memory_space<vmem>>, vector<1x16xf32>,
        %parallel_loop3A_186 = vector.shape_cast %parallel_loop3A_185 : vector<1x16xf32> to vector<16xf32>
        %parallel_loop3A_187 = vector.shape_cast %parallel_loop3A_182 : vector<16xf32> to vector<1x16xf32>
        tpu.vector_store %arg10[%parallel_loop3A_183, %parallel_loop3A_184], %parallel_loop3A_187 {strides = array<i32>} : memref<80x128xf32, #tpu.memory_space<vmem>>, vector<1x16xf32>,
        %parallel_loop3A_188 = arith.index_cast %parallel_loop3A_91 : i32 to index
        %parallel_loop3A_189 = arith.constant 96 : index
        %parallel_loop3A_190 = tpu.vector_load %arg10[%parallel_loop3A_188, %parallel_loop3A_189] {strides = array<i32>} : memref<80x128xf32, #tpu.memory_space<vmem>>, vector<1x16xf32>,
        %parallel_loop3A_191 = vector.shape_cast %parallel_loop3A_190 : vector<1x16xf32> to vector<16xf32>
        %parallel_loop3A_192 = arith.constant 0 : i32
        %parallel_loop3A_193 = arith.addi %parallel_loop3A_192, %parallel_loop3A_91 : i32
        %parallel_loop3A_194 = arith.index_cast %parallel_loop3A_193 : i32 to index
        %parallel_loop3A_195 = arith.constant 96 : index
        %parallel_loop3A_196 = tpu.vector_load %arg12[%parallel_loop3A_194, %parallel_loop3A_195] {strides = array<i32>} : memref<160x128xf32, #tpu.memory_space<vmem>>, vector<1x16xf32>,
        %parallel_loop3A_197 = vector.shape_cast %parallel_loop3A_196 : vector<1x16xf32> to vector<16xf32>
        %parallel_loop3A_198 = arith.mulf %parallel_loop3A_191, %parallel_loop3A_197 : vector<16xf32>
        %parallel_loop3A_199 = arith.index_cast %parallel_loop3A_91 : i32 to index
        %parallel_loop3A_200 = arith.constant 96 : index
        %parallel_loop3A_201 = tpu.vector_load %arg10[%parallel_loop3A_199, %parallel_loop3A_200] {strides = array<i32>} : memref<80x128xf32, #tpu.memory_space<vmem>>, vector<1x16xf32>,
        %parallel_loop3A_202 = vector.shape_cast %parallel_loop3A_201 : vector<1x16xf32> to vector<16xf32>
        %parallel_loop3A_203 = vector.shape_cast %parallel_loop3A_198 : vector<16xf32> to vector<1x16xf32>
        tpu.vector_store %arg10[%parallel_loop3A_199, %parallel_loop3A_200], %parallel_loop3A_203 {strides = array<i32>} : memref<80x128xf32, #tpu.memory_space<vmem>>, vector<1x16xf32>,
        %parallel_loop3A_204 = arith.index_cast %parallel_loop3A_91 : i32 to index
        %parallel_loop3A_205 = arith.constant 112 : index
        %parallel_loop3A_206 = tpu.vector_load %arg10[%parallel_loop3A_204, %parallel_loop3A_205] {strides = array<i32>} : memref<80x128xf32, #tpu.memory_space<vmem>>, vector<1x16xf32>,
        %parallel_loop3A_207 = vector.shape_cast %parallel_loop3A_206 : vector<1x16xf32> to vector<16xf32>
        %parallel_loop3A_208 = arith.constant 0 : i32
        %parallel_loop3A_209 = arith.addi %parallel_loop3A_208, %parallel_loop3A_91 : i32
        %parallel_loop3A_210 = arith.index_cast %parallel_loop3A_209 : i32 to index
        %parallel_loop3A_211 = arith.constant 112 : index
        %parallel_loop3A_212 = tpu.vector_load %arg12[%parallel_loop3A_210, %parallel_loop3A_211] {strides = array<i32>} : memref<160x128xf32, #tpu.memory_space<vmem>>, vector<1x16xf32>,
        %parallel_loop3A_213 = vector.shape_cast %parallel_loop3A_212 : vector<1x16xf32> to vector<16xf32>
        %parallel_loop3A_214 = arith.mulf %parallel_loop3A_207, %parallel_loop3A_213 : vector<16xf32>
        %parallel_loop3A_215 = arith.index_cast %parallel_loop3A_91 : i32 to index
        %parallel_loop3A_216 = arith.constant 112 : index
        %parallel_loop3A_217 = tpu.vector_load %arg10[%parallel_loop3A_215, %parallel_loop3A_216] {strides = array<i32>} : memref<80x128xf32, #tpu.memory_space<vmem>>, vector<1x16xf32>,
        %parallel_loop3A_218 = vector.shape_cast %parallel_loop3A_217 : vector<1x16xf32> to vector<16xf32>
        %parallel_loop3A_219 = vector.shape_cast %parallel_loop3A_214 : vector<16xf32> to vector<1x16xf32>
        tpu.vector_store %arg10[%parallel_loop3A_215, %parallel_loop3A_216], %parallel_loop3A_219 {strides = array<i32>} : memref<80x128xf32, #tpu.memory_space<vmem>>, vector<1x16xf32>,
      } {sc.loop_unroll_factor = 2 : i64, sc.parallel_access}
      %dma_start3A_70 = arith.constant 0 : i32
      %dma_start3A_71 = tpu.memref_slice %arg9[%mul3A_39, %dma_start3A_70] : memref<32x80xi32, #tpu.memory_space<vmem>> -> memref<1x80xi32, #tpu.memory_space<vmem>>
      %dma_start3A_72 = tpu.memref_squeeze %dma_start3A_71 : memref<1x80xi32, #tpu.memory_space<vmem>> -> memref<80xi32, #tpu.memory_space<vmem>>
      %dma_start3A_73 = arith.constant 0 : i32
      %dma_start3A_74 = arith.constant 0 : i32
      %dma_start3A_75 = tpu.memref_slice %arg13[%dma_start3A_73, %dma_start3A_74] : memref<10000x128xf32, #tpu.memory_space<vmem_shared>> -> memref<10000x128xf32, #tpu.memory_space<vmem_shared>>
      tpu.enqueue_indirect_dma source(%arg10 : memref<80x128xf32, #tpu.memory_space<vmem>>) target(%dma_start3A_75 : memref<10000x128xf32, #tpu.memory_space<vmem_shared>>) offsets(%dma_start3A_72 : memref<80xi32, #tpu.memory_space<vmem>>) semaphore(%arg16 : memref<!tpu.dma_semaphore, #tpu.memory_space<semaphore_mem>>) {add = true}
      %dma_wait3A_76 = arith.constant 0 : i32
      %dma_wait3A_77 = tpu.memref_slice %arg8[%add3A_41, %dma_wait3A_76] : memref<32x80xi32, #tpu.memory_space<vmem>> -> memref<1x80xi32, #tpu.memory_space<vmem>>
      %dma_wait3A_78 = tpu.memref_squeeze %dma_wait3A_77 : memref<1x80xi32, #tpu.memory_space<vmem>> -> memref<80xi32, #tpu.memory_space<vmem>>
      %dma_wait3A_79 = arith.constant 0 : i32
      %dma_wait3A_80 = arith.constant 0 : i32
      %dma_wait3A_81 = tpu.memref_slice %arg2[%dma_wait3A_79, %dma_wait3A_80] : memref<10000x128xf32, #tpu.memory_space<hbm>> -> memref<10000x128xf32, #tpu.memory_space<hbm>>
      tpu.wait_indirect_dma semaphore(%arg15 : memref<!tpu.dma_semaphore, #tpu.memory_space<semaphore_mem>>) src(%dma_wait3A_81 : memref<10000x128xf32, #tpu.memory_space<hbm>>) dst(%arg11 : memref<80x128xf32, #tpu.memory_space<vmem>>)
      %parallel_loop3A_82 = arith.constant 0 : i32
      %parallel_loop3A_83 = arith.constant 80 : i32
      %parallel_loop3A_84 = arith.constant 1 : i32
      scf.for %parallel_loop3A_91 = %parallel_loop3A_82 to %parallel_loop3A_83 step %parallel_loop3A_84  : i32 {
        %parallel_loop3A_92 = arith.index_cast %parallel_loop3A_91 : i32 to index
        %parallel_loop3A_93 = arith.constant 0 : index
        %parallel_loop3A_94 = tpu.vector_load %arg11[%parallel_loop3A_92, %parallel_loop3A_93] {strides = array<i32>} : memref<80x128xf32, #tpu.memory_space<vmem>>, vector<1x16xf32>,
        %parallel_loop3A_95 = vector.shape_cast %parallel_loop3A_94 : vector<1x16xf32> to vector<16xf32>
        %parallel_loop3A_96 = arith.constant 80 : i32
        %parallel_loop3A_97 = arith.addi %parallel_loop3A_96, %parallel_loop3A_91 : i32
        %parallel_loop3A_98 = arith.index_cast %parallel_loop3A_97 : i32 to index
        %parallel_loop3A_99 = arith.constant 0 : index
        %parallel_loop3A_100 = tpu.vector_load %arg12[%parallel_loop3A_98, %parallel_loop3A_99] {strides = array<i32>} : memref<160x128xf32, #tpu.memory_space<vmem>>, vector<1x16xf32>,
        %parallel_loop3A_101 = vector.shape_cast %parallel_loop3A_100 : vector<1x16xf32> to vector<16xf32>
        %parallel_loop3A_102 = arith.mulf %parallel_loop3A_95, %parallel_loop3A_101 : vector<16xf32>
        %parallel_loop3A_103 = arith.index_cast %parallel_loop3A_91 : i32 to index
        %parallel_loop3A_104 = arith.constant 0 : index
        %parallel_loop3A_105 = tpu.vector_load %arg11[%parallel_loop3A_103, %parallel_loop3A_104] {strides = array<i32>} : memref<80x128xf32, #tpu.memory_space<vmem>>, vector<1x16xf32>,
        %parallel_loop3A_106 = vector.shape_cast %parallel_loop3A_105 : vector<1x16xf32> to vector<16xf32>
        %parallel_loop3A_107 = vector.shape_cast %parallel_loop3A_102 : vector<16xf32> to vector<1x16xf32>
        tpu.vector_store %arg11[%parallel_loop3A_103, %parallel_loop3A_104], %parallel_loop3A_107 {strides = array<i32>} : memref<80x128xf32, #tpu.memory_space<vmem>>, vector<1x16xf32>,
        %parallel_loop3A_108 = arith.index_cast %parallel_loop3A_91 : i32 to index
        %parallel_loop3A_109 = arith.constant 16 : index
        %parallel_loop3A_110 = tpu.vector_load %arg11[%parallel_loop3A_108, %parallel_loop3A_109] {strides = array<i32>} : memref<80x128xf32, #tpu.memory_space<vmem>>, vector<1x16xf32>,
        %parallel_loop3A_111 = vector.shape_cast %parallel_loop3A_110 : vector<1x16xf32> to vector<16xf32>
        %parallel_loop3A_112 = arith.constant 80 : i32
        %parallel_loop3A_113 = arith.addi %parallel_loop3A_112, %parallel_loop3A_91 : i32
        %parallel_loop3A_114 = arith.index_cast %parallel_loop3A_113 : i32 to index
        %parallel_loop3A_115 = arith.constant 16 : index
        %parallel_loop3A_116 = tpu.vector_load %arg12[%parallel_loop3A_114, %parallel_loop3A_115] {strides = array<i32>} : memref<160x128xf32, #tpu.memory_space<vmem>>, vector<1x16xf32>,
        %parallel_loop3A_117 = vector.shape_cast %parallel_loop3A_116 : vector<1x16xf32> to vector<16xf32>
        %parallel_loop3A_118 = arith.mulf %parallel_loop3A_111, %parallel_loop3A_117 : vector<16xf32>
        %parallel_loop3A_119 = arith.index_cast %parallel_loop3A_91 : i32 to index
        %parallel_loop3A_120 = arith.constant 16 : index
        %parallel_loop3A_121 = tpu.vector_load %arg11[%parallel_loop3A_119, %parallel_loop3A_120] {strides = array<i32>} : memref<80x128xf32, #tpu.memory_space<vmem>>, vector<1x16xf32>,
        %parallel_loop3A_122 = vector.shape_cast %parallel_loop3A_121 : vector<1x16xf32> to vector<16xf32>
        %parallel_loop3A_123 = vector.shape_cast %parallel_loop3A_118 : vector<16xf32> to vector<1x16xf32>
        tpu.vector_store %arg11[%parallel_loop3A_119, %parallel_loop3A_120], %parallel_loop3A_123 {strides = array<i32>} : memref<80x128xf32, #tpu.memory_space<vmem>>, vector<1x16xf32>,
        %parallel_loop3A_124 = arith.index_cast %parallel_loop3A_91 : i32 to index
        %parallel_loop3A_125 = arith.constant 32 : index
        %parallel_loop3A_126 = tpu.vector_load %arg11[%parallel_loop3A_124, %parallel_loop3A_125] {strides = array<i32>} : memref<80x128xf32, #tpu.memory_space<vmem>>, vector<1x16xf32>,
        %parallel_loop3A_127 = vector.shape_cast %parallel_loop3A_126 : vector<1x16xf32> to vector<16xf32>
        %parallel_loop3A_128 = arith.constant 80 : i32
        %parallel_loop3A_129 = arith.addi %parallel_loop3A_128, %parallel_loop3A_91 : i32
        %parallel_loop3A_130 = arith.index_cast %parallel_loop3A_129 : i32 to index
        %parallel_loop3A_131 = arith.constant 32 : index
        %parallel_loop3A_132 = tpu.vector_load %arg12[%parallel_loop3A_130, %parallel_loop3A_131] {strides = array<i32>} : memref<160x128xf32, #tpu.memory_space<vmem>>, vector<1x16xf32>,
        %parallel_loop3A_133 = vector.shape_cast %parallel_loop3A_132 : vector<1x16xf32> to vector<16xf32>
        %parallel_loop3A_134 = arith.mulf %parallel_loop3A_127, %parallel_loop3A_133 : vector<16xf32>
        %parallel_loop3A_135 = arith.index_cast %parallel_loop3A_91 : i32 to index
        %parallel_loop3A_136 = arith.constant 32 : index
        %parallel_loop3A_137 = tpu.vector_load %arg11[%parallel_loop3A_135, %parallel_loop3A_136] {strides = array<i32>} : memref<80x128xf32, #tpu.memory_space<vmem>>, vector<1x16xf32>,
        %parallel_loop3A_138 = vector.shape_cast %parallel_loop3A_137 : vector<1x16xf32> to vector<16xf32>
        %parallel_loop3A_139 = vector.shape_cast %parallel_loop3A_134 : vector<16xf32> to vector<1x16xf32>
        tpu.vector_store %arg11[%parallel_loop3A_135, %parallel_loop3A_136], %parallel_loop3A_139 {strides = array<i32>} : memref<80x128xf32, #tpu.memory_space<vmem>>, vector<1x16xf32>,
        %parallel_loop3A_140 = arith.index_cast %parallel_loop3A_91 : i32 to index
        %parallel_loop3A_141 = arith.constant 48 : index
        %parallel_loop3A_142 = tpu.vector_load %arg11[%parallel_loop3A_140, %parallel_loop3A_141] {strides = array<i32>} : memref<80x128xf32, #tpu.memory_space<vmem>>, vector<1x16xf32>,
        %parallel_loop3A_143 = vector.shape_cast %parallel_loop3A_142 : vector<1x16xf32> to vector<16xf32>
        %parallel_loop3A_144 = arith.constant 80 : i32
        %parallel_loop3A_145 = arith.addi %parallel_loop3A_144, %parallel_loop3A_91 : i32
        %parallel_loop3A_146 = arith.index_cast %parallel_loop3A_145 : i32 to index
        %parallel_loop3A_147 = arith.constant 48 : index
        %parallel_loop3A_148 = tpu.vector_load %arg12[%parallel_loop3A_146, %parallel_loop3A_147] {strides = array<i32>} : memref<160x128xf32, #tpu.memory_space<vmem>>, vector<1x16xf32>,
        %parallel_loop3A_149 = vector.shape_cast %parallel_loop3A_148 : vector<1x16xf32> to vector<16xf32>
        %parallel_loop3A_150 = arith.mulf %parallel_loop3A_143, %parallel_loop3A_149 : vector<16xf32>
        %parallel_loop3A_151 = arith.index_cast %parallel_loop3A_91 : i32 to index
        %parallel_loop3A_152 = arith.constant 48 : index
        %parallel_loop3A_153 = tpu.vector_load %arg11[%parallel_loop3A_151, %parallel_loop3A_152] {strides = array<i32>} : memref<80x128xf32, #tpu.memory_space<vmem>>, vector<1x16xf32>,
        %parallel_loop3A_154 = vector.shape_cast %parallel_loop3A_153 : vector<1x16xf32> to vector<16xf32>
        %parallel_loop3A_155 = vector.shape_cast %parallel_loop3A_150 : vector<16xf32> to vector<1x16xf32>
        tpu.vector_store %arg11[%parallel_loop3A_151, %parallel_loop3A_152], %parallel_loop3A_155 {strides = array<i32>} : memref<80x128xf32, #tpu.memory_space<vmem>>, vector<1x16xf32>,
        %parallel_loop3A_156 = arith.index_cast %parallel_loop3A_91 : i32 to index
        %parallel_loop3A_157 = arith.constant 64 : index
        %parallel_loop3A_158 = tpu.vector_load %arg11[%parallel_loop3A_156, %parallel_loop3A_157] {strides = array<i32>} : memref<80x128xf32, #tpu.memory_space<vmem>>, vector<1x16xf32>,
        %parallel_loop3A_159 = vector.shape_cast %parallel_loop3A_158 : vector<1x16xf32> to vector<16xf32>
        %parallel_loop3A_160 = arith.constant 80 : i32
        %parallel_loop3A_161 = arith.addi %parallel_loop3A_160, %parallel_loop3A_91 : i32
        %parallel_loop3A_162 = arith.index_cast %parallel_loop3A_161 : i32 to index
        %parallel_loop3A_163 = arith.constant 64 : index
        %parallel_loop3A_164 = tpu.vector_load %arg12[%parallel_loop3A_162, %parallel_loop3A_163] {strides = array<i32>} : memref<160x128xf32, #tpu.memory_space<vmem>>, vector<1x16xf32>,
        %parallel_loop3A_165 = vector.shape_cast %parallel_loop3A_164 : vector<1x16xf32> to vector<16xf32>
        %parallel_loop3A_166 = arith.mulf %parallel_loop3A_159, %parallel_loop3A_165 : vector<16xf32>
        %parallel_loop3A_167 = arith.index_cast %parallel_loop3A_91 : i32 to index
        %parallel_loop3A_168 = arith.constant 64 : index
        %parallel_loop3A_169 = tpu.vector_load %arg11[%parallel_loop3A_167, %parallel_loop3A_168] {strides = array<i32>} : memref<80x128xf32, #tpu.memory_space<vmem>>, vector<1x16xf32>,
        %parallel_loop3A_170 = vector.shape_cast %parallel_loop3A_169 : vector<1x16xf32> to vector<16xf32>
        %parallel_loop3A_171 = vector.shape_cast %parallel_loop3A_166 : vector<16xf32> to vector<1x16xf32>
        tpu.vector_store %arg11[%parallel_loop3A_167, %parallel_loop3A_168], %parallel_loop3A_171 {strides = array<i32>} : memref<80x128xf32, #tpu.memory_space<vmem>>, vector<1x16xf32>,
        %parallel_loop3A_172 = arith.index_cast %parallel_loop3A_91 : i32 to index
        %parallel_loop3A_173 = arith.constant 80 : index
        %parallel_loop3A_174 = tpu.vector_load %arg11[%parallel_loop3A_172, %parallel_loop3A_173] {strides = array<i32>} : memref<80x128xf32, #tpu.memory_space<vmem>>, vector<1x16xf32>,
        %parallel_loop3A_175 = vector.shape_cast %parallel_loop3A_174 : vector<1x16xf32> to vector<16xf32>
        %parallel_loop3A_176 = arith.constant 80 : i32
        %parallel_loop3A_177 = arith.addi %parallel_loop3A_176, %parallel_loop3A_91 : i32
        %parallel_loop3A_178 = arith.index_cast %parallel_loop3A_177 : i32 to index
        %parallel_loop3A_179 = arith.constant 80 : index
        %parallel_loop3A_180 = tpu.vector_load %arg12[%parallel_loop3A_178, %parallel_loop3A_179] {strides = array<i32>} : memref<160x128xf32, #tpu.memory_space<vmem>>, vector<1x16xf32>,
        %parallel_loop3A_181 = vector.shape_cast %parallel_loop3A_180 : vector<1x16xf32> to vector<16xf32>
        %parallel_loop3A_182 = arith.mulf %parallel_loop3A_175, %parallel_loop3A_181 : vector<16xf32>
        %parallel_loop3A_183 = arith.index_cast %parallel_loop3A_91 : i32 to index
        %parallel_loop3A_184 = arith.constant 80 : index
        %parallel_loop3A_185 = tpu.vector_load %arg11[%parallel_loop3A_183, %parallel_loop3A_184] {strides = array<i32>} : memref<80x128xf32, #tpu.memory_space<vmem>>, vector<1x16xf32>,
        %parallel_loop3A_186 = vector.shape_cast %parallel_loop3A_185 : vector<1x16xf32> to vector<16xf32>
        %parallel_loop3A_187 = vector.shape_cast %parallel_loop3A_182 : vector<16xf32> to vector<1x16xf32>
        tpu.vector_store %arg11[%parallel_loop3A_183, %parallel_loop3A_184], %parallel_loop3A_187 {strides = array<i32>} : memref<80x128xf32, #tpu.memory_space<vmem>>, vector<1x16xf32>,
        %parallel_loop3A_188 = arith.index_cast %parallel_loop3A_91 : i32 to index
        %parallel_loop3A_189 = arith.constant 96 : index
        %parallel_loop3A_190 = tpu.vector_load %arg11[%parallel_loop3A_188, %parallel_loop3A_189] {strides = array<i32>} : memref<80x128xf32, #tpu.memory_space<vmem>>, vector<1x16xf32>,
        %parallel_loop3A_191 = vector.shape_cast %parallel_loop3A_190 : vector<1x16xf32> to vector<16xf32>
        %parallel_loop3A_192 = arith.constant 80 : i32
        %parallel_loop3A_193 = arith.addi %parallel_loop3A_192, %parallel_loop3A_91 : i32
        %parallel_loop3A_194 = arith.index_cast %parallel_loop3A_193 : i32 to index
        %parallel_loop3A_195 = arith.constant 96 : index
        %parallel_loop3A_196 = tpu.vector_load %arg12[%parallel_loop3A_194, %parallel_loop3A_195] {strides = array<i32>} : memref<160x128xf32, #tpu.memory_space<vmem>>, vector<1x16xf32>,
        %parallel_loop3A_197 = vector.shape_cast %parallel_loop3A_196 : vector<1x16xf32> to vector<16xf32>
        %parallel_loop3A_198 = arith.mulf %parallel_loop3A_191, %parallel_loop3A_197 : vector<16xf32>
        %parallel_loop3A_199 = arith.index_cast %parallel_loop3A_91 : i32 to index
        %parallel_loop3A_200 = arith.constant 96 : index
        %parallel_loop3A_201 = tpu.vector_load %arg11[%parallel_loop3A_199, %parallel_loop3A_200] {strides = array<i32>} : memref<80x128xf32, #tpu.memory_space<vmem>>, vector<1x16xf32>,
        %parallel_loop3A_202 = vector.shape_cast %parallel_loop3A_201 : vector<1x16xf32> to vector<16xf32>
        %parallel_loop3A_203 = vector.shape_cast %parallel_loop3A_198 : vector<16xf32> to vector<1x16xf32>
        tpu.vector_store %arg11[%parallel_loop3A_199, %parallel_loop3A_200], %parallel_loop3A_203 {strides = array<i32>} : memref<80x128xf32, #tpu.memory_space<vmem>>, vector<1x16xf32>,
        %parallel_loop3A_204 = arith.index_cast %parallel_loop3A_91 : i32 to index
        %parallel_loop3A_205 = arith.constant 112 : index
        %parallel_loop3A_206 = tpu.vector_load %arg11[%parallel_loop3A_204, %parallel_loop3A_205] {strides = array<i32>} : memref<80x128xf32, #tpu.memory_space<vmem>>, vector<1x16xf32>,
        %parallel_loop3A_207 = vector.shape_cast %parallel_loop3A_206 : vector<1x16xf32> to vector<16xf32>
        %parallel_loop3A_208 = arith.constant 80 : i32
        %parallel_loop3A_209 = arith.addi %parallel_loop3A_208, %parallel_loop3A_91 : i32
        %parallel_loop3A_210 = arith.index_cast %parallel_loop3A_209 : i32 to index
        %parallel_loop3A_211 = arith.constant 112 : index
        %parallel_loop3A_212 = tpu.vector_load %arg12[%parallel_loop3A_210, %parallel_loop3A_211] {strides = array<i32>} : memref<160x128xf32, #tpu.memory_space<vmem>>, vector<1x16xf32>,
        %parallel_loop3A_213 = vector.shape_cast %parallel_loop3A_212 : vector<1x16xf32> to vector<16xf32>
        %parallel_loop3A_214 = arith.mulf %parallel_loop3A_207, %parallel_loop3A_213 : vector<16xf32>
        %parallel_loop3A_215 = arith.index_cast %parallel_loop3A_91 : i32 to index
        %parallel_loop3A_216 = arith.constant 112 : index
        %parallel_loop3A_217 = tpu.vector_load %arg11[%parallel_loop3A_215, %parallel_loop3A_216] {strides = array<i32>} : memref<80x128xf32, #tpu.memory_space<vmem>>, vector<1x16xf32>,
        %parallel_loop3A_218 = vector.shape_cast %parallel_loop3A_217 : vector<1x16xf32> to vector<16xf32>
        %parallel_loop3A_219 = vector.shape_cast %parallel_loop3A_214 : vector<16xf32> to vector<1x16xf32>
        tpu.vector_store %arg11[%parallel_loop3A_215, %parallel_loop3A_216], %parallel_loop3A_219 {strides = array<i32>} : memref<80x128xf32, #tpu.memory_space<vmem>>, vector<1x16xf32>,
      } {sc.loop_unroll_factor = 2 : i64, sc.parallel_access}
      %dma_start3A_85 = arith.constant 0 : i32
      %dma_start3A_86 = tpu.memref_slice %arg9[%add3A_41, %dma_start3A_85] : memref<32x80xi32, #tpu.memory_space<vmem>> -> memref<1x80xi32, #tpu.memory_space<vmem>>
      %dma_start3A_87 = tpu.memref_squeeze %dma_start3A_86 : memref<1x80xi32, #tpu.memory_space<vmem>> -> memref<80xi32, #tpu.memory_space<vmem>>
      %dma_start3A_88 = arith.constant 0 : i32
      %dma_start3A_89 = arith.constant 0 : i32
      %dma_start3A_90 = tpu.memref_slice %arg13[%dma_start3A_88, %dma_start3A_89] : memref<10000x128xf32, #tpu.memory_space<vmem_shared>> -> memref<10000x128xf32, #tpu.memory_space<vmem_shared>>
      tpu.enqueue_indirect_dma source(%arg11 : memref<80x128xf32, #tpu.memory_space<vmem>>) target(%dma_start3A_90 : memref<10000x128xf32, #tpu.memory_space<vmem_shared>>) offsets(%dma_start3A_87 : memref<80xi32, #tpu.memory_space<vmem>>) semaphore(%arg17 : memref<!tpu.dma_semaphore, #tpu.memory_space<semaphore_mem>>) {add = true}
    }
    %scan3A_13 = arith.constant 16 : i32
    %dma_wait3A = arith.constant 30 : i32
    %dma_wait3A_14 = arith.constant 0 : i32
    %dma_wait3A_15 = tpu.memref_slice %arg9[%dma_wait3A, %dma_wait3A_14] : memref<32x80xi32, #tpu.memory_space<vmem>> -> memref<1x80xi32, #tpu.memory_space<vmem>>
    %dma_wait3A_16 = tpu.memref_squeeze %dma_wait3A_15 : memref<1x80xi32, #tpu.memory_space<vmem>> -> memref<80xi32, #tpu.memory_space<vmem>>
    %dma_wait3A_17 = arith.constant 0 : i32
    %dma_wait3A_18 = arith.constant 0 : i32
    %dma_wait3A_19 = tpu.memref_slice %arg13[%dma_wait3A_17, %dma_wait3A_18] : memref<10000x128xf32, #tpu.memory_space<vmem_shared>> -> memref<10000x128xf32, #tpu.memory_space<vmem_shared>>
    tpu.wait_indirect_dma semaphore(%arg16 : memref<!tpu.dma_semaphore, #tpu.memory_space<semaphore_mem>>) src(%arg10 : memref<80x128xf32, #tpu.memory_space<vmem>>) dst(%dma_wait3A_19 : memref<10000x128xf32, #tpu.memory_space<vmem_shared>>)
    %dma_wait3A_20 = arith.constant 31 : i32
    %dma_wait3A_21 = arith.constant 0 : i32
    %dma_wait3A_22 = tpu.memref_slice %arg9[%dma_wait3A_20, %dma_wait3A_21] : memref<32x80xi32, #tpu.memory_space<vmem>> -> memref<1x80xi32, #tpu.memory_space<vmem>>
    %dma_wait3A_23 = tpu.memref_squeeze %dma_wait3A_22 : memref<1x80xi32, #tpu.memory_space<vmem>> -> memref<80xi32, #tpu.memory_space<vmem>>
    %dma_wait3A_24 = arith.constant 0 : i32
    %dma_wait3A_25 = arith.constant 0 : i32
    %dma_wait3A_26 = tpu.memref_slice %arg13[%dma_wait3A_24, %dma_wait3A_25] : memref<10000x128xf32, #tpu.memory_space<vmem_shared>> -> memref<10000x128xf32, #tpu.memory_space<vmem_shared>>
    tpu.wait_indirect_dma semaphore(%arg17 : memref<!tpu.dma_semaphore, #tpu.memory_space<semaphore_mem>>) src(%arg11 : memref<80x128xf32, #tpu.memory_space<vmem>>) dst(%dma_wait3A_26 : memref<10000x128xf32, #tpu.memory_space<vmem_shared>>)
    %barrier3A_27 = arith.constant 0 : index
    tpu.barrier barrier_id(%barrier3A_27)
    %mul3A_28 = arith.constant 624 : i32
    %mul3A_29 = arith.muli %arg1, %mul3A_28 : i32
    %mul3A_30 = arith.constant 624 : i32
    %mul3A_31 = arith.muli %arg1, %mul3A_30 : i32
    "tpu.region"() ({
      %run_scoped3A = tpu.sem_alloc : memref<!tpu.dma_semaphore, #tpu.memory_space<semaphore_mem>>
      %dma_start3A = arith.constant 0 : i32
      %dma_start3A_37 = tpu.memref_slice %arg7[%arg0, %mul3A_31, %dma_start3A] : memref<2x10000x128xf32, #tpu.memory_space<hbm>> -> memref<1x624x128xf32, #tpu.memory_space<hbm>>
      %dma_start3A_38 = tpu.memref_squeeze %dma_start3A_37 : memref<1x624x128xf32, #tpu.memory_space<hbm>> -> memref<624x128xf32, #tpu.memory_space<hbm>>
      %dma_start3A_39 = arith.constant 0 : i32
      %dma_start3A_40 = tpu.memref_slice %arg13[%mul3A_29, %dma_start3A_39] : memref<10000x128xf32, #tpu.memory_space<vmem_shared>> -> memref<624x128xf32, #tpu.memory_space<vmem_shared>>
      tpu.enqueue_dma source(%dma_start3A_40 : memref<624x128xf32, #tpu.memory_space<vmem_shared>>) target(%dma_start3A_38 : memref<624x128xf32, #tpu.memory_space<hbm>>) target_semaphore(%run_scoped3A : memref<!tpu.dma_semaphore, #tpu.memory_space<semaphore_mem>>)
      %dma_wait3A_41 = arith.constant 0 : i32
      %dma_wait3A_42 = tpu.memref_slice %arg7[%arg0, %mul3A_31, %dma_wait3A_41] : memref<2x10000x128xf32, #tpu.memory_space<hbm>> -> memref<1x624x128xf32, #tpu.memory_space<hbm>>
      %dma_wait3A_43 = tpu.memref_squeeze %dma_wait3A_42 : memref<1x624x128xf32, #tpu.memory_space<hbm>> -> memref<624x128xf32, #tpu.memory_space<hbm>>
      %dma_wait3A_44 = arith.constant 0 : i32
      %dma_wait3A_45 = tpu.memref_slice %arg13[%mul3A_29, %dma_wait3A_44] : memref<10000x128xf32, #tpu.memory_space<vmem_shared>> -> memref<624x128xf32, #tpu.memory_space<vmem_shared>>
      tpu.wait_dma2 semaphore(%run_scoped3A : memref<!tpu.dma_semaphore, #tpu.memory_space<semaphore_mem>>) src(%dma_wait3A_45 : memref<624x128xf32, #tpu.memory_space<vmem_shared>>) dst(%dma_wait3A_43 : memref<624x128xf32, #tpu.memory_space<hbm>>)
      tpu.yield
    }) : () -> ()
    %eq3A_32 = arith.constant 15 : i32
    %eq3A_33 = arith.cmpi eq, %arg1, %eq3A_32 : i32
    %convert_element_type3A_34 = arith.extui %eq3A_33 : i1 to i32
    %cond3A_35 = arith.constant 0 : i32
    %cond3A_36 = arith.cmpi ne, %convert_element_type3A_34, %cond3A_35 : i32
    scf.if %cond3A_36 {
      "tpu.region"() ({
        %run_scoped3A = tpu.sem_alloc : memref<!tpu.dma_semaphore, #tpu.memory_space<semaphore_mem>>
        %dma_start3A = arith.constant 9984 : i32
        %dma_start3A_37 = arith.constant 0 : i32
        %dma_start3A_38 = tpu.memref_slice %arg7[%arg0, %dma_start3A, %dma_start3A_37] : memref<2x10000x128xf32, #tpu.memory_space<hbm>> -> memref<1x16x128xf32, #tpu.memory_space<hbm>>
        %dma_start3A_39 = tpu.memref_squeeze %dma_start3A_38 : memref<1x16x128xf32, #tpu.memory_space<hbm>> -> memref<16x128xf32, #tpu.memory_space<hbm>>
        %dma_start3A_40 = arith.constant 9984 : i32
        %dma_start3A_41 = arith.constant 0 : i32
        %dma_start3A_42 = tpu.memref_slice %arg13[%dma_start3A_40, %dma_start3A_41] : memref<10000x128xf32, #tpu.memory_space<vmem_shared>> -> memref<16x128xf32, #tpu.memory_space<vmem_shared>>
        tpu.enqueue_dma source(%dma_start3A_42 : memref<16x128xf32, #tpu.memory_space<vmem_shared>>) target(%dma_start3A_39 : memref<16x128xf32, #tpu.memory_space<hbm>>) target_semaphore(%run_scoped3A : memref<!tpu.dma_semaphore, #tpu.memory_space<semaphore_mem>>)
        %dma_wait3A_43 = arith.constant 9984 : i32
        %dma_wait3A_44 = arith.constant 0 : i32
        %dma_wait3A_45 = tpu.memref_slice %arg7[%arg0, %dma_wait3A_43, %dma_wait3A_44] : memref<2x10000x128xf32, #tpu.memory_space<hbm>> -> memref<1x16x128xf32, #tpu.memory_space<hbm>>
        %dma_wait3A_46 = tpu.memref_squeeze %dma_wait3A_45 : memref<1x16x128xf32, #tpu.memory_space<hbm>> -> memref<16x128xf32, #tpu.memory_space<hbm>>
        %dma_wait3A_47 = arith.constant 9984 : i32
        %dma_wait3A_48 = arith.constant 0 : i32
        %dma_wait3A_49 = tpu.memref_slice %arg13[%dma_wait3A_47, %dma_wait3A_48] : memref<10000x128xf32, #tpu.memory_space<vmem_shared>> -> memref<16x128xf32, #tpu.memory_space<vmem_shared>>
        tpu.wait_dma2 semaphore(%run_scoped3A : memref<!tpu.dma_semaphore, #tpu.memory_space<semaphore_mem>>) src(%dma_wait3A_49 : memref<16x128xf32, #tpu.memory_space<vmem_shared>>) dst(%dma_wait3A_46 : memref<16x128xf32, #tpu.memory_space<hbm>>)
        tpu.yield
      }) : () -> ()
    } else {
    }
    return
  }
}

module attributes {stable_mosaic.version = 14 : i64} {
  func.func @_xh_body(%arg0: memref<10000x128xf32, #tpu.memory_space<vmem>>, %arg1: memref<128x128xf32, #tpu.memory_space<vmem>>, %arg2: memref<10000x128xf32, #tpu.memory_space<vmem>>) attributes {dimension_semantics = [], scalar_prefetch = 0 : i64, scratch_operands = 0 : i64, tpu.core_type = #tpu.core_type<tc>} {
    %get3A = arith.constant 0 : index
    %get3A_0 = arith.constant 0 : index
    %get3A_1 = vector.load %arg0[%get3A, %get3A_0] : memref<10000x128xf32, #tpu.memory_space<vmem>>, vector<10000x128xf32>
    %get3A_2 = arith.constant 0 : index
    %get3A_3 = arith.constant 0 : index
    %get3A_4 = vector.load %arg1[%get3A_2, %get3A_3] : memref<128x128xf32, #tpu.memory_space<vmem>>, vector<128x128xf32>
    %dot_general3A = arith.constant dense<0.000000e+00> : vector<10000x128xf32>
    %dot_general3A_5 = tpu.matmul %get3A_1, %get3A_4, %dot_general3A {dimension_numbers = #tpu.dot_dimension_numbers<[1], [1], [0], [0], [0, 0, 1, 0], [], []>, transpose_lhs_hint = false} : vector<10000x128xf32>, vector<128x128xf32>, vector<10000x128xf32> -> vector<10000x128xf32>
    %swap3A = arith.constant 0 : index
    %swap3A_6 = arith.constant 0 : index
    %swap3A_7 = vector.load %arg2[%swap3A, %swap3A_6] : memref<10000x128xf32, #tpu.memory_space<vmem>>, vector<10000x128xf32>
    tpu.vector_store %arg2[%swap3A, %swap3A_6], %dot_general3A_5 {strides = array<i32>} : memref<10000x128xf32, #tpu.memory_space<vmem>>, vector<10000x128xf32>,
    return
  }
}

module attributes {stable_mosaic.version = 14 : i64} {
  func.func @_filter_body(%arg0: i32, %arg1: memref<2560x16xf32, #tpu.memory_space<vmem>>, %arg2: memref<2560x1xf32, #tpu.memory_space<vmem>>, %arg3: memref<128x16xf32, #tpu.memory_space<vmem>>, %arg4: memref<1x128xf32, #tpu.memory_space<vmem>>, %arg5: memref<128x128xf32, #tpu.memory_space<vmem>>, %arg6: memref<1x128xf32, #tpu.memory_space<vmem>>, %arg7: memref<2560x128xf32, #tpu.memory_space<vmem>>) attributes {dimension_semantics = [#tpu.dimension_semantics<arbitrary>], iteration_bounds = array<i64: 32>, scalar_prefetch = 0 : i64, scratch_operands = 0 : i64, tpu.core_type = #tpu.core_type<tc>, window_params = [{transform_indices = @transform_0, window_bounds = array<i64: 2560, 16>}, {transform_indices = @transform_1, window_bounds = array<i64: 2560, 1>}, {pipeline_mode = #tpu.pipeline_mode<synchronous>, transform_indices = @transform_2, window_bounds = array<i64: 128, 16>}, {pipeline_mode = #tpu.pipeline_mode<synchronous>, transform_indices = @transform_3, window_bounds = array<i64: 1, 128>}, {pipeline_mode = #tpu.pipeline_mode<synchronous>, transform_indices = @transform_4, window_bounds = array<i64: 128, 128>}, {pipeline_mode = #tpu.pipeline_mode<synchronous>, transform_indices = @transform_5, window_bounds = array<i64: 1, 128>}, {transform_indices = @transform_6, window_bounds = array<i64: 2560, 128>}]} {
    %get3A = arith.constant 0 : index
    %get3A_0 = arith.constant 0 : index
    %get3A_1 = vector.load %arg1[%get3A, %get3A_0] : memref<2560x16xf32, #tpu.memory_space<vmem>>, vector<2560x16xf32>
    %get3A_2 = arith.constant 0 : index
    %get3A_3 = arith.constant 0 : index
    %get3A_4 = vector.load %arg2[%get3A_2, %get3A_3] : memref<2560x1xf32, #tpu.memory_space<vmem>>, vector<2560x1xf32>
    %get3A_5 = arith.constant 0 : index
    %get3A_6 = arith.constant 0 : index
    %get3A_7 = vector.load %arg3[%get3A_5, %get3A_6] : memref<128x16xf32, #tpu.memory_space<vmem>>, vector<128x16xf32>
    %dot_general3A = arith.constant dense<0.000000e+00> : vector<2560x128xf32>
    %dot_general3A_8 = tpu.matmul %get3A_1, %get3A_7, %dot_general3A {dimension_numbers = #tpu.dot_dimension_numbers<[1], [1], [0], [0], [0, 0, 1, 0], [], []>, transpose_lhs_hint = false} : vector<2560x16xf32>, vector<128x16xf32>, vector<2560x128xf32> -> vector<2560x128xf32>
    %get3A_9 = arith.constant 0 : index
    %get3A_10 = arith.constant 0 : index
    %get3A_11 = vector.load %arg4[%get3A_9, %get3A_10] : memref<1x128xf32, #tpu.memory_space<vmem>>, vector<1x128xf32>
    %add3A = vector.broadcast %get3A_11 : vector<1x128xf32> to vector<2560x128xf32>
    %add3A_12 = arith.addf %dot_general3A_8, %add3A : vector<2560x128xf32>
    %abs3A = math.absf %add3A_12 : vector<2560x128xf32>
    %mul3A = arith.constant 1.44269502 : f32
    %mul3A_13 = vector.broadcast %mul3A : f32 to vector<2560x128xf32>
    %mul3A_14 = arith.mulf %abs3A, %mul3A_13 : vector<2560x128xf32>
    %min3A = arith.constant 3.000000e+01 : f32
    %min3A_15 = vector.broadcast %min3A : f32 to vector<2560x128xf32>
    %min3A_16 = arith.minimumf %mul3A_14, %min3A_15 : vector<2560x128xf32>
    %convert_element_type3A = arith.fptosi %min3A_16 : vector<2560x128xf32> to vector<2560x128xi32>
    %convert_element_type3A_17 = arith.sitofp %convert_element_type3A : vector<2560x128xi32> to vector<2560x128xf32>
    %sub3A = arith.subf %min3A_16, %convert_element_type3A_17 : vector<2560x128xf32>
    %sub3A_18 = arith.constant 127 : i32
    %sub3A_19 = vector.broadcast %sub3A_18 : i32 to vector<2560x128xi32>
    %sub3A_20 = arith.subi %sub3A_19, %convert_element_type3A : vector<2560x128xi32>
    %shift_left3A = arith.constant 23 : i32
    %shift_left3A_21 = vector.broadcast %shift_left3A : i32 to vector<2560x128xi32>
    %shift_left3A_22 = arith.shli %sub3A_20, %shift_left3A_21 : vector<2560x128xi32>
    %bitcast_convert_type3A = tpu.bitcast %shift_left3A_22 : vector<2560x128xi32> -> vector<2560x128xf32>
    %broadcast_in_dim3A = arith.constant -9.47553664E-4 : f32
    %broadcast_in_dim3A_23 = vector.broadcast %broadcast_in_dim3A : f32 to vector<2560x128xf32>
    %mul3A_24 = arith.mulf %broadcast_in_dim3A_23, %sub3A : vector<2560x128xf32>
    %add3A_25 = arith.constant 0.00921087525 : f32
    %add3A_26 = vector.broadcast %add3A_25 : f32 to vector<2560x128xf32>
    %add3A_27 = arith.addf %mul3A_24, %add3A_26 : vector<2560x128xf32>
    %mul3A_28 = arith.mulf %add3A_27, %sub3A : vector<2560x128xf32>
    %add3A_29 = arith.constant -0.0552996062 : f32
    %add3A_30 = vector.broadcast %add3A_29 : f32 to vector<2560x128xf32>
    %add3A_31 = arith.addf %mul3A_28, %add3A_30 : vector<2560x128xf32>
    %mul3A_32 = arith.mulf %add3A_31, %sub3A : vector<2560x128xf32>
    %add3A_33 = arith.constant 0.240179494 : f32
    %add3A_34 = vector.broadcast %add3A_33 : f32 to vector<2560x128xf32>
    %add3A_35 = arith.addf %mul3A_32, %add3A_34 : vector<2560x128xf32>
    %mul3A_36 = arith.mulf %add3A_35, %sub3A : vector<2560x128xf32>
    %add3A_37 = arith.constant -0.693143188 : f32
    %add3A_38 = vector.broadcast %add3A_37 : f32 to vector<2560x128xf32>
    %add3A_39 = arith.addf %mul3A_36, %add3A_38 : vector<2560x128xf32>
    %mul3A_40 = arith.mulf %add3A_39, %sub3A : vector<2560x128xf32>
    %add3A_41 = arith.constant 0.99999994 : f32
    %add3A_42 = vector.broadcast %add3A_41 : f32 to vector<2560x128xf32>
    %add3A_43 = arith.addf %mul3A_40, %add3A_42 : vector<2560x128xf32>
    %mul3A_44 = arith.mulf %add3A_43, %bitcast_convert_type3A : vector<2560x128xf32>
    %broadcast_in_dim3A_45 = arith.constant -0.00887469668 : f32
    %broadcast_in_dim3A_46 = vector.broadcast %broadcast_in_dim3A_45 : f32 to vector<2560x128xf32>
    %mul3A_47 = arith.mulf %broadcast_in_dim3A_46, %mul3A_44 : vector<2560x128xf32>
    %add3A_48 = arith.constant 0.0502775088 : f32
    %add3A_49 = vector.broadcast %add3A_48 : f32 to vector<2560x128xf32>
    %add3A_50 = arith.addf %mul3A_47, %add3A_49 : vector<2560x128xf32>
    %mul3A_51 = arith.mulf %add3A_50, %mul3A_44 : vector<2560x128xf32>
    %add3A_52 = arith.constant -0.134534255 : f32
    %add3A_53 = vector.broadcast %add3A_52 : f32 to vector<2560x128xf32>
    %add3A_54 = arith.addf %mul3A_51, %add3A_53 : vector<2560x128xf32>
    %mul3A_55 = arith.mulf %add3A_54, %mul3A_44 : vector<2560x128xf32>
    %add3A_56 = arith.constant 0.239231661 : f32
    %add3A_57 = vector.broadcast %add3A_56 : f32 to vector<2560x128xf32>
    %add3A_58 = arith.addf %mul3A_55, %add3A_57 : vector<2560x128xf32>
    %mul3A_59 = arith.mulf %add3A_58, %mul3A_44 : vector<2560x128xf32>
    %add3A_60 = arith.constant -0.345996022 : f32
    %add3A_61 = vector.broadcast %add3A_60 : f32 to vector<2560x128xf32>
    %add3A_62 = arith.addf %mul3A_59, %add3A_61 : vector<2560x128xf32>
    %mul3A_63 = arith.mulf %add3A_62, %mul3A_44 : vector<2560x128xf32>
    %add3A_64 = arith.constant 0.478323549 : f32
    %add3A_65 = vector.broadcast %add3A_64 : f32 to vector<2560x128xf32>
    %add3A_66 = arith.addf %mul3A_63, %add3A_65 : vector<2560x128xf32>
    %mul3A_67 = arith.mulf %add3A_66, %mul3A_44 : vector<2560x128xf32>
    %add3A_68 = arith.constant -0.721114635 : f32
    %add3A_69 = vector.broadcast %add3A_68 : f32 to vector<2560x128xf32>
    %add3A_70 = arith.addf %mul3A_67, %add3A_69 : vector<2560x128xf32>
    %mul3A_71 = arith.mulf %add3A_70, %mul3A_44 : vector<2560x128xf32>
    %add3A_72 = arith.constant 1.4426868 : f32
    %add3A_73 = vector.broadcast %add3A_72 : f32 to vector<2560x128xf32>
    %add3A_74 = arith.addf %mul3A_71, %add3A_73 : vector<2560x128xf32>
    %mul3A_75 = arith.mulf %add3A_74, %mul3A_44 : vector<2560x128xf32>
    %add3A_76 = arith.constant 4.88635798E-8 : f32
    %add3A_77 = vector.broadcast %add3A_76 : f32 to vector<2560x128xf32>
    %add3A_78 = arith.addf %mul3A_75, %add3A_77 : vector<2560x128xf32>
    %mul3A_79 = arith.constant 0.693147182 : f32
    %mul3A_80 = vector.broadcast %mul3A_79 : f32 to vector<2560x128xf32>
    %mul3A_81 = arith.mulf %add3A_78, %mul3A_80 : vector<2560x128xf32>
    %max3A = arith.constant 0.000000e+00 : f32
    %max3A_82 = vector.broadcast %max3A : f32 to vector<2560x128xf32>
    %max3A_83 = arith.maximumf %add3A_12, %max3A_82 : vector<2560x128xf32>
    %add3A_84 = arith.addf %max3A_83, %mul3A_81 : vector<2560x128xf32>
    %sub3A_85 = arith.constant 0.693147182 : f32
    %sub3A_86 = vector.broadcast %sub3A_85 : f32 to vector<2560x128xf32>
    %sub3A_87 = arith.subf %add3A_84, %sub3A_86 : vector<2560x128xf32>
    %get3A_88 = arith.constant 0 : index
    %get3A_89 = arith.constant 0 : index
    %get3A_90 = vector.load %arg5[%get3A_88, %get3A_89] : memref<128x128xf32, #tpu.memory_space<vmem>>, vector<128x128xf32>
    %dot_general3A_91 = arith.constant dense<0.000000e+00> : vector<2560x128xf32>
    %dot_general3A_92 = tpu.matmul %sub3A_87, %get3A_90, %dot_general3A_91 {dimension_numbers = #tpu.dot_dimension_numbers<[1], [1], [0], [0], [0, 0, 1, 0], [], []>, transpose_lhs_hint = false} : vector<2560x128xf32>, vector<128x128xf32>, vector<2560x128xf32> -> vector<2560x128xf32>
    %get3A_93 = arith.constant 0 : index
    %get3A_94 = arith.constant 0 : index
    %get3A_95 = vector.load %arg6[%get3A_93, %get3A_94] : memref<1x128xf32, #tpu.memory_space<vmem>>, vector<1x128xf32>
    %add3A_96 = vector.broadcast %get3A_95 : vector<1x128xf32> to vector<2560x128xf32>
    %add3A_97 = arith.addf %dot_general3A_92, %add3A_96 : vector<2560x128xf32>
    %mul3A_98 = arith.constant 0.314159274 : f32
    %mul3A_99 = vector.broadcast %mul3A_98 : f32 to vector<2560x1xf32>
    %mul3A_100 = arith.mulf %get3A_4, %mul3A_99 : vector<2560x1xf32>
    %mul3A_101 = arith.mulf %mul3A_100, %mul3A_100 : vector<2560x1xf32>
    %broadcast_in_dim3A_102 = arith.constant 1.72950498E-9 : f32
    %broadcast_in_dim3A_103 = vector.broadcast %broadcast_in_dim3A_102 : f32 to vector<2560x1xf32>
    %mul3A_104 = arith.mulf %broadcast_in_dim3A_103, %mul3A_101 : vector<2560x1xf32>
    %add3A_105 = arith.constant -2.70944895E-7 : f32
    %add3A_106 = vector.broadcast %add3A_105 : f32 to vector<2560x1xf32>
    %add3A_107 = arith.addf %mul3A_104, %add3A_106 : vector<2560x1xf32>
    %mul3A_108 = arith.mulf %add3A_107, %mul3A_101 : vector<2560x1xf32>
    %add3A_109 = arith.constant 2.47717016E-5 : f32
    %add3A_110 = vector.broadcast %add3A_109 : f32 to vector<2560x1xf32>
    %add3A_111 = arith.addf %mul3A_108, %add3A_110 : vector<2560x1xf32>
    %mul3A_112 = arith.mulf %add3A_111, %mul3A_101 : vector<2560x1xf32>
    %add3A_113 = arith.constant -0.00138879044 : f32
    %add3A_114 = vector.broadcast %add3A_113 : f32 to vector<2560x1xf32>
    %add3A_115 = arith.addf %mul3A_112, %add3A_114 : vector<2560x1xf32>
    %mul3A_116 = arith.mulf %add3A_115, %mul3A_101 : vector<2560x1xf32>
    %add3A_117 = arith.constant 0.0416665152 : f32
    %add3A_118 = vector.broadcast %add3A_117 : f32 to vector<2560x1xf32>
    %add3A_119 = arith.addf %mul3A_116, %add3A_118 : vector<2560x1xf32>
    %mul3A_120 = arith.mulf %add3A_119, %mul3A_101 : vector<2560x1xf32>
    %add3A_121 = arith.constant -0.499999911 : f32
    %add3A_122 = vector.broadcast %add3A_121 : f32 to vector<2560x1xf32>
    %add3A_123 = arith.addf %mul3A_120, %add3A_122 : vector<2560x1xf32>
    %mul3A_124 = arith.mulf %add3A_123, %mul3A_101 : vector<2560x1xf32>
    %add3A_125 = arith.constant 1.000000e+00 : f32
    %add3A_126 = vector.broadcast %add3A_125 : f32 to vector<2560x1xf32>
    %add3A_127 = arith.addf %mul3A_124, %add3A_126 : vector<2560x1xf32>
    %add3A_128 = arith.constant 1.000000e+00 : f32
    %add3A_129 = vector.broadcast %add3A_128 : f32 to vector<2560x1xf32>
    %add3A_130 = arith.addf %add3A_127, %add3A_129 : vector<2560x1xf32>
    %mul3A_131 = arith.constant 5.000000e-01 : f32
    %mul3A_132 = vector.broadcast %mul3A_131 : f32 to vector<2560x1xf32>
    %mul3A_133 = arith.mulf %mul3A_132, %add3A_130 : vector<2560x1xf32>
    %le3A = arith.constant 1.000000e+01 : f32
    %le3A_134 = vector.broadcast %le3A : f32 to vector<2560x1xf32>
    %le3A_135 = arith.cmpf ole, %get3A_4, %le3A_134 : vector<2560x1xf32>
    %convert_element_type3A_136 = arith.extui %le3A_135 : vector<2560x1xi1> to vector<2560x1xi32>
    %convert_element_type3A_137 = arith.sitofp %convert_element_type3A_136 : vector<2560x1xi32> to vector<2560x1xf32>
    %mul3A_138 = arith.mulf %mul3A_133, %convert_element_type3A_137 : vector<2560x1xf32>
    %ge3A = arith.constant 0.000000e+00 : f32
    %ge3A_139 = vector.broadcast %ge3A : f32 to vector<2560x1xf32>
    %ge3A_140 = arith.cmpf oge, %get3A_4, %ge3A_139 : vector<2560x1xf32>
    %convert_element_type3A_141 = arith.extui %ge3A_140 : vector<2560x1xi1> to vector<2560x1xi32>
    %convert_element_type3A_142 = arith.sitofp %convert_element_type3A_141 : vector<2560x1xi32> to vector<2560x1xf32>
    %mul3A_143 = arith.mulf %mul3A_138, %convert_element_type3A_142 : vector<2560x1xf32>
    %mul3A_144 = vector.broadcast %mul3A_143 : vector<2560x1xf32> to vector<2560x128xf32>
    %mul3A_145 = arith.mulf %add3A_97, %mul3A_144 : vector<2560x128xf32>
    %swap3A = arith.constant 0 : index
    %swap3A_146 = arith.constant 0 : index
    %swap3A_147 = vector.load %arg7[%swap3A, %swap3A_146] : memref<2560x128xf32, #tpu.memory_space<vmem>>, vector<2560x128xf32>
    tpu.vector_store %arg7[%swap3A, %swap3A_146], %mul3A_145 {strides = array<i32>} : memref<2560x128xf32, #tpu.memory_space<vmem>>, vector<2560x128xf32>,
    return
  }
  func.func @transform_0(%arg0: i32) -> (i32, i32) {
    %c0_i32 = arith.constant 0 : i32
    %c0_i32_0 = arith.constant 0 : i32
    return %arg0, %c0_i32 : i32, i32
  }
  func.func @transform_1(%arg0: i32) -> (i32, i32) {
    %c0_i32 = arith.constant 0 : i32
    %c0_i32_0 = arith.constant 0 : i32
    return %arg0, %c0_i32 : i32, i32
  }
  func.func @transform_2(%arg0: i32) -> (i32, i32) {
    %c0_i32 = arith.constant 0 : i32
    %c0_i32_0 = arith.constant 0 : i32
    %c0_i32_1 = arith.constant 0 : i32
    return %c0_i32, %c0_i32_0 : i32, i32
  }
  func.func @transform_3(%arg0: i32) -> (i32, i32) {
    %c0_i32 = arith.constant 0 : i32
    %c0_i32_0 = arith.constant 0 : i32
    %c0_i32_1 = arith.constant 0 : i32
    return %c0_i32, %c0_i32_0 : i32, i32
  }
  func.func @transform_4(%arg0: i32) -> (i32, i32) {
    %c0_i32 = arith.constant 0 : i32
    %c0_i32_0 = arith.constant 0 : i32
    %c0_i32_1 = arith.constant 0 : i32
    return %c0_i32, %c0_i32_0 : i32, i32
  }
  func.func @transform_5(%arg0: i32) -> (i32, i32) {
    %c0_i32 = arith.constant 0 : i32
    %c0_i32_0 = arith.constant 0 : i32
    %c0_i32_1 = arith.constant 0 : i32
    return %c0_i32, %c0_i32_0 : i32, i32
  }
  func.func @transform_6(%arg0: i32) -> (i32, i32) {
    %c0_i32 = arith.constant 0 : i32
    %c0_i32_0 = arith.constant 0 : i32
    return %arg0, %c0_i32 : i32, i32
  }
}

module attributes {stable_mosaic.version = 14 : i64} {
  func.func @_tail_body(%arg0: i32, %arg1: memref<2x2000x128xf32, #tpu.memory_space<vmem>>, %arg2: memref<128x128xf32, #tpu.memory_space<vmem>>, %arg3: memref<1x128xf32, #tpu.memory_space<vmem>>, %arg4: memref<128x128xf32, #tpu.memory_space<vmem>>, %arg5: memref<1x128xf32, #tpu.memory_space<vmem>>, %arg6: memref<2000x128xf32, #tpu.memory_space<vmem>>) attributes {dimension_semantics = [#tpu.dimension_semantics<arbitrary>], iteration_bounds = array<i64: 5>, scalar_prefetch = 0 : i64, scratch_operands = 0 : i64, tpu.core_type = #tpu.core_type<tc>, window_params = [{transform_indices = @transform_0, window_bounds = array<i64: 2, 2000, 128>}, {pipeline_mode = #tpu.pipeline_mode<synchronous>, transform_indices = @transform_1, window_bounds = array<i64: 128, 128>}, {pipeline_mode = #tpu.pipeline_mode<synchronous>, transform_indices = @transform_2, window_bounds = array<i64: 1, 128>}, {pipeline_mode = #tpu.pipeline_mode<synchronous>, transform_indices = @transform_3, window_bounds = array<i64: 128, 128>}, {pipeline_mode = #tpu.pipeline_mode<synchronous>, transform_indices = @transform_4, window_bounds = array<i64: 1, 128>}, {transform_indices = @transform_5, window_bounds = array<i64: 2000, 128>}]} {
    %get3A = arith.constant 0 : index
    %get3A_0 = arith.constant 0 : index
    %get3A_1 = arith.constant 0 : index
    %get3A_2 = vector.load %arg1[%get3A, %get3A_0, %get3A_1] : memref<2x2000x128xf32, #tpu.memory_space<vmem>>, vector<1x2000x128xf32>
    %get3A_3 = vector.shape_cast %get3A_2 : vector<1x2000x128xf32> to vector<2000x128xf32>
    %get3A_4 = arith.constant 1 : index
    %get3A_5 = arith.constant 0 : index
    %get3A_6 = arith.constant 0 : index
    %get3A_7 = vector.load %arg1[%get3A_4, %get3A_5, %get3A_6] : memref<2x2000x128xf32, #tpu.memory_space<vmem>>, vector<1x2000x128xf32>
    %get3A_8 = vector.shape_cast %get3A_7 : vector<1x2000x128xf32> to vector<2000x128xf32>
    %add3A = arith.addf %get3A_3, %get3A_8 : vector<2000x128xf32>
    %get3A_9 = arith.constant 0 : index
    %get3A_10 = arith.constant 0 : index
    %get3A_11 = vector.load %arg2[%get3A_9, %get3A_10] : memref<128x128xf32, #tpu.memory_space<vmem>>, vector<128x128xf32>
    %dot_general3A = arith.constant dense<0.000000e+00> : vector<2000x128xf32>
    %dot_general3A_12 = tpu.matmul %add3A, %get3A_11, %dot_general3A {dimension_numbers = #tpu.dot_dimension_numbers<[1], [1], [0], [0], [0, 0, 1, 0], [], []>, transpose_lhs_hint = false} : vector<2000x128xf32>, vector<128x128xf32>, vector<2000x128xf32> -> vector<2000x128xf32>
    %get3A_13 = arith.constant 0 : index
    %get3A_14 = arith.constant 0 : index
    %get3A_15 = vector.load %arg3[%get3A_13, %get3A_14] : memref<1x128xf32, #tpu.memory_space<vmem>>, vector<1x128xf32>
    %add3A_16 = vector.broadcast %get3A_15 : vector<1x128xf32> to vector<2000x128xf32>
    %add3A_17 = arith.addf %dot_general3A_12, %add3A_16 : vector<2000x128xf32>
    %abs3A = math.absf %add3A_17 : vector<2000x128xf32>
    %mul3A = arith.constant 1.44269502 : f32
    %mul3A_18 = vector.broadcast %mul3A : f32 to vector<2000x128xf32>
    %mul3A_19 = arith.mulf %abs3A, %mul3A_18 : vector<2000x128xf32>
    %min3A = arith.constant 3.000000e+01 : f32
    %min3A_20 = vector.broadcast %min3A : f32 to vector<2000x128xf32>
    %min3A_21 = arith.minimumf %mul3A_19, %min3A_20 : vector<2000x128xf32>
    %convert_element_type3A = arith.fptosi %min3A_21 : vector<2000x128xf32> to vector<2000x128xi32>
    %convert_element_type3A_22 = arith.sitofp %convert_element_type3A : vector<2000x128xi32> to vector<2000x128xf32>
    %sub3A = arith.subf %min3A_21, %convert_element_type3A_22 : vector<2000x128xf32>
    %sub3A_23 = arith.constant 127 : i32
    %sub3A_24 = vector.broadcast %sub3A_23 : i32 to vector<2000x128xi32>
    %sub3A_25 = arith.subi %sub3A_24, %convert_element_type3A : vector<2000x128xi32>
    %shift_left3A = arith.constant 23 : i32
    %shift_left3A_26 = vector.broadcast %shift_left3A : i32 to vector<2000x128xi32>
    %shift_left3A_27 = arith.shli %sub3A_25, %shift_left3A_26 : vector<2000x128xi32>
    %bitcast_convert_type3A = tpu.bitcast %shift_left3A_27 : vector<2000x128xi32> -> vector<2000x128xf32>
    %broadcast_in_dim3A = arith.constant -9.47553664E-4 : f32
    %broadcast_in_dim3A_28 = vector.broadcast %broadcast_in_dim3A : f32 to vector<2000x128xf32>
    %mul3A_29 = arith.mulf %broadcast_in_dim3A_28, %sub3A : vector<2000x128xf32>
    %add3A_30 = arith.constant 0.00921087525 : f32
    %add3A_31 = vector.broadcast %add3A_30 : f32 to vector<2000x128xf32>
    %add3A_32 = arith.addf %mul3A_29, %add3A_31 : vector<2000x128xf32>
    %mul3A_33 = arith.mulf %add3A_32, %sub3A : vector<2000x128xf32>
    %add3A_34 = arith.constant -0.0552996062 : f32
    %add3A_35 = vector.broadcast %add3A_34 : f32 to vector<2000x128xf32>
    %add3A_36 = arith.addf %mul3A_33, %add3A_35 : vector<2000x128xf32>
    %mul3A_37 = arith.mulf %add3A_36, %sub3A : vector<2000x128xf32>
    %add3A_38 = arith.constant 0.240179494 : f32
    %add3A_39 = vector.broadcast %add3A_38 : f32 to vector<2000x128xf32>
    %add3A_40 = arith.addf %mul3A_37, %add3A_39 : vector<2000x128xf32>
    %mul3A_41 = arith.mulf %add3A_40, %sub3A : vector<2000x128xf32>
    %add3A_42 = arith.constant -0.693143188 : f32
    %add3A_43 = vector.broadcast %add3A_42 : f32 to vector<2000x128xf32>
    %add3A_44 = arith.addf %mul3A_41, %add3A_43 : vector<2000x128xf32>
    %mul3A_45 = arith.mulf %add3A_44, %sub3A : vector<2000x128xf32>
    %add3A_46 = arith.constant 0.99999994 : f32
    %add3A_47 = vector.broadcast %add3A_46 : f32 to vector<2000x128xf32>
    %add3A_48 = arith.addf %mul3A_45, %add3A_47 : vector<2000x128xf32>
    %mul3A_49 = arith.mulf %add3A_48, %bitcast_convert_type3A : vector<2000x128xf32>
    %broadcast_in_dim3A_50 = arith.constant -0.00887469668 : f32
    %broadcast_in_dim3A_51 = vector.broadcast %broadcast_in_dim3A_50 : f32 to vector<2000x128xf32>
    %mul3A_52 = arith.mulf %broadcast_in_dim3A_51, %mul3A_49 : vector<2000x128xf32>
    %add3A_53 = arith.constant 0.0502775088 : f32
    %add3A_54 = vector.broadcast %add3A_53 : f32 to vector<2000x128xf32>
    %add3A_55 = arith.addf %mul3A_52, %add3A_54 : vector<2000x128xf32>
    %mul3A_56 = arith.mulf %add3A_55, %mul3A_49 : vector<2000x128xf32>
    %add3A_57 = arith.constant -0.134534255 : f32
    %add3A_58 = vector.broadcast %add3A_57 : f32 to vector<2000x128xf32>
    %add3A_59 = arith.addf %mul3A_56, %add3A_58 : vector<2000x128xf32>
    %mul3A_60 = arith.mulf %add3A_59, %mul3A_49 : vector<2000x128xf32>
    %add3A_61 = arith.constant 0.239231661 : f32
    %add3A_62 = vector.broadcast %add3A_61 : f32 to vector<2000x128xf32>
    %add3A_63 = arith.addf %mul3A_60, %add3A_62 : vector<2000x128xf32>
    %mul3A_64 = arith.mulf %add3A_63, %mul3A_49 : vector<2000x128xf32>
    %add3A_65 = arith.constant -0.345996022 : f32
    %add3A_66 = vector.broadcast %add3A_65 : f32 to vector<2000x128xf32>
    %add3A_67 = arith.addf %mul3A_64, %add3A_66 : vector<2000x128xf32>
    %mul3A_68 = arith.mulf %add3A_67, %mul3A_49 : vector<2000x128xf32>
    %add3A_69 = arith.constant 0.478323549 : f32
    %add3A_70 = vector.broadcast %add3A_69 : f32 to vector<2000x128xf32>
    %add3A_71 = arith.addf %mul3A_68, %add3A_70 : vector<2000x128xf32>
    %mul3A_72 = arith.mulf %add3A_71, %mul3A_49 : vector<2000x128xf32>
    %add3A_73 = arith.constant -0.721114635 : f32
    %add3A_74 = vector.broadcast %add3A_73 : f32 to vector<2000x128xf32>
    %add3A_75 = arith.addf %mul3A_72, %add3A_74 : vector<2000x128xf32>
    %mul3A_76 = arith.mulf %add3A_75, %mul3A_49 : vector<2000x128xf32>
    %add3A_77 = arith.constant 1.4426868 : f32
    %add3A_78 = vector.broadcast %add3A_77 : f32 to vector<2000x128xf32>
    %add3A_79 = arith.addf %mul3A_76, %add3A_78 : vector<2000x128xf32>
    %mul3A_80 = arith.mulf %add3A_79, %mul3A_49 : vector<2000x128xf32>
    %add3A_81 = arith.constant 4.88635798E-8 : f32
    %add3A_82 = vector.broadcast %add3A_81 : f32 to vector<2000x128xf32>
    %add3A_83 = arith.addf %mul3A_80, %add3A_82 : vector<2000x128xf32>
    %mul3A_84 = arith.constant 0.693147182 : f32
    %mul3A_85 = vector.broadcast %mul3A_84 : f32 to vector<2000x128xf32>
    %mul3A_86 = arith.mulf %add3A_83, %mul3A_85 : vector<2000x128xf32>
    %max3A = arith.constant 0.000000e+00 : f32
    %max3A_87 = vector.broadcast %max3A : f32 to vector<2000x128xf32>
    %max3A_88 = arith.maximumf %add3A_17, %max3A_87 : vector<2000x128xf32>
    %add3A_89 = arith.addf %max3A_88, %mul3A_86 : vector<2000x128xf32>
    %sub3A_90 = arith.constant 0.693147182 : f32
    %sub3A_91 = vector.broadcast %sub3A_90 : f32 to vector<2000x128xf32>
    %sub3A_92 = arith.subf %add3A_89, %sub3A_91 : vector<2000x128xf32>
    %get3A_93 = arith.constant 0 : index
    %get3A_94 = arith.constant 0 : index
    %get3A_95 = vector.load %arg4[%get3A_93, %get3A_94] : memref<128x128xf32, #tpu.memory_space<vmem>>, vector<128x128xf32>
    %dot_general3A_96 = arith.constant dense<0.000000e+00> : vector<2000x128xf32>
    %dot_general3A_97 = tpu.matmul %sub3A_92, %get3A_95, %dot_general3A_96 {dimension_numbers = #tpu.dot_dimension_numbers<[1], [1], [0], [0], [0, 0, 1, 0], [], []>, transpose_lhs_hint = false} : vector<2000x128xf32>, vector<128x128xf32>, vector<2000x128xf32> -> vector<2000x128xf32>
    %get3A_98 = arith.constant 0 : index
    %get3A_99 = arith.constant 0 : index
    %get3A_100 = vector.load %arg5[%get3A_98, %get3A_99] : memref<1x128xf32, #tpu.memory_space<vmem>>, vector<1x128xf32>
    %add3A_101 = vector.broadcast %get3A_100 : vector<1x128xf32> to vector<2000x128xf32>
    %add3A_102 = arith.addf %dot_general3A_97, %add3A_101 : vector<2000x128xf32>
    %swap3A = arith.constant 0 : index
    %swap3A_103 = arith.constant 0 : index
    %swap3A_104 = vector.load %arg6[%swap3A, %swap3A_103] : memref<2000x128xf32, #tpu.memory_space<vmem>>, vector<2000x128xf32>
    tpu.vector_store %arg6[%swap3A, %swap3A_103], %add3A_102 {strides = array<i32>} : memref<2000x128xf32, #tpu.memory_space<vmem>>, vector<2000x128xf32>,
    return
  }
  func.func @transform_0(%arg0: i32) -> (i32, i32, i32) {
    %c0_i32 = arith.constant 0 : i32
    %c0_i32_0 = arith.constant 0 : i32
    %c0_i32_1 = arith.constant 0 : i32
    return %c0_i32, %arg0, %c0_i32_0 : i32, i32, i32
  }
  func.func @transform_1(%arg0: i32) -> (i32, i32) {
    %c0_i32 = arith.constant 0 : i32
    %c0_i32_0 = arith.constant 0 : i32
    %c0_i32_1 = arith.constant 0 : i32
    return %c0_i32, %c0_i32_0 : i32, i32
  }
  func.func @transform_2(%arg0: i32) -> (i32, i32) {
    %c0_i32 = arith.constant 0 : i32
    %c0_i32_0 = arith.constant 0 : i32
    %c0_i32_1 = arith.constant 0 : i32
    return %c0_i32, %c0_i32_0 : i32, i32
  }
  func.func @transform_3(%arg0: i32) -> (i32, i32) {
    %c0_i32 = arith.constant 0 : i32
    %c0_i32_0 = arith.constant 0 : i32
    %c0_i32_1 = arith.constant 0 : i32
    return %c0_i32, %c0_i32_0 : i32, i32
  }
  func.func @transform_4(%arg0: i32) -> (i32, i32) {
    %c0_i32 = arith.constant 0 : i32
    %c0_i32_0 = arith.constant 0 : i32
    %c0_i32_1 = arith.constant 0 : i32
    return %c0_i32, %c0_i32_0 : i32, i32
  }
  func.func @transform_5(%arg0: i32) -> (i32, i32) {
    %c0_i32 = arith.constant 0 : i32
    %c0_i32_0 = arith.constant 0 : i32
    return %arg0, %c0_i32 : i32, i32
  }
}

module attributes {stable_mosaic.version = 14 : i64} {
  func.func @_filter_body(%arg0: i32, %arg1: memref<2560x16xf32, #tpu.memory_space<vmem>>, %arg2: memref<2560x1xf32, #tpu.memory_space<vmem>>, %arg3: memref<128x16xf32, #tpu.memory_space<vmem>>, %arg4: memref<1x128xf32, #tpu.memory_space<vmem>>, %arg5: memref<128x128xf32, #tpu.memory_space<vmem>>, %arg6: memref<1x128xf32, #tpu.memory_space<vmem>>, %arg7: memref<2560x128xf32, #tpu.memory_space<vmem>>) attributes {dimension_semantics = [#tpu.dimension_semantics<arbitrary>], iteration_bounds = array<i64: 29>, scalar_prefetch = 0 : i64, scratch_operands = 0 : i64, tpu.core_type = #tpu.core_type<tc>, window_params = [{transform_indices = @transform_0, window_bounds = array<i64: 2560, 16>}, {transform_indices = @transform_1, window_bounds = array<i64: 2560, 1>}, {pipeline_mode = #tpu.pipeline_mode<synchronous>, transform_indices = @transform_2, window_bounds = array<i64: 128, 16>}, {pipeline_mode = #tpu.pipeline_mode<synchronous>, transform_indices = @transform_3, window_bounds = array<i64: 1, 128>}, {pipeline_mode = #tpu.pipeline_mode<synchronous>, transform_indices = @transform_4, window_bounds = array<i64: 128, 128>}, {pipeline_mode = #tpu.pipeline_mode<synchronous>, transform_indices = @transform_5, window_bounds = array<i64: 1, 128>}, {transform_indices = @transform_6, window_bounds = array<i64: 2560, 128>}]} {
    %get3A = arith.constant 0 : index
    %get3A_0 = arith.constant 0 : index
    %get3A_1 = vector.load %arg1[%get3A, %get3A_0] : memref<2560x16xf32, #tpu.memory_space<vmem>>, vector<2560x16xf32>
    %get3A_2 = arith.constant 0 : index
    %get3A_3 = arith.constant 0 : index
    %get3A_4 = vector.load %arg2[%get3A_2, %get3A_3] : memref<2560x1xf32, #tpu.memory_space<vmem>>, vector<2560x1xf32>
    %get3A_5 = arith.constant 0 : index
    %get3A_6 = arith.constant 0 : index
    %get3A_7 = vector.load %arg3[%get3A_5, %get3A_6] : memref<128x16xf32, #tpu.memory_space<vmem>>, vector<128x16xf32>
    %dot_general3A = arith.constant dense<0.000000e+00> : vector<2560x128xf32>
    %dot_general3A_8 = tpu.matmul %get3A_1, %get3A_7, %dot_general3A {dimension_numbers = #tpu.dot_dimension_numbers<[1], [1], [0], [0], [0, 0, 1, 0], [], []>, transpose_lhs_hint = false} : vector<2560x16xf32>, vector<128x16xf32>, vector<2560x128xf32> -> vector<2560x128xf32>
    %get3A_9 = arith.constant 0 : index
    %get3A_10 = arith.constant 0 : index
    %get3A_11 = vector.load %arg4[%get3A_9, %get3A_10] : memref<1x128xf32, #tpu.memory_space<vmem>>, vector<1x128xf32>
    %add3A = vector.broadcast %get3A_11 : vector<1x128xf32> to vector<2560x128xf32>
    %add3A_12 = arith.addf %dot_general3A_8, %add3A : vector<2560x128xf32>
    %abs3A = math.absf %add3A_12 : vector<2560x128xf32>
    %mul3A = arith.constant 1.44269502 : f32
    %mul3A_13 = vector.broadcast %mul3A : f32 to vector<2560x128xf32>
    %mul3A_14 = arith.mulf %abs3A, %mul3A_13 : vector<2560x128xf32>
    %min3A = arith.constant 3.000000e+01 : f32
    %min3A_15 = vector.broadcast %min3A : f32 to vector<2560x128xf32>
    %min3A_16 = arith.minimumf %mul3A_14, %min3A_15 : vector<2560x128xf32>
    %convert_element_type3A = arith.fptosi %min3A_16 : vector<2560x128xf32> to vector<2560x128xi32>
    %convert_element_type3A_17 = arith.sitofp %convert_element_type3A : vector<2560x128xi32> to vector<2560x128xf32>
    %sub3A = arith.subf %min3A_16, %convert_element_type3A_17 : vector<2560x128xf32>
    %sub3A_18 = arith.constant 127 : i32
    %sub3A_19 = vector.broadcast %sub3A_18 : i32 to vector<2560x128xi32>
    %sub3A_20 = arith.subi %sub3A_19, %convert_element_type3A : vector<2560x128xi32>
    %shift_left3A = arith.constant 23 : i32
    %shift_left3A_21 = vector.broadcast %shift_left3A : i32 to vector<2560x128xi32>
    %shift_left3A_22 = arith.shli %sub3A_20, %shift_left3A_21 : vector<2560x128xi32>
    %bitcast_convert_type3A = tpu.bitcast %shift_left3A_22 : vector<2560x128xi32> -> vector<2560x128xf32>
    %broadcast_in_dim3A = arith.constant -9.47553664E-4 : f32
    %broadcast_in_dim3A_23 = vector.broadcast %broadcast_in_dim3A : f32 to vector<2560x128xf32>
    %mul3A_24 = arith.mulf %broadcast_in_dim3A_23, %sub3A : vector<2560x128xf32>
    %add3A_25 = arith.constant 0.00921087525 : f32
    %add3A_26 = vector.broadcast %add3A_25 : f32 to vector<2560x128xf32>
    %add3A_27 = arith.addf %mul3A_24, %add3A_26 : vector<2560x128xf32>
    %mul3A_28 = arith.mulf %add3A_27, %sub3A : vector<2560x128xf32>
    %add3A_29 = arith.constant -0.0552996062 : f32
    %add3A_30 = vector.broadcast %add3A_29 : f32 to vector<2560x128xf32>
    %add3A_31 = arith.addf %mul3A_28, %add3A_30 : vector<2560x128xf32>
    %mul3A_32 = arith.mulf %add3A_31, %sub3A : vector<2560x128xf32>
    %add3A_33 = arith.constant 0.240179494 : f32
    %add3A_34 = vector.broadcast %add3A_33 : f32 to vector<2560x128xf32>
    %add3A_35 = arith.addf %mul3A_32, %add3A_34 : vector<2560x128xf32>
    %mul3A_36 = arith.mulf %add3A_35, %sub3A : vector<2560x128xf32>
    %add3A_37 = arith.constant -0.693143188 : f32
    %add3A_38 = vector.broadcast %add3A_37 : f32 to vector<2560x128xf32>
    %add3A_39 = arith.addf %mul3A_36, %add3A_38 : vector<2560x128xf32>
    %mul3A_40 = arith.mulf %add3A_39, %sub3A : vector<2560x128xf32>
    %add3A_41 = arith.constant 0.99999994 : f32
    %add3A_42 = vector.broadcast %add3A_41 : f32 to vector<2560x128xf32>
    %add3A_43 = arith.addf %mul3A_40, %add3A_42 : vector<2560x128xf32>
    %mul3A_44 = arith.mulf %add3A_43, %bitcast_convert_type3A : vector<2560x128xf32>
    %broadcast_in_dim3A_45 = arith.constant -0.00887469668 : f32
    %broadcast_in_dim3A_46 = vector.broadcast %broadcast_in_dim3A_45 : f32 to vector<2560x128xf32>
    %mul3A_47 = arith.mulf %broadcast_in_dim3A_46, %mul3A_44 : vector<2560x128xf32>
    %add3A_48 = arith.constant 0.0502775088 : f32
    %add3A_49 = vector.broadcast %add3A_48 : f32 to vector<2560x128xf32>
    %add3A_50 = arith.addf %mul3A_47, %add3A_49 : vector<2560x128xf32>
    %mul3A_51 = arith.mulf %add3A_50, %mul3A_44 : vector<2560x128xf32>
    %add3A_52 = arith.constant -0.134534255 : f32
    %add3A_53 = vector.broadcast %add3A_52 : f32 to vector<2560x128xf32>
    %add3A_54 = arith.addf %mul3A_51, %add3A_53 : vector<2560x128xf32>
    %mul3A_55 = arith.mulf %add3A_54, %mul3A_44 : vector<2560x128xf32>
    %add3A_56 = arith.constant 0.239231661 : f32
    %add3A_57 = vector.broadcast %add3A_56 : f32 to vector<2560x128xf32>
    %add3A_58 = arith.addf %mul3A_55, %add3A_57 : vector<2560x128xf32>
    %mul3A_59 = arith.mulf %add3A_58, %mul3A_44 : vector<2560x128xf32>
    %add3A_60 = arith.constant -0.345996022 : f32
    %add3A_61 = vector.broadcast %add3A_60 : f32 to vector<2560x128xf32>
    %add3A_62 = arith.addf %mul3A_59, %add3A_61 : vector<2560x128xf32>
    %mul3A_63 = arith.mulf %add3A_62, %mul3A_44 : vector<2560x128xf32>
    %add3A_64 = arith.constant 0.478323549 : f32
    %add3A_65 = vector.broadcast %add3A_64 : f32 to vector<2560x128xf32>
    %add3A_66 = arith.addf %mul3A_63, %add3A_65 : vector<2560x128xf32>
    %mul3A_67 = arith.mulf %add3A_66, %mul3A_44 : vector<2560x128xf32>
    %add3A_68 = arith.constant -0.721114635 : f32
    %add3A_69 = vector.broadcast %add3A_68 : f32 to vector<2560x128xf32>
    %add3A_70 = arith.addf %mul3A_67, %add3A_69 : vector<2560x128xf32>
    %mul3A_71 = arith.mulf %add3A_70, %mul3A_44 : vector<2560x128xf32>
    %add3A_72 = arith.constant 1.4426868 : f32
    %add3A_73 = vector.broadcast %add3A_72 : f32 to vector<2560x128xf32>
    %add3A_74 = arith.addf %mul3A_71, %add3A_73 : vector<2560x128xf32>
    %mul3A_75 = arith.mulf %add3A_74, %mul3A_44 : vector<2560x128xf32>
    %add3A_76 = arith.constant 4.88635798E-8 : f32
    %add3A_77 = vector.broadcast %add3A_76 : f32 to vector<2560x128xf32>
    %add3A_78 = arith.addf %mul3A_75, %add3A_77 : vector<2560x128xf32>
    %mul3A_79 = arith.constant 0.693147182 : f32
    %mul3A_80 = vector.broadcast %mul3A_79 : f32 to vector<2560x128xf32>
    %mul3A_81 = arith.mulf %add3A_78, %mul3A_80 : vector<2560x128xf32>
    %max3A = arith.constant 0.000000e+00 : f32
    %max3A_82 = vector.broadcast %max3A : f32 to vector<2560x128xf32>
    %max3A_83 = arith.maximumf %add3A_12, %max3A_82 : vector<2560x128xf32>
    %add3A_84 = arith.addf %max3A_83, %mul3A_81 : vector<2560x128xf32>
    %sub3A_85 = arith.constant 0.693147182 : f32
    %sub3A_86 = vector.broadcast %sub3A_85 : f32 to vector<2560x128xf32>
    %sub3A_87 = arith.subf %add3A_84, %sub3A_86 : vector<2560x128xf32>
    %get3A_88 = arith.constant 0 : index
    %get3A_89 = arith.constant 0 : index
    %get3A_90 = vector.load %arg5[%get3A_88, %get3A_89] : memref<128x128xf32, #tpu.memory_space<vmem>>, vector<128x128xf32>
    %dot_general3A_91 = arith.constant dense<0.000000e+00> : vector<2560x128xf32>
    %dot_general3A_92 = tpu.matmul %sub3A_87, %get3A_90, %dot_general3A_91 {dimension_numbers = #tpu.dot_dimension_numbers<[1], [1], [0], [0], [0, 0, 1, 0], [], []>, transpose_lhs_hint = false} : vector<2560x128xf32>, vector<128x128xf32>, vector<2560x128xf32> -> vector<2560x128xf32>
    %get3A_93 = arith.constant 0 : index
    %get3A_94 = arith.constant 0 : index
    %get3A_95 = vector.load %arg6[%get3A_93, %get3A_94] : memref<1x128xf32, #tpu.memory_space<vmem>>, vector<1x128xf32>
    %add3A_96 = vector.broadcast %get3A_95 : vector<1x128xf32> to vector<2560x128xf32>
    %add3A_97 = arith.addf %dot_general3A_92, %add3A_96 : vector<2560x128xf32>
    %mul3A_98 = arith.constant 0.314159274 : f32
    %mul3A_99 = vector.broadcast %mul3A_98 : f32 to vector<2560x1xf32>
    %mul3A_100 = arith.mulf %get3A_4, %mul3A_99 : vector<2560x1xf32>
    %mul3A_101 = arith.mulf %mul3A_100, %mul3A_100 : vector<2560x1xf32>
    %broadcast_in_dim3A_102 = arith.constant 1.72950498E-9 : f32
    %broadcast_in_dim3A_103 = vector.broadcast %broadcast_in_dim3A_102 : f32 to vector<2560x1xf32>
    %mul3A_104 = arith.mulf %broadcast_in_dim3A_103, %mul3A_101 : vector<2560x1xf32>
    %add3A_105 = arith.constant -2.70944895E-7 : f32
    %add3A_106 = vector.broadcast %add3A_105 : f32 to vector<2560x1xf32>
    %add3A_107 = arith.addf %mul3A_104, %add3A_106 : vector<2560x1xf32>
    %mul3A_108 = arith.mulf %add3A_107, %mul3A_101 : vector<2560x1xf32>
    %add3A_109 = arith.constant 2.47717016E-5 : f32
    %add3A_110 = vector.broadcast %add3A_109 : f32 to vector<2560x1xf32>
    %add3A_111 = arith.addf %mul3A_108, %add3A_110 : vector<2560x1xf32>
    %mul3A_112 = arith.mulf %add3A_111, %mul3A_101 : vector<2560x1xf32>
    %add3A_113 = arith.constant -0.00138879044 : f32
    %add3A_114 = vector.broadcast %add3A_113 : f32 to vector<2560x1xf32>
    %add3A_115 = arith.addf %mul3A_112, %add3A_114 : vector<2560x1xf32>
    %mul3A_116 = arith.mulf %add3A_115, %mul3A_101 : vector<2560x1xf32>
    %add3A_117 = arith.constant 0.0416665152 : f32
    %add3A_118 = vector.broadcast %add3A_117 : f32 to vector<2560x1xf32>
    %add3A_119 = arith.addf %mul3A_116, %add3A_118 : vector<2560x1xf32>
    %mul3A_120 = arith.mulf %add3A_119, %mul3A_101 : vector<2560x1xf32>
    %add3A_121 = arith.constant -0.499999911 : f32
    %add3A_122 = vector.broadcast %add3A_121 : f32 to vector<2560x1xf32>
    %add3A_123 = arith.addf %mul3A_120, %add3A_122 : vector<2560x1xf32>
    %mul3A_124 = arith.mulf %add3A_123, %mul3A_101 : vector<2560x1xf32>
    %add3A_125 = arith.constant 1.000000e+00 : f32
    %add3A_126 = vector.broadcast %add3A_125 : f32 to vector<2560x1xf32>
    %add3A_127 = arith.addf %mul3A_124, %add3A_126 : vector<2560x1xf32>
    %add3A_128 = arith.constant 1.000000e+00 : f32
    %add3A_129 = vector.broadcast %add3A_128 : f32 to vector<2560x1xf32>
    %add3A_130 = arith.addf %add3A_127, %add3A_129 : vector<2560x1xf32>
    %mul3A_131 = arith.constant 5.000000e-01 : f32
    %mul3A_132 = vector.broadcast %mul3A_131 : f32 to vector<2560x1xf32>
    %mul3A_133 = arith.mulf %mul3A_132, %add3A_130 : vector<2560x1xf32>
    %le3A = arith.constant 1.000000e+01 : f32
    %le3A_134 = vector.broadcast %le3A : f32 to vector<2560x1xf32>
    %le3A_135 = arith.cmpf ole, %get3A_4, %le3A_134 : vector<2560x1xf32>
    %convert_element_type3A_136 = arith.extui %le3A_135 : vector<2560x1xi1> to vector<2560x1xi32>
    %convert_element_type3A_137 = arith.sitofp %convert_element_type3A_136 : vector<2560x1xi32> to vector<2560x1xf32>
    %mul3A_138 = arith.mulf %mul3A_133, %convert_element_type3A_137 : vector<2560x1xf32>
    %ge3A = arith.constant 0.000000e+00 : f32
    %ge3A_139 = vector.broadcast %ge3A : f32 to vector<2560x1xf32>
    %ge3A_140 = arith.cmpf oge, %get3A_4, %ge3A_139 : vector<2560x1xf32>
    %convert_element_type3A_141 = arith.extui %ge3A_140 : vector<2560x1xi1> to vector<2560x1xi32>
    %convert_element_type3A_142 = arith.sitofp %convert_element_type3A_141 : vector<2560x1xi32> to vector<2560x1xf32>
    %mul3A_143 = arith.mulf %mul3A_138, %convert_element_type3A_142 : vector<2560x1xf32>
    %mul3A_144 = vector.broadcast %mul3A_143 : vector<2560x1xf32> to vector<2560x128xf32>
    %mul3A_145 = arith.mulf %add3A_97, %mul3A_144 : vector<2560x128xf32>
    %swap3A = arith.constant 0 : index
    %swap3A_146 = arith.constant 0 : index
    %swap3A_147 = vector.load %arg7[%swap3A, %swap3A_146] : memref<2560x128xf32, #tpu.memory_space<vmem>>, vector<2560x128xf32>
    tpu.vector_store %arg7[%swap3A, %swap3A_146], %mul3A_145 {strides = array<i32>} : memref<2560x128xf32, #tpu.memory_space<vmem>>, vector<2560x128xf32>,
    return
  }
  func.func @transform_0(%arg0: i32) -> (i32, i32) {
    %c0_i32 = arith.constant 0 : i32
    %c0_i32_0 = arith.constant 0 : i32
    return %arg0, %c0_i32 : i32, i32
  }
  func.func @transform_1(%arg0: i32) -> (i32, i32) {
    %c0_i32 = arith.constant 0 : i32
    %c0_i32_0 = arith.constant 0 : i32
    return %arg0, %c0_i32 : i32, i32
  }
  func.func @transform_2(%arg0: i32) -> (i32, i32) {
    %c0_i32 = arith.constant 0 : i32
    %c0_i32_0 = arith.constant 0 : i32
    %c0_i32_1 = arith.constant 0 : i32
    return %c0_i32, %c0_i32_0 : i32, i32
  }
  func.func @transform_3(%arg0: i32) -> (i32, i32) {
    %c0_i32 = arith.constant 0 : i32
    %c0_i32_0 = arith.constant 0 : i32
    %c0_i32_1 = arith.constant 0 : i32
    return %c0_i32, %c0_i32_0 : i32, i32
  }
  func.func @transform_4(%arg0: i32) -> (i32, i32) {
    %c0_i32 = arith.constant 0 : i32
    %c0_i32_0 = arith.constant 0 : i32
    %c0_i32_1 = arith.constant 0 : i32
    return %c0_i32, %c0_i32_0 : i32, i32
  }
  func.func @transform_5(%arg0: i32) -> (i32, i32) {
    %c0_i32 = arith.constant 0 : i32
    %c0_i32_0 = arith.constant 0 : i32
    %c0_i32_1 = arith.constant 0 : i32
    return %c0_i32, %c0_i32_0 : i32, i32
  }
  func.func @transform_6(%arg0: i32) -> (i32, i32) {
    %c0_i32 = arith.constant 0 : i32
    %c0_i32_0 = arith.constant 0 : i32
    return %arg0, %c0_i32 : i32, i32
  }
}

</mosaic_0001>

<sc_bundles>
// kernel: kernel.12.cloned.1.call-start
scs
__scs_entry_jumppad:
0x0: {  	(pc) =	sbr.rel $0x88, $3  }
0x1: {  	(tag) =	ssettag $0x0;
	lr =	simm.s32 $0x1  }
0x2: {  	[smem:$0x3F94] =	sst lr;
	_ =	strace $0xD0000000  }
0x3: {  	_ = 	snop  }
0x4: {  	_ = 	snop  }
0x5: {  	_ = 	snop  }
0x6: {  	_ = 	snop  }
0x7: {  	_ = 	snop  }
__scs_overlays_trampoline_lowered:
0x8: {  	[smem:$0x3FA3] =	sst s0  }
0x9: {  	[smem:$0x3FA4] =	sst s1  }
0xa: {  	[smem:$0x3FA5] =	sst s2  }
0xb: {  	[smem:$0x3FA6] =	sst s3  }
0xc: {  	[smem:$0x3FA7] =	sst s4  }
0xd: {  	[smem:$0x3FA8] =	sst s5  }
0xe: {  	[smem:$0x3FA9] =	sst s6  }
0xf: {  	[smem:$0x3FAA] =	sst s7  }
0x10: {  	[smem:$0x3FAB] =	sst s8  }
0x11: {  	[smem:$0x3FAC] =	sst s9;
	s0 =	simm.s32 @!p0 $0x0  }
0x12: {  	s1 =	sld [smem:$0x3F92];
	s0 =	simm.s32 @p0 $0x1  }
0x13: {  	[smem:$0x3FAD] =	sst s0;
	s0 =	simm.s32 @!p1 $0x0  }
0x14: {  	s2 =	sld [smem:$0x3F91];
	s0 =	simm.s32 @p1 $0x1  }
0x15: {  	[smem:$0x3FAE] =	sst s0;
	s0 =	simm.s32 @!p2 $0x0  }
0x16: {  	s3 =	sld [smem:$0x3FDB];
	s0 =	simm.s32 @p2 $0x1  }
0x17: {  	s4 =	simm.s32 $0x1BF5;
	[smem:$0x3FB0] =	sst s0  }
0x18: {  	s0 =	sld [smem:$0x3F93];
	_ =	swait.ge [sflag:s4], $0x0  }
0x19: {  	s7 =	sld [smem:$0x3F94]  }
0x1a: {  	s8 =	sadd.s32 $0xFFFFE003, lr  }
0x1b: {  	s9 =	sadd.s32 $0xFFFFFEF7, lr;
	s5 =	simm.s32 $0xFFFFFFFF;
	p2 =	slt.u32 s8, $0xFFFFF086  }
0x1c: {  	p1 =	slt.u32 s9, $0xF7A;
	s5 =	simm.s32 @!p2 $0x0  }
0x1d: {  	s5 =	simm.s32 @p1 $0x1;
	p0 =	seq.s32 s7, s2  }
0x1e: {  	s7 =	smul.u32 @!p0 $0xF7A, s2;
	p2 =	seq.s32 @!p0 s5, $0x0  }
0x1f: {  	s9 =	smul.u32 $0xF7A, s1;
	s8 =	simm.s32 @!p0 $0x1BF5;
	p2 =	por !p2, p0  }
0x20: {  	[sflag:s8] =	ssyncset.s32 @!p0 $0xFFFFF086;
	s6 =	sadd.s32 @!p0 s3, s7;
	s7 =	simm.s32 @!p0 $0x108  }
0x21: {  	s3 =	sadd.s32 s3, s9;
	s6 =	sadd.s32 @!p0 $0x88, s6;
	s7 =	simm.s32 @p2 $0x1082  }
0x22: {  	[simem:s7], [sflag:s8] =	dma.local @!p0 [hbm:s6], $0xF7A  }
0x23: {  	s9 =	sor.u32 $0xD0000000, s2;
	s6 =	simm.s32 $0x108;
	_ =	swait.ge @!p0 [sflag:s8], $0x0  }
0x24: {  	s3 =	sadd.s32 $0x88, s3;
	s6 =	simm.s32 @!p1 $0x1082;
	[sflag:s4] =	ssyncset.s32 $0xFFFFF086  }
0x25: {  	[simem:s6], [sflag:s4] =	dma.local [hbm:s3], $0xF7A  }
0x26: {  	[smem:$0x3F94] =	sst s1;
	(tag) =	ssettag s2;
	_ =	strace s9  }
0x27: {  	s1 =	sld [smem:$0x3FA4]  }
0x28: {  	s2 =	sld [smem:$0x3FA5]  }
0x29: {  	s4 =	sld [smem:$0x3FA7]  }
0x2a: {  	p0 =	seq.s32 s5, $0x0;
	s5 =	sld [smem:$0x3FA8]  }
0x2b: {  	s6 =	sld [smem:$0x3FA9]  }
0x2c: {  	s7 =	sld [smem:$0x3FAA]  }
0x2d: {  	s3 =	simm.s32 $0x108;
	s8 =	sld [smem:$0x3FAB]  }
0x2e: {  	s3 =	simm.s32 @!p0 $0x1082;
	s9 =	sld [smem:$0x3FAC]  }
0x2f: {  	lr =	sadd.s32 s0, s3;
	s0 =	sld [smem:$0x3FA3]  }
0x30: {  	s3 =	sld [smem:$0x3FA6]  }
0x31: {  	[smem:$0x3FAF] =	sst s10  }
0x32: {  	s10 =	sld [smem:$0x3FAD];
	_ =	sdelay $0x3  }
0x33: {  	p0 =	seq.s32 s10, $0x1;
	s10 =	sld [smem:$0x3FAF];
	_ =	sdelay $0x3  }
0x34: {  	[smem:$0x3FAF] =	sst s10  }
0x35: {  	s10 =	sld [smem:$0x3FAE];
	_ =	sdelay $0x3  }
0x36: {  	p1 =	seq.s32 s10, $0x1;
	s10 =	sld [smem:$0x3FAF];
	_ =	sdelay $0x3  }
0x37: {  	[smem:$0x3FAF] =	sst s10  }
0x38: {  	s10 =	sld [smem:$0x3FB0]  }
0x39: {  	_ = 	snop;
	(pc) =	sbr.ind lr, $3  }
0x3a: {  	_ = 	snop  }
0x3b: {  	_ = 	snop  }
0x3c: {  	p2 =	seq.s32 s10, $0x1;
	s10 =	sld [smem:$0x3FAF]  }
0x3d: {  	_ =	shalt  }
0x3e: {  	_ =	shalt  }
0x3f: {  	_ =	shalt  }
0x40: {  	_ =	shalt  }
0x41: {  	_ =	shalt  }
0x42: {  	_ =	shalt  }
0x43: {  	_ =	shalt  }
0x44: {  	_ =	shalt  }
0x45: {  	_ =	shalt  }
0x46: {  	_ =	shalt  }
0x47: {  	_ =	shalt  }
0x48: {  	_ =	shalt  }
0x49: {  	_ =	shalt  }
0x4a: {  	_ =	shalt  }
0x4b: {  	_ =	shalt  }
0x4c: {  	_ =	shalt  }
0x4d: {  	_ =	shalt  }
0x4e: {  	_ =	shalt  }
0x4f: {  	_ =	shalt  }
0x50: {  	_ =	shalt  }
0x51: {  	_ =	shalt  }
0x52: {  	_ =	shalt  }
0x53: {  	_ =	shalt  }
0x54: {  	_ =	shalt  }
0x55: {  	_ =	shalt  }
0x56: {  	_ =	shalt  }
0x57: {  	_ =	shalt  }
0x58: {  	_ =	shalt  }
0x59: {  	_ =	shalt  }
0x5a: {  	_ =	shalt  }
0x5b: {  	_ =	shalt  }
0x5c: {  	_ =	shalt  }
0x5d: {  	_ =	shalt  }
0x5e: {  	_ =	shalt  }
0x5f: {  	_ =	shalt  }
0x60: {  	_ =	shalt  }
0x61: {  	_ =	shalt  }
0x62: {  	_ =	shalt  }
0x63: {  	_ =	shalt  }
0x64: {  	_ =	shalt  }
0x65: {  	_ =	shalt  }
0x66: {  	_ =	shalt  }
0x67: {  	_ =	shalt  }
0x68: {  	_ =	shalt  }
0x69: {  	_ =	shalt  }
0x6a: {  	_ =	shalt  }
0x6b: {  	_ =	shalt  }
0x6c: {  	_ =	shalt  }
0x6d: {  	_ =	shalt  }
0x6e: {  	_ =	shalt  }
0x6f: {  	_ =	shalt  }
0x70: {  	_ =	shalt  }
0x71: {  	_ =	shalt  }
0x72: {  	_ =	shalt  }
0x73: {  	_ =	shalt  }
0x74: {  	_ =	shalt  }
0x75: {  	_ =	shalt  }
0x76: {  	_ =	shalt  }
0x77: {  	_ =	shalt  }
0x78: {  	_ =	shalt  }
0x79: {  	_ =	shalt  }
0x7a: {  	_ =	shalt  }
0x7b: {  	_ =	shalt  }
0x7c: {  	_ =	shalt  }
0x7d: {  	_ =	shalt  }
0x7e: {  	_ =	shalt  }
0x7f: {  	_ =	shalt  }
0x80: {  	_ =	shalt  }
0x81: {  	_ =	shalt  }
0x82: {  	_ =	shalt  }
0x83: {  	_ =	shalt  }
0x84: {  	_ =	shalt  }
0x85: {  	_ =	shalt  }
0x86: {  	_ =	shalt  }
0x87: {  	_ =	shalt  }
.Lfunc_end0:
.L_simem_size_0:
called_computation_lowered:
.L_overlay_start_0:
0x88: {  	s2 =	sld [smem:$0x3FD9]  }
0x89: {  	s3 =	sld [smem:$0x3FFE];
	_ =	sdelay $0x1  }
0x8a: {  	s1 =	srdreg.scid  }
0x8b: {  	s0 =	sand.u32 $0x1, s1  }
0x8c: {  	s17 =	sshll.u32 s0, $0xA;
	s2 =	sadd.s32 s3, s2  }
0x8d: {  	s2 =	sadd.s32 s2, s17  }
0x8e: {  	[smem:$0x3FBB] =	sst s2  }
0x8f: {  	_ = 	snop  }
0x90: {  	s2 =	sld [smem:$0x3FD0];
	(tm) =	ssettm $0x1  }
0x91: {  	s18 =	sld [smem:$0x3FFB];
	_ =	sdelay $0x3  }
0x92: {  	_ =	strace s18  }
0x93: {  	s3 =	sld [smem:$0x3FFC];
	_ =	sdelay $0x3  }
0x94: {  	_ =	strace s3  }
0x95: {  	s3 =	sld [smem:$0x3FFD];
	_ =	sdelay $0x3  }
0x96: {  	_ =	strace s3  }
0x97: {  	_ =	strace $0x8FFFFFFF  }
0x98: {  	s19 =	sld [smem:$0x3FDB];
	_ =	sdelay $0x1  }
0x99: {  	s4 =	simm.s32 $_scs_section_size  }
0x9a: {  	s5 =	simm.s32 $_size__tile_overlayer_lowered;
	s6 =	simm.s32 $_tile_overlayer_lowered  }
0x9b: {  	s22 =	simm.s32 $0x1BFF;
	s21 =	sshll.u32 s6, $0x1;
	s3 =	sadd.s32 s4, s19  }
0x9c: {  	s7 =	simm.s32 $0x0;
	s20 =	sshll.u32 s5, $0x1;
	s5 =	sadd.s32 s21, s3  }
0x9d: {  	[timem:s7], [sflag:s22] =	dma.local [hbm:s5], s20  }
0x9e: {  	_ =	swait.ge [sflag:s22], s20  }
0x9f: {  	s4 =	ssub.s32 $0x0, s20;
	[sflag:s22] =	ssyncset.done $0x0  }
0xa0: {  	[sflag:s22] =	ssyncadd.s32 s4;
	_ =	sdelay $0x1  }
0xa1: {  	s23 =	simm.s32 $0x1B8B  }
0xa2: {  	_ =	swait.ge [sflag:s23], $0x1  }
0xa3: {  	[sflag:s23] =	ssyncset.done $0x0  }
0xa4: {  	s25 =	simm.s32 $0x1B8E;
	s24 =	sld [smem:$0x3FFE];
	[sflag:s23] =	ssyncadd.s32 $0xFFFFFFFF  }
0xa5: {  	s26 =	simm.s32 $execute0_lowered;
	[smem:$0x3FD2] =	sst s25  }
0xa6: {  	s5 =	sshll.u32 s26, $0x1;
	_ =	strace $0x80000046;
	[dreg:$0x1] =	wrdreg $0xFFFFFFFF  }
0xa7: {  	s28 =	simm.s32 $_size_execute0_lowered;
	s3 =	sadd.s32 s3, s5;
	[dreg:$0x0] =	wrdreg $0x0  }
0xa8: {  	s5 =	sshll.u32 s28, $0x1;
	[dreg:$0x2] =	wrdreg s3  }
0xa9: {  	[dreg:$0x3] =	wrdreg s5  }
0xaa: {  	[dreg:$0x4] =	wrdreg $0xC0  }
0xab: {  	_ =	task [dreg:s7], $0x5FFFF  }
0xac: {  	[dreg:$0x1] =	wrdreg $0xFFFFFFFF  }
0xad: {  	[dreg:$0x0] =	wrdreg $0x60  }
0xae: {  	[dreg:$0x2] =	wrdreg s2  }
0xaf: {  	[dreg:$0x3] =	wrdreg s24  }
0xb0: {  	[dreg:$0x4] =	wrdreg $0xC0000  }
0xb1: {  	[dreg:$0x5] =	wrdreg $0x9  }
0xb2: {  	_ =	task.clear_ibuf [dreg:s7], $0x6FFFF;
	_ =	strace $0x90000046  }
0xb3: {  	s29 =	simm.s32 $0x9;
	_ =	strace $0x80000048  }
0xb4: {  	_ =	swait.ge [sflag:s29], $0x1  }
0xb5: {  	[sflag:s29] =	ssyncadd.s32 $0xFFFFFFFF  }
0xb6: {  	_ =	strace $0x90000048  }
0xb7: {  	_ =	sfence  }
0xb8: {  	s30 =	sld [smem:$0x0];
	_ =	sdelay $0x2  }
0xb9: {  	s31 =	sshll.u32 s1, $0xD;
	s1 =	sshrl.u32 s1, $0x2  }
0xba: {  	s3 =	sand.u32 $0x4000, s31;
	s1 =	sadd.s32 s1, s30  }
0xbb: {  	s0 =	sor.u32 s3, s0;
	s1 =	sshll.u32 s1, $0x11  }
0xbc: {  	s0 =	sor.u32 s1, s0  }
0xbd: {  	s0 =	sadd.s32 $0x8F2B, s0  }
0xbe: {  	[sflag:s0] =	ssyncadd.remote.s32 $0x1  }
0xbf: {  	_ =	sfence.sel $0xFFFF  }
0xc0: {  	[dreg:$0x0] =	wrdreg $0xFFFFFFFF;
	(pc) =	sbr.abs _section_cstart, $3  }
0xc1: {  	[dreg:$0x1] =	wrdreg $0xFFFFFFFF  }
0xc2: {  	_ =	task.clear_ibuf [dreg:s7], $0x2FFFF;
	_ =	strace $0x9FFFFFFF  }
0xc3: {  	(tm) =	ssettm $0x7FFFFFFF  }
tec
execute0_lowered:
.L_overlay_start_1:
0x0: {  	(tag) =	ssettag $0x1  }
0x1: {  	s1 =	rddreg [dreg:$0x0]  }
0x2: {  	s0 =	rddreg [dreg:$0x1]  }
0x3: {  	s2 =	rddreg [dreg:$0x2]  }
0x4: {  	s3 =	srdreg.scid;
	s4 =	simm.s32 $0x0;
	s15 =	stileid.u32  }
0x5: {  	s16 =	simm.s32 $0x5;
	s19 =	simm.s32 $0x50;
	s20 =	simm.s32 $0x2000  }
0x6: {  	s21 =	simm.s32 $0x4800;
	s22 =	simm.s32 $0x7000;
	s23 =	simm.s32 $0x1  }
0x7: {  	s28 =	simm.s32 $0x0;
	s3 =	sand.u32 $0x1, s3;
	s7 =	smul.u32 $0x4E000, s15  }
0x8: {  	[smem:$0x7FF] =	sst s4;
	s10 =	smul.u32 $0x13800, s15;
	s11 =	sadd.s32 $0x2BA00, s0  }
0x9: {  	s26 =	sshll.u32 s15, $0x6;
	s17 =	sadd.s32 $0x138000, s2;
	p0 =	sne.s32 s15, $0xF  }
0xa: {  	s5 =	sshll.u32 s3, $0x4;
	_ =	strace $0x80000047;
	s9 =	smul.u32 $0x138800, s3  }
0xb: {  	s3 =	ssub.s32 $0x2, s3;
	s17 =	sshrl.u32 @!p0 s17, $0x3;
	s6 =	sor.u32 s15, s5  }
0xc: {  	s5 =	sadd.s32 $0x2B6200, s0;
	s12 =	sshrl.u32 s3, $0x1;
	s7 =	sshrl.u32 s7, $0x2  }
0xd: {  	s8 =	sshll.u32 s6, $0x9;
	s10 =	sadd.s32 s10, s9;
	s3 =	ssub.s32 s3, s12  }
0xe: {  	s24 =	sadd.s32 s7, s2;
	s9 =	sshrl.u32 s9, $0x3;
	s7 =	sor.u32 $0x1C05, s26  }
0xf: {  	s26 =	simm.s32 $0x4;
	s8 =	sadd.s32 s8, s0;
	s10 =	sshrl.u32 s10, $0x3  }
0x10: {  	s0 =	sadd.s32 $0x79C00, s0;
	s13 =	sadd.s32 $0x27000, s9;
	s25 =	sadd.s32 s11, s10  }
0x11: {  	s14 =	smax.u32 s3, $0x1;
	s9 =	sadd.s32 s11, s13;
	[dreg:$0x4] =	wrdreg s25  }
0x12: {  	s15 =	sshrl.u32 s24, $0x3;
	s29 =	sadd.s32 $0x2AE200, s8;
	[dreg:$0x5] =	wrdreg s9  }
0x13: {  	s24 =	simm.s32 $0x2;
	s30 =	sadd.s32 $0x2B2200, s8;
	[dreg:$0x6] =	wrdreg s29  }
0x14: {  	s31 =	sadd.s32 s0, s10;
	s13 =	sadd.s32 s0, s13;
	[dreg:$0x7] =	wrdreg s30  }
0x15: {  	s9 =	smul.u32 $0xA00, s6;
	[dreg:$0x8] =	wrdreg s31;
	s25 =	simm.s32 $0x3  }
.LBB2_1:
0x16: {  	s0 =	rddreg [dreg:$0x4]  }
0x17: {  	[spmem:s15], [sflag:s7] =	dma.local [hbm:s0], $0x2700  }
0x18: {  	_ =	swait.ge [sflag:s16], $0x2700  }
0x19: {  	[sflag:s16] =	ssyncset.done $0x0  }
0x1a: {  	s0 =	rddreg [dreg:$0x5];
	[sflag:s16] =	ssyncadd.s32 $0xFFFFD900  }
0x1b: {  	[spmem:s17], [sflag:s7] =	dma.local @!p0 [hbm:s0], $0x100  }
0x1c: {  	s0 =	simm.s32 @!p0 $0x5  }
0x1d: {  	_ =	swait.ge @!p0 [sflag:s0], $0x100  }
0x1e: {  	[sflag:s0] =	ssyncset.done @!p0 $0x0  }
0x1f: {  	[sflag:s0] =	ssyncadd.s32 @!p0 $0xFFFFFF00  }
0x20: {  	[bflag:$0x0] =	sbarrier.arrive $0xFFFF  }
0x21: {  	s30 =	rddreg [dreg:$0x6]  }
0x22: {  	[tilespmem:s4], [sflag:$0x5] =	stream.linear.gather [hbm4b:s30+s4], $0x1000, $0x38;
	[tilespmem:$0x1F880] =	vst v63  }
0x23: {  	_ =	swait.ge [sflag:s16], $0x1000  }
0x24: {  	[sflag:s16] =	ssyncset.done $0x0  }
0x25: {  	s3 =	simm.s32 $0x1000;
	s31 =	rddreg [dreg:$0x7];
	[sflag:s16] =	ssyncadd.s32 $0xFFFFF000  }
0x26: {  	[tilespmem:s3], [sflag:$0x5] =	stream.linear.gather [hbm4b:s31+s4], $0x1000, $0x38;
	[tilespmem:$0x1F880] =	vst v63  }
0x27: {  	_ =	swait.ge [sflag:s16], $0x1000  }
0x28: {  	[sflag:s16] =	ssyncset.done $0x0  }
0x29: {  	s29 =	simm.s32 $0x0;
	[sflag:s16] =	ssyncadd.s32 $0xFFFFF000  }
.LBB2_2:
0x2a: {  	p1 =	seq.s32 s29, $0x0  }
0x2b: {  	s0 =	simm.s32 @!p1 $0x3  }
0x2c: {  	_ =	swait.ge @!p1 [sflag:s0], $0x2800  }
0x2d: {  	[sflag:s0] =	ssyncset.done @!p1 $0x0  }
0x2e: {  	[sflag:s0] =	ssyncadd.s32 @!p1 $0xFFFFD800;
	s0 =	simm.s32 @!p1 $0x4  }
0x2f: {  	s3 =	smul.u32 $0xA0, s29;
	_ =	swait.ge @!p1 [sflag:s0], $0x2800  }
0x30: {  	[sflag:s0] =	ssyncset.done @!p1 $0x0  }
0x31: {  	s31 =	sshll.u32 s29, $0x8;
	s18 =	sadd.s32 s9, s3;
	[sflag:s0] =	ssyncadd.s32 @!p1 $0xFFFFD800  }
0x32: {  	[tilespmem:s20], [sflag:$0x1] =	stream.indirect.gather [hbm4b:s1+s19], $0x80, s31, s19, $0xb8;
	[tilespmem:$0x1F880] =	vst v63  }
0x33: {  	s30 =	sor.u32 $0x80, s31;
	s0 =	sshll.u32 s18, $0x4  }
0x34: {  	[tilespmem:s21], [sflag:$0x2] =	stream.indirect.gather [hbm4b:s1+s19], $0x80, s30, s19, $0xb8;
	[tilespmem:$0x1F880] =	vst v63  }
0x35: {  	s0 =	sadd.s32 s5, s0  }
0x36: {  	[tilespmem:s22], [sflag:$0x5] =	stream.linear.gather [hbm4b:s0+s4], $0x5000, $0x38;
	[tilespmem:$0x1F880] =	vst v63  }
0x37: {  	_ =	swait.ge [sflag:s16], $0x5000  }
0x38: {  	[sflag:s16] =	ssyncset.done $0x0  }
0x39: {  	[sflag:s16] =	ssyncadd.s32 $0xFFFFB000  }
0x3a: {  	_ =	swait.ge [sflag:s23], $0x2800  }
0x3b: {  	[sflag:s23] =	ssyncset.done $0x0  }
0x3c: {  	s0 =	simm.s32 $0x2080;
	[sflag:s23] =	ssyncadd.s32 $0xFFFFD800  }
0x3d: {  	s10 =	simm.s32 $0x7080;
	v0 =	vld [tilespmem:s0+$0x0]  }
0x3e: {  	v1 =	vld [tilespmem:s10+$0x0];
	_ =	sdelay $0x3  }
0x3f: {  	v2 =	vld [tilespmem:s0+$0xFFFFFF80]  }
0x40: {  	v0 =	vmul.f32 v1, v0;
	v1 =	vld [tilespmem:s10+$0xFFFFFF80];
	_ =	sdelay $0x1  }
0x41: {  	[tilespmem:s0+$0x0] =	vst v0;
	v0 =	vld [tilespmem:s0+$0x10]  }
0x42: {  	v3 =	vld [tilespmem:s10+$0x10];
	_ =	sdelay $0x1  }
0x43: {  	v1 =	vmul.f32 v1, v2;
	_ =	sdelay $0x1  }
0x44: {  	v4 =	vld [tilespmem:s0+$0xFFFFFF90];
	[tilespmem:s0+$0xFFFFFF80] =	vst v1  }
0x45: {  	v0 =	vmul.f32 v3, v0;
	v1 =	vld [tilespmem:s10+$0xFFFFFF90];
	_ =	sdelay $0x1  }
0x46: {  	[tilespmem:s0+$0x10] =	vst v0;
	v0 =	vld [tilespmem:s0+$0x20]  }
0x47: {  	v3 =	vld [tilespmem:s10+$0x20]  }
0x48: {  	v5 =	vld [tilespmem:s0+$0xFFFFFFB0]  }
0x49: {  	s3 =	simm.s32 $0x2180;
	v6 =	vld [tilespmem:s0+$0xFFFFFFD0];
	v1 =	vmul.f32 v1, v4  }
0x4a: {  	v7 =	vld [tilespmem:s3+$0x0]  }
0x4b: {  	v2 =	vld [tilespmem:s0+$0xFFFFFFA0];
	[tilespmem:s0+$0xFFFFFF90] =	vst v1  }
0x4c: {  	v0 =	vmul.f32 v3, v0;
	v1 =	vld [tilespmem:s10+$0xFFFFFFA0]  }
0x4d: {  	v8 =	vld [tilespmem:s0+$0xFFFFFFE0]  }
0x4e: {  	[tilespmem:s0+$0x20] =	vst v0;
	v0 =	vld [tilespmem:s0+$0x30]  }
0x4f: {  	s18 =	simm.s32 $0x7180;
	v3 =	vld [tilespmem:s10+$0x30]  }
0x50: {  	v10 =	vld [tilespmem:s18+$0xFFFFFF80]  }
0x51: {  	v1 =	vmul.f32 v1, v2;
	v2 =	vld [tilespmem:s18+$0x0]  }
0x52: {  	v12 =	vld [tilespmem:s3+$0xFFFFFF90]  }
0x53: {  	s8 =	simm.s32 $0x7280;
	v13 =	vld [tilespmem:s3+$0xFFFFFFD0]  }
0x54: {  	v15 =	vld [tilespmem:s8+$0xFFFFFF80];
	v0 =	vmul.f32 v3, v0  }
0x55: {  	[tilespmem:s0+$0xFFFFFFA0] =	vst v1;
	v1 =	vld [tilespmem:s0+$0x40]  }
0x56: {  	[tilespmem:s0+$0x30] =	vst v0;
	v2 =	vmul.f32 v2, v7;
	v7 =	vld [tilespmem:s3+$0xFFFFFF80]  }
0x57: {  	s6 =	simm.s32 $0x2280;
	v9 =	vld [tilespmem:s10+$0x40]  }
0x58: {  	v16 =	vld [tilespmem:s6+$0xFFFFFF80]  }
0x59: {  	v3 =	vld [tilespmem:s10+$0xFFFFFFB0]  }
0x5a: {  	v17 =	vld [tilespmem:s3+$0x50]  }
0x5b: {  	[tilespmem:s3+$0x0] =	vst v2;
	v2 =	vld [tilespmem:s3+$0x10];
	v7 =	vmul.f32 v10, v7  }
0x5c: {  	v11 =	vld [tilespmem:s18+$0x10];
	v1 =	vmul.f32 v9, v1  }
0x5d: {  	v9 =	vld [tilespmem:s0+$0x50];
	[tilespmem:s3+$0xFFFFFF80] =	vst v7  }
0x5e: {  	[tilespmem:s0+$0x40] =	vst v1;
	v1 =	vmul.f32 v3, v5;
	v5 =	vld [tilespmem:s18+$0xFFFFFF90]  }
0x5f: {  	v3 =	vld [tilespmem:s10+$0x50]  }
0x60: {  	v60 =	vld [tilespmem:s6+$0xFFFFFFA0]  }
0x61: {  	v4 =	vld [tilespmem:s0+$0xFFFFFFC0];
	v2 =	vmul.f32 v11, v2;
	[tilespmem:s0+$0xFFFFFFB0] =	vst v1  }
0x62: {  	v1 =	vld [tilespmem:s10+$0xFFFFFFC0]  }
0x63: {  	[tilespmem:s3+$0x10] =	vst v2;
	v2 =	vld [tilespmem:s3+$0x20]  }
0x64: {  	v5 =	vmul.f32 v5, v12;
	v3 =	vmul.f32 v3, v9;
	v9 =	vld [tilespmem:s18+$0x20]  }
0x65: {  	v18 =	vld [tilespmem:s3+$0x60];
	v15 =	vmul.f32 v15, v16  }
0x66: {  	v10 =	vld [tilespmem:s3+$0xFFFFFFA0];
	[tilespmem:s3+$0xFFFFFF90] =	vst v5  }
0x67: {  	[tilespmem:s6+$0xFFFFFF80] =	vst v15;
	v1 =	vmul.f32 v1, v4;
	v4 =	vld [tilespmem:s18+$0xFFFFFFA0]  }
0x68: {  	v15 =	vld [tilespmem:s8+$0xFFFFFF90]  }
0x69: {  	v0 =	vld [tilespmem:s0+$0xFFFFFFF0];
	[tilespmem:s0+$0xFFFFFFC0] =	vst v1;
	v1 =	vmul.f32 v9, v2  }
0x6a: {  	v7 =	vld [tilespmem:s3+$0xFFFFFFB0]  }
0x6b: {  	v5 =	vld [tilespmem:s3+$0x30];
	[tilespmem:s3+$0x20] =	vst v1  }
0x6c: {  	v4 =	vmul.f32 v4, v10;
	v10 =	vld [tilespmem:s18+$0x30]  }
0x6d: {  	v2 =	vld [tilespmem:s10+$0xFFFFFFD0]  }
0x6e: {  	v11 =	vld [tilespmem:s0+$0x60]  }
0x6f: {  	v12 =	vld [tilespmem:s3+$0xFFFFFFC0];
	[tilespmem:s0+$0x50] =	vst v3  }
0x70: {  	v3 =	vld [tilespmem:s10+$0x60]  }
0x71: {  	[tilespmem:s3+$0xFFFFFFA0] =	vst v4;
	v4 =	vld [tilespmem:s6+$0x0];
	v5 =	vmul.f32 v10, v5  }
0x72: {  	v2 =	vmul.f32 v2, v6;
	v6 =	vld [tilespmem:s8+$0x0]  }
0x73: {  	v10 =	vld [tilespmem:s3+$0x40];
	[tilespmem:s3+$0x30] =	vst v5  }
0x74: {  	v5 =	vld [tilespmem:s18+$0x40]  }
0x75: {  	v9 =	vld [tilespmem:s0+$0x70];
	v3 =	vmul.f32 v3, v11  }
0x76: {  	v1 =	vld [tilespmem:s3+$0xFFFFFFE0]  }
0x77: {  	[tilespmem:s0+$0x60] =	vst v3;
	v3 =	vld [tilespmem:s18+$0xFFFFFFB0];
	v4 =	vmul.f32 v6, v4  }
0x78: {  	v6 =	vld [tilespmem:s6+$0xFFFFFF90]  }
0x79: {  	[tilespmem:s6+$0x0] =	vst v4;
	v4 =	vld [tilespmem:s6+$0x10];
	v5 =	vmul.f32 v5, v10  }
0x7a: {  	v10 =	vld [tilespmem:s8+$0x10]  }
0x7b: {  	v11 =	vld [tilespmem:s10+$0x70];
	[tilespmem:s3+$0x40] =	vst v5  }
0x7c: {  	v3 =	vmul.f32 v3, v7;
	v7 =	vld [tilespmem:s18+$0x50]  }
0x7d: {  	[tilespmem:s0+$0xFFFFFFD0] =	vst v2;
	v2 =	vld [tilespmem:s3+$0xFFFFFFF0]  }
0x7e: {  	v14 =	vld [tilespmem:s10+$0xFFFFFFE0];
	[tilespmem:s3+$0xFFFFFFB0] =	vst v3;
	v6 =	vmul.f32 v15, v6  }
0x7f: {  	v3 =	vmul.f32 v10, v4;
	v10 =	vld [tilespmem:s18+$0xFFFFFFC0]  }
0x80: {  	[tilespmem:s6+$0xFFFFFF90] =	vst v6;
	v6 =	vld [tilespmem:s6+$0xFFFFFFE0]  }
0x81: {  	v5 =	vld [tilespmem:s6+$0xFFFFFFB0];
	[tilespmem:s6+$0x10] =	vst v3;
	v3 =	vmul.f32 v7, v17  }
0x82: {  	v7 =	vld [tilespmem:s6+$0x20]  }
0x83: {  	v15 =	vld [tilespmem:s8+$0x20];
	[tilespmem:s3+$0x50] =	vst v3  }
0x84: {  	v10 =	vmul.f32 v10, v12;
	v12 =	vld [tilespmem:s18+$0x60]  }
0x85: {  	v61 =	vld [tilespmem:s8+$0xFFFFFFA0]  }
0x86: {  	v4 =	vld [tilespmem:s6+$0xFFFFFFC0];
	[tilespmem:s3+$0xFFFFFFC0] =	vst v10  }
0x87: {  	v10 =	vld [tilespmem:s18+$0xFFFFFFD0]  }
0x88: {  	v3 =	vld [tilespmem:s6+$0xFFFFFFD0];
	v7 =	vmul.f32 v15, v7  }
0x89: {  	v15 =	vld [tilespmem:s3+$0x70];
	v12 =	vmul.f32 v12, v18  }
0x8a: {  	[tilespmem:s6+$0x20] =	vst v7;
	v7 =	vmul.f32 v14, v8;
	v14 =	vld [tilespmem:s6+$0x30]  }
0x8b: {  	v8 =	vmul.f32 v61, v60;
	v62 =	vld [tilespmem:s8+$0x30];
	[tilespmem:s3+$0x60] =	vst v12  }
0x8c: {  	[tilespmem:s0+$0xFFFFFFE0] =	vst v7;
	v7 =	vmul.f32 v10, v13;
	v63 =	vld [tilespmem:s18+$0x70]  }
0x8d: {  	[tilespmem:s6+$0xFFFFFFA0] =	vst v8;
	v8 =	vld [tilespmem:s10+$0xFFFFFFF0]  }
0x8e: {  	v12 =	vld [tilespmem:s8+$0xFFFFFFB0];
	[tilespmem:s3+$0xFFFFFFD0] =	vst v7  }
0x8f: {  	v10 =	vmul.f32 v11, v9;
	v9 =	vld [tilespmem:s18+$0xFFFFFFE0]  }
0x90: {  	v7 =	vld [tilespmem:s6+$0xFFFFFFF0];
	v13 =	vmul.f32 v62, v14  }
0x91: {  	s11 =	simm.s32 $0x4;
	s12 =	simm.s32 $0x2380;
	s10 =	simm.s32 $0x7280;
	[tilespmem:s0+$0x70] =	vst v10;
	v10 =	vld [tilespmem:s6+$0x40];
	v11 =	vmul.f32 v63, v15  }
.LBB2_3:
0x92: {  	v14 =	vld [tilespmem:s12+$0x0];
	[tilespmem:s6+$0x30] =	vst v13;
	s8 =	sadd.s32 $0x100, s8;
	v8 =	vmul.f32 v8, v0;
	v0 =	vmov v2  }
0x93: {  	v13 =	vld [tilespmem:s8+$0x0];
	v12 =	vmul.f32 v12, v5;
	[tilespmem:s3+$0x70] =	vst v11  }
0x94: {  	s11 =	sadd.s32 $0x2, s11;
	v5 =	vld [tilespmem:s10+$0x40];
	v9 =	vmul.f32 v9, v1;
	[tilespmem:s0+$0xFFFFFFF0] =	vst v8;
	v1 =	vmov v6;
	s0 =	smov.u32 s3;
	s3 =	smov.u32 s6  }
0x95: {  	p1 =	slt.u32 s11, $0x4E;
	s6 =	smov.u32 s12;
	v6 =	vld [tilespmem:s8+$0xFFFFFF80];
	[tilespmem:s3+$0xFFFFFFB0] =	vst v12;
	v2 =	vmov v7  }
0x96: {  	v7 =	vld [tilespmem:s12+$0xFFFFFF80];
	[tilespmem:s0+$0xFFFFFFE0] =	vst v9  }
0x97: {  	v8 =	vld [tilespmem:s12+$0xFFFFFF90]  }
0x98: {  	v9 =	vld [tilespmem:s12+$0xFFFFFFA0];
	v11 =	vmul.f32 v13, v14  }
0x99: {  	v5 =	vmul.f32 v5, v10;
	v10 =	vld [tilespmem:s3+$0x50]  }
0x9a: {  	[tilespmem:s12+$0x0] =	vst v11;
	v11 =	vld [tilespmem:s12+$0x10]  }
0x9b: {  	v6 =	vmul.f32 v6, v7;
	v7 =	vld [tilespmem:s8+$0x10];
	[tilespmem:s3+$0x40] =	vst v5  }
0x9c: {  	v12 =	vld [tilespmem:s10+$0x50]  }
0x9d: {  	[tilespmem:s12+$0xFFFFFF80] =	vst v6;
	v5 =	vld [tilespmem:s12+$0xFFFFFFB0]  }
0x9e: {  	v6 =	vld [tilespmem:s8+$0xFFFFFF90]  }
0x9f: {  	v13 =	vld [tilespmem:s10+$0xFFFFFFC0]  }
0xa0: {  	v14 =	vld [tilespmem:s12+$0xFFFFFFC0];
	v7 =	vmul.f32 v7, v11  }
0xa1: {  	v10 =	vmul.f32 v12, v10;
	v11 =	vld [tilespmem:s3+$0x60]  }
0xa2: {  	[tilespmem:s12+$0x10] =	vst v7;
	v7 =	vld [tilespmem:s12+$0x20]  }
0xa3: {  	v6 =	vmul.f32 v6, v8;
	v8 =	vld [tilespmem:s8+$0x20];
	[tilespmem:s3+$0x50] =	vst v10  }
0xa4: {  	v10 =	vmul.f32 v13, v4;
	v12 =	vld [tilespmem:s10+$0x60]  }
0xa5: {  	[tilespmem:s12+$0xFFFFFF90] =	vst v6;
	v13 =	vld [tilespmem:s12+$0xFFFFFFD0];
	v4 =	vmov v14  }
0xa6: {  	v14 =	vld [tilespmem:s8+$0xFFFFFFA0];
	[tilespmem:s3+$0xFFFFFFC0] =	vst v10  }
0xa7: {  	v10 =	vld [tilespmem:s10+$0xFFFFFFD0]  }
0xa8: {  	v6 =	vld [tilespmem:s12+$0xFFFFFFE0];
	v7 =	vmul.f32 v8, v7  }
0xa9: {  	v8 =	vmul.f32 v12, v11;
	v11 =	vld [tilespmem:s3+$0x70]  }
0xaa: {  	[tilespmem:s12+$0x20] =	vst v7;
	v15 =	vld [tilespmem:s12+$0x30]  }
0xab: {  	v7 =	vmul.f32 v14, v9;
	v14 =	vld [tilespmem:s8+$0x30];
	[tilespmem:s3+$0x60] =	vst v8  }
0xac: {  	v9 =	vmul.f32 v10, v3;
	v16 =	vld [tilespmem:s10+$0x70];
	v3 =	vmov v13  }
.Ltmp0:
0xad: {  	[tilespmem:s12+$0xFFFFFFA0] =	vst v7;
	v8 =	vld [tilespmem:s18+$0xFFFFFFF0];
	s18 =	smov.u32 s10;
	s10 =	smov.u32 s8;
	(pc) =	sbr.rel @p1 .LBB2_3-.Ltmp0, $4  }
0xae: {  	v12 =	vld [tilespmem:s8+$0xFFFFFFB0];
	[tilespmem:s3+$0xFFFFFFD0] =	vst v9  }
0xaf: {  	v9 =	vld [tilespmem:s18+$0xFFFFFFE0]  }
0xb0: {  	v7 =	vld [tilespmem:s12+$0xFFFFFFF0];
	v13 =	vmul.f32 v14, v15  }
0xb1: {  	s12 =	sadd.s32 $0x100, s12;
	v10 =	vld [tilespmem:s6+$0x40];
	v11 =	vmul.f32 v16, v11  }
0xb2: {  	_ = 	snop  }
0xb3: {  	[tilespmem:s6+$0x30] =	vst v13;
	v5 =	vmul.f32 v12, v5  }
0xb4: {  	v12 =	vld [tilespmem:s10+$0x40]  }
0xb5: {  	[tilespmem:s6+$0xFFFFFFB0] =	vst v5  }
0xb6: {  	v5 =	vld [tilespmem:s10+$0xFFFFFFC0];
	_ =	sdelay $0x2  }
0xb7: {  	v10 =	vmul.f32 v12, v10;
	_ =	sdelay $0x1  }
0xb8: {  	v12 =	vld [tilespmem:s6+$0x50];
	[tilespmem:s6+$0x40] =	vst v10;
	v4 =	vmul.f32 v5, v4  }
0xb9: {  	v5 =	vld [tilespmem:s10+$0x50]  }
0xba: {  	[tilespmem:s6+$0xFFFFFFC0] =	vst v4  }
0xbb: {  	v4 =	vld [tilespmem:s10+$0xFFFFFFD0];
	_ =	sdelay $0x2  }
0xbc: {  	v5 =	vmul.f32 v5, v12;
	_ =	sdelay $0x1  }
0xbd: {  	v10 =	vld [tilespmem:s6+$0x60];
	[tilespmem:s6+$0x50] =	vst v5;
	v3 =	vmul.f32 v4, v3  }
0xbe: {  	v4 =	vld [tilespmem:s10+$0x60]  }
0xbf: {  	[tilespmem:s6+$0xFFFFFFD0] =	vst v3  }
0xc0: {  	v3 =	vld [tilespmem:s10+$0xFFFFFFE0];
	_ =	sdelay $0x2  }
0xc1: {  	v4 =	vmul.f32 v4, v10  }
0xc2: {  	v1 =	vmul.f32 v9, v1  }
0xc3: {  	v5 =	vld [tilespmem:s6+$0x70];
	[tilespmem:s6+$0x60] =	vst v4;
	v3 =	vmul.f32 v3, v6  }
0xc4: {  	[tilespmem:s3+$0xFFFFFFE0] =	vst v1;
	v1 =	vld [tilespmem:s10+$0x70]  }
0xc5: {  	v4 =	vld [tilespmem:s18+$0xFFFFFFF0];
	[tilespmem:s6+$0xFFFFFFE0] =	vst v3  }
0xc6: {  	v3 =	vld [tilespmem:s10+$0xFFFFFFF0];
	_ =	sdelay $0x1  }
0xc7: {  	v0 =	vmul.f32 v8, v0  }
0xc8: {  	[tilespmem:s3+$0x70] =	vst v11;
	v1 =	vmul.f32 v1, v5  }
0xc9: {  	[tilespmem:s0+$0xFFFFFFF0] =	vst v0;
	v0 =	vmul.f32 v4, v2  }
0xca: {  	[tilespmem:s6+$0x70] =	vst v1;
	v1 =	vmul.f32 v3, v7  }
0xcb: {  	[tilespmem:s3+$0xFFFFFFF0] =	vst v0  }
0xcc: {  	s18 =	sadd.s32 $0x1000, s31;
	[tilespmem:s6+$0xFFFFFFF0] =	vst v1  }
0xcd: {  	[spmem:s2] =	stream.indirect.scatter.add.f32 [tilespmem:s20], [sflag:$0x3], $0x80, s18, s19, $0xb8;
	[tilespmem:$0x1F880] =	vst v63  }
0xce: {  	_ =	swait.ge [sflag:s24], $0x2800  }
0xcf: {  	[sflag:s24] =	ssyncset.done $0x0  }
0xd0: {  	s0 =	simm.s32 $0x4880;
	[sflag:s24] =	ssyncadd.s32 $0xFFFFD800  }
0xd1: {  	s31 =	simm.s32 $0x98F0;
	v0 =	vld [tilespmem:s0+$0x0]  }
0xd2: {  	v1 =	vld [tilespmem:s31+$0xFFFFFF90];
	_ =	sdelay $0x3  }
0xd3: {  	v2 =	vld [tilespmem:s0+$0xFFFFFF80]  }
0xd4: {  	v0 =	vmul.f32 v1, v0;
	v1 =	vld [tilespmem:s31+$0xFFFFFF10];
	_ =	sdelay $0x1  }
0xd5: {  	[tilespmem:s0+$0x0] =	vst v0;
	v0 =	vld [tilespmem:s0+$0x10]  }
0xd6: {  	v3 =	vld [tilespmem:s31+$0xFFFFFFA0];
	_ =	sdelay $0x1  }
0xd7: {  	v1 =	vmul.f32 v1, v2;
	_ =	sdelay $0x1  }
0xd8: {  	v4 =	vld [tilespmem:s0+$0xFFFFFF90];
	[tilespmem:s0+$0xFFFFFF80] =	vst v1  }
0xd9: {  	v0 =	vmul.f32 v3, v0;
	v1 =	vld [tilespmem:s31+$0xFFFFFF20];
	_ =	sdelay $0x1  }
0xda: {  	[tilespmem:s0+$0x10] =	vst v0;
	v0 =	vld [tilespmem:s0+$0x20]  }
0xdb: {  	v3 =	vld [tilespmem:s31+$0xFFFFFFB0]  }
0xdc: {  	v5 =	vld [tilespmem:s0+$0xFFFFFFB0]  }
0xdd: {  	s3 =	simm.s32 $0x4980;
	v6 =	vld [tilespmem:s0+$0xFFFFFFD0];
	v1 =	vmul.f32 v1, v4  }
0xde: {  	v7 =	vld [tilespmem:s3+$0x0]  }
0xdf: {  	v2 =	vld [tilespmem:s0+$0xFFFFFFA0];
	[tilespmem:s0+$0xFFFFFF90] =	vst v1  }
0xe0: {  	v0 =	vmul.f32 v3, v0;
	v1 =	vld [tilespmem:s31+$0xFFFFFF30]  }
0xe1: {  	v8 =	vld [tilespmem:s0+$0xFFFFFFE0]  }
0xe2: {  	[tilespmem:s0+$0x20] =	vst v0;
	v0 =	vld [tilespmem:s0+$0x30]  }
0xe3: {  	s18 =	simm.s32 $0x99F0;
	v3 =	vld [tilespmem:s31+$0xFFFFFFC0]  }
0xe4: {  	v10 =	vld [tilespmem:s18+$0xFFFFFF10]  }
0xe5: {  	v1 =	vmul.f32 v1, v2;
	v2 =	vld [tilespmem:s18+$0xFFFFFF90]  }
0xe6: {  	v12 =	vld [tilespmem:s3+$0xFFFFFF90]  }
0xe7: {  	s8 =	simm.s32 $0x9AF0;
	v13 =	vld [tilespmem:s3+$0xFFFFFFD0]  }
0xe8: {  	v15 =	vld [tilespmem:s8+$0xFFFFFF10];
	v0 =	vmul.f32 v3, v0  }
0xe9: {  	[tilespmem:s0+$0xFFFFFFA0] =	vst v1;
	v1 =	vld [tilespmem:s0+$0x40]  }
0xea: {  	[tilespmem:s0+$0x30] =	vst v0;
	v2 =	vmul.f32 v2, v7;
	v7 =	vld [tilespmem:s3+$0xFFFFFF80]  }
0xeb: {  	s6 =	simm.s32 $0x4A80;
	v9 =	vld [tilespmem:s31+$0xFFFFFFD0]  }
0xec: {  	v16 =	vld [tilespmem:s6+$0xFFFFFF80]  }
0xed: {  	v3 =	vld [tilespmem:s31+$0xFFFFFF40]  }
0xee: {  	v17 =	vld [tilespmem:s3+$0x50]  }
0xef: {  	[tilespmem:s3+$0x0] =	vst v2;
	v2 =	vld [tilespmem:s3+$0x10];
	v7 =	vmul.f32 v10, v7  }
0xf0: {  	v11 =	vld [tilespmem:s18+$0xFFFFFFA0];
	v1 =	vmul.f32 v9, v1  }
0xf1: {  	v9 =	vld [tilespmem:s0+$0x50];
	[tilespmem:s3+$0xFFFFFF80] =	vst v7  }
0xf2: {  	[tilespmem:s0+$0x40] =	vst v1;
	v1 =	vmul.f32 v3, v5;
	v5 =	vld [tilespmem:s18+$0xFFFFFF20]  }
0xf3: {  	v3 =	vld [tilespmem:s31+$0xFFFFFFE0]  }
0xf4: {  	v60 =	vld [tilespmem:s6+$0xFFFFFFA0]  }
0xf5: {  	v4 =	vld [tilespmem:s0+$0xFFFFFFC0];
	v2 =	vmul.f32 v11, v2;
	[tilespmem:s0+$0xFFFFFFB0] =	vst v1  }
0xf6: {  	v1 =	vld [tilespmem:s31+$0xFFFFFF50]  }
0xf7: {  	[tilespmem:s3+$0x10] =	vst v2;
	v2 =	vld [tilespmem:s3+$0x20]  }
0xf8: {  	v5 =	vmul.f32 v5, v12;
	v3 =	vmul.f32 v3, v9;
	v9 =	vld [tilespmem:s18+$0xFFFFFFB0]  }
0xf9: {  	v18 =	vld [tilespmem:s3+$0x60];
	v15 =	vmul.f32 v15, v16  }
0xfa: {  	v10 =	vld [tilespmem:s3+$0xFFFFFFA0];
	[tilespmem:s3+$0xFFFFFF90] =	vst v5  }
0xfb: {  	[tilespmem:s6+$0xFFFFFF80] =	vst v15;
	v1 =	vmul.f32 v1, v4;
	v4 =	vld [tilespmem:s18+$0xFFFFFF30]  }
0xfc: {  	v15 =	vld [tilespmem:s8+$0xFFFFFF20]  }
0xfd: {  	v0 =	vld [tilespmem:s0+$0xFFFFFFF0];
	[tilespmem:s0+$0xFFFFFFC0] =	vst v1;
	v1 =	vmul.f32 v9, v2  }
0xfe: {  	v7 =	vld [tilespmem:s3+$0xFFFFFFB0]  }
0xff: {  	v5 =	vld [tilespmem:s3+$0x30];
	[tilespmem:s3+$0x20] =	vst v1  }
0x100: {  	v4 =	vmul.f32 v4, v10;
	v10 =	vld [tilespmem:s18+$0xFFFFFFC0]  }
0x101: {  	v2 =	vld [tilespmem:s31+$0xFFFFFF60]  }
0x102: {  	v11 =	vld [tilespmem:s0+$0x60]  }
0x103: {  	v12 =	vld [tilespmem:s3+$0xFFFFFFC0];
	[tilespmem:s0+$0x50] =	vst v3  }
0x104: {  	v3 =	vld [tilespmem:s31+$0xFFFFFFF0]  }
0x105: {  	[tilespmem:s3+$0xFFFFFFA0] =	vst v4;
	v4 =	vld [tilespmem:s6+$0x0];
	v5 =	vmul.f32 v10, v5  }
0x106: {  	v2 =	vmul.f32 v2, v6;
	v6 =	vld [tilespmem:s8+$0xFFFFFF90]  }
0x107: {  	v10 =	vld [tilespmem:s3+$0x40];
	[tilespmem:s3+$0x30] =	vst v5  }
0x108: {  	v5 =	vld [tilespmem:s18+$0xFFFFFFD0]  }
0x109: {  	v9 =	vld [tilespmem:s0+$0x70];
	v3 =	vmul.f32 v3, v11  }
0x10a: {  	v1 =	vld [tilespmem:s3+$0xFFFFFFE0]  }
0x10b: {  	[tilespmem:s0+$0x60] =	vst v3;
	v3 =	vld [tilespmem:s18+$0xFFFFFF40];
	v4 =	vmul.f32 v6, v4  }
0x10c: {  	v6 =	vld [tilespmem:s6+$0xFFFFFF90]  }
0x10d: {  	[tilespmem:s6+$0x0] =	vst v4;
	v4 =	vld [tilespmem:s6+$0x10];
	v5 =	vmul.f32 v5, v10  }
0x10e: {  	v10 =	vld [tilespmem:s8+$0xFFFFFFA0]  }
0x10f: {  	v11 =	vld [tilespmem:s31+$0x0];
	[tilespmem:s3+$0x40] =	vst v5  }
0x110: {  	v3 =	vmul.f32 v3, v7;
	v7 =	vld [tilespmem:s18+$0xFFFFFFE0]  }
0x111: {  	[tilespmem:s0+$0xFFFFFFD0] =	vst v2;
	v2 =	vld [tilespmem:s3+$0xFFFFFFF0]  }
0x112: {  	v14 =	vld [tilespmem:s31+$0xFFFFFF70];
	[tilespmem:s3+$0xFFFFFFB0] =	vst v3;
	v6 =	vmul.f32 v15, v6  }
0x113: {  	v3 =	vmul.f32 v10, v4;
	v10 =	vld [tilespmem:s18+$0xFFFFFF50]  }
0x114: {  	[tilespmem:s6+$0xFFFFFF90] =	vst v6;
	v6 =	vld [tilespmem:s6+$0xFFFFFFE0]  }
0x115: {  	v5 =	vld [tilespmem:s6+$0xFFFFFFB0];
	[tilespmem:s6+$0x10] =	vst v3;
	v3 =	vmul.f32 v7, v17  }
0x116: {  	v7 =	vld [tilespmem:s6+$0x20]  }
0x117: {  	v15 =	vld [tilespmem:s8+$0xFFFFFFB0];
	[tilespmem:s3+$0x50] =	vst v3  }
0x118: {  	v10 =	vmul.f32 v10, v12;
	v12 =	vld [tilespmem:s18+$0xFFFFFFF0]  }
0x119: {  	v61 =	vld [tilespmem:s8+$0xFFFFFF30]  }
0x11a: {  	v4 =	vld [tilespmem:s6+$0xFFFFFFC0];
	[tilespmem:s3+$0xFFFFFFC0] =	vst v10  }
0x11b: {  	v10 =	vld [tilespmem:s18+$0xFFFFFF60]  }
0x11c: {  	v3 =	vld [tilespmem:s6+$0xFFFFFFD0];
	v7 =	vmul.f32 v15, v7  }
0x11d: {  	v15 =	vld [tilespmem:s3+$0x70];
	v12 =	vmul.f32 v12, v18  }
0x11e: {  	[tilespmem:s6+$0x20] =	vst v7;
	v7 =	vmul.f32 v14, v8;
	v14 =	vld [tilespmem:s6+$0x30]  }
0x11f: {  	v8 =	vmul.f32 v61, v60;
	v62 =	vld [tilespmem:s8+$0xFFFFFFC0];
	[tilespmem:s3+$0x60] =	vst v12  }
0x120: {  	[tilespmem:s0+$0xFFFFFFE0] =	vst v7;
	v7 =	vmul.f32 v10, v13;
	v63 =	vld [tilespmem:s18+$0x0]  }
0x121: {  	[tilespmem:s6+$0xFFFFFFA0] =	vst v8;
	v8 =	vld [tilespmem:s31+$0xFFFFFF80]  }
0x122: {  	v12 =	vld [tilespmem:s8+$0xFFFFFF40];
	[tilespmem:s3+$0xFFFFFFD0] =	vst v7  }
0x123: {  	v10 =	vmul.f32 v11, v9;
	v9 =	vld [tilespmem:s18+$0xFFFFFF70]  }
0x124: {  	v7 =	vld [tilespmem:s6+$0xFFFFFFF0];
	v13 =	vmul.f32 v62, v14  }
0x125: {  	s11 =	simm.s32 $0x4;
	s12 =	simm.s32 $0x4B80;
	s10 =	simm.s32 $0x9AF0;
	[tilespmem:s0+$0x70] =	vst v10;
	v10 =	vld [tilespmem:s6+$0x40];
	v11 =	vmul.f32 v63, v15  }
.LBB2_5:
0x126: {  	v14 =	vld [tilespmem:s12+$0x0];
	[tilespmem:s6+$0x30] =	vst v13;
	s8 =	sadd.s32 $0x100, s8;
	v8 =	vmul.f32 v8, v0;
	v0 =	vmov v2  }
0x127: {  	v13 =	vld [tilespmem:s8+$0xFFFFFF90];
	v12 =	vmul.f32 v12, v5;
	[tilespmem:s3+$0x70] =	vst v11  }
0x128: {  	s11 =	sadd.s32 $0x2, s11;
	v5 =	vld [tilespmem:s10+$0xFFFFFFD0];
	v9 =	vmul.f32 v9, v1;
	[tilespmem:s0+$0xFFFFFFF0] =	vst v8;
	v1 =	vmov v6;
	s0 =	smov.u32 s3;
	s3 =	smov.u32 s6  }
0x129: {  	p1 =	slt.u32 s11, $0x4E;
	s6 =	smov.u32 s12;
	v6 =	vld [tilespmem:s8+$0xFFFFFF10];
	[tilespmem:s3+$0xFFFFFFB0] =	vst v12;
	v2 =	vmov v7  }
0x12a: {  	v7 =	vld [tilespmem:s12+$0xFFFFFF80];
	[tilespmem:s0+$0xFFFFFFE0] =	vst v9  }
0x12b: {  	v8 =	vld [tilespmem:s12+$0xFFFFFF90]  }
0x12c: {  	v9 =	vld [tilespmem:s12+$0xFFFFFFA0];
	v11 =	vmul.f32 v13, v14  }
0x12d: {  	v5 =	vmul.f32 v5, v10;
	v10 =	vld [tilespmem:s3+$0x50]  }
0x12e: {  	[tilespmem:s12+$0x0] =	vst v11;
	v11 =	vld [tilespmem:s12+$0x10]  }
0x12f: {  	v6 =	vmul.f32 v6, v7;
	v7 =	vld [tilespmem:s8+$0xFFFFFFA0];
	[tilespmem:s3+$0x40] =	vst v5  }
0x130: {  	v12 =	vld [tilespmem:s10+$0xFFFFFFE0]  }
0x131: {  	[tilespmem:s12+$0xFFFFFF80] =	vst v6;
	v5 =	vld [tilespmem:s12+$0xFFFFFFB0]  }
0x132: {  	v6 =	vld [tilespmem:s8+$0xFFFFFF20]  }
0x133: {  	v13 =	vld [tilespmem:s10+$0xFFFFFF50]  }
0x134: {  	v14 =	vld [tilespmem:s12+$0xFFFFFFC0];
	v7 =	vmul.f32 v7, v11  }
0x135: {  	v10 =	vmul.f32 v12, v10;
	v11 =	vld [tilespmem:s3+$0x60]  }
0x136: {  	[tilespmem:s12+$0x10] =	vst v7;
	v7 =	vld [tilespmem:s12+$0x20]  }
0x137: {  	v6 =	vmul.f32 v6, v8;
	v8 =	vld [tilespmem:s8+$0xFFFFFFB0];
	[tilespmem:s3+$0x50] =	vst v10  }
0x138: {  	v10 =	vmul.f32 v13, v4;
	v12 =	vld [tilespmem:s10+$0xFFFFFFF0]  }
0x139: {  	[tilespmem:s12+$0xFFFFFF90] =	vst v6;
	v13 =	vld [tilespmem:s12+$0xFFFFFFD0];
	v4 =	vmov v14  }
0x13a: {  	v14 =	vld [tilespmem:s8+$0xFFFFFF30];
	[tilespmem:s3+$0xFFFFFFC0] =	vst v10  }
0x13b: {  	v10 =	vld [tilespmem:s10+$0xFFFFFF60]  }
0x13c: {  	v6 =	vld [tilespmem:s12+$0xFFFFFFE0];
	v7 =	vmul.f32 v8, v7  }
0x13d: {  	v8 =	vmul.f32 v12, v11;
	v11 =	vld [tilespmem:s3+$0x70]  }
0x13e: {  	[tilespmem:s12+$0x20] =	vst v7;
	v15 =	vld [tilespmem:s12+$0x30]  }
0x13f: {  	v7 =	vmul.f32 v14, v9;
	v14 =	vld [tilespmem:s8+$0xFFFFFFC0];
	[tilespmem:s3+$0x60] =	vst v8  }
0x140: {  	v9 =	vmul.f32 v10, v3;
	v16 =	vld [tilespmem:s10+$0x0];
	v3 =	vmov v13  }
.Ltmp1:
0x141: {  	[tilespmem:s12+$0xFFFFFFA0] =	vst v7;
	v8 =	vld [tilespmem:s18+$0xFFFFFF80];
	s18 =	smov.u32 s10;
	s10 =	smov.u32 s8;
	(pc) =	sbr.rel @p1 .LBB2_5-.Ltmp1, $4  }
0x142: {  	v12 =	vld [tilespmem:s8+$0xFFFFFF40];
	[tilespmem:s3+$0xFFFFFFD0] =	vst v9  }
0x143: {  	v9 =	vld [tilespmem:s18+$0xFFFFFF70]  }
0x144: {  	v7 =	vld [tilespmem:s12+$0xFFFFFFF0];
	v13 =	vmul.f32 v14, v15  }
0x145: {  	s12 =	sadd.s32 $0x100, s12;
	v10 =	vld [tilespmem:s6+$0x40];
	v11 =	vmul.f32 v16, v11  }
0x146: {  	_ = 	snop  }
0x147: {  	v5 =	vmul.f32 v12, v5  }
0x148: {  	[tilespmem:s6+$0x30] =	vst v13  }
0x149: {  	v54 =	vld [tilespmem:s10+$0xFFFFFFD0];
	[tilespmem:s6+$0xFFFFFFB0] =	vst v5  }
0x14a: {  	v5 =	vld [tilespmem:s10+$0xFFFFFF50];
	_ =	sdelay $0x3  }
0x14b: {  	v10 =	vmul.f32 v54, v10  }
0x14c: {  	v4 =	vmul.f32 v5, v4  }
0x14d: {  	v55 =	vld [tilespmem:s6+$0x50];
	[tilespmem:s6+$0x40] =	vst v10  }
0x14e: {  	v56 =	vld [tilespmem:s10+$0xFFFFFFE0];
	[tilespmem:s6+$0xFFFFFFC0] =	vst v4  }
0x14f: {  	v4 =	vld [tilespmem:s10+$0xFFFFFF60];
	_ =	sdelay $0x3  }
0x150: {  	v5 =	vmul.f32 v56, v55  }
0x151: {  	v3 =	vmul.f32 v4, v3  }
0x152: {  	v57 =	vld [tilespmem:s6+$0x60];
	[tilespmem:s6+$0x50] =	vst v5  }
0x153: {  	v58 =	vld [tilespmem:s10+$0xFFFFFFF0];
	[tilespmem:s6+$0xFFFFFFD0] =	vst v3  }
0x154: {  	v3 =	vld [tilespmem:s10+$0xFFFFFF70];
	_ =	sdelay $0x2  }
0x155: {  	v1 =	vmul.f32 v9, v1  }
0x156: {  	v4 =	vmul.f32 v58, v57  }
0x157: {  	v59 =	vld [tilespmem:s6+$0x70];
	[tilespmem:s3+$0xFFFFFFE0] =	vst v1;
	v3 =	vmul.f32 v3, v6  }
0x158: {  	v61 =	vld [tilespmem:s18+$0xFFFFFF80];
	[tilespmem:s6+$0x60] =	vst v4  }
0x159: {  	v60 =	vld [tilespmem:s10+$0x0];
	[tilespmem:s6+$0xFFFFFFE0] =	vst v3  }
0x15a: {  	v3 =	vld [tilespmem:s10+$0xFFFFFF80];
	_ =	sdelay $0x1  }
0x15b: {  	v0 =	vmul.f32 v8, v0;
	s29 =	sadd.s32 $0x1, s29  }
0x15c: {  	[tilespmem:s3+$0x70] =	vst v11;
	p1 =	sne.s32 s29, $0x10;
	v62 =	vmul.f32 v61, v2  }
.Ltmp2:
0x15d: {  	[tilespmem:s0+$0xFFFFFFF0] =	vst v0;
	v1 =	vmul.f32 v60, v59;
	(pc) =	sbr.rel @p1 .LBB2_2-.Ltmp2, $4  }
0x15e: {  	[tilespmem:s3+$0xFFFFFFF0] =	vst v62;
	v63 =	vmul.f32 v3, v7  }
0x15f: {  	[tilespmem:s6+$0x70] =	vst v1  }
0x160: {  	s31 =	sadd.s32 $0x1000, s30;
	[tilespmem:s6+$0xFFFFFFF0] =	vst v63  }
0x161: {  	[spmem:s2] =	stream.indirect.scatter.add.f32 [tilespmem:s21], [sflag:$0x4], $0x80, s31, s19, $0xb8;
	[tilespmem:$0x1F880] =	vst v63  }
0x162: {  	_ =	swait.ge [sflag:s25], $0x2800  }
0x163: {  	[sflag:s25] =	ssyncset.done $0x0  }
0x164: {  	[sflag:s25] =	ssyncadd.s32 $0xFFFFD800  }
0x165: {  	_ =	swait.ge [sflag:s26], $0x2800  }
0x166: {  	[sflag:s26] =	ssyncset.done $0x0  }
0x167: {  	[sflag:s26] =	ssyncadd.s32 $0xFFFFD800  }
0x168: {  	[bflag:$0x0] =	sbarrier.arrive $0xFFFF  }
0x169: {  	s0 =	rddreg [dreg:$0x8]  }
0x16a: {  	[hbm:s0], [sflag:s7] =	dma.local [spmem:s15], $0x2700  }
0x16b: {  	s28 =	sadd.s32 $0x1, s28;
	_ =	swait.ge [sflag:s16], $0x2700  }
0x16c: {  	p1 =	sne.s32 s28, s14;
	[sflag:s16] =	ssyncset.done $0x0  }
.Ltmp3:
0x16d: {  	s0 =	simm.s32 @!p0 $0x5;
	[sflag:s16] =	ssyncadd.s32 $0xFFFFD900;
	(pc) =	sbr.rel @p1 .LBB2_1-.Ltmp3, $4  }
0x16e: {  	[hbm:s13], [sflag:s7] =	dma.local @!p0 [spmem:s17], $0x100  }
0x16f: {  	_ =	swait.ge @!p0 [sflag:s0], $0x100  }
0x170: {  	[sflag:s0] =	ssyncset.done @!p0 $0x0  }
0x171: {  	[sflag:s0] =	ssyncadd.s32 @!p0 $0xFFFFFF00  }
0x172: {  	_ =	sfence.sel $0x180000  }
0x173: {  	[bflag:$0x0] =	sbarrier.arrive $0xFFFF  }
0x174: {  	_ =	strace $0x90000047  }
0x175: {  	s0 =	stileid.u32;
	[bflag:$0x2] =	sbarrier.arrive $0xFFFF  }
0x176: {  	p0 =	sne.s32 s0, $0x0;
	s0 =	rddreg [dreg:$0x3]  }
0x177: {  	s0 =	sadd.s32 @!p0 $0x100000, s0  }
0x178: {  	[sflag:s0] =	ssyncadd.tile.s32 @!p0 $0x1;
	_ =	shalt  }
.Lfunc_end2:
_tile_overlayer_lowered:
.L_overlay_start_2:
0x179: {  	(tag) =	ssettag $0x2  }
0x17a: {  	s0 =	rddreg [dreg:$0x0];
	s2 =	stileid.u32  }
0x17b: {  	s1 =	rddreg [dreg:$0x1];
	p0 =	sne.s32 s2, $0x0  }
0x17c: {  	s3 =	rddreg [dreg:$0x2];
	[bflag:$0x3] =	sbarrier.arrive $0xFFFF;
	s2 =	simm.s32 @!p0 $0x1C05  }
0x17d: {  	[timem:s3], [sflag:s2] =	dma.local @!p0 [hbm:s0], s1  }
0x17e: {  	s0 =	simm.s32 @!p0 $0x5  }
0x17f: {  	_ =	swait.ge @!p0 [sflag:s0], s1  }
0x180: {  	s1 =	ssub.s32 @!p0 $0x0, s1;
	[sflag:s0] =	ssyncset.done @!p0 $0x0  }
0x181: {  	[sflag:s0] =	ssyncadd.s32 @!p0 s1  }
0x182: {  	[bflag:$0x3] =	sbarrier.arrive $0xFFFF  }
0x183: {  	_ =	shalt  }

// kernel: kernel.15.cloned.1.call-start
scs
__scs_entry_jumppad:
0x0: {  	(pc) =	sbr.rel $0x88, $3  }
0x1: {  	(tag) =	ssettag $0x0;
	lr =	simm.s32 $0x1  }
0x2: {  	[smem:$0x3F94] =	sst lr;
	_ =	strace $0xD0000000  }
0x3: {  	_ = 	snop  }
0x4: {  	_ = 	snop  }
0x5: {  	_ = 	snop  }
0x6: {  	_ = 	snop  }
0x7: {  	_ = 	snop  }
__scs_overlays_trampoline_lowered:
0x8: {  	[smem:$0x3FA3] =	sst s0  }
0x9: {  	[smem:$0x3FA4] =	sst s1  }
0xa: {  	[smem:$0x3FA5] =	sst s2  }
0xb: {  	[smem:$0x3FA6] =	sst s3  }
0xc: {  	[smem:$0x3FA7] =	sst s4  }
0xd: {  	[smem:$0x3FA8] =	sst s5  }
0xe: {  	[smem:$0x3FA9] =	sst s6  }
0xf: {  	[smem:$0x3FAA] =	sst s7  }
0x10: {  	[smem:$0x3FAB] =	sst s8  }
0x11: {  	[smem:$0x3FAC] =	sst s9;
	s0 =	simm.s32 @!p0 $0x0  }
0x12: {  	s1 =	sld [smem:$0x3F92];
	s0 =	simm.s32 @p0 $0x1  }
0x13: {  	[smem:$0x3FAD] =	sst s0;
	s0 =	simm.s32 @!p1 $0x0  }
0x14: {  	s2 =	sld [smem:$0x3F91];
	s0 =	simm.s32 @p1 $0x1  }
0x15: {  	[smem:$0x3FAE] =	sst s0;
	s0 =	simm.s32 @!p2 $0x0  }
0x16: {  	s3 =	sld [smem:$0x3FDB];
	s0 =	simm.s32 @p2 $0x1  }
0x17: {  	s4 =	simm.s32 $0x1BF5;
	[smem:$0x3FB0] =	sst s0  }
0x18: {  	s0 =	sld [smem:$0x3F93];
	_ =	swait.ge [sflag:s4], $0x0  }
0x19: {  	s7 =	sld [smem:$0x3F94]  }
0x1a: {  	s8 =	sadd.s32 $0xFFFFE003, lr  }
0x1b: {  	s9 =	sadd.s32 $0xFFFFFEF7, lr;
	s5 =	simm.s32 $0xFFFFFFFF;
	p2 =	slt.u32 s8, $0xFFFFF086  }
0x1c: {  	p1 =	slt.u32 s9, $0xF7A;
	s5 =	simm.s32 @!p2 $0x0  }
0x1d: {  	s5 =	simm.s32 @p1 $0x1;
	p0 =	seq.s32 s7, s2  }
0x1e: {  	s7 =	smul.u32 @!p0 $0xF7A, s2;
	p2 =	seq.s32 @!p0 s5, $0x0  }
0x1f: {  	s9 =	smul.u32 $0xF7A, s1;
	s8 =	simm.s32 @!p0 $0x1BF5;
	p2 =	por !p2, p0  }
0x20: {  	[sflag:s8] =	ssyncset.s32 @!p0 $0xFFFFF086;
	s6 =	sadd.s32 @!p0 s3, s7;
	s7 =	simm.s32 @!p0 $0x108  }
0x21: {  	s3 =	sadd.s32 s3, s9;
	s6 =	sadd.s32 @!p0 $0x88, s6;
	s7 =	simm.s32 @p2 $0x1082  }
0x22: {  	[simem:s7], [sflag:s8] =	dma.local @!p0 [hbm:s6], $0xF7A  }
0x23: {  	s9 =	sor.u32 $0xD0000000, s2;
	s6 =	simm.s32 $0x108;
	_ =	swait.ge @!p0 [sflag:s8], $0x0  }
0x24: {  	s3 =	sadd.s32 $0x88, s3;
	s6 =	simm.s32 @!p1 $0x1082;
	[sflag:s4] =	ssyncset.s32 $0xFFFFF086  }
0x25: {  	[simem:s6], [sflag:s4] =	dma.local [hbm:s3], $0xF7A  }
0x26: {  	[smem:$0x3F94] =	sst s1;
	(tag) =	ssettag s2;
	_ =	strace s9  }
0x27: {  	s1 =	sld [smem:$0x3FA4]  }
0x28: {  	s2 =	sld [smem:$0x3FA5]  }
0x29: {  	s4 =	sld [smem:$0x3FA7]  }
0x2a: {  	p0 =	seq.s32 s5, $0x0;
	s5 =	sld [smem:$0x3FA8]  }
0x2b: {  	s6 =	sld [smem:$0x3FA9]  }
0x2c: {  	s7 =	sld [smem:$0x3FAA]  }
0x2d: {  	s3 =	simm.s32 $0x108;
	s8 =	sld [smem:$0x3FAB]  }
0x2e: {  	s3 =	simm.s32 @!p0 $0x1082;
	s9 =	sld [smem:$0x3FAC]  }
0x2f: {  	lr =	sadd.s32 s0, s3;
	s0 =	sld [smem:$0x3FA3]  }
0x30: {  	s3 =	sld [smem:$0x3FA6]  }
0x31: {  	[smem:$0x3FAF] =	sst s10  }
0x32: {  	s10 =	sld [smem:$0x3FAD];
	_ =	sdelay $0x3  }
0x33: {  	p0 =	seq.s32 s10, $0x1;
	s10 =	sld [smem:$0x3FAF];
	_ =	sdelay $0x3  }
0x34: {  	[smem:$0x3FAF] =	sst s10  }
0x35: {  	s10 =	sld [smem:$0x3FAE];
	_ =	sdelay $0x3  }
0x36: {  	p1 =	seq.s32 s10, $0x1;
	s10 =	sld [smem:$0x3FAF];
	_ =	sdelay $0x3  }
0x37: {  	[smem:$0x3FAF] =	sst s10  }
0x38: {  	s10 =	sld [smem:$0x3FB0]  }
0x39: {  	_ = 	snop;
	(pc) =	sbr.ind lr, $3  }
0x3a: {  	_ = 	snop  }
0x3b: {  	_ = 	snop  }
0x3c: {  	p2 =	seq.s32 s10, $0x1;
	s10 =	sld [smem:$0x3FAF]  }
0x3d: {  	_ =	shalt  }
0x3e: {  	_ =	shalt  }
0x3f: {  	_ =	shalt  }
0x40: {  	_ =	shalt  }
0x41: {  	_ =	shalt  }
0x42: {  	_ =	shalt  }
0x43: {  	_ =	shalt  }
0x44: {  	_ =	shalt  }
0x45: {  	_ =	shalt  }
0x46: {  	_ =	shalt  }
0x47: {  	_ =	shalt  }
0x48: {  	_ =	shalt  }
0x49: {  	_ =	shalt  }
0x4a: {  	_ =	shalt  }
0x4b: {  	_ =	shalt  }
0x4c: {  	_ =	shalt  }
0x4d: {  	_ =	shalt  }
0x4e: {  	_ =	shalt  }
0x4f: {  	_ =	shalt  }
0x50: {  	_ =	shalt  }
0x51: {  	_ =	shalt  }
0x52: {  	_ =	shalt  }
0x53: {  	_ =	shalt  }
0x54: {  	_ =	shalt  }
0x55: {  	_ =	shalt  }
0x56: {  	_ =	shalt  }
0x57: {  	_ =	shalt  }
0x58: {  	_ =	shalt  }
0x59: {  	_ =	shalt  }
0x5a: {  	_ =	shalt  }
0x5b: {  	_ =	shalt  }
0x5c: {  	_ =	shalt  }
0x5d: {  	_ =	shalt  }
0x5e: {  	_ =	shalt  }
0x5f: {  	_ =	shalt  }
0x60: {  	_ =	shalt  }
0x61: {  	_ =	shalt  }
0x62: {  	_ =	shalt  }
0x63: {  	_ =	shalt  }
0x64: {  	_ =	shalt  }
0x65: {  	_ =	shalt  }
0x66: {  	_ =	shalt  }
0x67: {  	_ =	shalt  }
0x68: {  	_ =	shalt  }
0x69: {  	_ =	shalt  }
0x6a: {  	_ =	shalt  }
0x6b: {  	_ =	shalt  }
0x6c: {  	_ =	shalt  }
0x6d: {  	_ =	shalt  }
0x6e: {  	_ =	shalt  }
0x6f: {  	_ =	shalt  }
0x70: {  	_ =	shalt  }
0x71: {  	_ =	shalt  }
0x72: {  	_ =	shalt  }
0x73: {  	_ =	shalt  }
0x74: {  	_ =	shalt  }
0x75: {  	_ =	shalt  }
0x76: {  	_ =	shalt  }
0x77: {  	_ =	shalt  }
0x78: {  	_ =	shalt  }
0x79: {  	_ =	shalt  }
0x7a: {  	_ =	shalt  }
0x7b: {  	_ =	shalt  }
0x7c: {  	_ =	shalt  }
0x7d: {  	_ =	shalt  }
0x7e: {  	_ =	shalt  }
0x7f: {  	_ =	shalt  }
0x80: {  	_ =	shalt  }
0x81: {  	_ =	shalt  }
0x82: {  	_ =	shalt  }
0x83: {  	_ =	shalt  }
0x84: {  	_ =	shalt  }
0x85: {  	_ =	shalt  }
0x86: {  	_ =	shalt  }
0x87: {  	_ =	shalt  }
.Lfunc_end0:
.L_simem_size_0:
called_computation.1_lowered:
.L_overlay_start_0:
0x88: {  	s2 =	sld [smem:$0x3FD9]  }
0x89: {  	s3 =	sld [smem:$0x3FFE];
	_ =	sdelay $0x1  }
0x8a: {  	s1 =	srdreg.scid  }
0x8b: {  	s0 =	sand.u32 $0x1, s1  }
0x8c: {  	s17 =	sshll.u32 s0, $0xA;
	s2 =	sadd.s32 s3, s2  }
0x8d: {  	s2 =	sadd.s32 s2, s17  }
0x8e: {  	[smem:$0x3FBB] =	sst s2  }
0x8f: {  	_ = 	snop  }
0x90: {  	s2 =	sld [smem:$0x3FD0];
	(tm) =	ssettm $0x1  }
0x91: {  	s18 =	sld [smem:$0x3FFB];
	_ =	sdelay $0x3  }
0x92: {  	_ =	strace s18  }
0x93: {  	s3 =	sld [smem:$0x3FFC];
	_ =	sdelay $0x3  }
0x94: {  	_ =	strace s3  }
0x95: {  	s3 =	sld [smem:$0x3FFD];
	_ =	sdelay $0x3  }
0x96: {  	_ =	strace s3  }
0x97: {  	_ =	strace $0x8FFFFFFF  }
0x98: {  	s19 =	sld [smem:$0x3FDB];
	_ =	sdelay $0x1  }
0x99: {  	s4 =	simm.s32 $_scs_section_size  }
0x9a: {  	s5 =	simm.s32 $_size__tile_overlayer_lowered;
	s6 =	simm.s32 $_tile_overlayer_lowered  }
0x9b: {  	s22 =	simm.s32 $0x1BFF;
	s21 =	sshll.u32 s6, $0x1;
	s3 =	sadd.s32 s4, s19  }
0x9c: {  	s7 =	simm.s32 $0x0;
	s20 =	sshll.u32 s5, $0x1;
	s5 =	sadd.s32 s21, s3  }
0x9d: {  	[timem:s7], [sflag:s22] =	dma.local [hbm:s5], s20  }
0x9e: {  	_ =	swait.ge [sflag:s22], s20  }
0x9f: {  	s4 =	ssub.s32 $0x0, s20;
	[sflag:s22] =	ssyncset.done $0x0  }
0xa0: {  	[sflag:s22] =	ssyncadd.s32 s4;
	_ =	sdelay $0x1  }
0xa1: {  	s23 =	simm.s32 $0x1B8B  }
0xa2: {  	_ =	swait.ge [sflag:s23], $0x1  }
0xa3: {  	[sflag:s23] =	ssyncset.done $0x0  }
0xa4: {  	s25 =	simm.s32 $0x1B8E;
	s24 =	sld [smem:$0x3FFE];
	[sflag:s23] =	ssyncadd.s32 $0xFFFFFFFF  }
0xa5: {  	s26 =	simm.s32 $execute0_lowered;
	[smem:$0x3FD2] =	sst s25  }
0xa6: {  	s5 =	sshll.u32 s26, $0x1;
	_ =	strace $0x80000049;
	[dreg:$0x1] =	wrdreg $0xFFFFFFFF  }
0xa7: {  	s28 =	simm.s32 $_size_execute0_lowered;
	s3 =	sadd.s32 s3, s5;
	[dreg:$0x0] =	wrdreg $0x0  }
0xa8: {  	s5 =	sshll.u32 s28, $0x1;
	[dreg:$0x2] =	wrdreg s3  }
0xa9: {  	[dreg:$0x3] =	wrdreg s5  }
0xaa: {  	[dreg:$0x4] =	wrdreg $0xC0  }
0xab: {  	_ =	task [dreg:s7], $0x5FFFF  }
0xac: {  	[dreg:$0x1] =	wrdreg $0xFFFFFFFF  }
0xad: {  	[dreg:$0x0] =	wrdreg $0x60  }
0xae: {  	[dreg:$0x2] =	wrdreg s2  }
0xaf: {  	[dreg:$0x3] =	wrdreg s24  }
0xb0: {  	[dreg:$0x4] =	wrdreg $0xC0000  }
0xb1: {  	[dreg:$0x5] =	wrdreg $0x9  }
0xb2: {  	_ =	task.clear_ibuf [dreg:s7], $0x6FFFF;
	_ =	strace $0x90000049  }
0xb3: {  	s29 =	simm.s32 $0x9;
	_ =	strace $0x8000004B  }
0xb4: {  	_ =	swait.ge [sflag:s29], $0x1  }
0xb5: {  	[sflag:s29] =	ssyncadd.s32 $0xFFFFFFFF  }
0xb6: {  	_ =	strace $0x9000004B  }
0xb7: {  	_ =	sfence  }
0xb8: {  	s30 =	sld [smem:$0x0];
	_ =	sdelay $0x2  }
0xb9: {  	s31 =	sshll.u32 s1, $0xD;
	s1 =	sshrl.u32 s1, $0x2  }
0xba: {  	s3 =	sand.u32 $0x4000, s31;
	s1 =	sadd.s32 s1, s30  }
0xbb: {  	s0 =	sor.u32 s3, s0;
	s1 =	sshll.u32 s1, $0x11  }
0xbc: {  	s0 =	sor.u32 s1, s0  }
0xbd: {  	s0 =	sadd.s32 $0x8F2B, s0  }
0xbe: {  	[sflag:s0] =	ssyncadd.remote.s32 $0x1  }
0xbf: {  	_ =	sfence.sel $0xFFFF  }
0xc0: {  	[dreg:$0x0] =	wrdreg $0xFFFFFFFF;
	(pc) =	sbr.abs _section_cstart, $3  }
0xc1: {  	[dreg:$0x1] =	wrdreg $0xFFFFFFFF  }
0xc2: {  	_ =	task.clear_ibuf [dreg:s7], $0x2FFFF;
	_ =	strace $0x9FFFFFFF  }
0xc3: {  	(tm) =	ssettm $0x7FFFFFFF  }
tec
execute0_lowered:
.L_overlay_start_1:
0x0: {  	(tag) =	ssettag $0x1  }
0x1: {  	s1 =	rddreg [dreg:$0x0]  }
0x2: {  	s0 =	rddreg [dreg:$0x1]  }
0x3: {  	s2 =	rddreg [dreg:$0x2]  }
0x4: {  	s3 =	srdreg.scid;
	s4 =	simm.s32 $0x0;
	s15 =	stileid.u32  }
0x5: {  	s16 =	simm.s32 $0x5;
	s19 =	simm.s32 $0x50;
	s20 =	simm.s32 $0x2000  }
0x6: {  	s21 =	simm.s32 $0x4800;
	s22 =	simm.s32 $0x7000;
	s23 =	simm.s32 $0x1  }
0x7: {  	s28 =	simm.s32 $0x0;
	s3 =	sand.u32 $0x1, s3;
	s7 =	smul.u32 $0x4E000, s15  }
0x8: {  	[smem:$0x7FF] =	sst s4;
	s10 =	smul.u32 $0x13800, s15;
	s11 =	sadd.s32 $0x79C00, s0  }
0x9: {  	s26 =	sshll.u32 s15, $0x6;
	s17 =	sadd.s32 $0x138000, s2;
	p0 =	sne.s32 s15, $0xF  }
0xa: {  	s5 =	sshll.u32 s3, $0x4;
	_ =	strace $0x8000004A;
	s9 =	smul.u32 $0x138800, s3  }
0xb: {  	s3 =	ssub.s32 $0x2, s3;
	s17 =	sshrl.u32 @!p0 s17, $0x3;
	s6 =	sor.u32 s15, s5  }
0xc: {  	s5 =	sadd.s32 $0x536200, s0;
	s12 =	sshrl.u32 s3, $0x1;
	s7 =	sshrl.u32 s7, $0x2  }
0xd: {  	s8 =	sshll.u32 s6, $0x9;
	s10 =	sadd.s32 s10, s9;
	s3 =	ssub.s32 s3, s12  }
0xe: {  	s24 =	sadd.s32 s7, s2;
	s9 =	sshrl.u32 s9, $0x3;
	s7 =	sor.u32 $0x1C05, s26  }
0xf: {  	s26 =	simm.s32 $0x4;
	s8 =	sadd.s32 s8, s0;
	s10 =	sshrl.u32 s10, $0x3  }
0x10: {  	s0 =	sadd.s32 $0x2BA00, s0;
	s13 =	sadd.s32 $0x27000, s9;
	s25 =	sadd.s32 s11, s10  }
0x11: {  	s14 =	smax.u32 s3, $0x1;
	s9 =	sadd.s32 s11, s13;
	[dreg:$0x4] =	wrdreg s25  }
0x12: {  	s15 =	sshrl.u32 s24, $0x3;
	s29 =	sadd.s32 $0xDFA00, s8;
	[dreg:$0x5] =	wrdreg s9  }
0x13: {  	s24 =	simm.s32 $0x2;
	s30 =	sadd.s32 $0xDBA00, s8;
	[dreg:$0x6] =	wrdreg s29  }
0x14: {  	s31 =	sadd.s32 s0, s10;
	s13 =	sadd.s32 s0, s13;
	[dreg:$0x7] =	wrdreg s30  }
0x15: {  	s9 =	smul.u32 $0xA00, s6;
	[dreg:$0x8] =	wrdreg s31;
	s25 =	simm.s32 $0x3  }
.LBB2_1:
0x16: {  	s0 =	rddreg [dreg:$0x4]  }
0x17: {  	[spmem:s15], [sflag:s7] =	dma.local [hbm:s0], $0x2700  }
0x18: {  	_ =	swait.ge [sflag:s16], $0x2700  }
0x19: {  	[sflag:s16] =	ssyncset.done $0x0  }
0x1a: {  	s0 =	rddreg [dreg:$0x5];
	[sflag:s16] =	ssyncadd.s32 $0xFFFFD900  }
0x1b: {  	[spmem:s17], [sflag:s7] =	dma.local @!p0 [hbm:s0], $0x100  }
0x1c: {  	s0 =	simm.s32 @!p0 $0x5  }
0x1d: {  	_ =	swait.ge @!p0 [sflag:s0], $0x100  }
0x1e: {  	[sflag:s0] =	ssyncset.done @!p0 $0x0  }
0x1f: {  	[sflag:s0] =	ssyncadd.s32 @!p0 $0xFFFFFF00  }
0x20: {  	[bflag:$0x0] =	sbarrier.arrive $0xFFFF  }
0x21: {  	s30 =	rddreg [dreg:$0x6]  }
0x22: {  	[tilespmem:s4], [sflag:$0x5] =	stream.linear.gather [hbm4b:s30+s4], $0x1000, $0x38;
	[tilespmem:$0x1F880] =	vst v63  }
0x23: {  	_ =	swait.ge [sflag:s16], $0x1000  }
0x24: {  	[sflag:s16] =	ssyncset.done $0x0  }
0x25: {  	s3 =	simm.s32 $0x1000;
	s31 =	rddreg [dreg:$0x7];
	[sflag:s16] =	ssyncadd.s32 $0xFFFFF000  }
0x26: {  	[tilespmem:s3], [sflag:$0x5] =	stream.linear.gather [hbm4b:s31+s4], $0x1000, $0x38;
	[tilespmem:$0x1F880] =	vst v63  }
0x27: {  	_ =	swait.ge [sflag:s16], $0x1000  }
0x28: {  	[sflag:s16] =	ssyncset.done $0x0  }
0x29: {  	s29 =	simm.s32 $0x0;
	[sflag:s16] =	ssyncadd.s32 $0xFFFFF000  }
.LBB2_2:
0x2a: {  	p1 =	seq.s32 s29, $0x0  }
0x2b: {  	s0 =	simm.s32 @!p1 $0x3  }
0x2c: {  	_ =	swait.ge @!p1 [sflag:s0], $0x2800  }
0x2d: {  	[sflag:s0] =	ssyncset.done @!p1 $0x0  }
0x2e: {  	[sflag:s0] =	ssyncadd.s32 @!p1 $0xFFFFD800;
	s0 =	simm.s32 @!p1 $0x4  }
0x2f: {  	s3 =	smul.u32 $0xA0, s29;
	_ =	swait.ge @!p1 [sflag:s0], $0x2800  }
0x30: {  	[sflag:s0] =	ssyncset.done @!p1 $0x0  }
0x31: {  	s31 =	sshll.u32 s29, $0x8;
	s18 =	sadd.s32 s9, s3;
	[sflag:s0] =	ssyncadd.s32 @!p1 $0xFFFFD800  }
0x32: {  	[tilespmem:s20], [sflag:$0x1] =	stream.indirect.gather [hbm4b:s1+s19], $0x80, s31, s19, $0xb8;
	[tilespmem:$0x1F880] =	vst v63  }
0x33: {  	s30 =	sor.u32 $0x80, s31;
	s0 =	sshll.u32 s18, $0x4  }
0x34: {  	[tilespmem:s21], [sflag:$0x2] =	stream.indirect.gather [hbm4b:s1+s19], $0x80, s30, s19, $0xb8;
	[tilespmem:$0x1F880] =	vst v63  }
0x35: {  	s0 =	sadd.s32 s5, s0  }
0x36: {  	[tilespmem:s22], [sflag:$0x5] =	stream.linear.gather [hbm4b:s0+s4], $0x5000, $0x38;
	[tilespmem:$0x1F880] =	vst v63  }
0x37: {  	_ =	swait.ge [sflag:s16], $0x5000  }
0x38: {  	[sflag:s16] =	ssyncset.done $0x0  }
0x39: {  	[sflag:s16] =	ssyncadd.s32 $0xFFFFB000  }
0x3a: {  	_ =	swait.ge [sflag:s23], $0x2800  }
0x3b: {  	[sflag:s23] =	ssyncset.done $0x0  }
0x3c: {  	s0 =	simm.s32 $0x2080;
	[sflag:s23] =	ssyncadd.s32 $0xFFFFD800  }
0x3d: {  	s10 =	simm.s32 $0x7080;
	v0 =	vld [tilespmem:s0+$0x0]  }
0x3e: {  	v1 =	vld [tilespmem:s10+$0x0];
	_ =	sdelay $0x3  }
0x3f: {  	v2 =	vld [tilespmem:s0+$0xFFFFFF80]  }
0x40: {  	v0 =	vmul.f32 v1, v0;
	v1 =	vld [tilespmem:s10+$0xFFFFFF80];
	_ =	sdelay $0x1  }
0x41: {  	[tilespmem:s0+$0x0] =	vst v0;
	v0 =	vld [tilespmem:s0+$0x10]  }
0x42: {  	v3 =	vld [tilespmem:s10+$0x10];
	_ =	sdelay $0x1  }
0x43: {  	v1 =	vmul.f32 v1, v2;
	_ =	sdelay $0x1  }
0x44: {  	v4 =	vld [tilespmem:s0+$0xFFFFFF90];
	[tilespmem:s0+$0xFFFFFF80] =	vst v1  }
0x45: {  	v0 =	vmul.f32 v3, v0;
	v1 =	vld [tilespmem:s10+$0xFFFFFF90];
	_ =	sdelay $0x1  }
0x46: {  	[tilespmem:s0+$0x10] =	vst v0;
	v0 =	vld [tilespmem:s0+$0x20]  }
0x47: {  	v3 =	vld [tilespmem:s10+$0x20]  }
0x48: {  	v5 =	vld [tilespmem:s0+$0xFFFFFFB0]  }
0x49: {  	s3 =	simm.s32 $0x2180;
	v6 =	vld [tilespmem:s0+$0xFFFFFFD0];
	v1 =	vmul.f32 v1, v4  }
0x4a: {  	v7 =	vld [tilespmem:s3+$0x0]  }
0x4b: {  	v2 =	vld [tilespmem:s0+$0xFFFFFFA0];
	[tilespmem:s0+$0xFFFFFF90] =	vst v1  }
0x4c: {  	v0 =	vmul.f32 v3, v0;
	v1 =	vld [tilespmem:s10+$0xFFFFFFA0]  }
0x4d: {  	v8 =	vld [tilespmem:s0+$0xFFFFFFE0]  }
0x4e: {  	[tilespmem:s0+$0x20] =	vst v0;
	v0 =	vld [tilespmem:s0+$0x30]  }
0x4f: {  	s18 =	simm.s32 $0x7180;
	v3 =	vld [tilespmem:s10+$0x30]  }
0x50: {  	v10 =	vld [tilespmem:s18+$0xFFFFFF80]  }
0x51: {  	v1 =	vmul.f32 v1, v2;
	v2 =	vld [tilespmem:s18+$0x0]  }
0x52: {  	v12 =	vld [tilespmem:s3+$0xFFFFFF90]  }
0x53: {  	s8 =	simm.s32 $0x7280;
	v13 =	vld [tilespmem:s3+$0xFFFFFFD0]  }
0x54: {  	v15 =	vld [tilespmem:s8+$0xFFFFFF80];
	v0 =	vmul.f32 v3, v0  }
0x55: {  	[tilespmem:s0+$0xFFFFFFA0] =	vst v1;
	v1 =	vld [tilespmem:s0+$0x40]  }
0x56: {  	[tilespmem:s0+$0x30] =	vst v0;
	v2 =	vmul.f32 v2, v7;
	v7 =	vld [tilespmem:s3+$0xFFFFFF80]  }
0x57: {  	s6 =	simm.s32 $0x2280;
	v9 =	vld [tilespmem:s10+$0x40]  }
0x58: {  	v16 =	vld [tilespmem:s6+$0xFFFFFF80]  }
0x59: {  	v3 =	vld [tilespmem:s10+$0xFFFFFFB0]  }
0x5a: {  	v17 =	vld [tilespmem:s3+$0x50]  }
0x5b: {  	[tilespmem:s3+$0x0] =	vst v2;
	v2 =	vld [tilespmem:s3+$0x10];
	v7 =	vmul.f32 v10, v7  }
0x5c: {  	v11 =	vld [tilespmem:s18+$0x10];
	v1 =	vmul.f32 v9, v1  }
0x5d: {  	v9 =	vld [tilespmem:s0+$0x50];
	[tilespmem:s3+$0xFFFFFF80] =	vst v7  }
0x5e: {  	[tilespmem:s0+$0x40] =	vst v1;
	v1 =	vmul.f32 v3, v5;
	v5 =	vld [tilespmem:s18+$0xFFFFFF90]  }
0x5f: {  	v3 =	vld [tilespmem:s10+$0x50]  }
0x60: {  	v60 =	vld [tilespmem:s6+$0xFFFFFFA0]  }
0x61: {  	v4 =	vld [tilespmem:s0+$0xFFFFFFC0];
	v2 =	vmul.f32 v11, v2;
	[tilespmem:s0+$0xFFFFFFB0] =	vst v1  }
0x62: {  	v1 =	vld [tilespmem:s10+$0xFFFFFFC0]  }
0x63: {  	[tilespmem:s3+$0x10] =	vst v2;
	v2 =	vld [tilespmem:s3+$0x20]  }
0x64: {  	v5 =	vmul.f32 v5, v12;
	v3 =	vmul.f32 v3, v9;
	v9 =	vld [tilespmem:s18+$0x20]  }
0x65: {  	v18 =	vld [tilespmem:s3+$0x60];
	v15 =	vmul.f32 v15, v16  }
0x66: {  	v10 =	vld [tilespmem:s3+$0xFFFFFFA0];
	[tilespmem:s3+$0xFFFFFF90] =	vst v5  }
0x67: {  	[tilespmem:s6+$0xFFFFFF80] =	vst v15;
	v1 =	vmul.f32 v1, v4;
	v4 =	vld [tilespmem:s18+$0xFFFFFFA0]  }
0x68: {  	v15 =	vld [tilespmem:s8+$0xFFFFFF90]  }
0x69: {  	v0 =	vld [tilespmem:s0+$0xFFFFFFF0];
	[tilespmem:s0+$0xFFFFFFC0] =	vst v1;
	v1 =	vmul.f32 v9, v2  }
0x6a: {  	v7 =	vld [tilespmem:s3+$0xFFFFFFB0]  }
0x6b: {  	v5 =	vld [tilespmem:s3+$0x30];
	[tilespmem:s3+$0x20] =	vst v1  }
0x6c: {  	v4 =	vmul.f32 v4, v10;
	v10 =	vld [tilespmem:s18+$0x30]  }
0x6d: {  	v2 =	vld [tilespmem:s10+$0xFFFFFFD0]  }
0x6e: {  	v11 =	vld [tilespmem:s0+$0x60]  }
0x6f: {  	v12 =	vld [tilespmem:s3+$0xFFFFFFC0];
	[tilespmem:s0+$0x50] =	vst v3  }
0x70: {  	v3 =	vld [tilespmem:s10+$0x60]  }
0x71: {  	[tilespmem:s3+$0xFFFFFFA0] =	vst v4;
	v4 =	vld [tilespmem:s6+$0x0];
	v5 =	vmul.f32 v10, v5  }
0x72: {  	v2 =	vmul.f32 v2, v6;
	v6 =	vld [tilespmem:s8+$0x0]  }
0x73: {  	v10 =	vld [tilespmem:s3+$0x40];
	[tilespmem:s3+$0x30] =	vst v5  }
0x74: {  	v5 =	vld [tilespmem:s18+$0x40]  }
0x75: {  	v9 =	vld [tilespmem:s0+$0x70];
	v3 =	vmul.f32 v3, v11  }
0x76: {  	v1 =	vld [tilespmem:s3+$0xFFFFFFE0]  }
0x77: {  	[tilespmem:s0+$0x60] =	vst v3;
	v3 =	vld [tilespmem:s18+$0xFFFFFFB0];
	v4 =	vmul.f32 v6, v4  }
0x78: {  	v6 =	vld [tilespmem:s6+$0xFFFFFF90]  }
0x79: {  	[tilespmem:s6+$0x0] =	vst v4;
	v4 =	vld [tilespmem:s6+$0x10];
	v5 =	vmul.f32 v5, v10  }
0x7a: {  	v10 =	vld [tilespmem:s8+$0x10]  }
0x7b: {  	v11 =	vld [tilespmem:s10+$0x70];
	[tilespmem:s3+$0x40] =	vst v5  }
0x7c: {  	v3 =	vmul.f32 v3, v7;
	v7 =	vld [tilespmem:s18+$0x50]  }
0x7d: {  	[tilespmem:s0+$0xFFFFFFD0] =	vst v2;
	v2 =	vld [tilespmem:s3+$0xFFFFFFF0]  }
0x7e: {  	v14 =	vld [tilespmem:s10+$0xFFFFFFE0];
	[tilespmem:s3+$0xFFFFFFB0] =	vst v3;
	v6 =	vmul.f32 v15, v6  }
0x7f: {  	v3 =	vmul.f32 v10, v4;
	v10 =	vld [tilespmem:s18+$0xFFFFFFC0]  }
0x80: {  	[tilespmem:s6+$0xFFFFFF90] =	vst v6;
	v6 =	vld [tilespmem:s6+$0xFFFFFFE0]  }
0x81: {  	v5 =	vld [tilespmem:s6+$0xFFFFFFB0];
	[tilespmem:s6+$0x10] =	vst v3;
	v3 =	vmul.f32 v7, v17  }
0x82: {  	v7 =	vld [tilespmem:s6+$0x20]  }
0x83: {  	v15 =	vld [tilespmem:s8+$0x20];
	[tilespmem:s3+$0x50] =	vst v3  }
0x84: {  	v10 =	vmul.f32 v10, v12;
	v12 =	vld [tilespmem:s18+$0x60]  }
0x85: {  	v61 =	vld [tilespmem:s8+$0xFFFFFFA0]  }
0x86: {  	v4 =	vld [tilespmem:s6+$0xFFFFFFC0];
	[tilespmem:s3+$0xFFFFFFC0] =	vst v10  }
0x87: {  	v10 =	vld [tilespmem:s18+$0xFFFFFFD0]  }
0x88: {  	v3 =	vld [tilespmem:s6+$0xFFFFFFD0];
	v7 =	vmul.f32 v15, v7  }
0x89: {  	v15 =	vld [tilespmem:s3+$0x70];
	v12 =	vmul.f32 v12, v18  }
0x8a: {  	[tilespmem:s6+$0x20] =	vst v7;
	v7 =	vmul.f32 v14, v8;
	v14 =	vld [tilespmem:s6+$0x30]  }
0x8b: {  	v8 =	vmul.f32 v61, v60;
	v62 =	vld [tilespmem:s8+$0x30];
	[tilespmem:s3+$0x60] =	vst v12  }
0x8c: {  	[tilespmem:s0+$0xFFFFFFE0] =	vst v7;
	v7 =	vmul.f32 v10, v13;
	v63 =	vld [tilespmem:s18+$0x70]  }
0x8d: {  	[tilespmem:s6+$0xFFFFFFA0] =	vst v8;
	v8 =	vld [tilespmem:s10+$0xFFFFFFF0]  }
0x8e: {  	v12 =	vld [tilespmem:s8+$0xFFFFFFB0];
	[tilespmem:s3+$0xFFFFFFD0] =	vst v7  }
0x8f: {  	v10 =	vmul.f32 v11, v9;
	v9 =	vld [tilespmem:s18+$0xFFFFFFE0]  }
0x90: {  	v7 =	vld [tilespmem:s6+$0xFFFFFFF0];
	v13 =	vmul.f32 v62, v14  }
0x91: {  	s11 =	simm.s32 $0x4;
	s12 =	simm.s32 $0x2380;
	s10 =	simm.s32 $0x7280;
	[tilespmem:s0+$0x70] =	vst v10;
	v10 =	vld [tilespmem:s6+$0x40];
	v11 =	vmul.f32 v63, v15  }
.LBB2_3:
0x92: {  	v14 =	vld [tilespmem:s12+$0x0];
	[tilespmem:s6+$0x30] =	vst v13;
	s8 =	sadd.s32 $0x100, s8;
	v8 =	vmul.f32 v8, v0;
	v0 =	vmov v2  }
0x93: {  	v13 =	vld [tilespmem:s8+$0x0];
	v12 =	vmul.f32 v12, v5;
	[tilespmem:s3+$0x70] =	vst v11  }
0x94: {  	s11 =	sadd.s32 $0x2, s11;
	v5 =	vld [tilespmem:s10+$0x40];
	v9 =	vmul.f32 v9, v1;
	[tilespmem:s0+$0xFFFFFFF0] =	vst v8;
	v1 =	vmov v6;
	s0 =	smov.u32 s3;
	s3 =	smov.u32 s6  }
0x95: {  	p1 =	slt.u32 s11, $0x4E;
	s6 =	smov.u32 s12;
	v6 =	vld [tilespmem:s8+$0xFFFFFF80];
	[tilespmem:s3+$0xFFFFFFB0] =	vst v12;
	v2 =	vmov v7  }
0x96: {  	v7 =	vld [tilespmem:s12+$0xFFFFFF80];
	[tilespmem:s0+$0xFFFFFFE0] =	vst v9  }
0x97: {  	v8 =	vld [tilespmem:s12+$0xFFFFFF90]  }
0x98: {  	v9 =	vld [tilespmem:s12+$0xFFFFFFA0];
	v11 =	vmul.f32 v13, v14  }
0x99: {  	v5 =	vmul.f32 v5, v10;
	v10 =	vld [tilespmem:s3+$0x50]  }
0x9a: {  	[tilespmem:s12+$0x0] =	vst v11;
	v11 =	vld [tilespmem:s12+$0x10]  }
0x9b: {  	v6 =	vmul.f32 v6, v7;
	v7 =	vld [tilespmem:s8+$0x10];
	[tilespmem:s3+$0x40] =	vst v5  }
0x9c: {  	v12 =	vld [tilespmem:s10+$0x50]  }
0x9d: {  	[tilespmem:s12+$0xFFFFFF80] =	vst v6;
	v5 =	vld [tilespmem:s12+$0xFFFFFFB0]  }
0x9e: {  	v6 =	vld [tilespmem:s8+$0xFFFFFF90]  }
0x9f: {  	v13 =	vld [tilespmem:s10+$0xFFFFFFC0]  }
0xa0: {  	v14 =	vld [tilespmem:s12+$0xFFFFFFC0];
	v7 =	vmul.f32 v7, v11  }
0xa1: {  	v10 =	vmul.f32 v12, v10;
	v11 =	vld [tilespmem:s3+$0x60]  }
0xa2: {  	[tilespmem:s12+$0x10] =	vst v7;
	v7 =	vld [tilespmem:s12+$0x20]  }
0xa3: {  	v6 =	vmul.f32 v6, v8;
	v8 =	vld [tilespmem:s8+$0x20];
	[tilespmem:s3+$0x50] =	vst v10  }
0xa4: {  	v10 =	vmul.f32 v13, v4;
	v12 =	vld [tilespmem:s10+$0x60]  }
0xa5: {  	[tilespmem:s12+$0xFFFFFF90] =	vst v6;
	v13 =	vld [tilespmem:s12+$0xFFFFFFD0];
	v4 =	vmov v14  }
0xa6: {  	v14 =	vld [tilespmem:s8+$0xFFFFFFA0];
	[tilespmem:s3+$0xFFFFFFC0] =	vst v10  }
0xa7: {  	v10 =	vld [tilespmem:s10+$0xFFFFFFD0]  }
0xa8: {  	v6 =	vld [tilespmem:s12+$0xFFFFFFE0];
	v7 =	vmul.f32 v8, v7  }
0xa9: {  	v8 =	vmul.f32 v12, v11;
	v11 =	vld [tilespmem:s3+$0x70]  }
0xaa: {  	[tilespmem:s12+$0x20] =	vst v7;
	v15 =	vld [tilespmem:s12+$0x30]  }
0xab: {  	v7 =	vmul.f32 v14, v9;
	v14 =	vld [tilespmem:s8+$0x30];
	[tilespmem:s3+$0x60] =	vst v8  }
0xac: {  	v9 =	vmul.f32 v10, v3;
	v16 =	vld [tilespmem:s10+$0x70];
	v3 =	vmov v13  }
.Ltmp0:
0xad: {  	[tilespmem:s12+$0xFFFFFFA0] =	vst v7;
	v8 =	vld [tilespmem:s18+$0xFFFFFFF0];
	s18 =	smov.u32 s10;
	s10 =	smov.u32 s8;
	(pc) =	sbr.rel @p1 .LBB2_3-.Ltmp0, $4  }
0xae: {  	v12 =	vld [tilespmem:s8+$0xFFFFFFB0];
	[tilespmem:s3+$0xFFFFFFD0] =	vst v9  }
0xaf: {  	v9 =	vld [tilespmem:s18+$0xFFFFFFE0]  }
0xb0: {  	v7 =	vld [tilespmem:s12+$0xFFFFFFF0];
	v13 =	vmul.f32 v14, v15  }
0xb1: {  	s12 =	sadd.s32 $0x100, s12;
	v10 =	vld [tilespmem:s6+$0x40];
	v11 =	vmul.f32 v16, v11  }
0xb2: {  	_ = 	snop  }
0xb3: {  	[tilespmem:s6+$0x30] =	vst v13;
	v5 =	vmul.f32 v12, v5  }
0xb4: {  	v12 =	vld [tilespmem:s10+$0x40]  }
0xb5: {  	[tilespmem:s6+$0xFFFFFFB0] =	vst v5  }
0xb6: {  	v5 =	vld [tilespmem:s10+$0xFFFFFFC0];
	_ =	sdelay $0x2  }
0xb7: {  	v10 =	vmul.f32 v12, v10;
	_ =	sdelay $0x1  }
0xb8: {  	v12 =	vld [tilespmem:s6+$0x50];
	[tilespmem:s6+$0x40] =	vst v10;
	v4 =	vmul.f32 v5, v4  }
0xb9: {  	v5 =	vld [tilespmem:s10+$0x50]  }
0xba: {  	[tilespmem:s6+$0xFFFFFFC0] =	vst v4  }
0xbb: {  	v4 =	vld [tilespmem:s10+$0xFFFFFFD0];
	_ =	sdelay $0x2  }
0xbc: {  	v5 =	vmul.f32 v5, v12;
	_ =	sdelay $0x1  }
0xbd: {  	v10 =	vld [tilespmem:s6+$0x60];
	[tilespmem:s6+$0x50] =	vst v5;
	v3 =	vmul.f32 v4, v3  }
0xbe: {  	v4 =	vld [tilespmem:s10+$0x60]  }
0xbf: {  	[tilespmem:s6+$0xFFFFFFD0] =	vst v3  }
0xc0: {  	v3 =	vld [tilespmem:s10+$0xFFFFFFE0];
	_ =	sdelay $0x2  }
0xc1: {  	v4 =	vmul.f32 v4, v10  }
0xc2: {  	v1 =	vmul.f32 v9, v1  }
0xc3: {  	v5 =	vld [tilespmem:s6+$0x70];
	[tilespmem:s6+$0x60] =	vst v4;
	v3 =	vmul.f32 v3, v6  }
0xc4: {  	[tilespmem:s3+$0xFFFFFFE0] =	vst v1;
	v1 =	vld [tilespmem:s10+$0x70]  }
0xc5: {  	v4 =	vld [tilespmem:s18+$0xFFFFFFF0];
	[tilespmem:s6+$0xFFFFFFE0] =	vst v3  }
0xc6: {  	v3 =	vld [tilespmem:s10+$0xFFFFFFF0];
	_ =	sdelay $0x1  }
0xc7: {  	v0 =	vmul.f32 v8, v0  }
0xc8: {  	[tilespmem:s3+$0x70] =	vst v11;
	v1 =	vmul.f32 v1, v5  }
0xc9: {  	[tilespmem:s0+$0xFFFFFFF0] =	vst v0;
	v0 =	vmul.f32 v4, v2  }
0xca: {  	[tilespmem:s6+$0x70] =	vst v1;
	v1 =	vmul.f32 v3, v7  }
0xcb: {  	[tilespmem:s3+$0xFFFFFFF0] =	vst v0  }
0xcc: {  	s18 =	sadd.s32 $0x1000, s31;
	[tilespmem:s6+$0xFFFFFFF0] =	vst v1  }
0xcd: {  	[spmem:s2] =	stream.indirect.scatter.add.f32 [tilespmem:s20], [sflag:$0x3], $0x80, s18, s19, $0xb8;
	[tilespmem:$0x1F880] =	vst v63  }
0xce: {  	_ =	swait.ge [sflag:s24], $0x2800  }
0xcf: {  	[sflag:s24] =	ssyncset.done $0x0  }
0xd0: {  	s0 =	simm.s32 $0x4880;
	[sflag:s24] =	ssyncadd.s32 $0xFFFFD800  }
0xd1: {  	s31 =	simm.s32 $0x98F0;
	v0 =	vld [tilespmem:s0+$0x0]  }
0xd2: {  	v1 =	vld [tilespmem:s31+$0xFFFFFF90];
	_ =	sdelay $0x3  }
0xd3: {  	v2 =	vld [tilespmem:s0+$0xFFFFFF80]  }
0xd4: {  	v0 =	vmul.f32 v1, v0;
	v1 =	vld [tilespmem:s31+$0xFFFFFF10];
	_ =	sdelay $0x1  }
0xd5: {  	[tilespmem:s0+$0x0] =	vst v0;
	v0 =	vld [tilespmem:s0+$0x10]  }
0xd6: {  	v3 =	vld [tilespmem:s31+$0xFFFFFFA0];
	_ =	sdelay $0x1  }
0xd7: {  	v1 =	vmul.f32 v1, v2;
	_ =	sdelay $0x1  }
0xd8: {  	v4 =	vld [tilespmem:s0+$0xFFFFFF90];
	[tilespmem:s0+$0xFFFFFF80] =	vst v1  }
0xd9: {  	v0 =	vmul.f32 v3, v0;
	v1 =	vld [tilespmem:s31+$0xFFFFFF20];
	_ =	sdelay $0x1  }
0xda: {  	[tilespmem:s0+$0x10] =	vst v0;
	v0 =	vld [tilespmem:s0+$0x20]  }
0xdb: {  	v3 =	vld [tilespmem:s31+$0xFFFFFFB0]  }
0xdc: {  	v5 =	vld [tilespmem:s0+$0xFFFFFFB0]  }
0xdd: {  	s3 =	simm.s32 $0x4980;
	v6 =	vld [tilespmem:s0+$0xFFFFFFD0];
	v1 =	vmul.f32 v1, v4  }
0xde: {  	v7 =	vld [tilespmem:s3+$0x0]  }
0xdf: {  	v2 =	vld [tilespmem:s0+$0xFFFFFFA0];
	[tilespmem:s0+$0xFFFFFF90] =	vst v1  }
0xe0: {  	v0 =	vmul.f32 v3, v0;
	v1 =	vld [tilespmem:s31+$0xFFFFFF30]  }
0xe1: {  	v8 =	vld [tilespmem:s0+$0xFFFFFFE0]  }
0xe2: {  	[tilespmem:s0+$0x20] =	vst v0;
	v0 =	vld [tilespmem:s0+$0x30]  }
0xe3: {  	s18 =	simm.s32 $0x99F0;
	v3 =	vld [tilespmem:s31+$0xFFFFFFC0]  }
0xe4: {  	v10 =	vld [tilespmem:s18+$0xFFFFFF10]  }
0xe5: {  	v1 =	vmul.f32 v1, v2;
	v2 =	vld [tilespmem:s18+$0xFFFFFF90]  }
0xe6: {  	v12 =	vld [tilespmem:s3+$0xFFFFFF90]  }
0xe7: {  	s8 =	simm.s32 $0x9AF0;
	v13 =	vld [tilespmem:s3+$0xFFFFFFD0]  }
0xe8: {  	v15 =	vld [tilespmem:s8+$0xFFFFFF10];
	v0 =	vmul.f32 v3, v0  }
0xe9: {  	[tilespmem:s0+$0xFFFFFFA0] =	vst v1;
	v1 =	vld [tilespmem:s0+$0x40]  }
0xea: {  	[tilespmem:s0+$0x30] =	vst v0;
	v2 =	vmul.f32 v2, v7;
	v7 =	vld [tilespmem:s3+$0xFFFFFF80]  }
0xeb: {  	s6 =	simm.s32 $0x4A80;
	v9 =	vld [tilespmem:s31+$0xFFFFFFD0]  }
0xec: {  	v16 =	vld [tilespmem:s6+$0xFFFFFF80]  }
0xed: {  	v3 =	vld [tilespmem:s31+$0xFFFFFF40]  }
0xee: {  	v17 =	vld [tilespmem:s3+$0x50]  }
0xef: {  	[tilespmem:s3+$0x0] =	vst v2;
	v2 =	vld [tilespmem:s3+$0x10];
	v7 =	vmul.f32 v10, v7  }
0xf0: {  	v11 =	vld [tilespmem:s18+$0xFFFFFFA0];
	v1 =	vmul.f32 v9, v1  }
0xf1: {  	v9 =	vld [tilespmem:s0+$0x50];
	[tilespmem:s3+$0xFFFFFF80] =	vst v7  }
0xf2: {  	[tilespmem:s0+$0x40] =	vst v1;
	v1 =	vmul.f32 v3, v5;
	v5 =	vld [tilespmem:s18+$0xFFFFFF20]  }
0xf3: {  	v3 =	vld [tilespmem:s31+$0xFFFFFFE0]  }
0xf4: {  	v60 =	vld [tilespmem:s6+$0xFFFFFFA0]  }
0xf5: {  	v4 =	vld [tilespmem:s0+$0xFFFFFFC0];
	v2 =	vmul.f32 v11, v2;
	[tilespmem:s0+$0xFFFFFFB0] =	vst v1  }
0xf6: {  	v1 =	vld [tilespmem:s31+$0xFFFFFF50]  }
0xf7: {  	[tilespmem:s3+$0x10] =	vst v2;
	v2 =	vld [tilespmem:s3+$0x20]  }
0xf8: {  	v5 =	vmul.f32 v5, v12;
	v3 =	vmul.f32 v3, v9;
	v9 =	vld [tilespmem:s18+$0xFFFFFFB0]  }
0xf9: {  	v18 =	vld [tilespmem:s3+$0x60];
	v15 =	vmul.f32 v15, v16  }
0xfa: {  	v10 =	vld [tilespmem:s3+$0xFFFFFFA0];
	[tilespmem:s3+$0xFFFFFF90] =	vst v5  }
0xfb: {  	[tilespmem:s6+$0xFFFFFF80] =	vst v15;
	v1 =	vmul.f32 v1, v4;
	v4 =	vld [tilespmem:s18+$0xFFFFFF30]  }
0xfc: {  	v15 =	vld [tilespmem:s8+$0xFFFFFF20]  }
0xfd: {  	v0 =	vld [tilespmem:s0+$0xFFFFFFF0];
	[tilespmem:s0+$0xFFFFFFC0] =	vst v1;
	v1 =	vmul.f32 v9, v2  }
0xfe: {  	v7 =	vld [tilespmem:s3+$0xFFFFFFB0]  }
0xff: {  	v5 =	vld [tilespmem:s3+$0x30];
	[tilespmem:s3+$0x20] =	vst v1  }
0x100: {  	v4 =	vmul.f32 v4, v10;
	v10 =	vld [tilespmem:s18+$0xFFFFFFC0]  }
0x101: {  	v2 =	vld [tilespmem:s31+$0xFFFFFF60]  }
0x102: {  	v11 =	vld [tilespmem:s0+$0x60]  }
0x103: {  	v12 =	vld [tilespmem:s3+$0xFFFFFFC0];
	[tilespmem:s0+$0x50] =	vst v3  }
0x104: {  	v3 =	vld [tilespmem:s31+$0xFFFFFFF0]  }
0x105: {  	[tilespmem:s3+$0xFFFFFFA0] =	vst v4;
	v4 =	vld [tilespmem:s6+$0x0];
	v5 =	vmul.f32 v10, v5  }
0x106: {  	v2 =	vmul.f32 v2, v6;
	v6 =	vld [tilespmem:s8+$0xFFFFFF90]  }
0x107: {  	v10 =	vld [tilespmem:s3+$0x40];
	[tilespmem:s3+$0x30] =	vst v5  }
0x108: {  	v5 =	vld [tilespmem:s18+$0xFFFFFFD0]  }
0x109: {  	v9 =	vld [tilespmem:s0+$0x70];
	v3 =	vmul.f32 v3, v11  }
0x10a: {  	v1 =	vld [tilespmem:s3+$0xFFFFFFE0]  }
0x10b: {  	[tilespmem:s0+$0x60] =	vst v3;
	v3 =	vld [tilespmem:s18+$0xFFFFFF40];
	v4 =	vmul.f32 v6, v4  }
0x10c: {  	v6 =	vld [tilespmem:s6+$0xFFFFFF90]  }
0x10d: {  	[tilespmem:s6+$0x0] =	vst v4;
	v4 =	vld [tilespmem:s6+$0x10];
	v5 =	vmul.f32 v5, v10  }
0x10e: {  	v10 =	vld [tilespmem:s8+$0xFFFFFFA0]  }
0x10f: {  	v11 =	vld [tilespmem:s31+$0x0];
	[tilespmem:s3+$0x40] =	vst v5  }
0x110: {  	v3 =	vmul.f32 v3, v7;
	v7 =	vld [tilespmem:s18+$0xFFFFFFE0]  }
0x111: {  	[tilespmem:s0+$0xFFFFFFD0] =	vst v2;
	v2 =	vld [tilespmem:s3+$0xFFFFFFF0]  }
0x112: {  	v14 =	vld [tilespmem:s31+$0xFFFFFF70];
	[tilespmem:s3+$0xFFFFFFB0] =	vst v3;
	v6 =	vmul.f32 v15, v6  }
0x113: {  	v3 =	vmul.f32 v10, v4;
	v10 =	vld [tilespmem:s18+$0xFFFFFF50]  }
0x114: {  	[tilespmem:s6+$0xFFFFFF90] =	vst v6;
	v6 =	vld [tilespmem:s6+$0xFFFFFFE0]  }
0x115: {  	v5 =	vld [tilespmem:s6+$0xFFFFFFB0];
	[tilespmem:s6+$0x10] =	vst v3;
	v3 =	vmul.f32 v7, v17  }
0x116: {  	v7 =	vld [tilespmem:s6+$0x20]  }
0x117: {  	v15 =	vld [tilespmem:s8+$0xFFFFFFB0];
	[tilespmem:s3+$0x50] =	vst v3  }
0x118: {  	v10 =	vmul.f32 v10, v12;
	v12 =	vld [tilespmem:s18+$0xFFFFFFF0]  }
0x119: {  	v61 =	vld [tilespmem:s8+$0xFFFFFF30]  }
0x11a: {  	v4 =	vld [tilespmem:s6+$0xFFFFFFC0];
	[tilespmem:s3+$0xFFFFFFC0] =	vst v10  }
0x11b: {  	v10 =	vld [tilespmem:s18+$0xFFFFFF60]  }
0x11c: {  	v3 =	vld [tilespmem:s6+$0xFFFFFFD0];
	v7 =	vmul.f32 v15, v7  }
0x11d: {  	v15 =	vld [tilespmem:s3+$0x70];
	v12 =	vmul.f32 v12, v18  }
0x11e: {  	[tilespmem:s6+$0x20] =	vst v7;
	v7 =	vmul.f32 v14, v8;
	v14 =	vld [tilespmem:s6+$0x30]  }
0x11f: {  	v8 =	vmul.f32 v61, v60;
	v62 =	vld [tilespmem:s8+$0xFFFFFFC0];
	[tilespmem:s3+$0x60] =	vst v12  }
0x120: {  	[tilespmem:s0+$0xFFFFFFE0] =	vst v7;
	v7 =	vmul.f32 v10, v13;
	v63 =	vld [tilespmem:s18+$0x0]  }
0x121: {  	[tilespmem:s6+$0xFFFFFFA0] =	vst v8;
	v8 =	vld [tilespmem:s31+$0xFFFFFF80]  }
0x122: {  	v12 =	vld [tilespmem:s8+$0xFFFFFF40];
	[tilespmem:s3+$0xFFFFFFD0] =	vst v7  }
0x123: {  	v10 =	vmul.f32 v11, v9;
	v9 =	vld [tilespmem:s18+$0xFFFFFF70]  }
0x124: {  	v7 =	vld [tilespmem:s6+$0xFFFFFFF0];
	v13 =	vmul.f32 v62, v14  }
0x125: {  	s11 =	simm.s32 $0x4;
	s12 =	simm.s32 $0x4B80;
	s10 =	simm.s32 $0x9AF0;
	[tilespmem:s0+$0x70] =	vst v10;
	v10 =	vld [tilespmem:s6+$0x40];
	v11 =	vmul.f32 v63, v15  }
.LBB2_5:
0x126: {  	v14 =	vld [tilespmem:s12+$0x0];
	[tilespmem:s6+$0x30] =	vst v13;
	s8 =	sadd.s32 $0x100, s8;
	v8 =	vmul.f32 v8, v0;
	v0 =	vmov v2  }
0x127: {  	v13 =	vld [tilespmem:s8+$0xFFFFFF90];
	v12 =	vmul.f32 v12, v5;
	[tilespmem:s3+$0x70] =	vst v11  }
0x128: {  	s11 =	sadd.s32 $0x2, s11;
	v5 =	vld [tilespmem:s10+$0xFFFFFFD0];
	v9 =	vmul.f32 v9, v1;
	[tilespmem:s0+$0xFFFFFFF0] =	vst v8;
	v1 =	vmov v6;
	s0 =	smov.u32 s3;
	s3 =	smov.u32 s6  }
0x129: {  	p1 =	slt.u32 s11, $0x4E;
	s6 =	smov.u32 s12;
	v6 =	vld [tilespmem:s8+$0xFFFFFF10];
	[tilespmem:s3+$0xFFFFFFB0] =	vst v12;
	v2 =	vmov v7  }
0x12a: {  	v7 =	vld [tilespmem:s12+$0xFFFFFF80];
	[tilespmem:s0+$0xFFFFFFE0] =	vst v9  }
0x12b: {  	v8 =	vld [tilespmem:s12+$0xFFFFFF90]  }
0x12c: {  	v9 =	vld [tilespmem:s12+$0xFFFFFFA0];
	v11 =	vmul.f32 v13, v14  }
0x12d: {  	v5 =	vmul.f32 v5, v10;
	v10 =	vld [tilespmem:s3+$0x50]  }
0x12e: {  	[tilespmem:s12+$0x0] =	vst v11;
	v11 =	vld [tilespmem:s12+$0x10]  }
0x12f: {  	v6 =	vmul.f32 v6, v7;
	v7 =	vld [tilespmem:s8+$0xFFFFFFA0];
	[tilespmem:s3+$0x40] =	vst v5  }
0x130: {  	v12 =	vld [tilespmem:s10+$0xFFFFFFE0]  }
0x131: {  	[tilespmem:s12+$0xFFFFFF80] =	vst v6;
	v5 =	vld [tilespmem:s12+$0xFFFFFFB0]  }
0x132: {  	v6 =	vld [tilespmem:s8+$0xFFFFFF20]  }
0x133: {  	v13 =	vld [tilespmem:s10+$0xFFFFFF50]  }
0x134: {  	v14 =	vld [tilespmem:s12+$0xFFFFFFC0];
	v7 =	vmul.f32 v7, v11  }
0x135: {  	v10 =	vmul.f32 v12, v10;
	v11 =	vld [tilespmem:s3+$0x60]  }
0x136: {  	[tilespmem:s12+$0x10] =	vst v7;
	v7 =	vld [tilespmem:s12+$0x20]  }
0x137: {  	v6 =	vmul.f32 v6, v8;
	v8 =	vld [tilespmem:s8+$0xFFFFFFB0];
	[tilespmem:s3+$0x50] =	vst v10  }
0x138: {  	v10 =	vmul.f32 v13, v4;
	v12 =	vld [tilespmem:s10+$0xFFFFFFF0]  }
0x139: {  	[tilespmem:s12+$0xFFFFFF90] =	vst v6;
	v13 =	vld [tilespmem:s12+$0xFFFFFFD0];
	v4 =	vmov v14  }
0x13a: {  	v14 =	vld [tilespmem:s8+$0xFFFFFF30];
	[tilespmem:s3+$0xFFFFFFC0] =	vst v10  }
0x13b: {  	v10 =	vld [tilespmem:s10+$0xFFFFFF60]  }
0x13c: {  	v6 =	vld [tilespmem:s12+$0xFFFFFFE0];
	v7 =	vmul.f32 v8, v7  }
0x13d: {  	v8 =	vmul.f32 v12, v11;
	v11 =	vld [tilespmem:s3+$0x70]  }
0x13e: {  	[tilespmem:s12+$0x20] =	vst v7;
	v15 =	vld [tilespmem:s12+$0x30]  }
0x13f: {  	v7 =	vmul.f32 v14, v9;
	v14 =	vld [tilespmem:s8+$0xFFFFFFC0];
	[tilespmem:s3+$0x60] =	vst v8  }
0x140: {  	v9 =	vmul.f32 v10, v3;
	v16 =	vld [tilespmem:s10+$0x0];
	v3 =	vmov v13  }
.Ltmp1:
0x141: {  	[tilespmem:s12+$0xFFFFFFA0] =	vst v7;
	v8 =	vld [tilespmem:s18+$0xFFFFFF80];
	s18 =	smov.u32 s10;
	s10 =	smov.u32 s8;
	(pc) =	sbr.rel @p1 .LBB2_5-.Ltmp1, $4  }
0x142: {  	v12 =	vld [tilespmem:s8+$0xFFFFFF40];
	[tilespmem:s3+$0xFFFFFFD0] =	vst v9  }
0x143: {  	v9 =	vld [tilespmem:s18+$0xFFFFFF70]  }
0x144: {  	v7 =	vld [tilespmem:s12+$0xFFFFFFF0];
	v13 =	vmul.f32 v14, v15  }
0x145: {  	s12 =	sadd.s32 $0x100, s12;
	v10 =	vld [tilespmem:s6+$0x40];
	v11 =	vmul.f32 v16, v11  }
0x146: {  	_ = 	snop  }
0x147: {  	v5 =	vmul.f32 v12, v5  }
0x148: {  	[tilespmem:s6+$0x30] =	vst v13  }
0x149: {  	v54 =	vld [tilespmem:s10+$0xFFFFFFD0];
	[tilespmem:s6+$0xFFFFFFB0] =	vst v5  }
0x14a: {  	v5 =	vld [tilespmem:s10+$0xFFFFFF50];
	_ =	sdelay $0x3  }
0x14b: {  	v10 =	vmul.f32 v54, v10  }
0x14c: {  	v4 =	vmul.f32 v5, v4  }
0x14d: {  	v55 =	vld [tilespmem:s6+$0x50];
	[tilespmem:s6+$0x40] =	vst v10  }
0x14e: {  	v56 =	vld [tilespmem:s10+$0xFFFFFFE0];
	[tilespmem:s6+$0xFFFFFFC0] =	vst v4  }
0x14f: {  	v4 =	vld [tilespmem:s10+$0xFFFFFF60];
	_ =	sdelay $0x3  }
0x150: {  	v5 =	vmul.f32 v56, v55  }
0x151: {  	v3 =	vmul.f32 v4, v3  }
0x152: {  	v57 =	vld [tilespmem:s6+$0x60];
	[tilespmem:s6+$0x50] =	vst v5  }
0x153: {  	v58 =	vld [tilespmem:s10+$0xFFFFFFF0];
	[tilespmem:s6+$0xFFFFFFD0] =	vst v3  }
0x154: {  	v3 =	vld [tilespmem:s10+$0xFFFFFF70];
	_ =	sdelay $0x2  }
0x155: {  	v1 =	vmul.f32 v9, v1  }
0x156: {  	v4 =	vmul.f32 v58, v57  }
0x157: {  	v59 =	vld [tilespmem:s6+$0x70];
	[tilespmem:s3+$0xFFFFFFE0] =	vst v1;
	v3 =	vmul.f32 v3, v6  }
0x158: {  	v61 =	vld [tilespmem:s18+$0xFFFFFF80];
	[tilespmem:s6+$0x60] =	vst v4  }
0x159: {  	v60 =	vld [tilespmem:s10+$0x0];
	[tilespmem:s6+$0xFFFFFFE0] =	vst v3  }
0x15a: {  	v3 =	vld [tilespmem:s10+$0xFFFFFF80];
	_ =	sdelay $0x1  }
0x15b: {  	v0 =	vmul.f32 v8, v0;
	s29 =	sadd.s32 $0x1, s29  }
0x15c: {  	[tilespmem:s3+$0x70] =	vst v11;
	p1 =	sne.s32 s29, $0x10;
	v62 =	vmul.f32 v61, v2  }
.Ltmp2:
0x15d: {  	[tilespmem:s0+$0xFFFFFFF0] =	vst v0;
	v1 =	vmul.f32 v60, v59;
	(pc) =	sbr.rel @p1 .LBB2_2-.Ltmp2, $4  }
0x15e: {  	[tilespmem:s3+$0xFFFFFFF0] =	vst v62;
	v63 =	vmul.f32 v3, v7  }
0x15f: {  	[tilespmem:s6+$0x70] =	vst v1  }
0x160: {  	s31 =	sadd.s32 $0x1000, s30;
	[tilespmem:s6+$0xFFFFFFF0] =	vst v63  }
0x161: {  	[spmem:s2] =	stream.indirect.scatter.add.f32 [tilespmem:s21], [sflag:$0x4], $0x80, s31, s19, $0xb8;
	[tilespmem:$0x1F880] =	vst v63  }
0x162: {  	_ =	swait.ge [sflag:s25], $0x2800  }
0x163: {  	[sflag:s25] =	ssyncset.done $0x0  }
0x164: {  	[sflag:s25] =	ssyncadd.s32 $0xFFFFD800  }
0x165: {  	_ =	swait.ge [sflag:s26], $0x2800  }
0x166: {  	[sflag:s26] =	ssyncset.done $0x0  }
0x167: {  	[sflag:s26] =	ssyncadd.s32 $0xFFFFD800  }
0x168: {  	[bflag:$0x0] =	sbarrier.arrive $0xFFFF  }
0x169: {  	s0 =	rddreg [dreg:$0x8]  }
0x16a: {  	[hbm:s0], [sflag:s7] =	dma.local [spmem:s15], $0x2700  }
0x16b: {  	s28 =	sadd.s32 $0x1, s28;
	_ =	swait.ge [sflag:s16], $0x2700  }
0x16c: {  	p1 =	sne.s32 s28, s14;
	[sflag:s16] =	ssyncset.done $0x0  }
.Ltmp3:
0x16d: {  	s0 =	simm.s32 @!p0 $0x5;
	[sflag:s16] =	ssyncadd.s32 $0xFFFFD900;
	(pc) =	sbr.rel @p1 .LBB2_1-.Ltmp3, $4  }
0x16e: {  	[hbm:s13], [sflag:s7] =	dma.local @!p0 [spmem:s17], $0x100  }
0x16f: {  	_ =	swait.ge @!p0 [sflag:s0], $0x100  }
0x170: {  	[sflag:s0] =	ssyncset.done @!p0 $0x0  }
0x171: {  	[sflag:s0] =	ssyncadd.s32 @!p0 $0xFFFFFF00  }
0x172: {  	_ =	sfence.sel $0x180000  }
0x173: {  	[bflag:$0x0] =	sbarrier.arrive $0xFFFF  }
0x174: {  	_ =	strace $0x9000004A  }
0x175: {  	s0 =	stileid.u32;
	[bflag:$0x2] =	sbarrier.arrive $0xFFFF  }
0x176: {  	p0 =	sne.s32 s0, $0x0;
	s0 =	rddreg [dreg:$0x3]  }
0x177: {  	s0 =	sadd.s32 @!p0 $0x100000, s0  }
0x178: {  	[sflag:s0] =	ssyncadd.tile.s32 @!p0 $0x1;
	_ =	shalt  }
.Lfunc_end2:
_tile_overlayer_lowered:
.L_overlay_start_2:
0x179: {  	(tag) =	ssettag $0x2  }
0x17a: {  	s0 =	rddreg [dreg:$0x0];
	s2 =	stileid.u32  }
0x17b: {  	s1 =	rddreg [dreg:$0x1];
	p0 =	sne.s32 s2, $0x0  }
0x17c: {  	s3 =	rddreg [dreg:$0x2];
	[bflag:$0x3] =	sbarrier.arrive $0xFFFF;
	s2 =	simm.s32 @!p0 $0x1C05  }
0x17d: {  	[timem:s3], [sflag:s2] =	dma.local @!p0 [hbm:s0], s1  }
0x17e: {  	s0 =	simm.s32 @!p0 $0x5  }
0x17f: {  	_ =	swait.ge @!p0 [sflag:s0], s1  }
0x180: {  	s1 =	ssub.s32 @!p0 $0x0, s1;
	[sflag:s0] =	ssyncset.done @!p0 $0x0  }
0x181: {  	[sflag:s0] =	ssyncadd.s32 @!p0 s1  }
0x182: {  	[bflag:$0x3] =	sbarrier.arrive $0xFFFF  }
0x183: {  	_ =	shalt  }

// kernel: kernel.18.cloned.1.call-start
scs
__scs_entry_jumppad:
0x0: {  	(pc) =	sbr.rel $0x88, $3  }
0x1: {  	(tag) =	ssettag $0x0;
	lr =	simm.s32 $0x1  }
0x2: {  	[smem:$0x3F94] =	sst lr;
	_ =	strace $0xD0000000  }
0x3: {  	_ = 	snop  }
0x4: {  	_ = 	snop  }
0x5: {  	_ = 	snop  }
0x6: {  	_ = 	snop  }
0x7: {  	_ = 	snop  }
__scs_overlays_trampoline_lowered:
0x8: {  	[smem:$0x3FA3] =	sst s0  }
0x9: {  	[smem:$0x3FA4] =	sst s1  }
0xa: {  	[smem:$0x3FA5] =	sst s2  }
0xb: {  	[smem:$0x3FA6] =	sst s3  }
0xc: {  	[smem:$0x3FA7] =	sst s4  }
0xd: {  	[smem:$0x3FA8] =	sst s5  }
0xe: {  	[smem:$0x3FA9] =	sst s6  }
0xf: {  	[smem:$0x3FAA] =	sst s7  }
0x10: {  	[smem:$0x3FAB] =	sst s8  }
0x11: {  	[smem:$0x3FAC] =	sst s9;
	s0 =	simm.s32 @!p0 $0x0  }
0x12: {  	s1 =	sld [smem:$0x3F92];
	s0 =	simm.s32 @p0 $0x1  }
0x13: {  	[smem:$0x3FAD] =	sst s0;
	s0 =	simm.s32 @!p1 $0x0  }
0x14: {  	s2 =	sld [smem:$0x3F91];
	s0 =	simm.s32 @p1 $0x1  }
0x15: {  	[smem:$0x3FAE] =	sst s0;
	s0 =	simm.s32 @!p2 $0x0  }
0x16: {  	s3 =	sld [smem:$0x3FDB];
	s0 =	simm.s32 @p2 $0x1  }
0x17: {  	s4 =	simm.s32 $0x1BF5;
	[smem:$0x3FB0] =	sst s0  }
0x18: {  	s0 =	sld [smem:$0x3F93];
	_ =	swait.ge [sflag:s4], $0x0  }
0x19: {  	s7 =	sld [smem:$0x3F94]  }
0x1a: {  	s8 =	sadd.s32 $0xFFFFE003, lr  }
0x1b: {  	s9 =	sadd.s32 $0xFFFFFEF7, lr;
	s5 =	simm.s32 $0xFFFFFFFF;
	p2 =	slt.u32 s8, $0xFFFFF086  }
0x1c: {  	p1 =	slt.u32 s9, $0xF7A;
	s5 =	simm.s32 @!p2 $0x0  }
0x1d: {  	s5 =	simm.s32 @p1 $0x1;
	p0 =	seq.s32 s7, s2  }
0x1e: {  	s7 =	smul.u32 @!p0 $0xF7A, s2;
	p2 =	seq.s32 @!p0 s5, $0x0  }
0x1f: {  	s9 =	smul.u32 $0xF7A, s1;
	s8 =	simm.s32 @!p0 $0x1BF5;
	p2 =	por !p2, p0  }
0x20: {  	[sflag:s8] =	ssyncset.s32 @!p0 $0xFFFFF086;
	s6 =	sadd.s32 @!p0 s3, s7;
	s7 =	simm.s32 @!p0 $0x108  }
0x21: {  	s3 =	sadd.s32 s3, s9;
	s6 =	sadd.s32 @!p0 $0x88, s6;
	s7 =	simm.s32 @p2 $0x1082  }
0x22: {  	[simem:s7], [sflag:s8] =	dma.local @!p0 [hbm:s6], $0xF7A  }
0x23: {  	s9 =	sor.u32 $0xD0000000, s2;
	s6 =	simm.s32 $0x108;
	_ =	swait.ge @!p0 [sflag:s8], $0x0  }
0x24: {  	s3 =	sadd.s32 $0x88, s3;
	s6 =	simm.s32 @!p1 $0x1082;
	[sflag:s4] =	ssyncset.s32 $0xFFFFF086  }
0x25: {  	[simem:s6], [sflag:s4] =	dma.local [hbm:s3], $0xF7A  }
0x26: {  	[smem:$0x3F94] =	sst s1;
	(tag) =	ssettag s2;
	_ =	strace s9  }
0x27: {  	s1 =	sld [smem:$0x3FA4]  }
0x28: {  	s2 =	sld [smem:$0x3FA5]  }
0x29: {  	s4 =	sld [smem:$0x3FA7]  }
0x2a: {  	p0 =	seq.s32 s5, $0x0;
	s5 =	sld [smem:$0x3FA8]  }
0x2b: {  	s6 =	sld [smem:$0x3FA9]  }
0x2c: {  	s7 =	sld [smem:$0x3FAA]  }
0x2d: {  	s3 =	simm.s32 $0x108;
	s8 =	sld [smem:$0x3FAB]  }
0x2e: {  	s3 =	simm.s32 @!p0 $0x1082;
	s9 =	sld [smem:$0x3FAC]  }
0x2f: {  	lr =	sadd.s32 s0, s3;
	s0 =	sld [smem:$0x3FA3]  }
0x30: {  	s3 =	sld [smem:$0x3FA6]  }
0x31: {  	[smem:$0x3FAF] =	sst s10  }
0x32: {  	s10 =	sld [smem:$0x3FAD];
	_ =	sdelay $0x3  }
0x33: {  	p0 =	seq.s32 s10, $0x1;
	s10 =	sld [smem:$0x3FAF];
	_ =	sdelay $0x3  }
0x34: {  	[smem:$0x3FAF] =	sst s10  }
0x35: {  	s10 =	sld [smem:$0x3FAE];
	_ =	sdelay $0x3  }
0x36: {  	p1 =	seq.s32 s10, $0x1;
	s10 =	sld [smem:$0x3FAF];
	_ =	sdelay $0x3  }
0x37: {  	[smem:$0x3FAF] =	sst s10  }
0x38: {  	s10 =	sld [smem:$0x3FB0]  }
0x39: {  	_ = 	snop;
	(pc) =	sbr.ind lr, $3  }
0x3a: {  	_ = 	snop  }
0x3b: {  	_ = 	snop  }
0x3c: {  	p2 =	seq.s32 s10, $0x1;
	s10 =	sld [smem:$0x3FAF]  }
0x3d: {  	_ =	shalt  }
0x3e: {  	_ =	shalt  }
0x3f: {  	_ =	shalt  }
0x40: {  	_ =	shalt  }
0x41: {  	_ =	shalt  }
0x42: {  	_ =	shalt  }
0x43: {  	_ =	shalt  }
0x44: {  	_ =	shalt  }
0x45: {  	_ =	shalt  }
0x46: {  	_ =	shalt  }
0x47: {  	_ =	shalt  }
0x48: {  	_ =	shalt  }
0x49: {  	_ =	shalt  }
0x4a: {  	_ =	shalt  }
0x4b: {  	_ =	shalt  }
0x4c: {  	_ =	shalt  }
0x4d: {  	_ =	shalt  }
0x4e: {  	_ =	shalt  }
0x4f: {  	_ =	shalt  }
0x50: {  	_ =	shalt  }
0x51: {  	_ =	shalt  }
0x52: {  	_ =	shalt  }
0x53: {  	_ =	shalt  }
0x54: {  	_ =	shalt  }
0x55: {  	_ =	shalt  }
0x56: {  	_ =	shalt  }
0x57: {  	_ =	shalt  }
0x58: {  	_ =	shalt  }
0x59: {  	_ =	shalt  }
0x5a: {  	_ =	shalt  }
0x5b: {  	_ =	shalt  }
0x5c: {  	_ =	shalt  }
0x5d: {  	_ =	shalt  }
0x5e: {  	_ =	shalt  }
0x5f: {  	_ =	shalt  }
0x60: {  	_ =	shalt  }
0x61: {  	_ =	shalt  }
0x62: {  	_ =	shalt  }
0x63: {  	_ =	shalt  }
0x64: {  	_ =	shalt  }
0x65: {  	_ =	shalt  }
0x66: {  	_ =	shalt  }
0x67: {  	_ =	shalt  }
0x68: {  	_ =	shalt  }
0x69: {  	_ =	shalt  }
0x6a: {  	_ =	shalt  }
0x6b: {  	_ =	shalt  }
0x6c: {  	_ =	shalt  }
0x6d: {  	_ =	shalt  }
0x6e: {  	_ =	shalt  }
0x6f: {  	_ =	shalt  }
0x70: {  	_ =	shalt  }
0x71: {  	_ =	shalt  }
0x72: {  	_ =	shalt  }
0x73: {  	_ =	shalt  }
0x74: {  	_ =	shalt  }
0x75: {  	_ =	shalt  }
0x76: {  	_ =	shalt  }
0x77: {  	_ =	shalt  }
0x78: {  	_ =	shalt  }
0x79: {  	_ =	shalt  }
0x7a: {  	_ =	shalt  }
0x7b: {  	_ =	shalt  }
0x7c: {  	_ =	shalt  }
0x7d: {  	_ =	shalt  }
0x7e: {  	_ =	shalt  }
0x7f: {  	_ =	shalt  }
0x80: {  	_ =	shalt  }
0x81: {  	_ =	shalt  }
0x82: {  	_ =	shalt  }
0x83: {  	_ =	shalt  }
0x84: {  	_ =	shalt  }
0x85: {  	_ =	shalt  }
0x86: {  	_ =	shalt  }
0x87: {  	_ =	shalt  }
.Lfunc_end0:
.L_simem_size_0:
called_computation.2_lowered:
.L_overlay_start_0:
0x88: {  	s2 =	sld [smem:$0x3FD9]  }
0x89: {  	s3 =	sld [smem:$0x3FFE];
	_ =	sdelay $0x1  }
0x8a: {  	s1 =	srdreg.scid  }
0x8b: {  	s0 =	sand.u32 $0x1, s1  }
0x8c: {  	s17 =	sshll.u32 s0, $0xA;
	s2 =	sadd.s32 s3, s2  }
0x8d: {  	s2 =	sadd.s32 s2, s17  }
0x8e: {  	[smem:$0x3FBB] =	sst s2  }
0x8f: {  	_ = 	snop  }
0x90: {  	s2 =	sld [smem:$0x3FD0];
	(tm) =	ssettm $0x1  }
0x91: {  	s18 =	sld [smem:$0x3FFB];
	_ =	sdelay $0x3  }
0x92: {  	_ =	strace s18  }
0x93: {  	s3 =	sld [smem:$0x3FFC];
	_ =	sdelay $0x3  }
0x94: {  	_ =	strace s3  }
0x95: {  	s3 =	sld [smem:$0x3FFD];
	_ =	sdelay $0x3  }
0x96: {  	_ =	strace s3  }
0x97: {  	_ =	strace $0x8FFFFFFF  }
0x98: {  	s19 =	sld [smem:$0x3FDB];
	_ =	sdelay $0x1  }
0x99: {  	s4 =	simm.s32 $_scs_section_size  }
0x9a: {  	s5 =	simm.s32 $_size__tile_overlayer_lowered;
	s6 =	simm.s32 $_tile_overlayer_lowered  }
0x9b: {  	s22 =	simm.s32 $0x1BFF;
	s21 =	sshll.u32 s6, $0x1;
	s3 =	sadd.s32 s4, s19  }
0x9c: {  	s7 =	simm.s32 $0x0;
	s20 =	sshll.u32 s5, $0x1;
	s5 =	sadd.s32 s21, s3  }
0x9d: {  	[timem:s7], [sflag:s22] =	dma.local [hbm:s5], s20  }
0x9e: {  	_ =	swait.ge [sflag:s22], s20  }
0x9f: {  	s4 =	ssub.s32 $0x0, s20;
	[sflag:s22] =	ssyncset.done $0x0  }
0xa0: {  	[sflag:s22] =	ssyncadd.s32 s4;
	_ =	sdelay $0x1  }
0xa1: {  	s23 =	simm.s32 $0x1B8B  }
0xa2: {  	_ =	swait.ge [sflag:s23], $0x1  }
0xa3: {  	[sflag:s23] =	ssyncset.done $0x0  }
0xa4: {  	s25 =	simm.s32 $0x1B8E;
	s24 =	sld [smem:$0x3FFE];
	[sflag:s23] =	ssyncadd.s32 $0xFFFFFFFF  }
0xa5: {  	s26 =	simm.s32 $execute0_lowered;
	[smem:$0x3FD2] =	sst s25  }
0xa6: {  	s5 =	sshll.u32 s26, $0x1;
	_ =	strace $0x8000004C;
	[dreg:$0x1] =	wrdreg $0xFFFFFFFF  }
0xa7: {  	s28 =	simm.s32 $_size_execute0_lowered;
	s3 =	sadd.s32 s3, s5;
	[dreg:$0x0] =	wrdreg $0x0  }
0xa8: {  	s5 =	sshll.u32 s28, $0x1;
	[dreg:$0x2] =	wrdreg s3  }
0xa9: {  	[dreg:$0x3] =	wrdreg s5  }
0xaa: {  	[dreg:$0x4] =	wrdreg $0xC0  }
0xab: {  	_ =	task [dreg:s7], $0x5FFFF  }
0xac: {  	[dreg:$0x1] =	wrdreg $0xFFFFFFFF  }
0xad: {  	[dreg:$0x0] =	wrdreg $0x60  }
0xae: {  	[dreg:$0x2] =	wrdreg s2  }
0xaf: {  	[dreg:$0x3] =	wrdreg s24  }
0xb0: {  	[dreg:$0x4] =	wrdreg $0xC0000  }
0xb1: {  	[dreg:$0x5] =	wrdreg $0x9  }
0xb2: {  	_ =	task.clear_ibuf [dreg:s7], $0x6FFFF;
	_ =	strace $0x9000004C  }
0xb3: {  	s29 =	simm.s32 $0x9;
	_ =	strace $0x8000004E  }
0xb4: {  	_ =	swait.ge [sflag:s29], $0x1  }
0xb5: {  	[sflag:s29] =	ssyncadd.s32 $0xFFFFFFFF  }
0xb6: {  	_ =	strace $0x9000004E  }
0xb7: {  	_ =	sfence  }
0xb8: {  	s30 =	sld [smem:$0x0];
	_ =	sdelay $0x2  }
0xb9: {  	s31 =	sshll.u32 s1, $0xD;
	s1 =	sshrl.u32 s1, $0x2  }
0xba: {  	s3 =	sand.u32 $0x4000, s31;
	s1 =	sadd.s32 s1, s30  }
0xbb: {  	s0 =	sor.u32 s3, s0;
	s1 =	sshll.u32 s1, $0x11  }
0xbc: {  	s0 =	sor.u32 s1, s0  }
0xbd: {  	s0 =	sadd.s32 $0x8F2B, s0  }
0xbe: {  	[sflag:s0] =	ssyncadd.remote.s32 $0x1  }
0xbf: {  	_ =	sfence.sel $0xFFFF  }
0xc0: {  	[dreg:$0x0] =	wrdreg $0xFFFFFFFF;
	(pc) =	sbr.abs _section_cstart, $3  }
0xc1: {  	[dreg:$0x1] =	wrdreg $0xFFFFFFFF  }
0xc2: {  	_ =	task.clear_ibuf [dreg:s7], $0x2FFFF;
	_ =	strace $0x9FFFFFFF  }
0xc3: {  	(tm) =	ssettm $0x7FFFFFFF  }
tec
execute0_lowered:
.L_overlay_start_1:
0x0: {  	(tag) =	ssettag $0x1  }
0x1: {  	s1 =	rddreg [dreg:$0x0]  }
0x2: {  	s0 =	rddreg [dreg:$0x1]  }
0x3: {  	s2 =	rddreg [dreg:$0x2]  }
0x4: {  	s3 =	srdreg.scid;
	s4 =	simm.s32 $0x0;
	s15 =	stileid.u32  }
0x5: {  	s16 =	simm.s32 $0x5;
	s19 =	simm.s32 $0x50;
	s20 =	simm.s32 $0x2000  }
0x6: {  	s21 =	simm.s32 $0x4800;
	s22 =	simm.s32 $0x7000;
	s23 =	simm.s32 $0x1  }
0x7: {  	s28 =	simm.s32 $0x0;
	s3 =	sand.u32 $0x1, s3;
	s7 =	smul.u32 $0x4E000, s15  }
0x8: {  	[smem:$0x7FF] =	sst s4;
	s10 =	smul.u32 $0x13800, s15;
	s11 =	sadd.s32 $0x2BA00, s0  }
0x9: {  	s26 =	sshll.u32 s15, $0x6;
	s17 =	sadd.s32 $0x138000, s2;
	p0 =	sne.s32 s15, $0xF  }
0xa: {  	s5 =	sshll.u32 s3, $0x4;
	_ =	strace $0x8000004D;
	s9 =	smul.u32 $0x138800, s3  }
0xb: {  	s3 =	ssub.s32 $0x2, s3;
	s17 =	sshrl.u32 @!p0 s17, $0x3;
	s6 =	sor.u32 s15, s5  }
0xc: {  	s5 =	sadd.s32 $0x3EE200, s0;
	s12 =	sshrl.u32 s3, $0x1;
	s7 =	sshrl.u32 s7, $0x2  }
0xd: {  	s8 =	sshll.u32 s6, $0x9;
	s10 =	sadd.s32 s10, s9;
	s3 =	ssub.s32 s3, s12  }
0xe: {  	s24 =	sadd.s32 s7, s2;
	s9 =	sshrl.u32 s9, $0x3;
	s7 =	sor.u32 $0x1C05, s26  }
0xf: {  	s26 =	simm.s32 $0x4;
	s8 =	sadd.s32 s8, s0;
	s10 =	sshrl.u32 s10, $0x3  }
0x10: {  	s0 =	sadd.s32 $0x79C00, s0;
	s13 =	sadd.s32 $0x27000, s9;
	s25 =	sadd.s32 s11, s10  }
0x11: {  	s14 =	smax.u32 s3, $0x1;
	s9 =	sadd.s32 s11, s13;
	[dreg:$0x4] =	wrdreg s25  }
0x12: {  	s15 =	sshrl.u32 s24, $0x3;
	s29 =	sadd.s32 $0xE7A00, s8;
	[dreg:$0x5] =	wrdreg s9  }
0x13: {  	s24 =	simm.s32 $0x2;
	s30 =	sadd.s32 $0xE3A00, s8;
	[dreg:$0x6] =	wrdreg s29  }
0x14: {  	s31 =	sadd.s32 s0, s10;
	s13 =	sadd.s32 s0, s13;
	[dreg:$0x7] =	wrdreg s30  }
0x15: {  	s9 =	smul.u32 $0xA00, s6;
	[dreg:$0x8] =	wrdreg s31;
	s25 =	simm.s32 $0x3  }
.LBB2_1:
0x16: {  	s0 =	rddreg [dreg:$0x4]  }
0x17: {  	[spmem:s15], [sflag:s7] =	dma.local [hbm:s0], $0x2700  }
0x18: {  	_ =	swait.ge [sflag:s16], $0x2700  }
0x19: {  	[sflag:s16] =	ssyncset.done $0x0  }
0x1a: {  	s0 =	rddreg [dreg:$0x5];
	[sflag:s16] =	ssyncadd.s32 $0xFFFFD900  }
0x1b: {  	[spmem:s17], [sflag:s7] =	dma.local @!p0 [hbm:s0], $0x100  }
0x1c: {  	s0 =	simm.s32 @!p0 $0x5  }
0x1d: {  	_ =	swait.ge @!p0 [sflag:s0], $0x100  }
0x1e: {  	[sflag:s0] =	ssyncset.done @!p0 $0x0  }
0x1f: {  	[sflag:s0] =	ssyncadd.s32 @!p0 $0xFFFFFF00  }
0x20: {  	[bflag:$0x0] =	sbarrier.arrive $0xFFFF  }
0x21: {  	s30 =	rddreg [dreg:$0x6]  }
0x22: {  	[tilespmem:s4], [sflag:$0x5] =	stream.linear.gather [hbm4b:s30+s4], $0x1000, $0x38;
	[tilespmem:$0x1F880] =	vst v63  }
0x23: {  	_ =	swait.ge [sflag:s16], $0x1000  }
0x24: {  	[sflag:s16] =	ssyncset.done $0x0  }
0x25: {  	s3 =	simm.s32 $0x1000;
	s31 =	rddreg [dreg:$0x7];
	[sflag:s16] =	ssyncadd.s32 $0xFFFFF000  }
0x26: {  	[tilespmem:s3], [sflag:$0x5] =	stream.linear.gather [hbm4b:s31+s4], $0x1000, $0x38;
	[tilespmem:$0x1F880] =	vst v63  }
0x27: {  	_ =	swait.ge [sflag:s16], $0x1000  }
0x28: {  	[sflag:s16] =	ssyncset.done $0x0  }
0x29: {  	s29 =	simm.s32 $0x0;
	[sflag:s16] =	ssyncadd.s32 $0xFFFFF000  }
.LBB2_2:
0x2a: {  	p1 =	seq.s32 s29, $0x0  }
0x2b: {  	s0 =	simm.s32 @!p1 $0x3  }
0x2c: {  	_ =	swait.ge @!p1 [sflag:s0], $0x2800  }
0x2d: {  	[sflag:s0] =	ssyncset.done @!p1 $0x0  }
0x2e: {  	[sflag:s0] =	ssyncadd.s32 @!p1 $0xFFFFD800;
	s0 =	simm.s32 @!p1 $0x4  }
0x2f: {  	s3 =	smul.u32 $0xA0, s29;
	_ =	swait.ge @!p1 [sflag:s0], $0x2800  }
0x30: {  	[sflag:s0] =	ssyncset.done @!p1 $0x0  }
0x31: {  	s31 =	sshll.u32 s29, $0x8;
	s18 =	sadd.s32 s9, s3;
	[sflag:s0] =	ssyncadd.s32 @!p1 $0xFFFFD800  }
0x32: {  	[tilespmem:s20], [sflag:$0x1] =	stream.indirect.gather [hbm4b:s1+s19], $0x80, s31, s19, $0xb8;
	[tilespmem:$0x1F880] =	vst v63  }
0x33: {  	s30 =	sor.u32 $0x80, s31;
	s0 =	sshll.u32 s18, $0x4  }
0x34: {  	[tilespmem:s21], [sflag:$0x2] =	stream.indirect.gather [hbm4b:s1+s19], $0x80, s30, s19, $0xb8;
	[tilespmem:$0x1F880] =	vst v63  }
0x35: {  	s0 =	sadd.s32 s5, s0  }
0x36: {  	[tilespmem:s22], [sflag:$0x5] =	stream.linear.gather [hbm4b:s0+s4], $0x5000, $0x38;
	[tilespmem:$0x1F880] =	vst v63  }
0x37: {  	_ =	swait.ge [sflag:s16], $0x5000  }
0x38: {  	[sflag:s16] =	ssyncset.done $0x0  }
0x39: {  	[sflag:s16] =	ssyncadd.s32 $0xFFFFB000  }
0x3a: {  	_ =	swait.ge [sflag:s23], $0x2800  }
0x3b: {  	[sflag:s23] =	ssyncset.done $0x0  }
0x3c: {  	s0 =	simm.s32 $0x2080;
	[sflag:s23] =	ssyncadd.s32 $0xFFFFD800  }
0x3d: {  	s10 =	simm.s32 $0x7080;
	v0 =	vld [tilespmem:s0+$0x0]  }
0x3e: {  	v1 =	vld [tilespmem:s10+$0x0];
	_ =	sdelay $0x3  }
0x3f: {  	v2 =	vld [tilespmem:s0+$0xFFFFFF80]  }
0x40: {  	v0 =	vmul.f32 v1, v0;
	v1 =	vld [tilespmem:s10+$0xFFFFFF80];
	_ =	sdelay $0x1  }
0x41: {  	[tilespmem:s0+$0x0] =	vst v0;
	v0 =	vld [tilespmem:s0+$0x10]  }
0x42: {  	v3 =	vld [tilespmem:s10+$0x10];
	_ =	sdelay $0x1  }
0x43: {  	v1 =	vmul.f32 v1, v2;
	_ =	sdelay $0x1  }
0x44: {  	v4 =	vld [tilespmem:s0+$0xFFFFFF90];
	[tilespmem:s0+$0xFFFFFF80] =	vst v1  }
0x45: {  	v0 =	vmul.f32 v3, v0;
	v1 =	vld [tilespmem:s10+$0xFFFFFF90];
	_ =	sdelay $0x1  }
0x46: {  	[tilespmem:s0+$0x10] =	vst v0;
	v0 =	vld [tilespmem:s0+$0x20]  }
0x47: {  	v3 =	vld [tilespmem:s10+$0x20]  }
0x48: {  	v5 =	vld [tilespmem:s0+$0xFFFFFFB0]  }
0x49: {  	s3 =	simm.s32 $0x2180;
	v6 =	vld [tilespmem:s0+$0xFFFFFFD0];
	v1 =	vmul.f32 v1, v4  }
0x4a: {  	v7 =	vld [tilespmem:s3+$0x0]  }
0x4b: {  	v2 =	vld [tilespmem:s0+$0xFFFFFFA0];
	[tilespmem:s0+$0xFFFFFF90] =	vst v1  }
0x4c: {  	v0 =	vmul.f32 v3, v0;
	v1 =	vld [tilespmem:s10+$0xFFFFFFA0]  }
0x4d: {  	v8 =	vld [tilespmem:s0+$0xFFFFFFE0]  }
0x4e: {  	[tilespmem:s0+$0x20] =	vst v0;
	v0 =	vld [tilespmem:s0+$0x30]  }
0x4f: {  	s18 =	simm.s32 $0x7180;
	v3 =	vld [tilespmem:s10+$0x30]  }
0x50: {  	v10 =	vld [tilespmem:s18+$0xFFFFFF80]  }
0x51: {  	v1 =	vmul.f32 v1, v2;
	v2 =	vld [tilespmem:s18+$0x0]  }
0x52: {  	v12 =	vld [tilespmem:s3+$0xFFFFFF90]  }
0x53: {  	s8 =	simm.s32 $0x7280;
	v13 =	vld [tilespmem:s3+$0xFFFFFFD0]  }
0x54: {  	v15 =	vld [tilespmem:s8+$0xFFFFFF80];
	v0 =	vmul.f32 v3, v0  }
0x55: {  	[tilespmem:s0+$0xFFFFFFA0] =	vst v1;
	v1 =	vld [tilespmem:s0+$0x40]  }
0x56: {  	[tilespmem:s0+$0x30] =	vst v0;
	v2 =	vmul.f32 v2, v7;
	v7 =	vld [tilespmem:s3+$0xFFFFFF80]  }
0x57: {  	s6 =	simm.s32 $0x2280;
	v9 =	vld [tilespmem:s10+$0x40]  }
0x58: {  	v16 =	vld [tilespmem:s6+$0xFFFFFF80]  }
0x59: {  	v3 =	vld [tilespmem:s10+$0xFFFFFFB0]  }
0x5a: {  	v17 =	vld [tilespmem:s3+$0x50]  }
0x5b: {  	[tilespmem:s3+$0x0] =	vst v2;
	v2 =	vld [tilespmem:s3+$0x10];
	v7 =	vmul.f32 v10, v7  }
0x5c: {  	v11 =	vld [tilespmem:s18+$0x10];
	v1 =	vmul.f32 v9, v1  }
0x5d: {  	v9 =	vld [tilespmem:s0+$0x50];
	[tilespmem:s3+$0xFFFFFF80] =	vst v7  }
0x5e: {  	[tilespmem:s0+$0x40] =	vst v1;
	v1 =	vmul.f32 v3, v5;
	v5 =	vld [tilespmem:s18+$0xFFFFFF90]  }
0x5f: {  	v3 =	vld [tilespmem:s10+$0x50]  }
0x60: {  	v60 =	vld [tilespmem:s6+$0xFFFFFFA0]  }
0x61: {  	v4 =	vld [tilespmem:s0+$0xFFFFFFC0];
	v2 =	vmul.f32 v11, v2;
	[tilespmem:s0+$0xFFFFFFB0] =	vst v1  }
0x62: {  	v1 =	vld [tilespmem:s10+$0xFFFFFFC0]  }
0x63: {  	[tilespmem:s3+$0x10] =	vst v2;
	v2 =	vld [tilespmem:s3+$0x20]  }
0x64: {  	v5 =	vmul.f32 v5, v12;
	v3 =	vmul.f32 v3, v9;
	v9 =	vld [tilespmem:s18+$0x20]  }
0x65: {  	v18 =	vld [tilespmem:s3+$0x60];
	v15 =	vmul.f32 v15, v16  }
0x66: {  	v10 =	vld [tilespmem:s3+$0xFFFFFFA0];
	[tilespmem:s3+$0xFFFFFF90] =	vst v5  }
0x67: {  	[tilespmem:s6+$0xFFFFFF80] =	vst v15;
	v1 =	vmul.f32 v1, v4;
	v4 =	vld [tilespmem:s18+$0xFFFFFFA0]  }
0x68: {  	v15 =	vld [tilespmem:s8+$0xFFFFFF90]  }
0x69: {  	v0 =	vld [tilespmem:s0+$0xFFFFFFF0];
	[tilespmem:s0+$0xFFFFFFC0] =	vst v1;
	v1 =	vmul.f32 v9, v2  }
0x6a: {  	v7 =	vld [tilespmem:s3+$0xFFFFFFB0]  }
0x6b: {  	v5 =	vld [tilespmem:s3+$0x30];
	[tilespmem:s3+$0x20] =	vst v1  }
0x6c: {  	v4 =	vmul.f32 v4, v10;
	v10 =	vld [tilespmem:s18+$0x30]  }
0x6d: {  	v2 =	vld [tilespmem:s10+$0xFFFFFFD0]  }
0x6e: {  	v11 =	vld [tilespmem:s0+$0x60]  }
0x6f: {  	v12 =	vld [tilespmem:s3+$0xFFFFFFC0];
	[tilespmem:s0+$0x50] =	vst v3  }
0x70: {  	v3 =	vld [tilespmem:s10+$0x60]  }
0x71: {  	[tilespmem:s3+$0xFFFFFFA0] =	vst v4;
	v4 =	vld [tilespmem:s6+$0x0];
	v5 =	vmul.f32 v10, v5  }
0x72: {  	v2 =	vmul.f32 v2, v6;
	v6 =	vld [tilespmem:s8+$0x0]  }
0x73: {  	v10 =	vld [tilespmem:s3+$0x40];
	[tilespmem:s3+$0x30] =	vst v5  }
0x74: {  	v5 =	vld [tilespmem:s18+$0x40]  }
0x75: {  	v9 =	vld [tilespmem:s0+$0x70];
	v3 =	vmul.f32 v3, v11  }
0x76: {  	v1 =	vld [tilespmem:s3+$0xFFFFFFE0]  }
0x77: {  	[tilespmem:s0+$0x60] =	vst v3;
	v3 =	vld [tilespmem:s18+$0xFFFFFFB0];
	v4 =	vmul.f32 v6, v4  }
0x78: {  	v6 =	vld [tilespmem:s6+$0xFFFFFF90]  }
0x79: {  	[tilespmem:s6+$0x0] =	vst v4;
	v4 =	vld [tilespmem:s6+$0x10];
	v5 =	vmul.f32 v5, v10  }
0x7a: {  	v10 =	vld [tilespmem:s8+$0x10]  }
0x7b: {  	v11 =	vld [tilespmem:s10+$0x70];
	[tilespmem:s3+$0x40] =	vst v5  }
0x7c: {  	v3 =	vmul.f32 v3, v7;
	v7 =	vld [tilespmem:s18+$0x50]  }
0x7d: {  	[tilespmem:s0+$0xFFFFFFD0] =	vst v2;
	v2 =	vld [tilespmem:s3+$0xFFFFFFF0]  }
0x7e: {  	v14 =	vld [tilespmem:s10+$0xFFFFFFE0];
	[tilespmem:s3+$0xFFFFFFB0] =	vst v3;
	v6 =	vmul.f32 v15, v6  }
0x7f: {  	v3 =	vmul.f32 v10, v4;
	v10 =	vld [tilespmem:s18+$0xFFFFFFC0]  }
0x80: {  	[tilespmem:s6+$0xFFFFFF90] =	vst v6;
	v6 =	vld [tilespmem:s6+$0xFFFFFFE0]  }
0x81: {  	v5 =	vld [tilespmem:s6+$0xFFFFFFB0];
	[tilespmem:s6+$0x10] =	vst v3;
	v3 =	vmul.f32 v7, v17  }
0x82: {  	v7 =	vld [tilespmem:s6+$0x20]  }
0x83: {  	v15 =	vld [tilespmem:s8+$0x20];
	[tilespmem:s3+$0x50] =	vst v3  }
0x84: {  	v10 =	vmul.f32 v10, v12;
	v12 =	vld [tilespmem:s18+$0x60]  }
0x85: {  	v61 =	vld [tilespmem:s8+$0xFFFFFFA0]  }
0x86: {  	v4 =	vld [tilespmem:s6+$0xFFFFFFC0];
	[tilespmem:s3+$0xFFFFFFC0] =	vst v10  }
0x87: {  	v10 =	vld [tilespmem:s18+$0xFFFFFFD0]  }
0x88: {  	v3 =	vld [tilespmem:s6+$0xFFFFFFD0];
	v7 =	vmul.f32 v15, v7  }
0x89: {  	v15 =	vld [tilespmem:s3+$0x70];
	v12 =	vmul.f32 v12, v18  }
0x8a: {  	[tilespmem:s6+$0x20] =	vst v7;
	v7 =	vmul.f32 v14, v8;
	v14 =	vld [tilespmem:s6+$0x30]  }
0x8b: {  	v8 =	vmul.f32 v61, v60;
	v62 =	vld [tilespmem:s8+$0x30];
	[tilespmem:s3+$0x60] =	vst v12  }
0x8c: {  	[tilespmem:s0+$0xFFFFFFE0] =	vst v7;
	v7 =	vmul.f32 v10, v13;
	v63 =	vld [tilespmem:s18+$0x70]  }
0x8d: {  	[tilespmem:s6+$0xFFFFFFA0] =	vst v8;
	v8 =	vld [tilespmem:s10+$0xFFFFFFF0]  }
0x8e: {  	v12 =	vld [tilespmem:s8+$0xFFFFFFB0];
	[tilespmem:s3+$0xFFFFFFD0] =	vst v7  }
0x8f: {  	v10 =	vmul.f32 v11, v9;
	v9 =	vld [tilespmem:s18+$0xFFFFFFE0]  }
0x90: {  	v7 =	vld [tilespmem:s6+$0xFFFFFFF0];
	v13 =	vmul.f32 v62, v14  }
0x91: {  	s11 =	simm.s32 $0x4;
	s12 =	simm.s32 $0x2380;
	s10 =	simm.s32 $0x7280;
	[tilespmem:s0+$0x70] =	vst v10;
	v10 =	vld [tilespmem:s6+$0x40];
	v11 =	vmul.f32 v63, v15  }
.LBB2_3:
0x92: {  	v14 =	vld [tilespmem:s12+$0x0];
	[tilespmem:s6+$0x30] =	vst v13;
	s8 =	sadd.s32 $0x100, s8;
	v8 =	vmul.f32 v8, v0;
	v0 =	vmov v2  }
0x93: {  	v13 =	vld [tilespmem:s8+$0x0];
	v12 =	vmul.f32 v12, v5;
	[tilespmem:s3+$0x70] =	vst v11  }
0x94: {  	s11 =	sadd.s32 $0x2, s11;
	v5 =	vld [tilespmem:s10+$0x40];
	v9 =	vmul.f32 v9, v1;
	[tilespmem:s0+$0xFFFFFFF0] =	vst v8;
	v1 =	vmov v6;
	s0 =	smov.u32 s3;
	s3 =	smov.u32 s6  }
0x95: {  	p1 =	slt.u32 s11, $0x4E;
	s6 =	smov.u32 s12;
	v6 =	vld [tilespmem:s8+$0xFFFFFF80];
	[tilespmem:s3+$0xFFFFFFB0] =	vst v12;
	v2 =	vmov v7  }
0x96: {  	v7 =	vld [tilespmem:s12+$0xFFFFFF80];
	[tilespmem:s0+$0xFFFFFFE0] =	vst v9  }
0x97: {  	v8 =	vld [tilespmem:s12+$0xFFFFFF90]  }
0x98: {  	v9 =	vld [tilespmem:s12+$0xFFFFFFA0];
	v11 =	vmul.f32 v13, v14  }
0x99: {  	v5 =	vmul.f32 v5, v10;
	v10 =	vld [tilespmem:s3+$0x50]  }
0x9a: {  	[tilespmem:s12+$0x0] =	vst v11;
	v11 =	vld [tilespmem:s12+$0x10]  }
0x9b: {  	v6 =	vmul.f32 v6, v7;
	v7 =	vld [tilespmem:s8+$0x10];
	[tilespmem:s3+$0x40] =	vst v5  }
0x9c: {  	v12 =	vld [tilespmem:s10+$0x50]  }
0x9d: {  	[tilespmem:s12+$0xFFFFFF80] =	vst v6;
	v5 =	vld [tilespmem:s12+$0xFFFFFFB0]  }
0x9e: {  	v6 =	vld [tilespmem:s8+$0xFFFFFF90]  }
0x9f: {  	v13 =	vld [tilespmem:s10+$0xFFFFFFC0]  }
0xa0: {  	v14 =	vld [tilespmem:s12+$0xFFFFFFC0];
	v7 =	vmul.f32 v7, v11  }
0xa1: {  	v10 =	vmul.f32 v12, v10;
	v11 =	vld [tilespmem:s3+$0x60]  }
0xa2: {  	[tilespmem:s12+$0x10] =	vst v7;
	v7 =	vld [tilespmem:s12+$0x20]  }
0xa3: {  	v6 =	vmul.f32 v6, v8;
	v8 =	vld [tilespmem:s8+$0x20];
	[tilespmem:s3+$0x50] =	vst v10  }
0xa4: {  	v10 =	vmul.f32 v13, v4;
	v12 =	vld [tilespmem:s10+$0x60]  }
0xa5: {  	[tilespmem:s12+$0xFFFFFF90] =	vst v6;
	v13 =	vld [tilespmem:s12+$0xFFFFFFD0];
	v4 =	vmov v14  }
0xa6: {  	v14 =	vld [tilespmem:s8+$0xFFFFFFA0];
	[tilespmem:s3+$0xFFFFFFC0] =	vst v10  }
0xa7: {  	v10 =	vld [tilespmem:s10+$0xFFFFFFD0]  }
0xa8: {  	v6 =	vld [tilespmem:s12+$0xFFFFFFE0];
	v7 =	vmul.f32 v8, v7  }
0xa9: {  	v8 =	vmul.f32 v12, v11;
	v11 =	vld [tilespmem:s3+$0x70]  }
0xaa: {  	[tilespmem:s12+$0x20] =	vst v7;
	v15 =	vld [tilespmem:s12+$0x30]  }
0xab: {  	v7 =	vmul.f32 v14, v9;
	v14 =	vld [tilespmem:s8+$0x30];
	[tilespmem:s3+$0x60] =	vst v8  }
0xac: {  	v9 =	vmul.f32 v10, v3;
	v16 =	vld [tilespmem:s10+$0x70];
	v3 =	vmov v13  }
.Ltmp0:
0xad: {  	[tilespmem:s12+$0xFFFFFFA0] =	vst v7;
	v8 =	vld [tilespmem:s18+$0xFFFFFFF0];
	s18 =	smov.u32 s10;
	s10 =	smov.u32 s8;
	(pc) =	sbr.rel @p1 .LBB2_3-.Ltmp0, $4  }
0xae: {  	v12 =	vld [tilespmem:s8+$0xFFFFFFB0];
	[tilespmem:s3+$0xFFFFFFD0] =	vst v9  }
0xaf: {  	v9 =	vld [tilespmem:s18+$0xFFFFFFE0]  }
0xb0: {  	v7 =	vld [tilespmem:s12+$0xFFFFFFF0];
	v13 =	vmul.f32 v14, v15  }
0xb1: {  	s12 =	sadd.s32 $0x100, s12;
	v10 =	vld [tilespmem:s6+$0x40];
	v11 =	vmul.f32 v16, v11  }
0xb2: {  	_ = 	snop  }
0xb3: {  	[tilespmem:s6+$0x30] =	vst v13;
	v5 =	vmul.f32 v12, v5  }
0xb4: {  	v12 =	vld [tilespmem:s10+$0x40]  }
0xb5: {  	[tilespmem:s6+$0xFFFFFFB0] =	vst v5  }
0xb6: {  	v5 =	vld [tilespmem:s10+$0xFFFFFFC0];
	_ =	sdelay $0x2  }
0xb7: {  	v10 =	vmul.f32 v12, v10;
	_ =	sdelay $0x1  }
0xb8: {  	v12 =	vld [tilespmem:s6+$0x50];
	[tilespmem:s6+$0x40] =	vst v10;
	v4 =	vmul.f32 v5, v4  }
0xb9: {  	v5 =	vld [tilespmem:s10+$0x50]  }
0xba: {  	[tilespmem:s6+$0xFFFFFFC0] =	vst v4  }
0xbb: {  	v4 =	vld [tilespmem:s10+$0xFFFFFFD0];
	_ =	sdelay $0x2  }
0xbc: {  	v5 =	vmul.f32 v5, v12;
	_ =	sdelay $0x1  }
0xbd: {  	v10 =	vld [tilespmem:s6+$0x60];
	[tilespmem:s6+$0x50] =	vst v5;
	v3 =	vmul.f32 v4, v3  }
0xbe: {  	v4 =	vld [tilespmem:s10+$0x60]  }
0xbf: {  	[tilespmem:s6+$0xFFFFFFD0] =	vst v3  }
0xc0: {  	v3 =	vld [tilespmem:s10+$0xFFFFFFE0];
	_ =	sdelay $0x2  }
0xc1: {  	v4 =	vmul.f32 v4, v10  }
0xc2: {  	v1 =	vmul.f32 v9, v1  }
0xc3: {  	v5 =	vld [tilespmem:s6+$0x70];
	[tilespmem:s6+$0x60] =	vst v4;
	v3 =	vmul.f32 v3, v6  }
0xc4: {  	[tilespmem:s3+$0xFFFFFFE0] =	vst v1;
	v1 =	vld [tilespmem:s10+$0x70]  }
0xc5: {  	v4 =	vld [tilespmem:s18+$0xFFFFFFF0];
	[tilespmem:s6+$0xFFFFFFE0] =	vst v3  }
0xc6: {  	v3 =	vld [tilespmem:s10+$0xFFFFFFF0];
	_ =	sdelay $0x1  }
0xc7: {  	v0 =	vmul.f32 v8, v0  }
0xc8: {  	[tilespmem:s3+$0x70] =	vst v11;
	v1 =	vmul.f32 v1, v5  }
0xc9: {  	[tilespmem:s0+$0xFFFFFFF0] =	vst v0;
	v0 =	vmul.f32 v4, v2  }
0xca: {  	[tilespmem:s6+$0x70] =	vst v1;
	v1 =	vmul.f32 v3, v7  }
0xcb: {  	[tilespmem:s3+$0xFFFFFFF0] =	vst v0  }
0xcc: {  	s18 =	sadd.s32 $0x1000, s31;
	[tilespmem:s6+$0xFFFFFFF0] =	vst v1  }
0xcd: {  	[spmem:s2] =	stream.indirect.scatter.add.f32 [tilespmem:s20], [sflag:$0x3], $0x80, s18, s19, $0xb8;
	[tilespmem:$0x1F880] =	vst v63  }
0xce: {  	_ =	swait.ge [sflag:s24], $0x2800  }
0xcf: {  	[sflag:s24] =	ssyncset.done $0x0  }
0xd0: {  	s0 =	simm.s32 $0x4880;
	[sflag:s24] =	ssyncadd.s32 $0xFFFFD800  }
0xd1: {  	s31 =	simm.s32 $0x98F0;
	v0 =	vld [tilespmem:s0+$0x0]  }
0xd2: {  	v1 =	vld [tilespmem:s31+$0xFFFFFF90];
	_ =	sdelay $0x3  }
0xd3: {  	v2 =	vld [tilespmem:s0+$0xFFFFFF80]  }
0xd4: {  	v0 =	vmul.f32 v1, v0;
	v1 =	vld [tilespmem:s31+$0xFFFFFF10];
	_ =	sdelay $0x1  }
0xd5: {  	[tilespmem:s0+$0x0] =	vst v0;
	v0 =	vld [tilespmem:s0+$0x10]  }
0xd6: {  	v3 =	vld [tilespmem:s31+$0xFFFFFFA0];
	_ =	sdelay $0x1  }
0xd7: {  	v1 =	vmul.f32 v1, v2;
	_ =	sdelay $0x1  }
0xd8: {  	v4 =	vld [tilespmem:s0+$0xFFFFFF90];
	[tilespmem:s0+$0xFFFFFF80] =	vst v1  }
0xd9: {  	v0 =	vmul.f32 v3, v0;
	v1 =	vld [tilespmem:s31+$0xFFFFFF20];
	_ =	sdelay $0x1  }
0xda: {  	[tilespmem:s0+$0x10] =	vst v0;
	v0 =	vld [tilespmem:s0+$0x20]  }
0xdb: {  	v3 =	vld [tilespmem:s31+$0xFFFFFFB0]  }
0xdc: {  	v5 =	vld [tilespmem:s0+$0xFFFFFFB0]  }
0xdd: {  	s3 =	simm.s32 $0x4980;
	v6 =	vld [tilespmem:s0+$0xFFFFFFD0];
	v1 =	vmul.f32 v1, v4  }
0xde: {  	v7 =	vld [tilespmem:s3+$0x0]  }
0xdf: {  	v2 =	vld [tilespmem:s0+$0xFFFFFFA0];
	[tilespmem:s0+$0xFFFFFF90] =	vst v1  }
0xe0: {  	v0 =	vmul.f32 v3, v0;
	v1 =	vld [tilespmem:s31+$0xFFFFFF30]  }
0xe1: {  	v8 =	vld [tilespmem:s0+$0xFFFFFFE0]  }
0xe2: {  	[tilespmem:s0+$0x20] =	vst v0;
	v0 =	vld [tilespmem:s0+$0x30]  }
0xe3: {  	s18 =	simm.s32 $0x99F0;
	v3 =	vld [tilespmem:s31+$0xFFFFFFC0]  }
0xe4: {  	v10 =	vld [tilespmem:s18+$0xFFFFFF10]  }
0xe5: {  	v1 =	vmul.f32 v1, v2;
	v2 =	vld [tilespmem:s18+$0xFFFFFF90]  }
0xe6: {  	v12 =	vld [tilespmem:s3+$0xFFFFFF90]  }
0xe7: {  	s8 =	simm.s32 $0x9AF0;
	v13 =	vld [tilespmem:s3+$0xFFFFFFD0]  }
0xe8: {  	v15 =	vld [tilespmem:s8+$0xFFFFFF10];
	v0 =	vmul.f32 v3, v0  }
0xe9: {  	[tilespmem:s0+$0xFFFFFFA0] =	vst v1;
	v1 =	vld [tilespmem:s0+$0x40]  }
0xea: {  	[tilespmem:s0+$0x30] =	vst v0;
	v2 =	vmul.f32 v2, v7;
	v7 =	vld [tilespmem:s3+$0xFFFFFF80]  }
0xeb: {  	s6 =	simm.s32 $0x4A80;
	v9 =	vld [tilespmem:s31+$0xFFFFFFD0]  }
0xec: {  	v16 =	vld [tilespmem:s6+$0xFFFFFF80]  }
0xed: {  	v3 =	vld [tilespmem:s31+$0xFFFFFF40]  }
0xee: {  	v17 =	vld [tilespmem:s3+$0x50]  }
0xef: {  	[tilespmem:s3+$0x0] =	vst v2;
	v2 =	vld [tilespmem:s3+$0x10];
	v7 =	vmul.f32 v10, v7  }
0xf0: {  	v11 =	vld [tilespmem:s18+$0xFFFFFFA0];
	v1 =	vmul.f32 v9, v1  }
0xf1: {  	v9 =	vld [tilespmem:s0+$0x50];
	[tilespmem:s3+$0xFFFFFF80] =	vst v7  }
0xf2: {  	[tilespmem:s0+$0x40] =	vst v1;
	v1 =	vmul.f32 v3, v5;
	v5 =	vld [tilespmem:s18+$0xFFFFFF20]  }
0xf3: {  	v3 =	vld [tilespmem:s31+$0xFFFFFFE0]  }
0xf4: {  	v60 =	vld [tilespmem:s6+$0xFFFFFFA0]  }
0xf5: {  	v4 =	vld [tilespmem:s0+$0xFFFFFFC0];
	v2 =	vmul.f32 v11, v2;
	[tilespmem:s0+$0xFFFFFFB0] =	vst v1  }
0xf6: {  	v1 =	vld [tilespmem:s31+$0xFFFFFF50]  }
0xf7: {  	[tilespmem:s3+$0x10] =	vst v2;
	v2 =	vld [tilespmem:s3+$0x20]  }
0xf8: {  	v5 =	vmul.f32 v5, v12;
	v3 =	vmul.f32 v3, v9;
	v9 =	vld [tilespmem:s18+$0xFFFFFFB0]  }
0xf9: {  	v18 =	vld [tilespmem:s3+$0x60];
	v15 =	vmul.f32 v15, v16  }
0xfa: {  	v10 =	vld [tilespmem:s3+$0xFFFFFFA0];
	[tilespmem:s3+$0xFFFFFF90] =	vst v5  }
0xfb: {  	[tilespmem:s6+$0xFFFFFF80] =	vst v15;
	v1 =	vmul.f32 v1, v4;
	v4 =	vld [tilespmem:s18+$0xFFFFFF30]  }
0xfc: {  	v15 =	vld [tilespmem:s8+$0xFFFFFF20]  }
0xfd: {  	v0 =	vld [tilespmem:s0+$0xFFFFFFF0];
	[tilespmem:s0+$0xFFFFFFC0] =	vst v1;
	v1 =	vmul.f32 v9, v2  }
0xfe: {  	v7 =	vld [tilespmem:s3+$0xFFFFFFB0]  }
0xff: {  	v5 =	vld [tilespmem:s3+$0x30];
	[tilespmem:s3+$0x20] =	vst v1  }
0x100: {  	v4 =	vmul.f32 v4, v10;
	v10 =	vld [tilespmem:s18+$0xFFFFFFC0]  }
0x101: {  	v2 =	vld [tilespmem:s31+$0xFFFFFF60]  }
0x102: {  	v11 =	vld [tilespmem:s0+$0x60]  }
0x103: {  	v12 =	vld [tilespmem:s3+$0xFFFFFFC0];
	[tilespmem:s0+$0x50] =	vst v3  }
0x104: {  	v3 =	vld [tilespmem:s31+$0xFFFFFFF0]  }
0x105: {  	[tilespmem:s3+$0xFFFFFFA0] =	vst v4;
	v4 =	vld [tilespmem:s6+$0x0];
	v5 =	vmul.f32 v10, v5  }
0x106: {  	v2 =	vmul.f32 v2, v6;
	v6 =	vld [tilespmem:s8+$0xFFFFFF90]  }
0x107: {  	v10 =	vld [tilespmem:s3+$0x40];
	[tilespmem:s3+$0x30] =	vst v5  }
0x108: {  	v5 =	vld [tilespmem:s18+$0xFFFFFFD0]  }
0x109: {  	v9 =	vld [tilespmem:s0+$0x70];
	v3 =	vmul.f32 v3, v11  }
0x10a: {  	v1 =	vld [tilespmem:s3+$0xFFFFFFE0]  }
0x10b: {  	[tilespmem:s0+$0x60] =	vst v3;
	v3 =	vld [tilespmem:s18+$0xFFFFFF40];
	v4 =	vmul.f32 v6, v4  }
0x10c: {  	v6 =	vld [tilespmem:s6+$0xFFFFFF90]  }
0x10d: {  	[tilespmem:s6+$0x0] =	vst v4;
	v4 =	vld [tilespmem:s6+$0x10];
	v5 =	vmul.f32 v5, v10  }
0x10e: {  	v10 =	vld [tilespmem:s8+$0xFFFFFFA0]  }
0x10f: {  	v11 =	vld [tilespmem:s31+$0x0];
	[tilespmem:s3+$0x40] =	vst v5  }
0x110: {  	v3 =	vmul.f32 v3, v7;
	v7 =	vld [tilespmem:s18+$0xFFFFFFE0]  }
0x111: {  	[tilespmem:s0+$0xFFFFFFD0] =	vst v2;
	v2 =	vld [tilespmem:s3+$0xFFFFFFF0]  }
0x112: {  	v14 =	vld [tilespmem:s31+$0xFFFFFF70];
	[tilespmem:s3+$0xFFFFFFB0] =	vst v3;
	v6 =	vmul.f32 v15, v6  }
0x113: {  	v3 =	vmul.f32 v10, v4;
	v10 =	vld [tilespmem:s18+$0xFFFFFF50]  }
0x114: {  	[tilespmem:s6+$0xFFFFFF90] =	vst v6;
	v6 =	vld [tilespmem:s6+$0xFFFFFFE0]  }
0x115: {  	v5 =	vld [tilespmem:s6+$0xFFFFFFB0];
	[tilespmem:s6+$0x10] =	vst v3;
	v3 =	vmul.f32 v7, v17  }
0x116: {  	v7 =	vld [tilespmem:s6+$0x20]  }
0x117: {  	v15 =	vld [tilespmem:s8+$0xFFFFFFB0];
	[tilespmem:s3+$0x50] =	vst v3  }
0x118: {  	v10 =	vmul.f32 v10, v12;
	v12 =	vld [tilespmem:s18+$0xFFFFFFF0]  }
0x119: {  	v61 =	vld [tilespmem:s8+$0xFFFFFF30]  }
0x11a: {  	v4 =	vld [tilespmem:s6+$0xFFFFFFC0];
	[tilespmem:s3+$0xFFFFFFC0] =	vst v10  }
0x11b: {  	v10 =	vld [tilespmem:s18+$0xFFFFFF60]  }
0x11c: {  	v3 =	vld [tilespmem:s6+$0xFFFFFFD0];
	v7 =	vmul.f32 v15, v7  }
0x11d: {  	v15 =	vld [tilespmem:s3+$0x70];
	v12 =	vmul.f32 v12, v18  }
0x11e: {  	[tilespmem:s6+$0x20] =	vst v7;
	v7 =	vmul.f32 v14, v8;
	v14 =	vld [tilespmem:s6+$0x30]  }
0x11f: {  	v8 =	vmul.f32 v61, v60;
	v62 =	vld [tilespmem:s8+$0xFFFFFFC0];
	[tilespmem:s3+$0x60] =	vst v12  }
0x120: {  	[tilespmem:s0+$0xFFFFFFE0] =	vst v7;
	v7 =	vmul.f32 v10, v13;
	v63 =	vld [tilespmem:s18+$0x0]  }
0x121: {  	[tilespmem:s6+$0xFFFFFFA0] =	vst v8;
	v8 =	vld [tilespmem:s31+$0xFFFFFF80]  }
0x122: {  	v12 =	vld [tilespmem:s8+$0xFFFFFF40];
	[tilespmem:s3+$0xFFFFFFD0] =	vst v7  }
0x123: {  	v10 =	vmul.f32 v11, v9;
	v9 =	vld [tilespmem:s18+$0xFFFFFF70]  }
0x124: {  	v7 =	vld [tilespmem:s6+$0xFFFFFFF0];
	v13 =	vmul.f32 v62, v14  }
0x125: {  	s11 =	simm.s32 $0x4;
	s12 =	simm.s32 $0x4B80;
	s10 =	simm.s32 $0x9AF0;
	[tilespmem:s0+$0x70] =	vst v10;
	v10 =	vld [tilespmem:s6+$0x40];
	v11 =	vmul.f32 v63, v15  }
.LBB2_5:
0x126: {  	v14 =	vld [tilespmem:s12+$0x0];
	[tilespmem:s6+$0x30] =	vst v13;
	s8 =	sadd.s32 $0x100, s8;
	v8 =	vmul.f32 v8, v0;
	v0 =	vmov v2  }
0x127: {  	v13 =	vld [tilespmem:s8+$0xFFFFFF90];
	v12 =	vmul.f32 v12, v5;
	[tilespmem:s3+$0x70] =	vst v11  }
0x128: {  	s11 =	sadd.s32 $0x2, s11;
	v5 =	vld [tilespmem:s10+$0xFFFFFFD0];
	v9 =	vmul.f32 v9, v1;
	[tilespmem:s0+$0xFFFFFFF0] =	vst v8;
	v1 =	vmov v6;
	s0 =	smov.u32 s3;
	s3 =	smov.u32 s6  }
0x129: {  	p1 =	slt.u32 s11, $0x4E;
	s6 =	smov.u32 s12;
	v6 =	vld [tilespmem:s8+$0xFFFFFF10];
	[tilespmem:s3+$0xFFFFFFB0] =	vst v12;
	v2 =	vmov v7  }
0x12a: {  	v7 =	vld [tilespmem:s12+$0xFFFFFF80];
	[tilespmem:s0+$0xFFFFFFE0] =	vst v9  }
0x12b: {  	v8 =	vld [tilespmem:s12+$0xFFFFFF90]  }
0x12c: {  	v9 =	vld [tilespmem:s12+$0xFFFFFFA0];
	v11 =	vmul.f32 v13, v14  }
0x12d: {  	v5 =	vmul.f32 v5, v10;
	v10 =	vld [tilespmem:s3+$0x50]  }
0x12e: {  	[tilespmem:s12+$0x0] =	vst v11;
	v11 =	vld [tilespmem:s12+$0x10]  }
0x12f: {  	v6 =	vmul.f32 v6, v7;
	v7 =	vld [tilespmem:s8+$0xFFFFFFA0];
	[tilespmem:s3+$0x40] =	vst v5  }
0x130: {  	v12 =	vld [tilespmem:s10+$0xFFFFFFE0]  }
0x131: {  	[tilespmem:s12+$0xFFFFFF80] =	vst v6;
	v5 =	vld [tilespmem:s12+$0xFFFFFFB0]  }
0x132: {  	v6 =	vld [tilespmem:s8+$0xFFFFFF20]  }
0x133: {  	v13 =	vld [tilespmem:s10+$0xFFFFFF50]  }
0x134: {  	v14 =	vld [tilespmem:s12+$0xFFFFFFC0];
	v7 =	vmul.f32 v7, v11  }
0x135: {  	v10 =	vmul.f32 v12, v10;
	v11 =	vld [tilespmem:s3+$0x60]  }
0x136: {  	[tilespmem:s12+$0x10] =	vst v7;
	v7 =	vld [tilespmem:s12+$0x20]  }
0x137: {  	v6 =	vmul.f32 v6, v8;
	v8 =	vld [tilespmem:s8+$0xFFFFFFB0];
	[tilespmem:s3+$0x50] =	vst v10  }
0x138: {  	v10 =	vmul.f32 v13, v4;
	v12 =	vld [tilespmem:s10+$0xFFFFFFF0]  }
0x139: {  	[tilespmem:s12+$0xFFFFFF90] =	vst v6;
	v13 =	vld [tilespmem:s12+$0xFFFFFFD0];
	v4 =	vmov v14  }
0x13a: {  	v14 =	vld [tilespmem:s8+$0xFFFFFF30];
	[tilespmem:s3+$0xFFFFFFC0] =	vst v10  }
0x13b: {  	v10 =	vld [tilespmem:s10+$0xFFFFFF60]  }
0x13c: {  	v6 =	vld [tilespmem:s12+$0xFFFFFFE0];
	v7 =	vmul.f32 v8, v7  }
0x13d: {  	v8 =	vmul.f32 v12, v11;
	v11 =	vld [tilespmem:s3+$0x70]  }
0x13e: {  	[tilespmem:s12+$0x20] =	vst v7;
	v15 =	vld [tilespmem:s12+$0x30]  }
0x13f: {  	v7 =	vmul.f32 v14, v9;
	v14 =	vld [tilespmem:s8+$0xFFFFFFC0];
	[tilespmem:s3+$0x60] =	vst v8  }
0x140: {  	v9 =	vmul.f32 v10, v3;
	v16 =	vld [tilespmem:s10+$0x0];
	v3 =	vmov v13  }
.Ltmp1:
0x141: {  	[tilespmem:s12+$0xFFFFFFA0] =	vst v7;
	v8 =	vld [tilespmem:s18+$0xFFFFFF80];
	s18 =	smov.u32 s10;
	s10 =	smov.u32 s8;
	(pc) =	sbr.rel @p1 .LBB2_5-.Ltmp1, $4  }
0x142: {  	v12 =	vld [tilespmem:s8+$0xFFFFFF40];
	[tilespmem:s3+$0xFFFFFFD0] =	vst v9  }
0x143: {  	v9 =	vld [tilespmem:s18+$0xFFFFFF70]  }
0x144: {  	v7 =	vld [tilespmem:s12+$0xFFFFFFF0];
	v13 =	vmul.f32 v14, v15  }
0x145: {  	s12 =	sadd.s32 $0x100, s12;
	v10 =	vld [tilespmem:s6+$0x40];
	v11 =	vmul.f32 v16, v11  }
0x146: {  	_ = 	snop  }
0x147: {  	v5 =	vmul.f32 v12, v5  }
0x148: {  	[tilespmem:s6+$0x30] =	vst v13  }
0x149: {  	v54 =	vld [tilespmem:s10+$0xFFFFFFD0];
	[tilespmem:s6+$0xFFFFFFB0] =	vst v5  }
0x14a: {  	v5 =	vld [tilespmem:s10+$0xFFFFFF50];
	_ =	sdelay $0x3  }
0x14b: {  	v10 =	vmul.f32 v54, v10  }
0x14c: {  	v4 =	vmul.f32 v5, v4  }
0x14d: {  	v55 =	vld [tilespmem:s6+$0x50];
	[tilespmem:s6+$0x40] =	vst v10  }
0x14e: {  	v56 =	vld [tilespmem:s10+$0xFFFFFFE0];
	[tilespmem:s6+$0xFFFFFFC0] =	vst v4  }
0x14f: {  	v4 =	vld [tilespmem:s10+$0xFFFFFF60];
	_ =	sdelay $0x3  }
0x150: {  	v5 =	vmul.f32 v56, v55  }
0x151: {  	v3 =	vmul.f32 v4, v3  }
0x152: {  	v57 =	vld [tilespmem:s6+$0x60];
	[tilespmem:s6+$0x50] =	vst v5  }
0x153: {  	v58 =	vld [tilespmem:s10+$0xFFFFFFF0];
	[tilespmem:s6+$0xFFFFFFD0] =	vst v3  }
0x154: {  	v3 =	vld [tilespmem:s10+$0xFFFFFF70];
	_ =	sdelay $0x2  }
0x155: {  	v1 =	vmul.f32 v9, v1  }
0x156: {  	v4 =	vmul.f32 v58, v57  }
0x157: {  	v59 =	vld [tilespmem:s6+$0x70];
	[tilespmem:s3+$0xFFFFFFE0] =	vst v1;
	v3 =	vmul.f32 v3, v6  }
0x158: {  	v61 =	vld [tilespmem:s18+$0xFFFFFF80];
	[tilespmem:s6+$0x60] =	vst v4  }
0x159: {  	v60 =	vld [tilespmem:s10+$0x0];
	[tilespmem:s6+$0xFFFFFFE0] =	vst v3  }
0x15a: {  	v3 =	vld [tilespmem:s10+$0xFFFFFF80];
	_ =	sdelay $0x1  }
0x15b: {  	v0 =	vmul.f32 v8, v0;
	s29 =	sadd.s32 $0x1, s29  }
0x15c: {  	[tilespmem:s3+$0x70] =	vst v11;
	p1 =	sne.s32 s29, $0x10;
	v62 =	vmul.f32 v61, v2  }
.Ltmp2:
0x15d: {  	[tilespmem:s0+$0xFFFFFFF0] =	vst v0;
	v1 =	vmul.f32 v60, v59;
	(pc) =	sbr.rel @p1 .LBB2_2-.Ltmp2, $4  }
0x15e: {  	[tilespmem:s3+$0xFFFFFFF0] =	vst v62;
	v63 =	vmul.f32 v3, v7  }
0x15f: {  	[tilespmem:s6+$0x70] =	vst v1  }
0x160: {  	s31 =	sadd.s32 $0x1000, s30;
	[tilespmem:s6+$0xFFFFFFF0] =	vst v63  }
0x161: {  	[spmem:s2] =	stream.indirect.scatter.add.f32 [tilespmem:s21], [sflag:$0x4], $0x80, s31, s19, $0xb8;
	[tilespmem:$0x1F880] =	vst v63  }
0x162: {  	_ =	swait.ge [sflag:s25], $0x2800  }
0x163: {  	[sflag:s25] =	ssyncset.done $0x0  }
0x164: {  	[sflag:s25] =	ssyncadd.s32 $0xFFFFD800  }
0x165: {  	_ =	swait.ge [sflag:s26], $0x2800  }
0x166: {  	[sflag:s26] =	ssyncset.done $0x0  }
0x167: {  	[sflag:s26] =	ssyncadd.s32 $0xFFFFD800  }
0x168: {  	[bflag:$0x0] =	sbarrier.arrive $0xFFFF  }
0x169: {  	s0 =	rddreg [dreg:$0x8]  }
0x16a: {  	[hbm:s0], [sflag:s7] =	dma.local [spmem:s15], $0x2700  }
0x16b: {  	s28 =	sadd.s32 $0x1, s28;
	_ =	swait.ge [sflag:s16], $0x2700  }
0x16c: {  	p1 =	sne.s32 s28, s14;
	[sflag:s16] =	ssyncset.done $0x0  }
.Ltmp3:
0x16d: {  	s0 =	simm.s32 @!p0 $0x5;
	[sflag:s16] =	ssyncadd.s32 $0xFFFFD900;
	(pc) =	sbr.rel @p1 .LBB2_1-.Ltmp3, $4  }
0x16e: {  	[hbm:s13], [sflag:s7] =	dma.local @!p0 [spmem:s17], $0x100  }
0x16f: {  	_ =	swait.ge @!p0 [sflag:s0], $0x100  }
0x170: {  	[sflag:s0] =	ssyncset.done @!p0 $0x0  }
0x171: {  	[sflag:s0] =	ssyncadd.s32 @!p0 $0xFFFFFF00  }
0x172: {  	_ =	sfence.sel $0x180000  }
0x173: {  	[bflag:$0x0] =	sbarrier.arrive $0xFFFF  }
0x174: {  	_ =	strace $0x9000004D  }
0x175: {  	s0 =	stileid.u32;
	[bflag:$0x2] =	sbarrier.arrive $0xFFFF  }
0x176: {  	p0 =	sne.s32 s0, $0x0;
	s0 =	rddreg [dreg:$0x3]  }
0x177: {  	s0 =	sadd.s32 @!p0 $0x100000, s0  }
0x178: {  	[sflag:s0] =	ssyncadd.tile.s32 @!p0 $0x1;
	_ =	shalt  }
.Lfunc_end2:
_tile_overlayer_lowered:
.L_overlay_start_2:
0x179: {  	(tag) =	ssettag $0x2  }
0x17a: {  	s0 =	rddreg [dreg:$0x0];
	s2 =	stileid.u32  }
0x17b: {  	s1 =	rddreg [dreg:$0x1];
	p0 =	sne.s32 s2, $0x0  }
0x17c: {  	s3 =	rddreg [dreg:$0x2];
	[bflag:$0x3] =	sbarrier.arrive $0xFFFF;
	s2 =	simm.s32 @!p0 $0x1C05  }
0x17d: {  	[timem:s3], [sflag:s2] =	dma.local @!p0 [hbm:s0], s1  }
0x17e: {  	s0 =	simm.s32 @!p0 $0x5  }
0x17f: {  	_ =	swait.ge @!p0 [sflag:s0], s1  }
0x180: {  	s1 =	ssub.s32 @!p0 $0x0, s1;
	[sflag:s0] =	ssyncset.done @!p0 $0x0  }
0x181: {  	[sflag:s0] =	ssyncadd.s32 @!p0 s1  }
0x182: {  	[bflag:$0x3] =	sbarrier.arrive $0xFFFF  }
0x183: {  	_ =	shalt  }

// kernel: kernel.21.cloned.1.call-start
scs
__scs_entry_jumppad:
0x0: {  	(pc) =	sbr.rel $0x88, $3  }
0x1: {  	(tag) =	ssettag $0x0;
	lr =	simm.s32 $0x1  }
0x2: {  	[smem:$0x3F94] =	sst lr;
	_ =	strace $0xD0000000  }
0x3: {  	_ = 	snop  }
0x4: {  	_ = 	snop  }
0x5: {  	_ = 	snop  }
0x6: {  	_ = 	snop  }
0x7: {  	_ = 	snop  }
__scs_overlays_trampoline_lowered:
0x8: {  	[smem:$0x3FA3] =	sst s0  }
0x9: {  	[smem:$0x3FA4] =	sst s1  }
0xa: {  	[smem:$0x3FA5] =	sst s2  }
0xb: {  	[smem:$0x3FA6] =	sst s3  }
0xc: {  	[smem:$0x3FA7] =	sst s4  }
0xd: {  	[smem:$0x3FA8] =	sst s5  }
0xe: {  	[smem:$0x3FA9] =	sst s6  }
0xf: {  	[smem:$0x3FAA] =	sst s7  }
0x10: {  	[smem:$0x3FAB] =	sst s8  }
0x11: {  	[smem:$0x3FAC] =	sst s9;
	s0 =	simm.s32 @!p0 $0x0  }
0x12: {  	s1 =	sld [smem:$0x3F92];
	s0 =	simm.s32 @p0 $0x1  }
0x13: {  	[smem:$0x3FAD] =	sst s0;
	s0 =	simm.s32 @!p1 $0x0  }
0x14: {  	s2 =	sld [smem:$0x3F91];
	s0 =	simm.s32 @p1 $0x1  }
0x15: {  	[smem:$0x3FAE] =	sst s0;
	s0 =	simm.s32 @!p2 $0x0  }
0x16: {  	s3 =	sld [smem:$0x3FDB];
	s0 =	simm.s32 @p2 $0x1  }
0x17: {  	s4 =	simm.s32 $0x1BF5;
	[smem:$0x3FB0] =	sst s0  }
0x18: {  	s0 =	sld [smem:$0x3F93];
	_ =	swait.ge [sflag:s4], $0x0  }
0x19: {  	s7 =	sld [smem:$0x3F94]  }
0x1a: {  	s8 =	sadd.s32 $0xFFFFE003, lr  }
0x1b: {  	s9 =	sadd.s32 $0xFFFFFEF7, lr;
	s5 =	simm.s32 $0xFFFFFFFF;
	p2 =	slt.u32 s8, $0xFFFFF086  }
0x1c: {  	p1 =	slt.u32 s9, $0xF7A;
	s5 =	simm.s32 @!p2 $0x0  }
0x1d: {  	s5 =	simm.s32 @p1 $0x1;
	p0 =	seq.s32 s7, s2  }
0x1e: {  	s7 =	smul.u32 @!p0 $0xF7A, s2;
	p2 =	seq.s32 @!p0 s5, $0x0  }
0x1f: {  	s9 =	smul.u32 $0xF7A, s1;
	s8 =	simm.s32 @!p0 $0x1BF5;
	p2 =	por !p2, p0  }
0x20: {  	[sflag:s8] =	ssyncset.s32 @!p0 $0xFFFFF086;
	s6 =	sadd.s32 @!p0 s3, s7;
	s7 =	simm.s32 @!p0 $0x108  }
0x21: {  	s3 =	sadd.s32 s3, s9;
	s6 =	sadd.s32 @!p0 $0x88, s6;
	s7 =	simm.s32 @p2 $0x1082  }
0x22: {  	[simem:s7], [sflag:s8] =	dma.local @!p0 [hbm:s6], $0xF7A  }
0x23: {  	s9 =	sor.u32 $0xD0000000, s2;
	s6 =	simm.s32 $0x108;
	_ =	swait.ge @!p0 [sflag:s8], $0x0  }
0x24: {  	s3 =	sadd.s32 $0x88, s3;
	s6 =	simm.s32 @!p1 $0x1082;
	[sflag:s4] =	ssyncset.s32 $0xFFFFF086  }
0x25: {  	[simem:s6], [sflag:s4] =	dma.local [hbm:s3], $0xF7A  }
0x26: {  	[smem:$0x3F94] =	sst s1;
	(tag) =	ssettag s2;
	_ =	strace s9  }
0x27: {  	s1 =	sld [smem:$0x3FA4]  }
0x28: {  	s2 =	sld [smem:$0x3FA5]  }
0x29: {  	s4 =	sld [smem:$0x3FA7]  }
0x2a: {  	p0 =	seq.s32 s5, $0x0;
	s5 =	sld [smem:$0x3FA8]  }
0x2b: {  	s6 =	sld [smem:$0x3FA9]  }
0x2c: {  	s7 =	sld [smem:$0x3FAA]  }
0x2d: {  	s3 =	simm.s32 $0x108;
	s8 =	sld [smem:$0x3FAB]  }
0x2e: {  	s3 =	simm.s32 @!p0 $0x1082;
	s9 =	sld [smem:$0x3FAC]  }
0x2f: {  	lr =	sadd.s32 s0, s3;
	s0 =	sld [smem:$0x3FA3]  }
0x30: {  	s3 =	sld [smem:$0x3FA6]  }
0x31: {  	[smem:$0x3FAF] =	sst s10  }
0x32: {  	s10 =	sld [smem:$0x3FAD];
	_ =	sdelay $0x3  }
0x33: {  	p0 =	seq.s32 s10, $0x1;
	s10 =	sld [smem:$0x3FAF];
	_ =	sdelay $0x3  }
0x34: {  	[smem:$0x3FAF] =	sst s10  }
0x35: {  	s10 =	sld [smem:$0x3FAE];
	_ =	sdelay $0x3  }
0x36: {  	p1 =	seq.s32 s10, $0x1;
	s10 =	sld [smem:$0x3FAF];
	_ =	sdelay $0x3  }
0x37: {  	[smem:$0x3FAF] =	sst s10  }
0x38: {  	s10 =	sld [smem:$0x3FB0]  }
0x39: {  	_ = 	snop;
	(pc) =	sbr.ind lr, $3  }
0x3a: {  	_ = 	snop  }
0x3b: {  	_ = 	snop  }
0x3c: {  	p2 =	seq.s32 s10, $0x1;
	s10 =	sld [smem:$0x3FAF]  }
0x3d: {  	_ =	shalt  }
0x3e: {  	_ =	shalt  }
0x3f: {  	_ =	shalt  }
0x40: {  	_ =	shalt  }
0x41: {  	_ =	shalt  }
0x42: {  	_ =	shalt  }
0x43: {  	_ =	shalt  }
0x44: {  	_ =	shalt  }
0x45: {  	_ =	shalt  }
0x46: {  	_ =	shalt  }
0x47: {  	_ =	shalt  }
0x48: {  	_ =	shalt  }
0x49: {  	_ =	shalt  }
0x4a: {  	_ =	shalt  }
0x4b: {  	_ =	shalt  }
0x4c: {  	_ =	shalt  }
0x4d: {  	_ =	shalt  }
0x4e: {  	_ =	shalt  }
0x4f: {  	_ =	shalt  }
0x50: {  	_ =	shalt  }
0x51: {  	_ =	shalt  }
0x52: {  	_ =	shalt  }
0x53: {  	_ =	shalt  }
0x54: {  	_ =	shalt  }
0x55: {  	_ =	shalt  }
0x56: {  	_ =	shalt  }
0x57: {  	_ =	shalt  }
0x58: {  	_ =	shalt  }
0x59: {  	_ =	shalt  }
0x5a: {  	_ =	shalt  }
0x5b: {  	_ =	shalt  }
0x5c: {  	_ =	shalt  }
0x5d: {  	_ =	shalt  }
0x5e: {  	_ =	shalt  }
0x5f: {  	_ =	shalt  }
0x60: {  	_ =	shalt  }
0x61: {  	_ =	shalt  }
0x62: {  	_ =	shalt  }
0x63: {  	_ =	shalt  }
0x64: {  	_ =	shalt  }
0x65: {  	_ =	shalt  }
0x66: {  	_ =	shalt  }
0x67: {  	_ =	shalt  }
0x68: {  	_ =	shalt  }
0x69: {  	_ =	shalt  }
0x6a: {  	_ =	shalt  }
0x6b: {  	_ =	shalt  }
0x6c: {  	_ =	shalt  }
0x6d: {  	_ =	shalt  }
0x6e: {  	_ =	shalt  }
0x6f: {  	_ =	shalt  }
0x70: {  	_ =	shalt  }
0x71: {  	_ =	shalt  }
0x72: {  	_ =	shalt  }
0x73: {  	_ =	shalt  }
0x74: {  	_ =	shalt  }
0x75: {  	_ =	shalt  }
0x76: {  	_ =	shalt  }
0x77: {  	_ =	shalt  }
0x78: {  	_ =	shalt  }
0x79: {  	_ =	shalt  }
0x7a: {  	_ =	shalt  }
0x7b: {  	_ =	shalt  }
0x7c: {  	_ =	shalt  }
0x7d: {  	_ =	shalt  }
0x7e: {  	_ =	shalt  }
0x7f: {  	_ =	shalt  }
0x80: {  	_ =	shalt  }
0x81: {  	_ =	shalt  }
0x82: {  	_ =	shalt  }
0x83: {  	_ =	shalt  }
0x84: {  	_ =	shalt  }
0x85: {  	_ =	shalt  }
0x86: {  	_ =	shalt  }
0x87: {  	_ =	shalt  }
.Lfunc_end0:
.L_simem_size_0:
called_computation.3_lowered:
.L_overlay_start_0:
0x88: {  	s2 =	sld [smem:$0x3FD9]  }
0x89: {  	s3 =	sld [smem:$0x3FFE];
	_ =	sdelay $0x1  }
0x8a: {  	s1 =	srdreg.scid  }
0x8b: {  	s0 =	sand.u32 $0x1, s1  }
0x8c: {  	s17 =	sshll.u32 s0, $0xA;
	s2 =	sadd.s32 s3, s2  }
0x8d: {  	s2 =	sadd.s32 s2, s17  }
0x8e: {  	[smem:$0x3FBB] =	sst s2  }
0x8f: {  	_ = 	snop  }
0x90: {  	s2 =	sld [smem:$0x3FD0];
	(tm) =	ssettm $0x1  }
0x91: {  	s18 =	sld [smem:$0x3FFB];
	_ =	sdelay $0x3  }
0x92: {  	_ =	strace s18  }
0x93: {  	s3 =	sld [smem:$0x3FFC];
	_ =	sdelay $0x3  }
0x94: {  	_ =	strace s3  }
0x95: {  	s3 =	sld [smem:$0x3FFD];
	_ =	sdelay $0x3  }
0x96: {  	_ =	strace s3  }
0x97: {  	_ =	strace $0x8FFFFFFF  }
0x98: {  	s19 =	sld [smem:$0x3FDB];
	_ =	sdelay $0x1  }
0x99: {  	s4 =	simm.s32 $_scs_section_size  }
0x9a: {  	s5 =	simm.s32 $_size__tile_overlayer_lowered;
	s6 =	simm.s32 $_tile_overlayer_lowered  }
0x9b: {  	s22 =	simm.s32 $0x1BFF;
	s21 =	sshll.u32 s6, $0x1;
	s3 =	sadd.s32 s4, s19  }
0x9c: {  	s7 =	simm.s32 $0x0;
	s20 =	sshll.u32 s5, $0x1;
	s5 =	sadd.s32 s21, s3  }
0x9d: {  	[timem:s7], [sflag:s22] =	dma.local [hbm:s5], s20  }
0x9e: {  	_ =	swait.ge [sflag:s22], s20  }
0x9f: {  	s4 =	ssub.s32 $0x0, s20;
	[sflag:s22] =	ssyncset.done $0x0  }
0xa0: {  	[sflag:s22] =	ssyncadd.s32 s4;
	_ =	sdelay $0x1  }
0xa1: {  	s23 =	simm.s32 $0x1B8B  }
0xa2: {  	_ =	swait.ge [sflag:s23], $0x1  }
0xa3: {  	[sflag:s23] =	ssyncset.done $0x0  }
0xa4: {  	s25 =	simm.s32 $0x1B8E;
	s24 =	sld [smem:$0x3FFE];
	[sflag:s23] =	ssyncadd.s32 $0xFFFFFFFF  }
0xa5: {  	s26 =	simm.s32 $execute0_lowered;
	[smem:$0x3FD2] =	sst s25  }
0xa6: {  	s5 =	sshll.u32 s26, $0x1;
	_ =	strace $0x8000004F;
	[dreg:$0x1] =	wrdreg $0xFFFFFFFF  }
0xa7: {  	s28 =	simm.s32 $_size_execute0_lowered;
	s3 =	sadd.s32 s3, s5;
	[dreg:$0x0] =	wrdreg $0x0  }
0xa8: {  	s5 =	sshll.u32 s28, $0x1;
	[dreg:$0x2] =	wrdreg s3  }
0xa9: {  	[dreg:$0x3] =	wrdreg s5  }
0xaa: {  	[dreg:$0x4] =	wrdreg $0xC0  }
0xab: {  	_ =	task [dreg:s7], $0x5FFFF  }
0xac: {  	[dreg:$0x1] =	wrdreg $0xFFFFFFFF  }
0xad: {  	[dreg:$0x0] =	wrdreg $0x60  }
0xae: {  	[dreg:$0x2] =	wrdreg s2  }
0xaf: {  	[dreg:$0x3] =	wrdreg s24  }
0xb0: {  	[dreg:$0x4] =	wrdreg $0xC0000  }
0xb1: {  	[dreg:$0x5] =	wrdreg $0x9  }
0xb2: {  	_ =	task.clear_ibuf [dreg:s7], $0x6FFFF;
	_ =	strace $0x9000004F  }
0xb3: {  	s29 =	simm.s32 $0x9;
	_ =	strace $0x80000051  }
0xb4: {  	_ =	swait.ge [sflag:s29], $0x1  }
0xb5: {  	[sflag:s29] =	ssyncadd.s32 $0xFFFFFFFF  }
0xb6: {  	_ =	strace $0x90000051  }
0xb7: {  	_ =	sfence  }
0xb8: {  	s30 =	sld [smem:$0x0];
	_ =	sdelay $0x2  }
0xb9: {  	s31 =	sshll.u32 s1, $0xD;
	s1 =	sshrl.u32 s1, $0x2  }
0xba: {  	s3 =	sand.u32 $0x4000, s31;
	s1 =	sadd.s32 s1, s30  }
0xbb: {  	s0 =	sor.u32 s3, s0;
	s1 =	sshll.u32 s1, $0x11  }
0xbc: {  	s0 =	sor.u32 s1, s0  }
0xbd: {  	s0 =	sadd.s32 $0x8F2B, s0  }
0xbe: {  	[sflag:s0] =	ssyncadd.remote.s32 $0x1  }
0xbf: {  	_ =	sfence.sel $0xFFFF  }
0xc0: {  	[dreg:$0x0] =	wrdreg $0xFFFFFFFF;
	(pc) =	sbr.abs _section_cstart, $3  }
0xc1: {  	[dreg:$0x1] =	wrdreg $0xFFFFFFFF  }
0xc2: {  	_ =	task.clear_ibuf [dreg:s7], $0x2FFFF;
	_ =	strace $0x9FFFFFFF  }
0xc3: {  	(tm) =	ssettm $0x7FFFFFFF  }
tec
execute0_lowered:
.L_overlay_start_1:
0x0: {  	(tag) =	ssettag $0x1  }
0x1: {  	s1 =	rddreg [dreg:$0x0]  }
0x2: {  	s0 =	rddreg [dreg:$0x1]  }
0x3: {  	s2 =	rddreg [dreg:$0x2];
	s3 =	srdreg.scid;
	s4 =	simm.s32 $0x0  }
0x4: {  	s16 =	stileid.u32;
	s17 =	simm.s32 $0x5;
	s20 =	simm.s32 $0x50  }
0x5: {  	s21 =	simm.s32 $0x2000;
	s28 =	simm.s32 $0x4;
	s31 =	simm.s32 $0x0  }
0x6: {  	s3 =	sand.u32 $0x1, s3;
	[smem:$0x7FF] =	sst s4;
	s7 =	smul.u32 $0x4E000, s16  }
0x7: {  	s10 =	smul.u32 $0x13800, s16;
	s11 =	sadd.s32 $0x79C00, s0;
	s23 =	sshll.u32 s16, $0x6  }
0x8: {  	s18 =	sadd.s32 $0x138000, s2;
	p0 =	sne.s32 s16, $0xF;
	s5 =	sshll.u32 s3, $0x4  }
0x9: {  	_ =	strace $0x80000050;
	s9 =	smul.u32 $0x138800, s3;
	s3 =	ssub.s32 $0x2, s3  }
0xa: {  	s18 =	sshrl.u32 @!p0 s18, $0x3;
	s6 =	sor.u32 s16, s5;
	s5 =	sadd.s32 $0x52E200, s0  }
0xb: {  	s12 =	sshrl.u32 s3, $0x1;
	s7 =	sshrl.u32 s7, $0x2;
	s8 =	sshll.u32 s6, $0x9  }
0xc: {  	s10 =	sadd.s32 s10, s9;
	s3 =	ssub.s32 s3, s12;
	s22 =	sadd.s32 s7, s2  }
0xd: {  	s9 =	sshrl.u32 s9, $0x3;
	s13 =	smul.u32 $0x48800, s6;
	s7 =	sor.u32 $0x1C05, s23  }
0xe: {  	s23 =	simm.s32 $0x7000;
	s8 =	sadd.s32 s8, s0;
	s10 =	sshrl.u32 s10, $0x3  }
0xf: {  	s0 =	sadd.s32 $0x3A00, s0;
	s24 =	sadd.s32 $0x27000, s9;
	s14 =	sadd.s32 s11, s10  }
0x10: {  	s15 =	smax.u32 s3, $0x1;
	s9 =	sadd.s32 s11, s24;
	[dreg:$0x4] =	wrdreg s14  }
0x11: {  	s16 =	sshrl.u32 s22, $0x3;
	s26 =	sadd.s32 $0xC7E00, s8;
	[dreg:$0x5] =	wrdreg s9  }
0x12: {  	s22 =	simm.s32 $0x4800;
	s8 =	sadd.s32 $0xCBE00, s8;
	[dreg:$0x6] =	wrdreg s26  }
0x13: {  	s25 =	sshrl.u32 s13, $0x3;
	s30 =	sadd.s32 s0, s10;
	[dreg:$0x7] =	wrdreg s8  }
0x14: {  	s9 =	smul.u32 $0x910, s6;
	s29 =	sadd.s32 s5, s25;
	[dreg:$0x9] =	wrdreg s30  }
0x15: {  	s14 =	sadd.s32 s0, s24;
	s24 =	simm.s32 $0x1;
	s6 =	sadd.s32 $0x8C00, s29  }
0x16: {  	s25 =	simm.s32 $0x2;
	s26 =	simm.s32 $0x3;
	[dreg:$0x8] =	wrdreg s6  }
.LBB2_1:
0x17: {  	s0 =	rddreg [dreg:$0x4]  }
0x18: {  	[spmem:s16], [sflag:s7] =	dma.local [hbm:s0], $0x2700  }
0x19: {  	_ =	swait.ge [sflag:s17], $0x2700  }
0x1a: {  	[sflag:s17] =	ssyncset.done $0x0  }
0x1b: {  	s0 =	rddreg [dreg:$0x5];
	[sflag:s17] =	ssyncadd.s32 $0xFFFFD900  }
0x1c: {  	[spmem:s18], [sflag:s7] =	dma.local @!p0 [hbm:s0], $0x100  }
0x1d: {  	s0 =	simm.s32 @!p0 $0x5  }
0x1e: {  	_ =	swait.ge @!p0 [sflag:s0], $0x100  }
0x1f: {  	[sflag:s0] =	ssyncset.done @!p0 $0x0  }
0x20: {  	[sflag:s0] =	ssyncadd.s32 @!p0 $0xFFFFFF00  }
0x21: {  	[bflag:$0x0] =	sbarrier.arrive $0xFFFF  }
0x22: {  	s29 =	rddreg [dreg:$0x6]  }
0x23: {  	[tilespmem:s4], [sflag:$0x5] =	stream.linear.gather [hbm4b:s29+s4], $0xE80, $0x38;
	[tilespmem:$0x1F880] =	vst v63  }
0x24: {  	_ =	swait.ge [sflag:s17], $0xE80  }
0x25: {  	[sflag:s17] =	ssyncset.done $0x0  }
0x26: {  	s3 =	simm.s32 $0x1000;
	s30 =	rddreg [dreg:$0x7];
	[sflag:s17] =	ssyncadd.s32 $0xFFFFF180  }
0x27: {  	[tilespmem:s3], [sflag:$0x5] =	stream.linear.gather [hbm4b:s30+s4], $0xE80, $0x38;
	[tilespmem:$0x1F880] =	vst v63  }
0x28: {  	_ =	swait.ge [sflag:s17], $0xE80  }
0x29: {  	[sflag:s17] =	ssyncset.done $0x0  }
0x2a: {  	s0 =	simm.s32 $0x0;
	[sflag:s17] =	ssyncadd.s32 $0xFFFFF180  }
.LBB2_2:
0x2b: {  	p1 =	seq.s32 s0, $0x0  }
0x2c: {  	s3 =	simm.s32 @!p1 $0x3  }
0x2d: {  	_ =	swait.ge @!p1 [sflag:s3], $0x2800  }
0x2e: {  	[sflag:s3] =	ssyncset.done @!p1 $0x0  }
0x2f: {  	[sflag:s3] =	ssyncadd.s32 @!p1 $0xFFFFD800;
	s3 =	simm.s32 @!p1 $0x4  }
0x30: {  	s6 =	smul.u32 $0xA0, s0;
	_ =	swait.ge @!p1 [sflag:s3], $0x2800  }
0x31: {  	[sflag:s3] =	ssyncset.done @!p1 $0x0  }
0x32: {  	s19 =	sshll.u32 s0, $0x8;
	s6 =	sadd.s32 s9, s6;
	[sflag:s3] =	ssyncadd.s32 @!p1 $0xFFFFD800  }
0x33: {  	[tilespmem:s21], [sflag:$0x1] =	stream.indirect.gather [hbm4b:s1+s20], $0x80, s19, s20, $0xb8;
	[tilespmem:$0x1F880] =	vst v63  }
0x34: {  	s6 =	sshll.u32 s6, $0x4;
	s3 =	sor.u32 $0x80, s19  }
0x35: {  	[tilespmem:s22], [sflag:$0x2] =	stream.indirect.gather [hbm4b:s1+s20], $0x80, s3, s20, $0xb8;
	[tilespmem:$0x1F880] =	vst v63  }
0x36: {  	s6 =	sadd.s32 s5, s6  }
0x37: {  	[tilespmem:s23], [sflag:$0x5] =	stream.linear.gather [hbm4b:s6+s4], $0x5000, $0x38;
	[tilespmem:$0x1F880] =	vst v63  }
0x38: {  	_ =	swait.ge [sflag:s17], $0x5000  }
0x39: {  	[sflag:s17] =	ssyncset.done $0x0  }
0x3a: {  	[sflag:s17] =	ssyncadd.s32 $0xFFFFB000  }
0x3b: {  	_ =	swait.ge [sflag:s24], $0x2800  }
0x3c: {  	[sflag:s24] =	ssyncset.done $0x0  }
0x3d: {  	s29 =	simm.s32 $0x2080;
	[sflag:s24] =	ssyncadd.s32 $0xFFFFD800  }
0x3e: {  	s11 =	simm.s32 $0x7080;
	v0 =	vld [tilespmem:s29+$0x0]  }
0x3f: {  	v1 =	vld [tilespmem:s11+$0x0];
	_ =	sdelay $0x3  }
0x40: {  	v2 =	vld [tilespmem:s29+$0xFFFFFF80]  }
0x41: {  	v0 =	vmul.f32 v1, v0;
	v1 =	vld [tilespmem:s11+$0xFFFFFF80];
	_ =	sdelay $0x1  }
0x42: {  	[tilespmem:s29+$0x0] =	vst v0;
	v0 =	vld [tilespmem:s29+$0x10]  }
0x43: {  	v3 =	vld [tilespmem:s11+$0x10];
	_ =	sdelay $0x1  }
0x44: {  	v1 =	vmul.f32 v1, v2;
	_ =	sdelay $0x1  }
0x45: {  	v4 =	vld [tilespmem:s29+$0xFFFFFF90];
	[tilespmem:s29+$0xFFFFFF80] =	vst v1  }
0x46: {  	v0 =	vmul.f32 v3, v0;
	v1 =	vld [tilespmem:s11+$0xFFFFFF90];
	_ =	sdelay $0x1  }
0x47: {  	[tilespmem:s29+$0x10] =	vst v0;
	v0 =	vld [tilespmem:s29+$0x20]  }
0x48: {  	v3 =	vld [tilespmem:s11+$0x20]  }
0x49: {  	v5 =	vld [tilespmem:s29+$0xFFFFFFB0]  }
0x4a: {  	s30 =	simm.s32 $0x2180;
	v6 =	vld [tilespmem:s29+$0xFFFFFFD0];
	v1 =	vmul.f32 v1, v4  }
0x4b: {  	v7 =	vld [tilespmem:s30+$0x0]  }
0x4c: {  	v2 =	vld [tilespmem:s29+$0xFFFFFFA0];
	[tilespmem:s29+$0xFFFFFF90] =	vst v1  }
0x4d: {  	v0 =	vmul.f32 v3, v0;
	v1 =	vld [tilespmem:s11+$0xFFFFFFA0]  }
0x4e: {  	v8 =	vld [tilespmem:s29+$0xFFFFFFE0]  }
0x4f: {  	[tilespmem:s29+$0x20] =	vst v0;
	v0 =	vld [tilespmem:s29+$0x30]  }
0x50: {  	s6 =	simm.s32 $0x7180;
	v3 =	vld [tilespmem:s11+$0x30]  }
0x51: {  	v10 =	vld [tilespmem:s6+$0xFFFFFF80]  }
0x52: {  	v1 =	vmul.f32 v1, v2;
	v2 =	vld [tilespmem:s6+$0x0]  }
0x53: {  	v12 =	vld [tilespmem:s30+$0xFFFFFF90]  }
0x54: {  	s10 =	simm.s32 $0x7280;
	v13 =	vld [tilespmem:s30+$0xFFFFFFD0]  }
0x55: {  	v15 =	vld [tilespmem:s10+$0xFFFFFF80];
	v0 =	vmul.f32 v3, v0  }
0x56: {  	[tilespmem:s29+$0xFFFFFFA0] =	vst v1;
	v1 =	vld [tilespmem:s29+$0x40]  }
0x57: {  	[tilespmem:s29+$0x30] =	vst v0;
	v2 =	vmul.f32 v2, v7;
	v7 =	vld [tilespmem:s30+$0xFFFFFF80]  }
0x58: {  	s8 =	simm.s32 $0x2280;
	v9 =	vld [tilespmem:s11+$0x40]  }
0x59: {  	v16 =	vld [tilespmem:s8+$0xFFFFFF80]  }
0x5a: {  	v3 =	vld [tilespmem:s11+$0xFFFFFFB0]  }
0x5b: {  	v17 =	vld [tilespmem:s30+$0x50]  }
0x5c: {  	[tilespmem:s30+$0x0] =	vst v2;
	v2 =	vld [tilespmem:s30+$0x10];
	v7 =	vmul.f32 v10, v7  }
0x5d: {  	v11 =	vld [tilespmem:s6+$0x10];
	v1 =	vmul.f32 v9, v1  }
0x5e: {  	v9 =	vld [tilespmem:s29+$0x50];
	[tilespmem:s30+$0xFFFFFF80] =	vst v7  }
0x5f: {  	[tilespmem:s29+$0x40] =	vst v1;
	v1 =	vmul.f32 v3, v5;
	v5 =	vld [tilespmem:s6+$0xFFFFFF90]  }
0x60: {  	v3 =	vld [tilespmem:s11+$0x50]  }
0x61: {  	v60 =	vld [tilespmem:s8+$0xFFFFFFA0]  }
0x62: {  	v4 =	vld [tilespmem:s29+$0xFFFFFFC0];
	v2 =	vmul.f32 v11, v2;
	[tilespmem:s29+$0xFFFFFFB0] =	vst v1  }
0x63: {  	v1 =	vld [tilespmem:s11+$0xFFFFFFC0]  }
0x64: {  	[tilespmem:s30+$0x10] =	vst v2;
	v2 =	vld [tilespmem:s30+$0x20]  }
0x65: {  	v5 =	vmul.f32 v5, v12;
	v3 =	vmul.f32 v3, v9;
	v9 =	vld [tilespmem:s6+$0x20]  }
0x66: {  	v18 =	vld [tilespmem:s30+$0x60];
	v15 =	vmul.f32 v15, v16  }
0x67: {  	v10 =	vld [tilespmem:s30+$0xFFFFFFA0];
	[tilespmem:s30+$0xFFFFFF90] =	vst v5  }
0x68: {  	[tilespmem:s8+$0xFFFFFF80] =	vst v15;
	v1 =	vmul.f32 v1, v4;
	v4 =	vld [tilespmem:s6+$0xFFFFFFA0]  }
0x69: {  	v15 =	vld [tilespmem:s10+$0xFFFFFF90]  }
0x6a: {  	v0 =	vld [tilespmem:s29+$0xFFFFFFF0];
	[tilespmem:s29+$0xFFFFFFC0] =	vst v1;
	v1 =	vmul.f32 v9, v2  }
0x6b: {  	v7 =	vld [tilespmem:s30+$0xFFFFFFB0]  }
0x6c: {  	v5 =	vld [tilespmem:s30+$0x30];
	[tilespmem:s30+$0x20] =	vst v1  }
0x6d: {  	v4 =	vmul.f32 v4, v10;
	v10 =	vld [tilespmem:s6+$0x30]  }
0x6e: {  	v2 =	vld [tilespmem:s11+$0xFFFFFFD0]  }
0x6f: {  	v11 =	vld [tilespmem:s29+$0x60]  }
0x70: {  	v12 =	vld [tilespmem:s30+$0xFFFFFFC0];
	[tilespmem:s29+$0x50] =	vst v3  }
0x71: {  	v3 =	vld [tilespmem:s11+$0x60]  }
0x72: {  	[tilespmem:s30+$0xFFFFFFA0] =	vst v4;
	v4 =	vld [tilespmem:s8+$0x0];
	v5 =	vmul.f32 v10, v5  }
0x73: {  	v2 =	vmul.f32 v2, v6;
	v6 =	vld [tilespmem:s10+$0x0]  }
0x74: {  	v10 =	vld [tilespmem:s30+$0x40];
	[tilespmem:s30+$0x30] =	vst v5  }
0x75: {  	v5 =	vld [tilespmem:s6+$0x40]  }
0x76: {  	v9 =	vld [tilespmem:s29+$0x70];
	v3 =	vmul.f32 v3, v11  }
0x77: {  	v1 =	vld [tilespmem:s30+$0xFFFFFFE0]  }
0x78: {  	[tilespmem:s29+$0x60] =	vst v3;
	v3 =	vld [tilespmem:s6+$0xFFFFFFB0];
	v4 =	vmul.f32 v6, v4  }
0x79: {  	v6 =	vld [tilespmem:s8+$0xFFFFFF90]  }
0x7a: {  	[tilespmem:s8+$0x0] =	vst v4;
	v4 =	vld [tilespmem:s8+$0x10];
	v5 =	vmul.f32 v5, v10  }
0x7b: {  	v10 =	vld [tilespmem:s10+$0x10]  }
0x7c: {  	v11 =	vld [tilespmem:s11+$0x70];
	[tilespmem:s30+$0x40] =	vst v5  }
0x7d: {  	v3 =	vmul.f32 v3, v7;
	v7 =	vld [tilespmem:s6+$0x50]  }
0x7e: {  	[tilespmem:s29+$0xFFFFFFD0] =	vst v2;
	v2 =	vld [tilespmem:s30+$0xFFFFFFF0]  }
0x7f: {  	v14 =	vld [tilespmem:s11+$0xFFFFFFE0];
	[tilespmem:s30+$0xFFFFFFB0] =	vst v3;
	v6 =	vmul.f32 v15, v6  }
0x80: {  	v3 =	vmul.f32 v10, v4;
	v10 =	vld [tilespmem:s6+$0xFFFFFFC0]  }
0x81: {  	[tilespmem:s8+$0xFFFFFF90] =	vst v6;
	v6 =	vld [tilespmem:s8+$0xFFFFFFE0]  }
0x82: {  	v5 =	vld [tilespmem:s8+$0xFFFFFFB0];
	[tilespmem:s8+$0x10] =	vst v3;
	v3 =	vmul.f32 v7, v17  }
0x83: {  	v7 =	vld [tilespmem:s8+$0x20]  }
0x84: {  	v15 =	vld [tilespmem:s10+$0x20];
	[tilespmem:s30+$0x50] =	vst v3  }
0x85: {  	v10 =	vmul.f32 v10, v12;
	v12 =	vld [tilespmem:s6+$0x60]  }
0x86: {  	v61 =	vld [tilespmem:s10+$0xFFFFFFA0]  }
0x87: {  	v4 =	vld [tilespmem:s8+$0xFFFFFFC0];
	[tilespmem:s30+$0xFFFFFFC0] =	vst v10  }
0x88: {  	v10 =	vld [tilespmem:s6+$0xFFFFFFD0]  }
0x89: {  	v3 =	vld [tilespmem:s8+$0xFFFFFFD0];
	v7 =	vmul.f32 v15, v7  }
0x8a: {  	v15 =	vld [tilespmem:s30+$0x70];
	v12 =	vmul.f32 v12, v18  }
0x8b: {  	[tilespmem:s8+$0x20] =	vst v7;
	v7 =	vmul.f32 v14, v8;
	v14 =	vld [tilespmem:s8+$0x30]  }
0x8c: {  	v8 =	vmul.f32 v61, v60;
	v62 =	vld [tilespmem:s10+$0x30];
	[tilespmem:s30+$0x60] =	vst v12  }
0x8d: {  	[tilespmem:s29+$0xFFFFFFE0] =	vst v7;
	v7 =	vmul.f32 v10, v13;
	v63 =	vld [tilespmem:s6+$0x70]  }
0x8e: {  	[tilespmem:s8+$0xFFFFFFA0] =	vst v8;
	v8 =	vld [tilespmem:s11+$0xFFFFFFF0]  }
0x8f: {  	v12 =	vld [tilespmem:s10+$0xFFFFFFB0];
	[tilespmem:s30+$0xFFFFFFD0] =	vst v7  }
0x90: {  	v10 =	vmul.f32 v11, v9;
	v9 =	vld [tilespmem:s6+$0xFFFFFFE0]  }
0x91: {  	v7 =	vld [tilespmem:s8+$0xFFFFFFF0];
	v13 =	vmul.f32 v62, v14  }
0x92: {  	s12 =	simm.s32 $0x4;
	s13 =	simm.s32 $0x2380;
	s11 =	simm.s32 $0x7280;
	[tilespmem:s29+$0x70] =	vst v10;
	v10 =	vld [tilespmem:s8+$0x40];
	v11 =	vmul.f32 v63, v15  }
.LBB2_3:
0x93: {  	v14 =	vld [tilespmem:s13+$0x0];
	[tilespmem:s8+$0x30] =	vst v13;
	s10 =	sadd.s32 $0x100, s10;
	v8 =	vmul.f32 v8, v0;
	v0 =	vmov v2  }
0x94: {  	v13 =	vld [tilespmem:s10+$0x0];
	v12 =	vmul.f32 v12, v5;
	[tilespmem:s30+$0x70] =	vst v11  }
0x95: {  	s12 =	sadd.s32 $0x2, s12;
	v5 =	vld [tilespmem:s11+$0x40];
	v9 =	vmul.f32 v9, v1;
	[tilespmem:s29+$0xFFFFFFF0] =	vst v8;
	v1 =	vmov v6;
	s29 =	smov.u32 s30;
	s30 =	smov.u32 s8  }
0x96: {  	p1 =	slt.u32 s12, $0x4E;
	s8 =	smov.u32 s13;
	v6 =	vld [tilespmem:s10+$0xFFFFFF80];
	[tilespmem:s30+$0xFFFFFFB0] =	vst v12;
	v2 =	vmov v7  }
0x97: {  	v7 =	vld [tilespmem:s13+$0xFFFFFF80];
	[tilespmem:s29+$0xFFFFFFE0] =	vst v9  }
0x98: {  	v8 =	vld [tilespmem:s13+$0xFFFFFF90]  }
0x99: {  	v9 =	vld [tilespmem:s13+$0xFFFFFFA0];
	v11 =	vmul.f32 v13, v14  }
0x9a: {  	v5 =	vmul.f32 v5, v10;
	v10 =	vld [tilespmem:s30+$0x50]  }
0x9b: {  	[tilespmem:s13+$0x0] =	vst v11;
	v11 =	vld [tilespmem:s13+$0x10]  }
0x9c: {  	v6 =	vmul.f32 v6, v7;
	v7 =	vld [tilespmem:s10+$0x10];
	[tilespmem:s30+$0x40] =	vst v5  }
0x9d: {  	v12 =	vld [tilespmem:s11+$0x50]  }
0x9e: {  	[tilespmem:s13+$0xFFFFFF80] =	vst v6;
	v5 =	vld [tilespmem:s13+$0xFFFFFFB0]  }
0x9f: {  	v6 =	vld [tilespmem:s10+$0xFFFFFF90]  }
0xa0: {  	v13 =	vld [tilespmem:s11+$0xFFFFFFC0]  }
0xa1: {  	v14 =	vld [tilespmem:s13+$0xFFFFFFC0];
	v7 =	vmul.f32 v7, v11  }
0xa2: {  	v10 =	vmul.f32 v12, v10;
	v11 =	vld [tilespmem:s30+$0x60]  }
0xa3: {  	[tilespmem:s13+$0x10] =	vst v7;
	v7 =	vld [tilespmem:s13+$0x20]  }
0xa4: {  	v6 =	vmul.f32 v6, v8;
	v8 =	vld [tilespmem:s10+$0x20];
	[tilespmem:s30+$0x50] =	vst v10  }
0xa5: {  	v10 =	vmul.f32 v13, v4;
	v12 =	vld [tilespmem:s11+$0x60]  }
0xa6: {  	[tilespmem:s13+$0xFFFFFF90] =	vst v6;
	v13 =	vld [tilespmem:s13+$0xFFFFFFD0];
	v4 =	vmov v14  }
0xa7: {  	v14 =	vld [tilespmem:s10+$0xFFFFFFA0];
	[tilespmem:s30+$0xFFFFFFC0] =	vst v10  }
0xa8: {  	v10 =	vld [tilespmem:s11+$0xFFFFFFD0]  }
0xa9: {  	v6 =	vld [tilespmem:s13+$0xFFFFFFE0];
	v7 =	vmul.f32 v8, v7  }
0xaa: {  	v8 =	vmul.f32 v12, v11;
	v11 =	vld [tilespmem:s30+$0x70]  }
0xab: {  	[tilespmem:s13+$0x20] =	vst v7;
	v15 =	vld [tilespmem:s13+$0x30]  }
0xac: {  	v7 =	vmul.f32 v14, v9;
	v14 =	vld [tilespmem:s10+$0x30];
	[tilespmem:s30+$0x60] =	vst v8  }
0xad: {  	v9 =	vmul.f32 v10, v3;
	v16 =	vld [tilespmem:s11+$0x70];
	v3 =	vmov v13  }
.Ltmp0:
0xae: {  	[tilespmem:s13+$0xFFFFFFA0] =	vst v7;
	v8 =	vld [tilespmem:s6+$0xFFFFFFF0];
	s6 =	smov.u32 s11;
	s11 =	smov.u32 s10;
	(pc) =	sbr.rel @p1 .LBB2_3-.Ltmp0, $4  }
0xaf: {  	v12 =	vld [tilespmem:s10+$0xFFFFFFB0];
	[tilespmem:s30+$0xFFFFFFD0] =	vst v9  }
0xb0: {  	v9 =	vld [tilespmem:s6+$0xFFFFFFE0]  }
0xb1: {  	v7 =	vld [tilespmem:s13+$0xFFFFFFF0];
	v13 =	vmul.f32 v14, v15  }
0xb2: {  	s13 =	sadd.s32 $0x100, s13;
	v10 =	vld [tilespmem:s8+$0x40];
	v11 =	vmul.f32 v16, v11  }
0xb3: {  	_ = 	snop  }
0xb4: {  	[tilespmem:s8+$0x30] =	vst v13;
	v5 =	vmul.f32 v12, v5  }
0xb5: {  	v12 =	vld [tilespmem:s11+$0x40]  }
0xb6: {  	[tilespmem:s8+$0xFFFFFFB0] =	vst v5  }
0xb7: {  	v5 =	vld [tilespmem:s11+$0xFFFFFFC0];
	_ =	sdelay $0x2  }
0xb8: {  	v10 =	vmul.f32 v12, v10;
	_ =	sdelay $0x1  }
0xb9: {  	v12 =	vld [tilespmem:s8+$0x50];
	[tilespmem:s8+$0x40] =	vst v10;
	v4 =	vmul.f32 v5, v4  }
0xba: {  	v5 =	vld [tilespmem:s11+$0x50]  }
0xbb: {  	[tilespmem:s8+$0xFFFFFFC0] =	vst v4  }
0xbc: {  	v4 =	vld [tilespmem:s11+$0xFFFFFFD0];
	_ =	sdelay $0x2  }
0xbd: {  	v5 =	vmul.f32 v5, v12;
	_ =	sdelay $0x1  }
0xbe: {  	v10 =	vld [tilespmem:s8+$0x60];
	[tilespmem:s8+$0x50] =	vst v5;
	v3 =	vmul.f32 v4, v3  }
0xbf: {  	v4 =	vld [tilespmem:s11+$0x60]  }
0xc0: {  	[tilespmem:s8+$0xFFFFFFD0] =	vst v3  }
0xc1: {  	v3 =	vld [tilespmem:s11+$0xFFFFFFE0];
	_ =	sdelay $0x2  }
0xc2: {  	v4 =	vmul.f32 v4, v10  }
0xc3: {  	v1 =	vmul.f32 v9, v1  }
0xc4: {  	v5 =	vld [tilespmem:s8+$0x70];
	[tilespmem:s8+$0x60] =	vst v4;
	v3 =	vmul.f32 v3, v6  }
0xc5: {  	[tilespmem:s30+$0xFFFFFFE0] =	vst v1;
	v1 =	vld [tilespmem:s11+$0x70]  }
0xc6: {  	v4 =	vld [tilespmem:s6+$0xFFFFFFF0];
	[tilespmem:s8+$0xFFFFFFE0] =	vst v3  }
0xc7: {  	v3 =	vld [tilespmem:s11+$0xFFFFFFF0];
	_ =	sdelay $0x1  }
0xc8: {  	v0 =	vmul.f32 v8, v0  }
0xc9: {  	[tilespmem:s30+$0x70] =	vst v11;
	v1 =	vmul.f32 v1, v5  }
0xca: {  	[tilespmem:s29+$0xFFFFFFF0] =	vst v0;
	v0 =	vmul.f32 v4, v2  }
0xcb: {  	[tilespmem:s8+$0x70] =	vst v1;
	v1 =	vmul.f32 v3, v7  }
0xcc: {  	[tilespmem:s30+$0xFFFFFFF0] =	vst v0  }
0xcd: {  	s19 =	sadd.s32 $0x1000, s19;
	[tilespmem:s8+$0xFFFFFFF0] =	vst v1  }
0xce: {  	[spmem:s2] =	stream.indirect.scatter.add.f32 [tilespmem:s21], [sflag:$0x3], $0x80, s19, s20, $0xb8;
	[tilespmem:$0x1F880] =	vst v63  }
0xcf: {  	_ =	swait.ge [sflag:s25], $0x2800  }
0xd0: {  	[sflag:s25] =	ssyncset.done $0x0  }
0xd1: {  	s19 =	simm.s32 $0x4880;
	[sflag:s25] =	ssyncadd.s32 $0xFFFFD800  }
0xd2: {  	s30 =	simm.s32 $0x98F0;
	v0 =	vld [tilespmem:s19+$0x0]  }
0xd3: {  	v1 =	vld [tilespmem:s30+$0xFFFFFF90];
	_ =	sdelay $0x3  }
0xd4: {  	v2 =	vld [tilespmem:s19+$0xFFFFFF80]  }
0xd5: {  	v0 =	vmul.f32 v1, v0;
	v1 =	vld [tilespmem:s30+$0xFFFFFF10];
	_ =	sdelay $0x1  }
0xd6: {  	[tilespmem:s19+$0x0] =	vst v0;
	v0 =	vld [tilespmem:s19+$0x10]  }
0xd7: {  	v3 =	vld [tilespmem:s30+$0xFFFFFFA0];
	_ =	sdelay $0x1  }
0xd8: {  	v1 =	vmul.f32 v1, v2;
	_ =	sdelay $0x1  }
0xd9: {  	v4 =	vld [tilespmem:s19+$0xFFFFFF90];
	[tilespmem:s19+$0xFFFFFF80] =	vst v1  }
0xda: {  	v0 =	vmul.f32 v3, v0;
	v1 =	vld [tilespmem:s30+$0xFFFFFF20];
	_ =	sdelay $0x1  }
0xdb: {  	[tilespmem:s19+$0x10] =	vst v0;
	v0 =	vld [tilespmem:s19+$0x20]  }
0xdc: {  	v3 =	vld [tilespmem:s30+$0xFFFFFFB0]  }
0xdd: {  	v5 =	vld [tilespmem:s19+$0xFFFFFFB0]  }
0xde: {  	s29 =	simm.s32 $0x4980;
	v6 =	vld [tilespmem:s19+$0xFFFFFFD0];
	v1 =	vmul.f32 v1, v4  }
0xdf: {  	v7 =	vld [tilespmem:s29+$0x0]  }
0xe0: {  	v2 =	vld [tilespmem:s19+$0xFFFFFFA0];
	[tilespmem:s19+$0xFFFFFF90] =	vst v1  }
0xe1: {  	v0 =	vmul.f32 v3, v0;
	v1 =	vld [tilespmem:s30+$0xFFFFFF30]  }
0xe2: {  	v8 =	vld [tilespmem:s19+$0xFFFFFFE0]  }
0xe3: {  	[tilespmem:s19+$0x20] =	vst v0;
	v0 =	vld [tilespmem:s19+$0x30]  }
0xe4: {  	s6 =	simm.s32 $0x99F0;
	v3 =	vld [tilespmem:s30+$0xFFFFFFC0]  }
0xe5: {  	v10 =	vld [tilespmem:s6+$0xFFFFFF10]  }
0xe6: {  	v1 =	vmul.f32 v1, v2;
	v2 =	vld [tilespmem:s6+$0xFFFFFF90]  }
0xe7: {  	v12 =	vld [tilespmem:s29+$0xFFFFFF90]  }
0xe8: {  	s10 =	simm.s32 $0x9AF0;
	v13 =	vld [tilespmem:s29+$0xFFFFFFD0]  }
0xe9: {  	v15 =	vld [tilespmem:s10+$0xFFFFFF10];
	v0 =	vmul.f32 v3, v0  }
0xea: {  	[tilespmem:s19+$0xFFFFFFA0] =	vst v1;
	v1 =	vld [tilespmem:s19+$0x40]  }
0xeb: {  	[tilespmem:s19+$0x30] =	vst v0;
	v2 =	vmul.f32 v2, v7;
	v7 =	vld [tilespmem:s29+$0xFFFFFF80]  }
0xec: {  	s8 =	simm.s32 $0x4A80;
	v9 =	vld [tilespmem:s30+$0xFFFFFFD0]  }
0xed: {  	v16 =	vld [tilespmem:s8+$0xFFFFFF80]  }
0xee: {  	v3 =	vld [tilespmem:s30+$0xFFFFFF40]  }
0xef: {  	v17 =	vld [tilespmem:s29+$0x50]  }
0xf0: {  	[tilespmem:s29+$0x0] =	vst v2;
	v2 =	vld [tilespmem:s29+$0x10];
	v7 =	vmul.f32 v10, v7  }
0xf1: {  	v11 =	vld [tilespmem:s6+$0xFFFFFFA0];
	v1 =	vmul.f32 v9, v1  }
0xf2: {  	v9 =	vld [tilespmem:s19+$0x50];
	[tilespmem:s29+$0xFFFFFF80] =	vst v7  }
0xf3: {  	[tilespmem:s19+$0x40] =	vst v1;
	v1 =	vmul.f32 v3, v5;
	v5 =	vld [tilespmem:s6+$0xFFFFFF20]  }
0xf4: {  	v3 =	vld [tilespmem:s30+$0xFFFFFFE0]  }
0xf5: {  	v60 =	vld [tilespmem:s8+$0xFFFFFFA0]  }
0xf6: {  	v4 =	vld [tilespmem:s19+$0xFFFFFFC0];
	v2 =	vmul.f32 v11, v2;
	[tilespmem:s19+$0xFFFFFFB0] =	vst v1  }
0xf7: {  	v1 =	vld [tilespmem:s30+$0xFFFFFF50]  }
0xf8: {  	[tilespmem:s29+$0x10] =	vst v2;
	v2 =	vld [tilespmem:s29+$0x20]  }
0xf9: {  	v5 =	vmul.f32 v5, v12;
	v3 =	vmul.f32 v3, v9;
	v9 =	vld [tilespmem:s6+$0xFFFFFFB0]  }
0xfa: {  	v18 =	vld [tilespmem:s29+$0x60];
	v15 =	vmul.f32 v15, v16  }
0xfb: {  	v10 =	vld [tilespmem:s29+$0xFFFFFFA0];
	[tilespmem:s29+$0xFFFFFF90] =	vst v5  }
0xfc: {  	[tilespmem:s8+$0xFFFFFF80] =	vst v15;
	v1 =	vmul.f32 v1, v4;
	v4 =	vld [tilespmem:s6+$0xFFFFFF30]  }
0xfd: {  	v15 =	vld [tilespmem:s10+$0xFFFFFF20]  }
0xfe: {  	v0 =	vld [tilespmem:s19+$0xFFFFFFF0];
	[tilespmem:s19+$0xFFFFFFC0] =	vst v1;
	v1 =	vmul.f32 v9, v2  }
0xff: {  	v7 =	vld [tilespmem:s29+$0xFFFFFFB0]  }
0x100: {  	v5 =	vld [tilespmem:s29+$0x30];
	[tilespmem:s29+$0x20] =	vst v1  }
0x101: {  	v4 =	vmul.f32 v4, v10;
	v10 =	vld [tilespmem:s6+$0xFFFFFFC0]  }
0x102: {  	v2 =	vld [tilespmem:s30+$0xFFFFFF60]  }
0x103: {  	v11 =	vld [tilespmem:s19+$0x60]  }
0x104: {  	v12 =	vld [tilespmem:s29+$0xFFFFFFC0];
	[tilespmem:s19+$0x50] =	vst v3  }
0x105: {  	v3 =	vld [tilespmem:s30+$0xFFFFFFF0]  }
0x106: {  	[tilespmem:s29+$0xFFFFFFA0] =	vst v4;
	v4 =	vld [tilespmem:s8+$0x0];
	v5 =	vmul.f32 v10, v5  }
0x107: {  	v2 =	vmul.f32 v2, v6;
	v6 =	vld [tilespmem:s10+$0xFFFFFF90]  }
0x108: {  	v10 =	vld [tilespmem:s29+$0x40];
	[tilespmem:s29+$0x30] =	vst v5  }
0x109: {  	v5 =	vld [tilespmem:s6+$0xFFFFFFD0]  }
0x10a: {  	v9 =	vld [tilespmem:s19+$0x70];
	v3 =	vmul.f32 v3, v11  }
0x10b: {  	v1 =	vld [tilespmem:s29+$0xFFFFFFE0]  }
0x10c: {  	[tilespmem:s19+$0x60] =	vst v3;
	v3 =	vld [tilespmem:s6+$0xFFFFFF40];
	v4 =	vmul.f32 v6, v4  }
0x10d: {  	v6 =	vld [tilespmem:s8+$0xFFFFFF90]  }
0x10e: {  	[tilespmem:s8+$0x0] =	vst v4;
	v4 =	vld [tilespmem:s8+$0x10];
	v5 =	vmul.f32 v5, v10  }
0x10f: {  	v10 =	vld [tilespmem:s10+$0xFFFFFFA0]  }
0x110: {  	v11 =	vld [tilespmem:s30+$0x0];
	[tilespmem:s29+$0x40] =	vst v5  }
0x111: {  	v3 =	vmul.f32 v3, v7;
	v7 =	vld [tilespmem:s6+$0xFFFFFFE0]  }
0x112: {  	[tilespmem:s19+$0xFFFFFFD0] =	vst v2;
	v2 =	vld [tilespmem:s29+$0xFFFFFFF0]  }
0x113: {  	v14 =	vld [tilespmem:s30+$0xFFFFFF70];
	[tilespmem:s29+$0xFFFFFFB0] =	vst v3;
	v6 =	vmul.f32 v15, v6  }
0x114: {  	v3 =	vmul.f32 v10, v4;
	v10 =	vld [tilespmem:s6+$0xFFFFFF50]  }
0x115: {  	[tilespmem:s8+$0xFFFFFF90] =	vst v6;
	v6 =	vld [tilespmem:s8+$0xFFFFFFE0]  }
0x116: {  	v5 =	vld [tilespmem:s8+$0xFFFFFFB0];
	[tilespmem:s8+$0x10] =	vst v3;
	v3 =	vmul.f32 v7, v17  }
0x117: {  	v7 =	vld [tilespmem:s8+$0x20]  }
0x118: {  	v15 =	vld [tilespmem:s10+$0xFFFFFFB0];
	[tilespmem:s29+$0x50] =	vst v3  }
0x119: {  	v10 =	vmul.f32 v10, v12;
	v12 =	vld [tilespmem:s6+$0xFFFFFFF0]  }
0x11a: {  	v61 =	vld [tilespmem:s10+$0xFFFFFF30]  }
0x11b: {  	v4 =	vld [tilespmem:s8+$0xFFFFFFC0];
	[tilespmem:s29+$0xFFFFFFC0] =	vst v10  }
0x11c: {  	v10 =	vld [tilespmem:s6+$0xFFFFFF60]  }
0x11d: {  	v3 =	vld [tilespmem:s8+$0xFFFFFFD0];
	v7 =	vmul.f32 v15, v7  }
0x11e: {  	v15 =	vld [tilespmem:s29+$0x70];
	v12 =	vmul.f32 v12, v18  }
0x11f: {  	[tilespmem:s8+$0x20] =	vst v7;
	v7 =	vmul.f32 v14, v8;
	v14 =	vld [tilespmem:s8+$0x30]  }
0x120: {  	v8 =	vmul.f32 v61, v60;
	v62 =	vld [tilespmem:s10+$0xFFFFFFC0];
	[tilespmem:s29+$0x60] =	vst v12  }
0x121: {  	[tilespmem:s19+$0xFFFFFFE0] =	vst v7;
	v7 =	vmul.f32 v10, v13;
	v63 =	vld [tilespmem:s6+$0x0]  }
0x122: {  	[tilespmem:s8+$0xFFFFFFA0] =	vst v8;
	v8 =	vld [tilespmem:s30+$0xFFFFFF80]  }
0x123: {  	v12 =	vld [tilespmem:s10+$0xFFFFFF40];
	[tilespmem:s29+$0xFFFFFFD0] =	vst v7  }
0x124: {  	v10 =	vmul.f32 v11, v9;
	v9 =	vld [tilespmem:s6+$0xFFFFFF70]  }
0x125: {  	v7 =	vld [tilespmem:s8+$0xFFFFFFF0];
	v13 =	vmul.f32 v62, v14  }
0x126: {  	s12 =	simm.s32 $0x4;
	s13 =	simm.s32 $0x4B80;
	s11 =	simm.s32 $0x9AF0;
	[tilespmem:s19+$0x70] =	vst v10;
	v10 =	vld [tilespmem:s8+$0x40];
	v11 =	vmul.f32 v63, v15  }
.LBB2_5:
0x127: {  	v14 =	vld [tilespmem:s13+$0x0];
	[tilespmem:s8+$0x30] =	vst v13;
	s10 =	sadd.s32 $0x100, s10;
	v8 =	vmul.f32 v8, v0;
	v0 =	vmov v2  }
0x128: {  	v13 =	vld [tilespmem:s10+$0xFFFFFF90];
	v12 =	vmul.f32 v12, v5;
	[tilespmem:s29+$0x70] =	vst v11  }
0x129: {  	s12 =	sadd.s32 $0x2, s12;
	v5 =	vld [tilespmem:s11+$0xFFFFFFD0];
	v9 =	vmul.f32 v9, v1;
	[tilespmem:s19+$0xFFFFFFF0] =	vst v8;
	v1 =	vmov v6;
	s19 =	smov.u32 s29;
	s29 =	smov.u32 s8  }
0x12a: {  	p1 =	slt.u32 s12, $0x4E;
	s8 =	smov.u32 s13;
	v6 =	vld [tilespmem:s10+$0xFFFFFF10];
	[tilespmem:s29+$0xFFFFFFB0] =	vst v12;
	v2 =	vmov v7  }
0x12b: {  	v7 =	vld [tilespmem:s13+$0xFFFFFF80];
	[tilespmem:s19+$0xFFFFFFE0] =	vst v9  }
0x12c: {  	v8 =	vld [tilespmem:s13+$0xFFFFFF90]  }
0x12d: {  	v9 =	vld [tilespmem:s13+$0xFFFFFFA0];
	v11 =	vmul.f32 v13, v14  }
0x12e: {  	v5 =	vmul.f32 v5, v10;
	v10 =	vld [tilespmem:s29+$0x50]  }
0x12f: {  	[tilespmem:s13+$0x0] =	vst v11;
	v11 =	vld [tilespmem:s13+$0x10]  }
0x130: {  	v6 =	vmul.f32 v6, v7;
	v7 =	vld [tilespmem:s10+$0xFFFFFFA0];
	[tilespmem:s29+$0x40] =	vst v5  }
0x131: {  	v12 =	vld [tilespmem:s11+$0xFFFFFFE0]  }
0x132: {  	[tilespmem:s13+$0xFFFFFF80] =	vst v6;
	v5 =	vld [tilespmem:s13+$0xFFFFFFB0]  }
0x133: {  	v6 =	vld [tilespmem:s10+$0xFFFFFF20]  }
0x134: {  	v13 =	vld [tilespmem:s11+$0xFFFFFF50]  }
0x135: {  	v14 =	vld [tilespmem:s13+$0xFFFFFFC0];
	v7 =	vmul.f32 v7, v11  }
0x136: {  	v10 =	vmul.f32 v12, v10;
	v11 =	vld [tilespmem:s29+$0x60]  }
0x137: {  	[tilespmem:s13+$0x10] =	vst v7;
	v7 =	vld [tilespmem:s13+$0x20]  }
0x138: {  	v6 =	vmul.f32 v6, v8;
	v8 =	vld [tilespmem:s10+$0xFFFFFFB0];
	[tilespmem:s29+$0x50] =	vst v10  }
0x139: {  	v10 =	vmul.f32 v13, v4;
	v12 =	vld [tilespmem:s11+$0xFFFFFFF0]  }
0x13a: {  	[tilespmem:s13+$0xFFFFFF90] =	vst v6;
	v13 =	vld [tilespmem:s13+$0xFFFFFFD0];
	v4 =	vmov v14  }
0x13b: {  	v14 =	vld [tilespmem:s10+$0xFFFFFF30];
	[tilespmem:s29+$0xFFFFFFC0] =	vst v10  }
0x13c: {  	v10 =	vld [tilespmem:s11+$0xFFFFFF60]  }
0x13d: {  	v6 =	vld [tilespmem:s13+$0xFFFFFFE0];
	v7 =	vmul.f32 v8, v7  }
0x13e: {  	v8 =	vmul.f32 v12, v11;
	v11 =	vld [tilespmem:s29+$0x70]  }
0x13f: {  	[tilespmem:s13+$0x20] =	vst v7;
	v15 =	vld [tilespmem:s13+$0x30]  }
0x140: {  	v7 =	vmul.f32 v14, v9;
	v14 =	vld [tilespmem:s10+$0xFFFFFFC0];
	[tilespmem:s29+$0x60] =	vst v8  }
0x141: {  	v9 =	vmul.f32 v10, v3;
	v16 =	vld [tilespmem:s11+$0x0];
	v3 =	vmov v13  }
.Ltmp1:
0x142: {  	[tilespmem:s13+$0xFFFFFFA0] =	vst v7;
	v8 =	vld [tilespmem:s6+$0xFFFFFF80];
	s6 =	smov.u32 s11;
	s11 =	smov.u32 s10;
	(pc) =	sbr.rel @p1 .LBB2_5-.Ltmp1, $4  }
0x143: {  	v12 =	vld [tilespmem:s10+$0xFFFFFF40];
	[tilespmem:s29+$0xFFFFFFD0] =	vst v9  }
0x144: {  	v9 =	vld [tilespmem:s6+$0xFFFFFF70]  }
0x145: {  	v7 =	vld [tilespmem:s13+$0xFFFFFFF0];
	v13 =	vmul.f32 v14, v15  }
0x146: {  	s13 =	sadd.s32 $0x100, s13;
	v10 =	vld [tilespmem:s8+$0x40];
	v11 =	vmul.f32 v16, v11  }
0x147: {  	_ = 	snop  }
0x148: {  	v5 =	vmul.f32 v12, v5  }
0x149: {  	[tilespmem:s8+$0x30] =	vst v13  }
0x14a: {  	v54 =	vld [tilespmem:s11+$0xFFFFFFD0];
	[tilespmem:s8+$0xFFFFFFB0] =	vst v5  }
0x14b: {  	v5 =	vld [tilespmem:s11+$0xFFFFFF50];
	_ =	sdelay $0x3  }
0x14c: {  	v10 =	vmul.f32 v54, v10  }
0x14d: {  	v4 =	vmul.f32 v5, v4  }
0x14e: {  	v55 =	vld [tilespmem:s8+$0x50];
	[tilespmem:s8+$0x40] =	vst v10  }
0x14f: {  	v56 =	vld [tilespmem:s11+$0xFFFFFFE0];
	[tilespmem:s8+$0xFFFFFFC0] =	vst v4  }
0x150: {  	v4 =	vld [tilespmem:s11+$0xFFFFFF60];
	_ =	sdelay $0x3  }
0x151: {  	v5 =	vmul.f32 v56, v55  }
0x152: {  	v3 =	vmul.f32 v4, v3  }
0x153: {  	v57 =	vld [tilespmem:s8+$0x60];
	[tilespmem:s8+$0x50] =	vst v5  }
0x154: {  	v58 =	vld [tilespmem:s11+$0xFFFFFFF0];
	[tilespmem:s8+$0xFFFFFFD0] =	vst v3  }
0x155: {  	v3 =	vld [tilespmem:s11+$0xFFFFFF70];
	_ =	sdelay $0x2  }
0x156: {  	v1 =	vmul.f32 v9, v1  }
0x157: {  	v4 =	vmul.f32 v58, v57  }
0x158: {  	v59 =	vld [tilespmem:s8+$0x70];
	[tilespmem:s29+$0xFFFFFFE0] =	vst v1;
	v3 =	vmul.f32 v3, v6  }
0x159: {  	v61 =	vld [tilespmem:s6+$0xFFFFFF80];
	[tilespmem:s8+$0x60] =	vst v4  }
0x15a: {  	v60 =	vld [tilespmem:s11+$0x0];
	[tilespmem:s8+$0xFFFFFFE0] =	vst v3  }
0x15b: {  	v3 =	vld [tilespmem:s11+$0xFFFFFF80];
	_ =	sdelay $0x1  }
0x15c: {  	v0 =	vmul.f32 v8, v0;
	s0 =	sadd.s32 $0x1, s0  }
0x15d: {  	[tilespmem:s29+$0x70] =	vst v11;
	p1 =	sne.s32 s0, $0xE;
	v62 =	vmul.f32 v61, v2  }
.Ltmp2:
0x15e: {  	[tilespmem:s19+$0xFFFFFFF0] =	vst v0;
	v1 =	vmul.f32 v60, v59;
	(pc) =	sbr.rel @p1 .LBB2_2-.Ltmp2, $4  }
0x15f: {  	[tilespmem:s29+$0xFFFFFFF0] =	vst v62;
	v63 =	vmul.f32 v3, v7  }
0x160: {  	[tilespmem:s8+$0x70] =	vst v1  }
0x161: {  	s3 =	sadd.s32 $0x1000, s3;
	[tilespmem:s8+$0xFFFFFFF0] =	vst v63  }
0x162: {  	[spmem:s2] =	stream.indirect.scatter.add.f32 [tilespmem:s22], [sflag:$0x4], $0x80, s3, s20, $0xb8;
	[tilespmem:$0x1F880] =	vst v63  }
0x163: {  	_ =	swait.ge [sflag:s26], $0x2800  }
0x164: {  	[sflag:s26] =	ssyncset.done $0x0  }
0x165: {  	[sflag:s26] =	ssyncadd.s32 $0xFFFFD800  }
0x166: {  	_ =	swait.ge [sflag:s28], $0x2800  }
0x167: {  	[sflag:s28] =	ssyncset.done $0x0  }
0x168: {  	s0 =	simm.s32 $0xE00;
	[sflag:s28] =	ssyncadd.s32 $0xFFFFD800  }
0x169: {  	[tilespmem:s21], [sflag:$0x1] =	stream.indirect.gather [hbm4b:s1+s20], $0x80, s0, s20, $0xb8;
	[tilespmem:$0x1F880] =	vst v63  }
0x16a: {  	s30 =	rddreg [dreg:$0x8]  }
0x16b: {  	[tilespmem:s23], [sflag:$0x5] =	stream.linear.gather [hbm4b:s30+s4], $0x2800, $0x38;
	[tilespmem:$0x1F880] =	vst v63  }
0x16c: {  	_ =	swait.ge [sflag:s17], $0x2800  }
0x16d: {  	[sflag:s17] =	ssyncset.done $0x0  }
0x16e: {  	[sflag:s17] =	ssyncadd.s32 $0xFFFFD800  }
0x16f: {  	_ =	swait.ge [sflag:s24], $0x2800  }
0x170: {  	[sflag:s24] =	ssyncset.done $0x0  }
0x171: {  	s0 =	simm.s32 $0x2080;
	[sflag:s24] =	ssyncadd.s32 $0xFFFFD800  }
0x172: {  	s11 =	simm.s32 $0x7080;
	v0 =	vld [tilespmem:s0+$0x0]  }
0x173: {  	v1 =	vld [tilespmem:s11+$0x0];
	_ =	sdelay $0x3  }
0x174: {  	v2 =	vld [tilespmem:s0+$0xFFFFFF80]  }
0x175: {  	v0 =	vmul.f32 v1, v0;
	v1 =	vld [tilespmem:s11+$0xFFFFFF80];
	_ =	sdelay $0x1  }
0x176: {  	[tilespmem:s0+$0x0] =	vst v0;
	v0 =	vld [tilespmem:s0+$0x10]  }
0x177: {  	v3 =	vld [tilespmem:s11+$0x10];
	_ =	sdelay $0x1  }
0x178: {  	v1 =	vmul.f32 v1, v2;
	_ =	sdelay $0x1  }
0x179: {  	v4 =	vld [tilespmem:s0+$0xFFFFFF90];
	[tilespmem:s0+$0xFFFFFF80] =	vst v1  }
0x17a: {  	v0 =	vmul.f32 v3, v0;
	v1 =	vld [tilespmem:s11+$0xFFFFFF90];
	_ =	sdelay $0x1  }
0x17b: {  	[tilespmem:s0+$0x10] =	vst v0;
	v0 =	vld [tilespmem:s0+$0x20]  }
0x17c: {  	v3 =	vld [tilespmem:s11+$0x20]  }
0x17d: {  	v5 =	vld [tilespmem:s0+$0xFFFFFFB0]  }
0x17e: {  	s3 =	simm.s32 $0x2180;
	v6 =	vld [tilespmem:s0+$0xFFFFFFD0];
	v1 =	vmul.f32 v1, v4  }
0x17f: {  	v7 =	vld [tilespmem:s3+$0x0]  }
0x180: {  	v2 =	vld [tilespmem:s0+$0xFFFFFFA0];
	[tilespmem:s0+$0xFFFFFF90] =	vst v1  }
0x181: {  	v0 =	vmul.f32 v3, v0;
	v1 =	vld [tilespmem:s11+$0xFFFFFFA0]  }
0x182: {  	v8 =	vld [tilespmem:s0+$0xFFFFFFE0]  }
0x183: {  	[tilespmem:s0+$0x20] =	vst v0;
	v0 =	vld [tilespmem:s0+$0x30]  }
0x184: {  	s6 =	simm.s32 $0x7180;
	v3 =	vld [tilespmem:s11+$0x30]  }
0x185: {  	v10 =	vld [tilespmem:s6+$0xFFFFFF80]  }
0x186: {  	v1 =	vmul.f32 v1, v2;
	v2 =	vld [tilespmem:s6+$0x0]  }
0x187: {  	v12 =	vld [tilespmem:s3+$0xFFFFFF90]  }
0x188: {  	s10 =	simm.s32 $0x7280;
	v13 =	vld [tilespmem:s3+$0xFFFFFFD0]  }
0x189: {  	v15 =	vld [tilespmem:s10+$0xFFFFFF80];
	v0 =	vmul.f32 v3, v0  }
0x18a: {  	[tilespmem:s0+$0xFFFFFFA0] =	vst v1;
	v1 =	vld [tilespmem:s0+$0x40]  }
0x18b: {  	[tilespmem:s0+$0x30] =	vst v0;
	v2 =	vmul.f32 v2, v7;
	v7 =	vld [tilespmem:s3+$0xFFFFFF80]  }
0x18c: {  	s8 =	simm.s32 $0x2280;
	v9 =	vld [tilespmem:s11+$0x40]  }
0x18d: {  	v16 =	vld [tilespmem:s8+$0xFFFFFF80]  }
0x18e: {  	v3 =	vld [tilespmem:s11+$0xFFFFFFB0]  }
0x18f: {  	v17 =	vld [tilespmem:s3+$0x50]  }
0x190: {  	[tilespmem:s3+$0x0] =	vst v2;
	v2 =	vld [tilespmem:s3+$0x10];
	v7 =	vmul.f32 v10, v7  }
0x191: {  	v11 =	vld [tilespmem:s6+$0x10];
	v1 =	vmul.f32 v9, v1  }
0x192: {  	v9 =	vld [tilespmem:s0+$0x50];
	[tilespmem:s3+$0xFFFFFF80] =	vst v7  }
0x193: {  	[tilespmem:s0+$0x40] =	vst v1;
	v1 =	vmul.f32 v3, v5;
	v5 =	vld [tilespmem:s6+$0xFFFFFF90]  }
0x194: {  	v3 =	vld [tilespmem:s11+$0x50]  }
0x195: {  	v60 =	vld [tilespmem:s8+$0xFFFFFFA0]  }
0x196: {  	v4 =	vld [tilespmem:s0+$0xFFFFFFC0];
	v2 =	vmul.f32 v11, v2;
	[tilespmem:s0+$0xFFFFFFB0] =	vst v1  }
0x197: {  	v1 =	vld [tilespmem:s11+$0xFFFFFFC0]  }
0x198: {  	[tilespmem:s3+$0x10] =	vst v2;
	v2 =	vld [tilespmem:s3+$0x20]  }
0x199: {  	v5 =	vmul.f32 v5, v12;
	v3 =	vmul.f32 v3, v9;
	v9 =	vld [tilespmem:s6+$0x20]  }
0x19a: {  	v18 =	vld [tilespmem:s3+$0x60];
	v15 =	vmul.f32 v15, v16  }
0x19b: {  	v10 =	vld [tilespmem:s3+$0xFFFFFFA0];
	[tilespmem:s3+$0xFFFFFF90] =	vst v5  }
0x19c: {  	[tilespmem:s8+$0xFFFFFF80] =	vst v15;
	v1 =	vmul.f32 v1, v4;
	v4 =	vld [tilespmem:s6+$0xFFFFFFA0]  }
0x19d: {  	v15 =	vld [tilespmem:s10+$0xFFFFFF90]  }
0x19e: {  	v0 =	vld [tilespmem:s0+$0xFFFFFFF0];
	[tilespmem:s0+$0xFFFFFFC0] =	vst v1;
	v1 =	vmul.f32 v9, v2  }
0x19f: {  	v7 =	vld [tilespmem:s3+$0xFFFFFFB0]  }
0x1a0: {  	v5 =	vld [tilespmem:s3+$0x30];
	[tilespmem:s3+$0x20] =	vst v1  }
0x1a1: {  	v4 =	vmul.f32 v4, v10;
	v10 =	vld [tilespmem:s6+$0x30]  }
0x1a2: {  	v2 =	vld [tilespmem:s11+$0xFFFFFFD0]  }
0x1a3: {  	v11 =	vld [tilespmem:s0+$0x60]  }
0x1a4: {  	v12 =	vld [tilespmem:s3+$0xFFFFFFC0];
	[tilespmem:s0+$0x50] =	vst v3  }
0x1a5: {  	v3 =	vld [tilespmem:s11+$0x60]  }
0x1a6: {  	[tilespmem:s3+$0xFFFFFFA0] =	vst v4;
	v4 =	vld [tilespmem:s8+$0x0];
	v5 =	vmul.f32 v10, v5  }
0x1a7: {  	v2 =	vmul.f32 v2, v6;
	v6 =	vld [tilespmem:s10+$0x0]  }
0x1a8: {  	v10 =	vld [tilespmem:s3+$0x40];
	[tilespmem:s3+$0x30] =	vst v5  }
0x1a9: {  	v5 =	vld [tilespmem:s6+$0x40]  }
0x1aa: {  	v9 =	vld [tilespmem:s0+$0x70];
	v3 =	vmul.f32 v3, v11  }
0x1ab: {  	v1 =	vld [tilespmem:s3+$0xFFFFFFE0]  }
0x1ac: {  	[tilespmem:s0+$0x60] =	vst v3;
	v3 =	vld [tilespmem:s6+$0xFFFFFFB0];
	v4 =	vmul.f32 v6, v4  }
0x1ad: {  	v6 =	vld [tilespmem:s8+$0xFFFFFF90]  }
0x1ae: {  	[tilespmem:s8+$0x0] =	vst v4;
	v4 =	vld [tilespmem:s8+$0x10];
	v5 =	vmul.f32 v5, v10  }
0x1af: {  	v10 =	vld [tilespmem:s10+$0x10]  }
0x1b0: {  	v11 =	vld [tilespmem:s11+$0x70];
	[tilespmem:s3+$0x40] =	vst v5  }
0x1b1: {  	v3 =	vmul.f32 v3, v7;
	v7 =	vld [tilespmem:s6+$0x50]  }
0x1b2: {  	[tilespmem:s0+$0xFFFFFFD0] =	vst v2;
	v2 =	vld [tilespmem:s3+$0xFFFFFFF0]  }
0x1b3: {  	v14 =	vld [tilespmem:s11+$0xFFFFFFE0];
	[tilespmem:s3+$0xFFFFFFB0] =	vst v3;
	v6 =	vmul.f32 v15, v6  }
0x1b4: {  	v3 =	vmul.f32 v10, v4;
	v10 =	vld [tilespmem:s6+$0xFFFFFFC0]  }
0x1b5: {  	[tilespmem:s8+$0xFFFFFF90] =	vst v6;
	v6 =	vld [tilespmem:s8+$0xFFFFFFE0]  }
0x1b6: {  	v5 =	vld [tilespmem:s8+$0xFFFFFFB0];
	[tilespmem:s8+$0x10] =	vst v3;
	v3 =	vmul.f32 v7, v17  }
0x1b7: {  	v7 =	vld [tilespmem:s8+$0x20]  }
0x1b8: {  	v15 =	vld [tilespmem:s10+$0x20];
	[tilespmem:s3+$0x50] =	vst v3  }
0x1b9: {  	v10 =	vmul.f32 v10, v12;
	v12 =	vld [tilespmem:s6+$0x60]  }
0x1ba: {  	v61 =	vld [tilespmem:s10+$0xFFFFFFA0]  }
0x1bb: {  	v4 =	vld [tilespmem:s8+$0xFFFFFFC0];
	[tilespmem:s3+$0xFFFFFFC0] =	vst v10  }
0x1bc: {  	v10 =	vld [tilespmem:s6+$0xFFFFFFD0]  }
0x1bd: {  	v3 =	vld [tilespmem:s8+$0xFFFFFFD0];
	v7 =	vmul.f32 v15, v7  }
0x1be: {  	v15 =	vld [tilespmem:s3+$0x70];
	v12 =	vmul.f32 v12, v18  }
0x1bf: {  	[tilespmem:s8+$0x20] =	vst v7;
	v7 =	vmul.f32 v14, v8;
	v14 =	vld [tilespmem:s8+$0x30]  }
0x1c0: {  	v8 =	vmul.f32 v61, v60;
	v62 =	vld [tilespmem:s10+$0x30];
	[tilespmem:s3+$0x60] =	vst v12  }
0x1c1: {  	[tilespmem:s0+$0xFFFFFFE0] =	vst v7;
	v7 =	vmul.f32 v10, v13;
	v63 =	vld [tilespmem:s6+$0x70]  }
0x1c2: {  	[tilespmem:s8+$0xFFFFFFA0] =	vst v8;
	v8 =	vld [tilespmem:s11+$0xFFFFFFF0]  }
0x1c3: {  	v12 =	vld [tilespmem:s10+$0xFFFFFFB0];
	[tilespmem:s3+$0xFFFFFFD0] =	vst v7  }
0x1c4: {  	v10 =	vmul.f32 v11, v9;
	v9 =	vld [tilespmem:s6+$0xFFFFFFE0]  }
0x1c5: {  	v7 =	vld [tilespmem:s8+$0xFFFFFFF0];
	v13 =	vmul.f32 v62, v14  }
0x1c6: {  	s12 =	simm.s32 $0x4;
	s13 =	simm.s32 $0x2380;
	s11 =	simm.s32 $0x7280;
	[tilespmem:s0+$0x70] =	vst v10;
	v10 =	vld [tilespmem:s8+$0x40];
	v11 =	vmul.f32 v63, v15  }
.LBB2_8:
0x1c7: {  	v14 =	vld [tilespmem:s13+$0x0];
	[tilespmem:s8+$0x30] =	vst v13;
	s10 =	sadd.s32 $0x100, s10;
	v8 =	vmul.f32 v8, v0;
	v0 =	vmov v2  }
0x1c8: {  	v13 =	vld [tilespmem:s10+$0x0];
	v12 =	vmul.f32 v12, v5;
	[tilespmem:s3+$0x70] =	vst v11  }
0x1c9: {  	s12 =	sadd.s32 $0x2, s12;
	v5 =	vld [tilespmem:s11+$0x40];
	v9 =	vmul.f32 v9, v1;
	[tilespmem:s0+$0xFFFFFFF0] =	vst v8;
	v1 =	vmov v6;
	s0 =	smov.u32 s3;
	s3 =	smov.u32 s8  }
0x1ca: {  	p1 =	slt.u32 s12, $0x4E;
	s8 =	smov.u32 s13;
	v6 =	vld [tilespmem:s10+$0xFFFFFF80];
	[tilespmem:s3+$0xFFFFFFB0] =	vst v12;
	v2 =	vmov v7  }
0x1cb: {  	v7 =	vld [tilespmem:s13+$0xFFFFFF80];
	[tilespmem:s0+$0xFFFFFFE0] =	vst v9  }
0x1cc: {  	v8 =	vld [tilespmem:s13+$0xFFFFFF90]  }
0x1cd: {  	v9 =	vld [tilespmem:s13+$0xFFFFFFA0];
	v11 =	vmul.f32 v13, v14  }
0x1ce: {  	v5 =	vmul.f32 v5, v10;
	v10 =	vld [tilespmem:s3+$0x50]  }
0x1cf: {  	[tilespmem:s13+$0x0] =	vst v11;
	v11 =	vld [tilespmem:s13+$0x10]  }
0x1d0: {  	v6 =	vmul.f32 v6, v7;
	v7 =	vld [tilespmem:s10+$0x10];
	[tilespmem:s3+$0x40] =	vst v5  }
0x1d1: {  	v12 =	vld [tilespmem:s11+$0x50]  }
0x1d2: {  	[tilespmem:s13+$0xFFFFFF80] =	vst v6;
	v5 =	vld [tilespmem:s13+$0xFFFFFFB0]  }
0x1d3: {  	v6 =	vld [tilespmem:s10+$0xFFFFFF90]  }
0x1d4: {  	v13 =	vld [tilespmem:s11+$0xFFFFFFC0]  }
0x1d5: {  	v14 =	vld [tilespmem:s13+$0xFFFFFFC0];
	v7 =	vmul.f32 v7, v11  }
0x1d6: {  	v10 =	vmul.f32 v12, v10;
	v11 =	vld [tilespmem:s3+$0x60]  }
0x1d7: {  	[tilespmem:s13+$0x10] =	vst v7;
	v7 =	vld [tilespmem:s13+$0x20]  }
0x1d8: {  	v6 =	vmul.f32 v6, v8;
	v8 =	vld [tilespmem:s10+$0x20];
	[tilespmem:s3+$0x50] =	vst v10  }
0x1d9: {  	v10 =	vmul.f32 v13, v4;
	v12 =	vld [tilespmem:s11+$0x60]  }
0x1da: {  	[tilespmem:s13+$0xFFFFFF90] =	vst v6;
	v13 =	vld [tilespmem:s13+$0xFFFFFFD0];
	v4 =	vmov v14  }
0x1db: {  	v14 =	vld [tilespmem:s10+$0xFFFFFFA0];
	[tilespmem:s3+$0xFFFFFFC0] =	vst v10  }
0x1dc: {  	v10 =	vld [tilespmem:s11+$0xFFFFFFD0]  }
0x1dd: {  	v6 =	vld [tilespmem:s13+$0xFFFFFFE0];
	v7 =	vmul.f32 v8, v7  }
0x1de: {  	v8 =	vmul.f32 v12, v11;
	v11 =	vld [tilespmem:s3+$0x70]  }
0x1df: {  	[tilespmem:s13+$0x20] =	vst v7;
	v15 =	vld [tilespmem:s13+$0x30]  }
0x1e0: {  	v7 =	vmul.f32 v14, v9;
	v14 =	vld [tilespmem:s10+$0x30];
	[tilespmem:s3+$0x60] =	vst v8  }
0x1e1: {  	v9 =	vmul.f32 v10, v3;
	v16 =	vld [tilespmem:s11+$0x70];
	v3 =	vmov v13  }
.Ltmp3:
0x1e2: {  	[tilespmem:s13+$0xFFFFFFA0] =	vst v7;
	v8 =	vld [tilespmem:s6+$0xFFFFFFF0];
	s6 =	smov.u32 s11;
	s11 =	smov.u32 s10;
	(pc) =	sbr.rel @p1 .LBB2_8-.Ltmp3, $4  }
0x1e3: {  	v12 =	vld [tilespmem:s10+$0xFFFFFFB0];
	[tilespmem:s3+$0xFFFFFFD0] =	vst v9  }
0x1e4: {  	v9 =	vld [tilespmem:s6+$0xFFFFFFE0]  }
0x1e5: {  	v7 =	vld [tilespmem:s13+$0xFFFFFFF0];
	v13 =	vmul.f32 v14, v15  }
0x1e6: {  	s13 =	sadd.s32 $0x100, s13;
	v10 =	vld [tilespmem:s8+$0x40];
	v11 =	vmul.f32 v16, v11  }
0x1e7: {  	_ = 	snop  }
0x1e8: {  	v5 =	vmul.f32 v12, v5  }
0x1e9: {  	[tilespmem:s8+$0x30] =	vst v13  }
0x1ea: {  	v54 =	vld [tilespmem:s11+$0x40];
	[tilespmem:s8+$0xFFFFFFB0] =	vst v5  }
0x1eb: {  	v5 =	vld [tilespmem:s11+$0xFFFFFFC0];
	_ =	sdelay $0x3  }
0x1ec: {  	v10 =	vmul.f32 v54, v10  }
0x1ed: {  	v4 =	vmul.f32 v5, v4  }
0x1ee: {  	v55 =	vld [tilespmem:s8+$0x50];
	[tilespmem:s8+$0x40] =	vst v10  }
0x1ef: {  	v56 =	vld [tilespmem:s11+$0x50];
	[tilespmem:s8+$0xFFFFFFC0] =	vst v4  }
0x1f0: {  	v4 =	vld [tilespmem:s11+$0xFFFFFFD0];
	_ =	sdelay $0x3  }
0x1f1: {  	v5 =	vmul.f32 v56, v55  }
0x1f2: {  	v3 =	vmul.f32 v4, v3  }
0x1f3: {  	v57 =	vld [tilespmem:s8+$0x60];
	[tilespmem:s8+$0x50] =	vst v5  }
0x1f4: {  	v58 =	vld [tilespmem:s11+$0x60];
	[tilespmem:s8+$0xFFFFFFD0] =	vst v3  }
0x1f5: {  	v3 =	vld [tilespmem:s11+$0xFFFFFFE0];
	_ =	sdelay $0x2  }
0x1f6: {  	v1 =	vmul.f32 v9, v1  }
0x1f7: {  	v4 =	vmul.f32 v58, v57  }
0x1f8: {  	v59 =	vld [tilespmem:s8+$0x70];
	[tilespmem:s3+$0xFFFFFFE0] =	vst v1;
	v3 =	vmul.f32 v3, v6  }
0x1f9: {  	v61 =	vld [tilespmem:s6+$0xFFFFFFF0];
	[tilespmem:s8+$0x60] =	vst v4  }
0x1fa: {  	v60 =	vld [tilespmem:s11+$0x70];
	[tilespmem:s8+$0xFFFFFFE0] =	vst v3  }
0x1fb: {  	v3 =	vld [tilespmem:s11+$0xFFFFFFF0];
	_ =	sdelay $0x1  }
0x1fc: {  	v0 =	vmul.f32 v8, v0  }
0x1fd: {  	[tilespmem:s3+$0x70] =	vst v11;
	v62 =	vmul.f32 v61, v2  }
0x1fe: {  	[tilespmem:s0+$0xFFFFFFF0] =	vst v0;
	v1 =	vmul.f32 v60, v59  }
0x1ff: {  	[tilespmem:s3+$0xFFFFFFF0] =	vst v62;
	v63 =	vmul.f32 v3, v7  }
0x200: {  	[tilespmem:s8+$0x70] =	vst v1  }
0x201: {  	s29 =	simm.s32 $0x1E00;
	[tilespmem:s8+$0xFFFFFFF0] =	vst v63  }
0x202: {  	[spmem:s2] =	stream.indirect.scatter.add.f32 [tilespmem:s21], [sflag:$0x5], $0x80, s29, s20, $0xb8;
	[tilespmem:$0x1F880] =	vst v63  }
0x203: {  	_ =	swait.ge [sflag:s17], $0x2800  }
0x204: {  	[sflag:s17] =	ssyncset.done $0x0  }
0x205: {  	[sflag:s17] =	ssyncadd.s32 $0xFFFFD800  }
0x206: {  	[bflag:$0x0] =	sbarrier.arrive $0xFFFF  }
0x207: {  	s30 =	rddreg [dreg:$0x9]  }
0x208: {  	[hbm:s30], [sflag:s7] =	dma.local [spmem:s16], $0x2700  }
0x209: {  	s31 =	sadd.s32 $0x1, s31;
	_ =	swait.ge [sflag:s17], $0x2700  }
0x20a: {  	p1 =	sne.s32 s31, s15;
	[sflag:s17] =	ssyncset.done $0x0  }
.Ltmp4:
0x20b: {  	s0 =	simm.s32 @!p0 $0x5;
	[sflag:s17] =	ssyncadd.s32 $0xFFFFD900;
	(pc) =	sbr.rel @p1 .LBB2_1-.Ltmp4, $4  }
0x20c: {  	[hbm:s14], [sflag:s7] =	dma.local @!p0 [spmem:s18], $0x100  }
0x20d: {  	_ =	swait.ge @!p0 [sflag:s0], $0x100  }
0x20e: {  	[sflag:s0] =	ssyncset.done @!p0 $0x0  }
0x20f: {  	[sflag:s0] =	ssyncadd.s32 @!p0 $0xFFFFFF00  }
0x210: {  	_ =	sfence.sel $0x180000  }
0x211: {  	[bflag:$0x0] =	sbarrier.arrive $0xFFFF  }
0x212: {  	_ =	strace $0x90000050  }
0x213: {  	s0 =	stileid.u32;
	[bflag:$0x2] =	sbarrier.arrive $0xFFFF  }
0x214: {  	p0 =	sne.s32 s0, $0x0;
	s0 =	rddreg [dreg:$0x3]  }
0x215: {  	s0 =	sadd.s32 @!p0 $0x100000, s0  }
0x216: {  	[sflag:s0] =	ssyncadd.tile.s32 @!p0 $0x1;
	_ =	shalt  }
.Lfunc_end2:
_tile_overlayer_lowered:
.L_overlay_start_2:
0x217: {  	(tag) =	ssettag $0x2  }
0x218: {  	s0 =	rddreg [dreg:$0x0];
	s2 =	stileid.u32  }
0x219: {  	s1 =	rddreg [dreg:$0x1];
	p0 =	sne.s32 s2, $0x0  }
0x21a: {  	s3 =	rddreg [dreg:$0x2];
	[bflag:$0x3] =	sbarrier.arrive $0xFFFF;
	s2 =	simm.s32 @!p0 $0x1C05  }
0x21b: {  	[timem:s3], [sflag:s2] =	dma.local @!p0 [hbm:s0], s1  }
0x21c: {  	s0 =	simm.s32 @!p0 $0x5  }
0x21d: {  	_ =	swait.ge @!p0 [sflag:s0], s1  }
0x21e: {  	s1 =	ssub.s32 @!p0 $0x0, s1;
	[sflag:s0] =	ssyncset.done @!p0 $0x0  }
0x21f: {  	[sflag:s0] =	ssyncadd.s32 @!p0 s1  }
0x220: {  	[bflag:$0x3] =	sbarrier.arrive $0xFFFF  }
0x221: {  	_ =	shalt  }

</sc_bundles>
